<compile_context>
chip_gen: v7x
topology: tpu7x:2x2x1
jax: 0.10.2.dev20260603
libtpu: 0.0.44.dev20260713+nightly
codegen_flags: <defaults>
</compile_context>

<pallas_src>
import functools
import math

import jax
import jax.numpy as jnp
from jax import lax
from jax.experimental import pallas as pl
from jax.experimental.pallas import tpu as pltpu
from jax.experimental.pallas import tpu_sc as plsc

NUM_HEADS = 12
NUM_BUCKETS = 32
MAX_DISTANCE = 50000
SEQ = 2048

NUM_CORES = 2
NUM_SUBCORES = 16
NW = NUM_CORES * NUM_SUBCORES
ROWS_PER_W = SEQ // NW
LANES = 16
CHUNKS = SEQ // LANES


def _bucket_lut():
    n = jnp.arange(MAX_DISTANCE, dtype=jnp.int32)
    max_exact = NUM_BUCKETS // 2
    n_large = jnp.maximum(n, max_exact).astype(jnp.float32)
    val_if_large = max_exact + (
        jnp.log(n_large / max_exact)
        / math.log(MAX_DISTANCE / max_exact)
        * (NUM_BUCKETS - max_exact - 1)
    ).astype(jnp.int32)
    val_if_large = jnp.minimum(val_if_large, NUM_BUCKETS - 1)
    return jnp.where(n < max_exact, n, val_if_large)


def _sc_bias(d2, lut, wt):
    mesh = plsc.VectorSubcoreMesh(core_axis_name="c", subcore_axis_name="s")

    @functools.partial(
        pl.kernel,
        out_type=jax.ShapeDtypeStruct((NUM_HEADS, SEQ, SEQ), jnp.float32),
        mesh=mesh,
        compiler_params=pltpu.CompilerParams(needs_layout_passes=False),
        scratch_types=[
            pltpu.VMEM((MAX_DISTANCE,), jnp.int32),
            pltpu.VMEM((NUM_HEADS * NUM_BUCKETS,), jnp.float32),
            pltpu.VMEM((2, SEQ), jnp.int32),
            pltpu.VMEM((2, NUM_HEADS, SEQ), jnp.float32),
            pltpu.SemaphoreType.DMA,
            pltpu.SemaphoreType.DMA,
            pltpu.SemaphoreType.DMA,
            pltpu.SemaphoreType.DMA,
        ],
    )
    def body(d_hbm, lut_hbm, wt_hbm, out_hbm, lut_v, wt_v, dbuf, obuf,
             sem_in0, sem_in1, sem_out0, sem_out1):
        wid = lax.axis_index("s") * NUM_CORES + lax.axis_index("c")
        sem_in = (sem_in0, sem_in1)
        sem_out = (sem_out0, sem_out1)
        pltpu.sync_copy(lut_hbm, lut_v)
        pltpu.sync_copy(wt_hbm, wt_v)
        row0 = wid * ROWS_PER_W

        pltpu.async_copy(d_hbm.at[row0], dbuf.at[0], sem_in[0])

        @pl.loop(0, ROWS_PER_W, step=2)
        def _rows(r):
            for b in range(2):
                row = row0 + r + b
                if b == 0:
                    pltpu.async_copy(d_hbm.at[row + 1], dbuf.at[1], sem_in[1])
                else:
                    @pl.when(r < ROWS_PER_W - 2)
                    def _():
                        pltpu.async_copy(d_hbm.at[row + 1], dbuf.at[0], sem_in[0])
                @pl.when(r >= 2)
                def _():
                    for h in range(NUM_HEADS):
                        pltpu.make_async_copy(
                            obuf.at[b, h], out_hbm.at[h, row], sem_out[b]
                        ).wait()
                pltpu.make_async_copy(d_hbm.at[row], dbuf.at[b], sem_in[b]).wait()

                @plsc.parallel_loop(0, CHUNKS, unroll=4)
                def _chunk(c):
                    base = pl.multiple_of(c * LANES, LANES)
                    dvec = dbuf[b, pl.ds(base, LANES)]
                    bvec = plsc.load_gather(lut_v, [dvec])
                    for h in range(NUM_HEADS):
                        w = plsc.load_gather(wt_v, [bvec + (h * NUM_BUCKETS)])
                        obuf[b, h, pl.ds(base, LANES)] = w

                for h in range(NUM_HEADS):
                    pltpu.async_copy(obuf.at[b, h], out_hbm.at[h, row], sem_out[b])

        for b in range(2):
            row = row0 + ROWS_PER_W - 2 + b
            for h in range(NUM_HEADS):
                pltpu.make_async_copy(
                    obuf.at[b, h], out_hbm.at[h, row], sem_out[b]
                ).wait()

    return body(d2, lut, wt)


def kernel(distances, W):
    d2 = distances.reshape(SEQ, SEQ)
    wt = W.T.reshape(NUM_HEADS * NUM_BUCKETS)
    lut = _bucket_lut()
    out = _sc_bias(d2, lut, wt)
    return out.reshape(1, NUM_HEADS, SEQ, SEQ)

# --- scband reference (transcript-rebuilt; emitter-appended) ---
"""Pipeline reference for scband-relative-pos-attn-bias-61924838474216 (READ-ONLY COPY).

The authoritative reference and input builder live on the scoring server;
editing this copy changes nothing except your own understanding.
"""

import jax, jax.numpy as jnp
import numpy as np
import math

NUM_HEADS = 12
NUM_BUCKETS = 32
MAX_DISTANCE = 50000
BATCH = 1
SEQ = 2048


def setup_inputs(seed: int = 0) -> dict:
    key = jax.random.key(seed)
    k1, k2 = jax.random.split(key)
    distances = jax.random.randint(k1, (BATCH, SEQ, SEQ), 0, MAX_DISTANCE, dtype=jnp.int32)
    # learned embedding table: (num_buckets, num_heads), default nn.Embedding init ~ N(0,1)
    W = jax.random.normal(k2, (NUM_BUCKETS, NUM_HEADS), dtype=jnp.float32)
    return {"distances": distances, "W": W}


def _relative_position_bucket(distances):
    n = jnp.abs(distances)
    max_exact = NUM_BUCKETS // 2
    is_small = n < max_exact
    # clamp n for the log so small/zero entries don't produce -inf; they are masked out anyway
    n_large = jnp.maximum(n, max_exact).astype(jnp.float32)
    val_if_large = max_exact + (
        jnp.log(n_large / max_exact) / math.log(MAX_DISTANCE / max_exact) * (NUM_BUCKETS - max_exact - 1)
    ).astype(jnp.int32)
    val_if_large = jnp.minimum(val_if_large, NUM_BUCKETS - 1)
    return jnp.where(is_small, n.astype(jnp.int32), val_if_large)


def reference(distances, W):
    relative_buckets = _relative_position_bucket(distances)  # (B, S, S) int32
    bias = jnp.take(W, relative_buckets, axis=0)  # (B, S, S, H) gather from table
    return jnp.transpose(bias, (0, 3, 1, 2))  # (B, H, S, S)

if __name__ == "__main__":
    import jax
    _d = setup_inputs()
    print(jax.jit(kernel)(*tuple(_d.values())))

</pallas_src>

<mosaic_0001>
#map = affine_map<(d0, d1) -> (0, 0)>
#map1 = affine_map<(d0, d1) -> (0)>
#map2 = affine_map<(d0, d1) -> (0, 0, 0)>
module attributes {stable_mosaic.version = 14 : i64} {
  func.func @body(%arg0: i32, %arg1: i32, %arg2: memref<2048x2048xi32, #tpu.memory_space<hbm>>, %arg3: memref<50000xi32, #tpu.memory_space<hbm>>, %arg4: memref<384xf32, #tpu.memory_space<hbm>>, %arg5: memref<12x2048x2048xf32, #tpu.memory_space<hbm>>, %arg6: memref<50000xi32, #tpu.memory_space<vmem>>, %arg7: memref<384xf32, #tpu.memory_space<vmem>>, %arg8: memref<2x2048xi32, #tpu.memory_space<vmem>>, %arg9: memref<2x12x2048xf32, #tpu.memory_space<vmem>>, %arg10: memref<!tpu.dma_semaphore, #tpu.memory_space<semaphore_mem>>, %arg11: memref<!tpu.dma_semaphore, #tpu.memory_space<semaphore_mem>>, %arg12: memref<!tpu.dma_semaphore, #tpu.memory_space<semaphore_mem>>, %arg13: memref<!tpu.dma_semaphore, #tpu.memory_space<semaphore_mem>>) attributes {dimension_semantics = [#tpu.dimension_semantics<core_parallel>, #tpu.dimension_semantics<subcore_parallel>], iteration_bounds = array<i64: 2, 16>, scalar_prefetch = 0 : i64, scratch_operands = 8 : i64, tpu.core_type = #tpu.core_type<sc_vector_subcore>, window_params = [{transform_indices = #map}, {transform_indices = #map1}, {transform_indices = #map1}, {transform_indices = #map2}]} {
    %mul3A = arith.constant 2 : i32
    %mul3A_0 = arith.muli %arg1, %mul3A : i32
    %add3A = arith.addi %mul3A_0, %arg0 : i32
    "tpu.region"() ({
      %run_scoped3A = tpu.sem_alloc : memref<!tpu.dma_semaphore, #tpu.memory_space<semaphore_mem>>
      tpu.enqueue_dma source(%arg3 : memref<50000xi32, #tpu.memory_space<hbm>>) target(%arg6 : memref<50000xi32, #tpu.memory_space<vmem>>) target_semaphore(%run_scoped3A : memref<!tpu.dma_semaphore, #tpu.memory_space<semaphore_mem>>)
      tpu.wait_dma2 semaphore(%run_scoped3A : memref<!tpu.dma_semaphore, #tpu.memory_space<semaphore_mem>>) src(%arg3 : memref<50000xi32, #tpu.memory_space<hbm>>) dst(%arg6 : memref<50000xi32, #tpu.memory_space<vmem>>)
      tpu.yield
    }) : () -> ()
    "tpu.region"() ({
      %run_scoped3A = tpu.sem_alloc : memref<!tpu.dma_semaphore, #tpu.memory_space<semaphore_mem>>
      tpu.enqueue_dma source(%arg4 : memref<384xf32, #tpu.memory_space<hbm>>) target(%arg7 : memref<384xf32, #tpu.memory_space<vmem>>) target_semaphore(%run_scoped3A : memref<!tpu.dma_semaphore, #tpu.memory_space<semaphore_mem>>)
      tpu.wait_dma2 semaphore(%run_scoped3A : memref<!tpu.dma_semaphore, #tpu.memory_space<semaphore_mem>>) src(%arg4 : memref<384xf32, #tpu.memory_space<hbm>>) dst(%arg7 : memref<384xf32, #tpu.memory_space<vmem>>)
      tpu.yield
    }) : () -> ()
    %mul3A_1 = arith.constant 64 : i32
    %mul3A_2 = arith.muli %add3A, %mul3A_1 : i32
    %dma_start3A = arith.constant 0 : i32
    %dma_start3A_3 = arith.constant 0 : i32
    %dma_start3A_4 = tpu.memref_slice %arg8[%dma_start3A, %dma_start3A_3] : memref<2x2048xi32, #tpu.memory_space<vmem>> -> memref<1x2048xi32, #tpu.memory_space<vmem>>
    %dma_start3A_5 = tpu.memref_squeeze %dma_start3A_4 : memref<1x2048xi32, #tpu.memory_space<vmem>> -> memref<2048xi32, #tpu.memory_space<vmem>>
    %dma_start3A_6 = arith.constant 0 : i32
    %dma_start3A_7 = tpu.memref_slice %arg2[%mul3A_2, %dma_start3A_6] : memref<2048x2048xi32, #tpu.memory_space<hbm>> -> memref<1x2048xi32, #tpu.memory_space<hbm>>
    %dma_start3A_8 = tpu.memref_squeeze %dma_start3A_7 : memref<1x2048xi32, #tpu.memory_space<hbm>> -> memref<2048xi32, #tpu.memory_space<hbm>>
    %dma_start3A_9 = arith.constant 0 : i32
    %dma_start3A_10 = tpu.memref_slice %arg8[%dma_start3A, %dma_start3A_9] : memref<2x2048xi32, #tpu.memory_space<vmem>> -> memref<1x2048xi32, #tpu.memory_space<vmem>>
    %dma_start3A_11 = tpu.memref_squeeze %dma_start3A_10 : memref<1x2048xi32, #tpu.memory_space<vmem>> -> memref<2048xi32, #tpu.memory_space<vmem>>
    %dma_start3A_12 = arith.constant 0 : i32
    %dma_start3A_13 = tpu.memref_slice %arg2[%mul3A_2, %dma_start3A_12] : memref<2048x2048xi32, #tpu.memory_space<hbm>> -> memref<1x2048xi32, #tpu.memory_space<hbm>>
    %dma_start3A_14 = tpu.memref_squeeze %dma_start3A_13 : memref<1x2048xi32, #tpu.memory_space<hbm>> -> memref<2048xi32, #tpu.memory_space<hbm>>
    tpu.enqueue_dma source(%dma_start3A_14 : memref<2048xi32, #tpu.memory_space<hbm>>) target(%dma_start3A_11 : memref<2048xi32, #tpu.memory_space<vmem>>) target_semaphore(%arg10 : memref<!tpu.dma_semaphore, #tpu.memory_space<semaphore_mem>>)
    %scan3A = arith.constant 0 : i32
    %scan3A_15 = arith.constant 32 : i32
    %scan3A_16 = arith.addi %scan3A, %scan3A_15 : i32
    %scan3A_17 = arith.constant 1 : i32
    scf.for %scan3A_389 = %scan3A to %scan3A_16 step %scan3A_17  : i32 {
      %mul3A_390 = arith.constant 2 : i32
      %mul3A_391 = arith.muli %scan3A_389, %mul3A_390 : i32
      %add3A_392 = arith.constant 0 : i32
      %add3A_393 = arith.addi %add3A_392, %mul3A_391 : i32
      %add3A_394 = arith.addi %mul3A_2, %add3A_393 : i32
      %add3A_395 = arith.constant 0 : i32
      %add3A_396 = arith.addi %add3A_394, %add3A_395 : i32
      %add3A_397 = arith.constant 1 : i32
      %add3A_398 = arith.addi %add3A_396, %add3A_397 : i32
      %dma_start3A_399 = arith.constant 1 : i32
      %dma_start3A_400 = arith.constant 0 : i32
      %dma_start3A_401 = tpu.memref_slice %arg8[%dma_start3A_399, %dma_start3A_400] : memref<2x2048xi32, #tpu.memory_space<vmem>> -> memref<1x2048xi32, #tpu.memory_space<vmem>>
      %dma_start3A_402 = tpu.memref_squeeze %dma_start3A_401 : memref<1x2048xi32, #tpu.memory_space<vmem>> -> memref<2048xi32, #tpu.memory_space<vmem>>
      %dma_start3A_403 = arith.constant 0 : i32
      %dma_start3A_404 = tpu.memref_slice %arg2[%add3A_398, %dma_start3A_403] : memref<2048x2048xi32, #tpu.memory_space<hbm>> -> memref<1x2048xi32, #tpu.memory_space<hbm>>
      %dma_start3A_405 = tpu.memref_squeeze %dma_start3A_404 : memref<1x2048xi32, #tpu.memory_space<hbm>> -> memref<2048xi32, #tpu.memory_space<hbm>>
      %dma_start3A_406 = arith.constant 0 : i32
      %dma_start3A_407 = tpu.memref_slice %arg8[%dma_start3A_399, %dma_start3A_406] : memref<2x2048xi32, #tpu.memory_space<vmem>> -> memref<1x2048xi32, #tpu.memory_space<vmem>>
      %dma_start3A_408 = tpu.memref_squeeze %dma_start3A_407 : memref<1x2048xi32, #tpu.memory_space<vmem>> -> memref<2048xi32, #tpu.memory_space<vmem>>
      %dma_start3A_409 = arith.constant 0 : i32
      %dma_start3A_410 = tpu.memref_slice %arg2[%add3A_398, %dma_start3A_409] : memref<2048x2048xi32, #tpu.memory_space<hbm>> -> memref<1x2048xi32, #tpu.memory_space<hbm>>
      %dma_start3A_411 = tpu.memref_squeeze %dma_start3A_410 : memref<1x2048xi32, #tpu.memory_space<hbm>> -> memref<2048xi32, #tpu.memory_space<hbm>>
      tpu.enqueue_dma source(%dma_start3A_411 : memref<2048xi32, #tpu.memory_space<hbm>>) target(%dma_start3A_408 : memref<2048xi32, #tpu.memory_space<vmem>>) target_semaphore(%arg11 : memref<!tpu.dma_semaphore, #tpu.memory_space<semaphore_mem>>)
      %ge3A = arith.constant 2 : i32
      %ge3A_412 = arith.cmpi sge, %add3A_393, %ge3A : i32
      %convert_element_type3A = arith.extui %ge3A_412 : i1 to i32
      %cond3A = arith.constant 0 : i32
      %cond3A_413 = arith.cmpi ne, %convert_element_type3A, %cond3A : i32
      scf.if %cond3A_413 {
        %dma_wait3A_817 = arith.constant 0 : i32
        %dma_wait3A_818 = arith.constant 0 : i32
        %dma_wait3A_819 = arith.constant 0 : i32
        %dma_wait3A_820 = arith.constant 0 : i32
        %dma_wait3A_821 = tpu.memref_slice %arg9[%dma_wait3A_817, %dma_wait3A_818, %dma_wait3A_820] : memref<2x12x2048xf32, #tpu.memory_space<vmem>> -> memref<1x1x2048xf32, #tpu.memory_space<vmem>>
        %dma_wait3A_822 = tpu.memref_squeeze %dma_wait3A_821 : memref<1x1x2048xf32, #tpu.memory_space<vmem>> -> memref<2048xf32, #tpu.memory_space<vmem>>
        %dma_wait3A_823 = arith.constant 0 : i32
        %dma_wait3A_824 = tpu.memref_slice %arg5[%dma_wait3A_819, %add3A_396, %dma_wait3A_823] : memref<12x2048x2048xf32, #tpu.memory_space<hbm>> -> memref<1x1x2048xf32, #tpu.memory_space<hbm>>
        %dma_wait3A_825 = tpu.memref_squeeze %dma_wait3A_824 : memref<1x1x2048xf32, #tpu.memory_space<hbm>> -> memref<2048xf32, #tpu.memory_space<hbm>>
        %dma_wait3A_826 = arith.constant 0 : i32
        %dma_wait3A_827 = tpu.memref_slice %arg5[%dma_wait3A_819, %add3A_396, %dma_wait3A_826] : memref<12x2048x2048xf32, #tpu.memory_space<hbm>> -> memref<1x1x2048xf32, #tpu.memory_space<hbm>>
        %dma_wait3A_828 = tpu.memref_squeeze %dma_wait3A_827 : memref<1x1x2048xf32, #tpu.memory_space<hbm>> -> memref<2048xf32, #tpu.memory_space<hbm>>
        %dma_wait3A_829 = arith.constant 0 : i32
        %dma_wait3A_830 = tpu.memref_slice %arg9[%dma_wait3A_817, %dma_wait3A_818, %dma_wait3A_829] : memref<2x12x2048xf32, #tpu.memory_space<vmem>> -> memref<1x1x2048xf32, #tpu.memory_space<vmem>>
        %dma_wait3A_831 = tpu.memref_squeeze %dma_wait3A_830 : memref<1x1x2048xf32, #tpu.memory_space<vmem>> -> memref<2048xf32, #tpu.memory_space<vmem>>
        tpu.wait_dma2 semaphore(%arg12 : memref<!tpu.dma_semaphore, #tpu.memory_space<semaphore_mem>>) src(%dma_wait3A_831 : memref<2048xf32, #tpu.memory_space<vmem>>) dst(%dma_wait3A_828 : memref<2048xf32, #tpu.memory_space<hbm>>)
        %dma_wait3A_832 = arith.constant 0 : i32
        %dma_wait3A_833 = arith.constant 1 : i32
        %dma_wait3A_834 = arith.constant 1 : i32
        %dma_wait3A_835 = arith.constant 0 : i32
        %dma_wait3A_836 = tpu.memref_slice %arg9[%dma_wait3A_832, %dma_wait3A_833, %dma_wait3A_835] : memref<2x12x2048xf32, #tpu.memory_space<vmem>> -> memref<1x1x2048xf32, #tpu.memory_space<vmem>>
        %dma_wait3A_837 = tpu.memref_squeeze %dma_wait3A_836 : memref<1x1x2048xf32, #tpu.memory_space<vmem>> -> memref<2048xf32, #tpu.memory_space<vmem>>
        %dma_wait3A_838 = arith.constant 0 : i32
        %dma_wait3A_839 = tpu.memref_slice %arg5[%dma_wait3A_834, %add3A_396, %dma_wait3A_838] : memref<12x2048x2048xf32, #tpu.memory_space<hbm>> -> memref<1x1x2048xf32, #tpu.memory_space<hbm>>
        %dma_wait3A_840 = tpu.memref_squeeze %dma_wait3A_839 : memref<1x1x2048xf32, #tpu.memory_space<hbm>> -> memref<2048xf32, #tpu.memory_space<hbm>>
        %dma_wait3A_841 = arith.constant 0 : i32
        %dma_wait3A_842 = tpu.memref_slice %arg5[%dma_wait3A_834, %add3A_396, %dma_wait3A_841] : memref<12x2048x2048xf32, #tpu.memory_space<hbm>> -> memref<1x1x2048xf32, #tpu.memory_space<hbm>>
        %dma_wait3A_843 = tpu.memref_squeeze %dma_wait3A_842 : memref<1x1x2048xf32, #tpu.memory_space<hbm>> -> memref<2048xf32, #tpu.memory_space<hbm>>
        %dma_wait3A_844 = arith.constant 0 : i32
        %dma_wait3A_845 = tpu.memref_slice %arg9[%dma_wait3A_832, %dma_wait3A_833, %dma_wait3A_844] : memref<2x12x2048xf32, #tpu.memory_space<vmem>> -> memref<1x1x2048xf32, #tpu.memory_space<vmem>>
        %dma_wait3A_846 = tpu.memref_squeeze %dma_wait3A_845 : memref<1x1x2048xf32, #tpu.memory_space<vmem>> -> memref<2048xf32, #tpu.memory_space<vmem>>
        tpu.wait_dma2 semaphore(%arg12 : memref<!tpu.dma_semaphore, #tpu.memory_space<semaphore_mem>>) src(%dma_wait3A_846 : memref<2048xf32, #tpu.memory_space<vmem>>) dst(%dma_wait3A_843 : memref<2048xf32, #tpu.memory_space<hbm>>)
        %dma_wait3A_847 = arith.constant 0 : i32
        %dma_wait3A_848 = arith.constant 2 : i32
        %dma_wait3A_849 = arith.constant 2 : i32
        %dma_wait3A_850 = arith.constant 0 : i32
        %dma_wait3A_851 = tpu.memref_slice %arg9[%dma_wait3A_847, %dma_wait3A_848, %dma_wait3A_850] : memref<2x12x2048xf32, #tpu.memory_space<vmem>> -> memref<1x1x2048xf32, #tpu.memory_space<vmem>>
        %dma_wait3A_852 = tpu.memref_squeeze %dma_wait3A_851 : memref<1x1x2048xf32, #tpu.memory_space<vmem>> -> memref<2048xf32, #tpu.memory_space<vmem>>
        %dma_wait3A_853 = arith.constant 0 : i32
        %dma_wait3A_854 = tpu.memref_slice %arg5[%dma_wait3A_849, %add3A_396, %dma_wait3A_853] : memref<12x2048x2048xf32, #tpu.memory_space<hbm>> -> memref<1x1x2048xf32, #tpu.memory_space<hbm>>
        %dma_wait3A_855 = tpu.memref_squeeze %dma_wait3A_854 : memref<1x1x2048xf32, #tpu.memory_space<hbm>> -> memref<2048xf32, #tpu.memory_space<hbm>>
        %dma_wait3A_856 = arith.constant 0 : i32
        %dma_wait3A_857 = tpu.memref_slice %arg5[%dma_wait3A_849, %add3A_396, %dma_wait3A_856] : memref<12x2048x2048xf32, #tpu.memory_space<hbm>> -> memref<1x1x2048xf32, #tpu.memory_space<hbm>>
        %dma_wait3A_858 = tpu.memref_squeeze %dma_wait3A_857 : memref<1x1x2048xf32, #tpu.memory_space<hbm>> -> memref<2048xf32, #tpu.memory_space<hbm>>
        %dma_wait3A_859 = arith.constant 0 : i32
        %dma_wait3A_860 = tpu.memref_slice %arg9[%dma_wait3A_847, %dma_wait3A_848, %dma_wait3A_859] : memref<2x12x2048xf32, #tpu.memory_space<vmem>> -> memref<1x1x2048xf32, #tpu.memory_space<vmem>>
        %dma_wait3A_861 = tpu.memref_squeeze %dma_wait3A_860 : memref<1x1x2048xf32, #tpu.memory_space<vmem>> -> memref<2048xf32, #tpu.memory_space<vmem>>
        tpu.wait_dma2 semaphore(%arg12 : memref<!tpu.dma_semaphore, #tpu.memory_space<semaphore_mem>>) src(%dma_wait3A_861 : memref<2048xf32, #tpu.memory_space<vmem>>) dst(%dma_wait3A_858 : memref<2048xf32, #tpu.memory_space<hbm>>)
        %dma_wait3A_862 = arith.constant 0 : i32
        %dma_wait3A_863 = arith.constant 3 : i32
        %dma_wait3A_864 = arith.constant 3 : i32
        %dma_wait3A_865 = arith.constant 0 : i32
        %dma_wait3A_866 = tpu.memref_slice %arg9[%dma_wait3A_862, %dma_wait3A_863, %dma_wait3A_865] : memref<2x12x2048xf32, #tpu.memory_space<vmem>> -> memref<1x1x2048xf32, #tpu.memory_space<vmem>>
        %dma_wait3A_867 = tpu.memref_squeeze %dma_wait3A_866 : memref<1x1x2048xf32, #tpu.memory_space<vmem>> -> memref<2048xf32, #tpu.memory_space<vmem>>
        %dma_wait3A_868 = arith.constant 0 : i32
        %dma_wait3A_869 = tpu.memref_slice %arg5[%dma_wait3A_864, %add3A_396, %dma_wait3A_868] : memref<12x2048x2048xf32, #tpu.memory_space<hbm>> -> memref<1x1x2048xf32, #tpu.memory_space<hbm>>
        %dma_wait3A_870 = tpu.memref_squeeze %dma_wait3A_869 : memref<1x1x2048xf32, #tpu.memory_space<hbm>> -> memref<2048xf32, #tpu.memory_space<hbm>>
        %dma_wait3A_871 = arith.constant 0 : i32
        %dma_wait3A_872 = tpu.memref_slice %arg5[%dma_wait3A_864, %add3A_396, %dma_wait3A_871] : memref<12x2048x2048xf32, #tpu.memory_space<hbm>> -> memref<1x1x2048xf32, #tpu.memory_space<hbm>>
        %dma_wait3A_873 = tpu.memref_squeeze %dma_wait3A_872 : memref<1x1x2048xf32, #tpu.memory_space<hbm>> -> memref<2048xf32, #tpu.memory_space<hbm>>
        %dma_wait3A_874 = arith.constant 0 : i32
        %dma_wait3A_875 = tpu.memref_slice %arg9[%dma_wait3A_862, %dma_wait3A_863, %dma_wait3A_874] : memref<2x12x2048xf32, #tpu.memory_space<vmem>> -> memref<1x1x2048xf32, #tpu.memory_space<vmem>>
        %dma_wait3A_876 = tpu.memref_squeeze %dma_wait3A_875 : memref<1x1x2048xf32, #tpu.memory_space<vmem>> -> memref<2048xf32, #tpu.memory_space<vmem>>
        tpu.wait_dma2 semaphore(%arg12 : memref<!tpu.dma_semaphore, #tpu.memory_space<semaphore_mem>>) src(%dma_wait3A_876 : memref<2048xf32, #tpu.memory_space<vmem>>) dst(%dma_wait3A_873 : memref<2048xf32, #tpu.memory_space<hbm>>)
        %dma_wait3A_877 = arith.constant 0 : i32
        %dma_wait3A_878 = arith.constant 4 : i32
        %dma_wait3A_879 = arith.constant 4 : i32
        %dma_wait3A_880 = arith.constant 0 : i32
        %dma_wait3A_881 = tpu.memref_slice %arg9[%dma_wait3A_877, %dma_wait3A_878, %dma_wait3A_880] : memref<2x12x2048xf32, #tpu.memory_space<vmem>> -> memref<1x1x2048xf32, #tpu.memory_space<vmem>>
        %dma_wait3A_882 = tpu.memref_squeeze %dma_wait3A_881 : memref<1x1x2048xf32, #tpu.memory_space<vmem>> -> memref<2048xf32, #tpu.memory_space<vmem>>
        %dma_wait3A_883 = arith.constant 0 : i32
        %dma_wait3A_884 = tpu.memref_slice %arg5[%dma_wait3A_879, %add3A_396, %dma_wait3A_883] : memref<12x2048x2048xf32, #tpu.memory_space<hbm>> -> memref<1x1x2048xf32, #tpu.memory_space<hbm>>
        %dma_wait3A_885 = tpu.memref_squeeze %dma_wait3A_884 : memref<1x1x2048xf32, #tpu.memory_space<hbm>> -> memref<2048xf32, #tpu.memory_space<hbm>>
        %dma_wait3A_886 = arith.constant 0 : i32
        %dma_wait3A_887 = tpu.memref_slice %arg5[%dma_wait3A_879, %add3A_396, %dma_wait3A_886] : memref<12x2048x2048xf32, #tpu.memory_space<hbm>> -> memref<1x1x2048xf32, #tpu.memory_space<hbm>>
        %dma_wait3A_888 = tpu.memref_squeeze %dma_wait3A_887 : memref<1x1x2048xf32, #tpu.memory_space<hbm>> -> memref<2048xf32, #tpu.memory_space<hbm>>
        %dma_wait3A_889 = arith.constant 0 : i32
        %dma_wait3A_890 = tpu.memref_slice %arg9[%dma_wait3A_877, %dma_wait3A_878, %dma_wait3A_889] : memref<2x12x2048xf32, #tpu.memory_space<vmem>> -> memref<1x1x2048xf32, #tpu.memory_space<vmem>>
        %dma_wait3A_891 = tpu.memref_squeeze %dma_wait3A_890 : memref<1x1x2048xf32, #tpu.memory_space<vmem>> -> memref<2048xf32, #tpu.memory_space<vmem>>
        tpu.wait_dma2 semaphore(%arg12 : memref<!tpu.dma_semaphore, #tpu.memory_space<semaphore_mem>>) src(%dma_wait3A_891 : memref<2048xf32, #tpu.memory_space<vmem>>) dst(%dma_wait3A_888 : memref<2048xf32, #tpu.memory_space<hbm>>)
        %dma_wait3A_892 = arith.constant 0 : i32
        %dma_wait3A_893 = arith.constant 5 : i32
        %dma_wait3A_894 = arith.constant 5 : i32
        %dma_wait3A_895 = arith.constant 0 : i32
        %dma_wait3A_896 = tpu.memref_slice %arg9[%dma_wait3A_892, %dma_wait3A_893, %dma_wait3A_895] : memref<2x12x2048xf32, #tpu.memory_space<vmem>> -> memref<1x1x2048xf32, #tpu.memory_space<vmem>>
        %dma_wait3A_897 = tpu.memref_squeeze %dma_wait3A_896 : memref<1x1x2048xf32, #tpu.memory_space<vmem>> -> memref<2048xf32, #tpu.memory_space<vmem>>
        %dma_wait3A_898 = arith.constant 0 : i32
        %dma_wait3A_899 = tpu.memref_slice %arg5[%dma_wait3A_894, %add3A_396, %dma_wait3A_898] : memref<12x2048x2048xf32, #tpu.memory_space<hbm>> -> memref<1x1x2048xf32, #tpu.memory_space<hbm>>
        %dma_wait3A_900 = tpu.memref_squeeze %dma_wait3A_899 : memref<1x1x2048xf32, #tpu.memory_space<hbm>> -> memref<2048xf32, #tpu.memory_space<hbm>>
        %dma_wait3A_901 = arith.constant 0 : i32
        %dma_wait3A_902 = tpu.memref_slice %arg5[%dma_wait3A_894, %add3A_396, %dma_wait3A_901] : memref<12x2048x2048xf32, #tpu.memory_space<hbm>> -> memref<1x1x2048xf32, #tpu.memory_space<hbm>>
        %dma_wait3A_903 = tpu.memref_squeeze %dma_wait3A_902 : memref<1x1x2048xf32, #tpu.memory_space<hbm>> -> memref<2048xf32, #tpu.memory_space<hbm>>
        %dma_wait3A_904 = arith.constant 0 : i32
        %dma_wait3A_905 = tpu.memref_slice %arg9[%dma_wait3A_892, %dma_wait3A_893, %dma_wait3A_904] : memref<2x12x2048xf32, #tpu.memory_space<vmem>> -> memref<1x1x2048xf32, #tpu.memory_space<vmem>>
        %dma_wait3A_906 = tpu.memref_squeeze %dma_wait3A_905 : memref<1x1x2048xf32, #tpu.memory_space<vmem>> -> memref<2048xf32, #tpu.memory_space<vmem>>
        tpu.wait_dma2 semaphore(%arg12 : memref<!tpu.dma_semaphore, #tpu.memory_space<semaphore_mem>>) src(%dma_wait3A_906 : memref<2048xf32, #tpu.memory_space<vmem>>) dst(%dma_wait3A_903 : memref<2048xf32, #tpu.memory_space<hbm>>)
        %dma_wait3A_907 = arith.constant 0 : i32
        %dma_wait3A_908 = arith.constant 6 : i32
        %dma_wait3A_909 = arith.constant 6 : i32
        %dma_wait3A_910 = arith.constant 0 : i32
        %dma_wait3A_911 = tpu.memref_slice %arg9[%dma_wait3A_907, %dma_wait3A_908, %dma_wait3A_910] : memref<2x12x2048xf32, #tpu.memory_space<vmem>> -> memref<1x1x2048xf32, #tpu.memory_space<vmem>>
        %dma_wait3A_912 = tpu.memref_squeeze %dma_wait3A_911 : memref<1x1x2048xf32, #tpu.memory_space<vmem>> -> memref<2048xf32, #tpu.memory_space<vmem>>
        %dma_wait3A_913 = arith.constant 0 : i32
        %dma_wait3A_914 = tpu.memref_slice %arg5[%dma_wait3A_909, %add3A_396, %dma_wait3A_913] : memref<12x2048x2048xf32, #tpu.memory_space<hbm>> -> memref<1x1x2048xf32, #tpu.memory_space<hbm>>
        %dma_wait3A_915 = tpu.memref_squeeze %dma_wait3A_914 : memref<1x1x2048xf32, #tpu.memory_space<hbm>> -> memref<2048xf32, #tpu.memory_space<hbm>>
        %dma_wait3A_916 = arith.constant 0 : i32
        %dma_wait3A_917 = tpu.memref_slice %arg5[%dma_wait3A_909, %add3A_396, %dma_wait3A_916] : memref<12x2048x2048xf32, #tpu.memory_space<hbm>> -> memref<1x1x2048xf32, #tpu.memory_space<hbm>>
        %dma_wait3A_918 = tpu.memref_squeeze %dma_wait3A_917 : memref<1x1x2048xf32, #tpu.memory_space<hbm>> -> memref<2048xf32, #tpu.memory_space<hbm>>
        %dma_wait3A_919 = arith.constant 0 : i32
        %dma_wait3A_920 = tpu.memref_slice %arg9[%dma_wait3A_907, %dma_wait3A_908, %dma_wait3A_919] : memref<2x12x2048xf32, #tpu.memory_space<vmem>> -> memref<1x1x2048xf32, #tpu.memory_space<vmem>>
        %dma_wait3A_921 = tpu.memref_squeeze %dma_wait3A_920 : memref<1x1x2048xf32, #tpu.memory_space<vmem>> -> memref<2048xf32, #tpu.memory_space<vmem>>
        tpu.wait_dma2 semaphore(%arg12 : memref<!tpu.dma_semaphore, #tpu.memory_space<semaphore_mem>>) src(%dma_wait3A_921 : memref<2048xf32, #tpu.memory_space<vmem>>) dst(%dma_wait3A_918 : memref<2048xf32, #tpu.memory_space<hbm>>)
        %dma_wait3A_922 = arith.constant 0 : i32
        %dma_wait3A_923 = arith.constant 7 : i32
        %dma_wait3A_924 = arith.constant 7 : i32
        %dma_wait3A_925 = arith.constant 0 : i32
        %dma_wait3A_926 = tpu.memref_slice %arg9[%dma_wait3A_922, %dma_wait3A_923, %dma_wait3A_925] : memref<2x12x2048xf32, #tpu.memory_space<vmem>> -> memref<1x1x2048xf32, #tpu.memory_space<vmem>>
        %dma_wait3A_927 = tpu.memref_squeeze %dma_wait3A_926 : memref<1x1x2048xf32, #tpu.memory_space<vmem>> -> memref<2048xf32, #tpu.memory_space<vmem>>
        %dma_wait3A_928 = arith.constant 0 : i32
        %dma_wait3A_929 = tpu.memref_slice %arg5[%dma_wait3A_924, %add3A_396, %dma_wait3A_928] : memref<12x2048x2048xf32, #tpu.memory_space<hbm>> -> memref<1x1x2048xf32, #tpu.memory_space<hbm>>
        %dma_wait3A_930 = tpu.memref_squeeze %dma_wait3A_929 : memref<1x1x2048xf32, #tpu.memory_space<hbm>> -> memref<2048xf32, #tpu.memory_space<hbm>>
        %dma_wait3A_931 = arith.constant 0 : i32
        %dma_wait3A_932 = tpu.memref_slice %arg5[%dma_wait3A_924, %add3A_396, %dma_wait3A_931] : memref<12x2048x2048xf32, #tpu.memory_space<hbm>> -> memref<1x1x2048xf32, #tpu.memory_space<hbm>>
        %dma_wait3A_933 = tpu.memref_squeeze %dma_wait3A_932 : memref<1x1x2048xf32, #tpu.memory_space<hbm>> -> memref<2048xf32, #tpu.memory_space<hbm>>
        %dma_wait3A_934 = arith.constant 0 : i32
        %dma_wait3A_935 = tpu.memref_slice %arg9[%dma_wait3A_922, %dma_wait3A_923, %dma_wait3A_934] : memref<2x12x2048xf32, #tpu.memory_space<vmem>> -> memref<1x1x2048xf32, #tpu.memory_space<vmem>>
        %dma_wait3A_936 = tpu.memref_squeeze %dma_wait3A_935 : memref<1x1x2048xf32, #tpu.memory_space<vmem>> -> memref<2048xf32, #tpu.memory_space<vmem>>
        tpu.wait_dma2 semaphore(%arg12 : memref<!tpu.dma_semaphore, #tpu.memory_space<semaphore_mem>>) src(%dma_wait3A_936 : memref<2048xf32, #tpu.memory_space<vmem>>) dst(%dma_wait3A_933 : memref<2048xf32, #tpu.memory_space<hbm>>)
        %dma_wait3A_937 = arith.constant 0 : i32
        %dma_wait3A_938 = arith.constant 8 : i32
        %dma_wait3A_939 = arith.constant 8 : i32
        %dma_wait3A_940 = arith.constant 0 : i32
        %dma_wait3A_941 = tpu.memref_slice %arg9[%dma_wait3A_937, %dma_wait3A_938, %dma_wait3A_940] : memref<2x12x2048xf32, #tpu.memory_space<vmem>> -> memref<1x1x2048xf32, #tpu.memory_space<vmem>>
        %dma_wait3A_942 = tpu.memref_squeeze %dma_wait3A_941 : memref<1x1x2048xf32, #tpu.memory_space<vmem>> -> memref<2048xf32, #tpu.memory_space<vmem>>
        %dma_wait3A_943 = arith.constant 0 : i32
        %dma_wait3A_944 = tpu.memref_slice %arg5[%dma_wait3A_939, %add3A_396, %dma_wait3A_943] : memref<12x2048x2048xf32, #tpu.memory_space<hbm>> -> memref<1x1x2048xf32, #tpu.memory_space<hbm>>
        %dma_wait3A_945 = tpu.memref_squeeze %dma_wait3A_944 : memref<1x1x2048xf32, #tpu.memory_space<hbm>> -> memref<2048xf32, #tpu.memory_space<hbm>>
        %dma_wait3A_946 = arith.constant 0 : i32
        %dma_wait3A_947 = tpu.memref_slice %arg5[%dma_wait3A_939, %add3A_396, %dma_wait3A_946] : memref<12x2048x2048xf32, #tpu.memory_space<hbm>> -> memref<1x1x2048xf32, #tpu.memory_space<hbm>>
        %dma_wait3A_948 = tpu.memref_squeeze %dma_wait3A_947 : memref<1x1x2048xf32, #tpu.memory_space<hbm>> -> memref<2048xf32, #tpu.memory_space<hbm>>
        %dma_wait3A_949 = arith.constant 0 : i32
        %dma_wait3A_950 = tpu.memref_slice %arg9[%dma_wait3A_937, %dma_wait3A_938, %dma_wait3A_949] : memref<2x12x2048xf32, #tpu.memory_space<vmem>> -> memref<1x1x2048xf32, #tpu.memory_space<vmem>>
        %dma_wait3A_951 = tpu.memref_squeeze %dma_wait3A_950 : memref<1x1x2048xf32, #tpu.memory_space<vmem>> -> memref<2048xf32, #tpu.memory_space<vmem>>
        tpu.wait_dma2 semaphore(%arg12 : memref<!tpu.dma_semaphore, #tpu.memory_space<semaphore_mem>>) src(%dma_wait3A_951 : memref<2048xf32, #tpu.memory_space<vmem>>) dst(%dma_wait3A_948 : memref<2048xf32, #tpu.memory_space<hbm>>)
        %dma_wait3A_952 = arith.constant 0 : i32
        %dma_wait3A_953 = arith.constant 9 : i32
        %dma_wait3A_954 = arith.constant 9 : i32
        %dma_wait3A_955 = arith.constant 0 : i32
        %dma_wait3A_956 = tpu.memref_slice %arg9[%dma_wait3A_952, %dma_wait3A_953, %dma_wait3A_955] : memref<2x12x2048xf32, #tpu.memory_space<vmem>> -> memref<1x1x2048xf32, #tpu.memory_space<vmem>>
        %dma_wait3A_957 = tpu.memref_squeeze %dma_wait3A_956 : memref<1x1x2048xf32, #tpu.memory_space<vmem>> -> memref<2048xf32, #tpu.memory_space<vmem>>
        %dma_wait3A_958 = arith.constant 0 : i32
        %dma_wait3A_959 = tpu.memref_slice %arg5[%dma_wait3A_954, %add3A_396, %dma_wait3A_958] : memref<12x2048x2048xf32, #tpu.memory_space<hbm>> -> memref<1x1x2048xf32, #tpu.memory_space<hbm>>
        %dma_wait3A_960 = tpu.memref_squeeze %dma_wait3A_959 : memref<1x1x2048xf32, #tpu.memory_space<hbm>> -> memref<2048xf32, #tpu.memory_space<hbm>>
        %dma_wait3A_961 = arith.constant 0 : i32
        %dma_wait3A_962 = tpu.memref_slice %arg5[%dma_wait3A_954, %add3A_396, %dma_wait3A_961] : memref<12x2048x2048xf32, #tpu.memory_space<hbm>> -> memref<1x1x2048xf32, #tpu.memory_space<hbm>>
        %dma_wait3A_963 = tpu.memref_squeeze %dma_wait3A_962 : memref<1x1x2048xf32, #tpu.memory_space<hbm>> -> memref<2048xf32, #tpu.memory_space<hbm>>
        %dma_wait3A_964 = arith.constant 0 : i32
        %dma_wait3A_965 = tpu.memref_slice %arg9[%dma_wait3A_952, %dma_wait3A_953, %dma_wait3A_964] : memref<2x12x2048xf32, #tpu.memory_space<vmem>> -> memref<1x1x2048xf32, #tpu.memory_space<vmem>>
        %dma_wait3A_966 = tpu.memref_squeeze %dma_wait3A_965 : memref<1x1x2048xf32, #tpu.memory_space<vmem>> -> memref<2048xf32, #tpu.memory_space<vmem>>
        tpu.wait_dma2 semaphore(%arg12 : memref<!tpu.dma_semaphore, #tpu.memory_space<semaphore_mem>>) src(%dma_wait3A_966 : memref<2048xf32, #tpu.memory_space<vmem>>) dst(%dma_wait3A_963 : memref<2048xf32, #tpu.memory_space<hbm>>)
        %dma_wait3A_967 = arith.constant 0 : i32
        %dma_wait3A_968 = arith.constant 10 : i32
        %dma_wait3A_969 = arith.constant 10 : i32
        %dma_wait3A_970 = arith.constant 0 : i32
        %dma_wait3A_971 = tpu.memref_slice %arg9[%dma_wait3A_967, %dma_wait3A_968, %dma_wait3A_970] : memref<2x12x2048xf32, #tpu.memory_space<vmem>> -> memref<1x1x2048xf32, #tpu.memory_space<vmem>>
        %dma_wait3A_972 = tpu.memref_squeeze %dma_wait3A_971 : memref<1x1x2048xf32, #tpu.memory_space<vmem>> -> memref<2048xf32, #tpu.memory_space<vmem>>
        %dma_wait3A_973 = arith.constant 0 : i32
        %dma_wait3A_974 = tpu.memref_slice %arg5[%dma_wait3A_969, %add3A_396, %dma_wait3A_973] : memref<12x2048x2048xf32, #tpu.memory_space<hbm>> -> memref<1x1x2048xf32, #tpu.memory_space<hbm>>
        %dma_wait3A_975 = tpu.memref_squeeze %dma_wait3A_974 : memref<1x1x2048xf32, #tpu.memory_space<hbm>> -> memref<2048xf32, #tpu.memory_space<hbm>>
        %dma_wait3A_976 = arith.constant 0 : i32
        %dma_wait3A_977 = tpu.memref_slice %arg5[%dma_wait3A_969, %add3A_396, %dma_wait3A_976] : memref<12x2048x2048xf32, #tpu.memory_space<hbm>> -> memref<1x1x2048xf32, #tpu.memory_space<hbm>>
        %dma_wait3A_978 = tpu.memref_squeeze %dma_wait3A_977 : memref<1x1x2048xf32, #tpu.memory_space<hbm>> -> memref<2048xf32, #tpu.memory_space<hbm>>
        %dma_wait3A_979 = arith.constant 0 : i32
        %dma_wait3A_980 = tpu.memref_slice %arg9[%dma_wait3A_967, %dma_wait3A_968, %dma_wait3A_979] : memref<2x12x2048xf32, #tpu.memory_space<vmem>> -> memref<1x1x2048xf32, #tpu.memory_space<vmem>>
        %dma_wait3A_981 = tpu.memref_squeeze %dma_wait3A_980 : memref<1x1x2048xf32, #tpu.memory_space<vmem>> -> memref<2048xf32, #tpu.memory_space<vmem>>
        tpu.wait_dma2 semaphore(%arg12 : memref<!tpu.dma_semaphore, #tpu.memory_space<semaphore_mem>>) src(%dma_wait3A_981 : memref<2048xf32, #tpu.memory_space<vmem>>) dst(%dma_wait3A_978 : memref<2048xf32, #tpu.memory_space<hbm>>)
        %dma_wait3A_982 = arith.constant 0 : i32
        %dma_wait3A_983 = arith.constant 11 : i32
        %dma_wait3A_984 = arith.constant 11 : i32
        %dma_wait3A_985 = arith.constant 0 : i32
        %dma_wait3A_986 = tpu.memref_slice %arg9[%dma_wait3A_982, %dma_wait3A_983, %dma_wait3A_985] : memref<2x12x2048xf32, #tpu.memory_space<vmem>> -> memref<1x1x2048xf32, #tpu.memory_space<vmem>>
        %dma_wait3A_987 = tpu.memref_squeeze %dma_wait3A_986 : memref<1x1x2048xf32, #tpu.memory_space<vmem>> -> memref<2048xf32, #tpu.memory_space<vmem>>
        %dma_wait3A_988 = arith.constant 0 : i32
        %dma_wait3A_989 = tpu.memref_slice %arg5[%dma_wait3A_984, %add3A_396, %dma_wait3A_988] : memref<12x2048x2048xf32, #tpu.memory_space<hbm>> -> memref<1x1x2048xf32, #tpu.memory_space<hbm>>
        %dma_wait3A_990 = tpu.memref_squeeze %dma_wait3A_989 : memref<1x1x2048xf32, #tpu.memory_space<hbm>> -> memref<2048xf32, #tpu.memory_space<hbm>>
        %dma_wait3A_991 = arith.constant 0 : i32
        %dma_wait3A_992 = tpu.memref_slice %arg5[%dma_wait3A_984, %add3A_396, %dma_wait3A_991] : memref<12x2048x2048xf32, #tpu.memory_space<hbm>> -> memref<1x1x2048xf32, #tpu.memory_space<hbm>>
        %dma_wait3A_993 = tpu.memref_squeeze %dma_wait3A_992 : memref<1x1x2048xf32, #tpu.memory_space<hbm>> -> memref<2048xf32, #tpu.memory_space<hbm>>
        %dma_wait3A_994 = arith.constant 0 : i32
        %dma_wait3A_995 = tpu.memref_slice %arg9[%dma_wait3A_982, %dma_wait3A_983, %dma_wait3A_994] : memref<2x12x2048xf32, #tpu.memory_space<vmem>> -> memref<1x1x2048xf32, #tpu.memory_space<vmem>>
        %dma_wait3A_996 = tpu.memref_squeeze %dma_wait3A_995 : memref<1x1x2048xf32, #tpu.memory_space<vmem>> -> memref<2048xf32, #tpu.memory_space<vmem>>
        tpu.wait_dma2 semaphore(%arg12 : memref<!tpu.dma_semaphore, #tpu.memory_space<semaphore_mem>>) src(%dma_wait3A_996 : memref<2048xf32, #tpu.memory_space<vmem>>) dst(%dma_wait3A_993 : memref<2048xf32, #tpu.memory_space<hbm>>)
      } else {
      }
      %dma_wait3A_414 = arith.constant 0 : i32
      %dma_wait3A_415 = arith.constant 0 : i32
      %dma_wait3A_416 = tpu.memref_slice %arg8[%dma_wait3A_414, %dma_wait3A_415] : memref<2x2048xi32, #tpu.memory_space<vmem>> -> memref<1x2048xi32, #tpu.memory_space<vmem>>
      %dma_wait3A_417 = tpu.memref_squeeze %dma_wait3A_416 : memref<1x2048xi32, #tpu.memory_space<vmem>> -> memref<2048xi32, #tpu.memory_space<vmem>>
      %dma_wait3A_418 = arith.constant 0 : i32
      %dma_wait3A_419 = tpu.memref_slice %arg2[%add3A_396, %dma_wait3A_418] : memref<2048x2048xi32, #tpu.memory_space<hbm>> -> memref<1x2048xi32, #tpu.memory_space<hbm>>
      %dma_wait3A_420 = tpu.memref_squeeze %dma_wait3A_419 : memref<1x2048xi32, #tpu.memory_space<hbm>> -> memref<2048xi32, #tpu.memory_space<hbm>>
      %dma_wait3A_421 = arith.constant 0 : i32
      %dma_wait3A_422 = tpu.memref_slice %arg8[%dma_wait3A_414, %dma_wait3A_421] : memref<2x2048xi32, #tpu.memory_space<vmem>> -> memref<1x2048xi32, #tpu.memory_space<vmem>>
      %dma_wait3A_423 = tpu.memref_squeeze %dma_wait3A_422 : memref<1x2048xi32, #tpu.memory_space<vmem>> -> memref<2048xi32, #tpu.memory_space<vmem>>
      %dma_wait3A_424 = arith.constant 0 : i32
      %dma_wait3A_425 = tpu.memref_slice %arg2[%add3A_396, %dma_wait3A_424] : memref<2048x2048xi32, #tpu.memory_space<hbm>> -> memref<1x2048xi32, #tpu.memory_space<hbm>>
      %dma_wait3A_426 = tpu.memref_squeeze %dma_wait3A_425 : memref<1x2048xi32, #tpu.memory_space<hbm>> -> memref<2048xi32, #tpu.memory_space<hbm>>
      tpu.wait_dma2 semaphore(%arg10 : memref<!tpu.dma_semaphore, #tpu.memory_space<semaphore_mem>>) src(%dma_wait3A_426 : memref<2048xi32, #tpu.memory_space<hbm>>) dst(%dma_wait3A_423 : memref<2048xi32, #tpu.memory_space<vmem>>)
      %parallel_loop3A = arith.constant 0 : i32
      %parallel_loop3A_427 = arith.constant 128 : i32
      %parallel_loop3A_428 = arith.constant 1 : i32
      scf.for %parallel_loop3A_817 = %parallel_loop3A to %parallel_loop3A_427 step %parallel_loop3A_428  : i32 {
        %parallel_loop3A_818 = arith.constant 16 : i32
        %parallel_loop3A_819 = arith.muli %parallel_loop3A_817, %parallel_loop3A_818 : i32
        %parallel_loop3A_820 = tpu.assume_multiple %parallel_loop3A_819, 16 : i32
        %parallel_loop3A_821 = arith.constant 0 : i32
        %parallel_loop3A_822 = arith.index_cast %parallel_loop3A_821 : i32 to index
        %parallel_loop3A_823 = arith.index_cast %parallel_loop3A_820 : i32 to index
        %parallel_loop3A_824 = tpu.vector_load %arg8[%parallel_loop3A_822, %parallel_loop3A_823] {strides = array<i32>} : memref<2x2048xi32, #tpu.memory_space<vmem>>, vector<16xi32>,
        %parallel_loop3A_825 = tpu.vector_load_idx %arg6[%parallel_loop3A_824] : memref<50000xi32, #tpu.memory_space<vmem>>[vector<16xi32>], vector<16xi32>,
        %parallel_loop3A_826 = arith.constant 0 : i32
        %parallel_loop3A_827 = vector.broadcast %parallel_loop3A_826 : i32 to vector<16xi32>
        %parallel_loop3A_828 = arith.addi %parallel_loop3A_825, %parallel_loop3A_827 : vector<16xi32>
        %parallel_loop3A_829 = tpu.vector_load_idx %arg7[%parallel_loop3A_828] : memref<384xf32, #tpu.memory_space<vmem>>[vector<16xi32>], vector<16xf32>,
        %parallel_loop3A_830 = arith.constant 0 : i32
        %parallel_loop3A_831 = arith.constant 0 : i32
        %parallel_loop3A_832 = arith.index_cast %parallel_loop3A_830 : i32 to index
        %parallel_loop3A_833 = arith.index_cast %parallel_loop3A_831 : i32 to index
        %parallel_loop3A_834 = arith.index_cast %parallel_loop3A_820 : i32 to index
        %parallel_loop3A_835 = tpu.vector_load %arg9[%parallel_loop3A_832, %parallel_loop3A_833, %parallel_loop3A_834] {strides = array<i32>} : memref<2x12x2048xf32, #tpu.memory_space<vmem>>, vector<16xf32>,
        tpu.vector_store %arg9[%parallel_loop3A_832, %parallel_loop3A_833, %parallel_loop3A_834], %parallel_loop3A_829 {strides = array<i32>} : memref<2x12x2048xf32, #tpu.memory_space<vmem>>, vector<16xf32>,
        %parallel_loop3A_836 = arith.constant 32 : i32
        %parallel_loop3A_837 = vector.broadcast %parallel_loop3A_836 : i32 to vector<16xi32>
        %parallel_loop3A_838 = arith.addi %parallel_loop3A_825, %parallel_loop3A_837 : vector<16xi32>
        %parallel_loop3A_839 = tpu.vector_load_idx %arg7[%parallel_loop3A_838] : memref<384xf32, #tpu.memory_space<vmem>>[vector<16xi32>], vector<16xf32>,
        %parallel_loop3A_840 = arith.constant 0 : i32
        %parallel_loop3A_841 = arith.constant 1 : i32
        %parallel_loop3A_842 = arith.index_cast %parallel_loop3A_840 : i32 to index
        %parallel_loop3A_843 = arith.index_cast %parallel_loop3A_841 : i32 to index
        %parallel_loop3A_844 = arith.index_cast %parallel_loop3A_820 : i32 to index
        %parallel_loop3A_845 = tpu.vector_load %arg9[%parallel_loop3A_842, %parallel_loop3A_843, %parallel_loop3A_844] {strides = array<i32>} : memref<2x12x2048xf32, #tpu.memory_space<vmem>>, vector<16xf32>,
        tpu.vector_store %arg9[%parallel_loop3A_842, %parallel_loop3A_843, %parallel_loop3A_844], %parallel_loop3A_839 {strides = array<i32>} : memref<2x12x2048xf32, #tpu.memory_space<vmem>>, vector<16xf32>,
        %parallel_loop3A_846 = arith.constant 64 : i32
        %parallel_loop3A_847 = vector.broadcast %parallel_loop3A_846 : i32 to vector<16xi32>
        %parallel_loop3A_848 = arith.addi %parallel_loop3A_825, %parallel_loop3A_847 : vector<16xi32>
        %parallel_loop3A_849 = tpu.vector_load_idx %arg7[%parallel_loop3A_848] : memref<384xf32, #tpu.memory_space<vmem>>[vector<16xi32>], vector<16xf32>,
        %parallel_loop3A_850 = arith.constant 0 : i32
        %parallel_loop3A_851 = arith.constant 2 : i32
        %parallel_loop3A_852 = arith.index_cast %parallel_loop3A_850 : i32 to index
        %parallel_loop3A_853 = arith.index_cast %parallel_loop3A_851 : i32 to index
        %parallel_loop3A_854 = arith.index_cast %parallel_loop3A_820 : i32 to index
        %parallel_loop3A_855 = tpu.vector_load %arg9[%parallel_loop3A_852, %parallel_loop3A_853, %parallel_loop3A_854] {strides = array<i32>} : memref<2x12x2048xf32, #tpu.memory_space<vmem>>, vector<16xf32>,
        tpu.vector_store %arg9[%parallel_loop3A_852, %parallel_loop3A_853, %parallel_loop3A_854], %parallel_loop3A_849 {strides = array<i32>} : memref<2x12x2048xf32, #tpu.memory_space<vmem>>, vector<16xf32>,
        %parallel_loop3A_856 = arith.constant 96 : i32
        %parallel_loop3A_857 = vector.broadcast %parallel_loop3A_856 : i32 to vector<16xi32>
        %parallel_loop3A_858 = arith.addi %parallel_loop3A_825, %parallel_loop3A_857 : vector<16xi32>
        %parallel_loop3A_859 = tpu.vector_load_idx %arg7[%parallel_loop3A_858] : memref<384xf32, #tpu.memory_space<vmem>>[vector<16xi32>], vector<16xf32>,
        %parallel_loop3A_860 = arith.constant 0 : i32
        %parallel_loop3A_861 = arith.constant 3 : i32
        %parallel_loop3A_862 = arith.index_cast %parallel_loop3A_860 : i32 to index
        %parallel_loop3A_863 = arith.index_cast %parallel_loop3A_861 : i32 to index
        %parallel_loop3A_864 = arith.index_cast %parallel_loop3A_820 : i32 to index
        %parallel_loop3A_865 = tpu.vector_load %arg9[%parallel_loop3A_862, %parallel_loop3A_863, %parallel_loop3A_864] {strides = array<i32>} : memref<2x12x2048xf32, #tpu.memory_space<vmem>>, vector<16xf32>,
        tpu.vector_store %arg9[%parallel_loop3A_862, %parallel_loop3A_863, %parallel_loop3A_864], %parallel_loop3A_859 {strides = array<i32>} : memref<2x12x2048xf32, #tpu.memory_space<vmem>>, vector<16xf32>,
        %parallel_loop3A_866 = arith.constant 128 : i32
        %parallel_loop3A_867 = vector.broadcast %parallel_loop3A_866 : i32 to vector<16xi32>
        %parallel_loop3A_868 = arith.addi %parallel_loop3A_825, %parallel_loop3A_867 : vector<16xi32>
        %parallel_loop3A_869 = tpu.vector_load_idx %arg7[%parallel_loop3A_868] : memref<384xf32, #tpu.memory_space<vmem>>[vector<16xi32>], vector<16xf32>,
        %parallel_loop3A_870 = arith.constant 0 : i32
        %parallel_loop3A_871 = arith.constant 4 : i32
        %parallel_loop3A_872 = arith.index_cast %parallel_loop3A_870 : i32 to index
        %parallel_loop3A_873 = arith.index_cast %parallel_loop3A_871 : i32 to index
        %parallel_loop3A_874 = arith.index_cast %parallel_loop3A_820 : i32 to index
        %parallel_loop3A_875 = tpu.vector_load %arg9[%parallel_loop3A_872, %parallel_loop3A_873, %parallel_loop3A_874] {strides = array<i32>} : memref<2x12x2048xf32, #tpu.memory_space<vmem>>, vector<16xf32>,
        tpu.vector_store %arg9[%parallel_loop3A_872, %parallel_loop3A_873, %parallel_loop3A_874], %parallel_loop3A_869 {strides = array<i32>} : memref<2x12x2048xf32, #tpu.memory_space<vmem>>, vector<16xf32>,
        %parallel_loop3A_876 = arith.constant 160 : i32
        %parallel_loop3A_877 = vector.broadcast %parallel_loop3A_876 : i32 to vector<16xi32>
        %parallel_loop3A_878 = arith.addi %parallel_loop3A_825, %parallel_loop3A_877 : vector<16xi32>
        %parallel_loop3A_879 = tpu.vector_load_idx %arg7[%parallel_loop3A_878] : memref<384xf32, #tpu.memory_space<vmem>>[vector<16xi32>], vector<16xf32>,
        %parallel_loop3A_880 = arith.constant 0 : i32
        %parallel_loop3A_881 = arith.constant 5 : i32
        %parallel_loop3A_882 = arith.index_cast %parallel_loop3A_880 : i32 to index
        %parallel_loop3A_883 = arith.index_cast %parallel_loop3A_881 : i32 to index
        %parallel_loop3A_884 = arith.index_cast %parallel_loop3A_820 : i32 to index
        %parallel_loop3A_885 = tpu.vector_load %arg9[%parallel_loop3A_882, %parallel_loop3A_883, %parallel_loop3A_884] {strides = array<i32>} : memref<2x12x2048xf32, #tpu.memory_space<vmem>>, vector<16xf32>,
        tpu.vector_store %arg9[%parallel_loop3A_882, %parallel_loop3A_883, %parallel_loop3A_884], %parallel_loop3A_879 {strides = array<i32>} : memref<2x12x2048xf32, #tpu.memory_space<vmem>>, vector<16xf32>,
        %parallel_loop3A_886 = arith.constant 192 : i32
        %parallel_loop3A_887 = vector.broadcast %parallel_loop3A_886 : i32 to vector<16xi32>
        %parallel_loop3A_888 = arith.addi %parallel_loop3A_825, %parallel_loop3A_887 : vector<16xi32>
        %parallel_loop3A_889 = tpu.vector_load_idx %arg7[%parallel_loop3A_888] : memref<384xf32, #tpu.memory_space<vmem>>[vector<16xi32>], vector<16xf32>,
        %parallel_loop3A_890 = arith.constant 0 : i32
        %parallel_loop3A_891 = arith.constant 6 : i32
        %parallel_loop3A_892 = arith.index_cast %parallel_loop3A_890 : i32 to index
        %parallel_loop3A_893 = arith.index_cast %parallel_loop3A_891 : i32 to index
        %parallel_loop3A_894 = arith.index_cast %parallel_loop3A_820 : i32 to index
        %parallel_loop3A_895 = tpu.vector_load %arg9[%parallel_loop3A_892, %parallel_loop3A_893, %parallel_loop3A_894] {strides = array<i32>} : memref<2x12x2048xf32, #tpu.memory_space<vmem>>, vector<16xf32>,
        tpu.vector_store %arg9[%parallel_loop3A_892, %parallel_loop3A_893, %parallel_loop3A_894], %parallel_loop3A_889 {strides = array<i32>} : memref<2x12x2048xf32, #tpu.memory_space<vmem>>, vector<16xf32>,
        %parallel_loop3A_896 = arith.constant 224 : i32
        %parallel_loop3A_897 = vector.broadcast %parallel_loop3A_896 : i32 to vector<16xi32>
        %parallel_loop3A_898 = arith.addi %parallel_loop3A_825, %parallel_loop3A_897 : vector<16xi32>
        %parallel_loop3A_899 = tpu.vector_load_idx %arg7[%parallel_loop3A_898] : memref<384xf32, #tpu.memory_space<vmem>>[vector<16xi32>], vector<16xf32>,
        %parallel_loop3A_900 = arith.constant 0 : i32
        %parallel_loop3A_901 = arith.constant 7 : i32
        %parallel_loop3A_902 = arith.index_cast %parallel_loop3A_900 : i32 to index
        %parallel_loop3A_903 = arith.index_cast %parallel_loop3A_901 : i32 to index
        %parallel_loop3A_904 = arith.index_cast %parallel_loop3A_820 : i32 to index
        %parallel_loop3A_905 = tpu.vector_load %arg9[%parallel_loop3A_902, %parallel_loop3A_903, %parallel_loop3A_904] {strides = array<i32>} : memref<2x12x2048xf32, #tpu.memory_space<vmem>>, vector<16xf32>,
        tpu.vector_store %arg9[%parallel_loop3A_902, %parallel_loop3A_903, %parallel_loop3A_904], %parallel_loop3A_899 {strides = array<i32>} : memref<2x12x2048xf32, #tpu.memory_space<vmem>>, vector<16xf32>,
        %parallel_loop3A_906 = arith.constant 256 : i32
        %parallel_loop3A_907 = vector.broadcast %parallel_loop3A_906 : i32 to vector<16xi32>
        %parallel_loop3A_908 = arith.addi %parallel_loop3A_825, %parallel_loop3A_907 : vector<16xi32>
        %parallel_loop3A_909 = tpu.vector_load_idx %arg7[%parallel_loop3A_908] : memref<384xf32, #tpu.memory_space<vmem>>[vector<16xi32>], vector<16xf32>,
        %parallel_loop3A_910 = arith.constant 0 : i32
        %parallel_loop3A_911 = arith.constant 8 : i32
        %parallel_loop3A_912 = arith.index_cast %parallel_loop3A_910 : i32 to index
        %parallel_loop3A_913 = arith.index_cast %parallel_loop3A_911 : i32 to index
        %parallel_loop3A_914 = arith.index_cast %parallel_loop3A_820 : i32 to index
        %parallel_loop3A_915 = tpu.vector_load %arg9[%parallel_loop3A_912, %parallel_loop3A_913, %parallel_loop3A_914] {strides = array<i32>} : memref<2x12x2048xf32, #tpu.memory_space<vmem>>, vector<16xf32>,
        tpu.vector_store %arg9[%parallel_loop3A_912, %parallel_loop3A_913, %parallel_loop3A_914], %parallel_loop3A_909 {strides = array<i32>} : memref<2x12x2048xf32, #tpu.memory_space<vmem>>, vector<16xf32>,
        %parallel_loop3A_916 = arith.constant 288 : i32
        %parallel_loop3A_917 = vector.broadcast %parallel_loop3A_916 : i32 to vector<16xi32>
        %parallel_loop3A_918 = arith.addi %parallel_loop3A_825, %parallel_loop3A_917 : vector<16xi32>
        %parallel_loop3A_919 = tpu.vector_load_idx %arg7[%parallel_loop3A_918] : memref<384xf32, #tpu.memory_space<vmem>>[vector<16xi32>], vector<16xf32>,
        %parallel_loop3A_920 = arith.constant 0 : i32
        %parallel_loop3A_921 = arith.constant 9 : i32
        %parallel_loop3A_922 = arith.index_cast %parallel_loop3A_920 : i32 to index
        %parallel_loop3A_923 = arith.index_cast %parallel_loop3A_921 : i32 to index
        %parallel_loop3A_924 = arith.index_cast %parallel_loop3A_820 : i32 to index
        %parallel_loop3A_925 = tpu.vector_load %arg9[%parallel_loop3A_922, %parallel_loop3A_923, %parallel_loop3A_924] {strides = array<i32>} : memref<2x12x2048xf32, #tpu.memory_space<vmem>>, vector<16xf32>,
        tpu.vector_store %arg9[%parallel_loop3A_922, %parallel_loop3A_923, %parallel_loop3A_924], %parallel_loop3A_919 {strides = array<i32>} : memref<2x12x2048xf32, #tpu.memory_space<vmem>>, vector<16xf32>,
        %parallel_loop3A_926 = arith.constant 320 : i32
        %parallel_loop3A_927 = vector.broadcast %parallel_loop3A_926 : i32 to vector<16xi32>
        %parallel_loop3A_928 = arith.addi %parallel_loop3A_825, %parallel_loop3A_927 : vector<16xi32>
        %parallel_loop3A_929 = tpu.vector_load_idx %arg7[%parallel_loop3A_928] : memref<384xf32, #tpu.memory_space<vmem>>[vector<16xi32>], vector<16xf32>,
        %parallel_loop3A_930 = arith.constant 0 : i32
        %parallel_loop3A_931 = arith.constant 10 : i32
        %parallel_loop3A_932 = arith.index_cast %parallel_loop3A_930 : i32 to index
        %parallel_loop3A_933 = arith.index_cast %parallel_loop3A_931 : i32 to index
        %parallel_loop3A_934 = arith.index_cast %parallel_loop3A_820 : i32 to index
        %parallel_loop3A_935 = tpu.vector_load %arg9[%parallel_loop3A_932, %parallel_loop3A_933, %parallel_loop3A_934] {strides = array<i32>} : memref<2x12x2048xf32, #tpu.memory_space<vmem>>, vector<16xf32>,
        tpu.vector_store %arg9[%parallel_loop3A_932, %parallel_loop3A_933, %parallel_loop3A_934], %parallel_loop3A_929 {strides = array<i32>} : memref<2x12x2048xf32, #tpu.memory_space<vmem>>, vector<16xf32>,
        %parallel_loop3A_936 = arith.constant 352 : i32
        %parallel_loop3A_937 = vector.broadcast %parallel_loop3A_936 : i32 to vector<16xi32>
        %parallel_loop3A_938 = arith.addi %parallel_loop3A_825, %parallel_loop3A_937 : vector<16xi32>
        %parallel_loop3A_939 = tpu.vector_load_idx %arg7[%parallel_loop3A_938] : memref<384xf32, #tpu.memory_space<vmem>>[vector<16xi32>], vector<16xf32>,
        %parallel_loop3A_940 = arith.constant 0 : i32
        %parallel_loop3A_941 = arith.constant 11 : i32
        %parallel_loop3A_942 = arith.index_cast %parallel_loop3A_940 : i32 to index
        %parallel_loop3A_943 = arith.index_cast %parallel_loop3A_941 : i32 to index
        %parallel_loop3A_944 = arith.index_cast %parallel_loop3A_820 : i32 to index
        %parallel_loop3A_945 = tpu.vector_load %arg9[%parallel_loop3A_942, %parallel_loop3A_943, %parallel_loop3A_944] {strides = array<i32>} : memref<2x12x2048xf32, #tpu.memory_space<vmem>>, vector<16xf32>,
        tpu.vector_store %arg9[%parallel_loop3A_942, %parallel_loop3A_943, %parallel_loop3A_944], %parallel_loop3A_939 {strides = array<i32>} : memref<2x12x2048xf32, #tpu.memory_space<vmem>>, vector<16xf32>,
      } {sc.loop_unroll_factor = 4 : i64, sc.parallel_access}
      %dma_start3A_429 = arith.constant 0 : i32
      %dma_start3A_430 = arith.constant 0 : i32
      %dma_start3A_431 = arith.constant 0 : i32
      %dma_start3A_432 = arith.constant 0 : i32
      %dma_start3A_433 = tpu.memref_slice %arg9[%dma_start3A_429, %dma_start3A_430, %dma_start3A_432] : memref<2x12x2048xf32, #tpu.memory_space<vmem>> -> memref<1x1x2048xf32, #tpu.memory_space<vmem>>
      %dma_start3A_434 = tpu.memref_squeeze %dma_start3A_433 : memref<1x1x2048xf32, #tpu.memory_space<vmem>> -> memref<2048xf32, #tpu.memory_space<vmem>>
      %dma_start3A_435 = arith.constant 0 : i32
      %dma_start3A_436 = tpu.memref_slice %arg5[%dma_start3A_431, %add3A_396, %dma_start3A_435] : memref<12x2048x2048xf32, #tpu.memory_space<hbm>> -> memref<1x1x2048xf32, #tpu.memory_space<hbm>>
      %dma_start3A_437 = tpu.memref_squeeze %dma_start3A_436 : memref<1x1x2048xf32, #tpu.memory_space<hbm>> -> memref<2048xf32, #tpu.memory_space<hbm>>
      %dma_start3A_438 = arith.constant 0 : i32
      %dma_start3A_439 = tpu.memref_slice %arg5[%dma_start3A_431, %add3A_396, %dma_start3A_438] : memref<12x2048x2048xf32, #tpu.memory_space<hbm>> -> memref<1x1x2048xf32, #tpu.memory_space<hbm>>
      %dma_start3A_440 = tpu.memref_squeeze %dma_start3A_439 : memref<1x1x2048xf32, #tpu.memory_space<hbm>> -> memref<2048xf32, #tpu.memory_space<hbm>>
      %dma_start3A_441 = arith.constant 0 : i32
      %dma_start3A_442 = tpu.memref_slice %arg9[%dma_start3A_429, %dma_start3A_430, %dma_start3A_441] : memref<2x12x2048xf32, #tpu.memory_space<vmem>> -> memref<1x1x2048xf32, #tpu.memory_space<vmem>>
      %dma_start3A_443 = tpu.memref_squeeze %dma_start3A_442 : memref<1x1x2048xf32, #tpu.memory_space<vmem>> -> memref<2048xf32, #tpu.memory_space<vmem>>
      tpu.enqueue_dma source(%dma_start3A_443 : memref<2048xf32, #tpu.memory_space<vmem>>) target(%dma_start3A_440 : memref<2048xf32, #tpu.memory_space<hbm>>) target_semaphore(%arg12 : memref<!tpu.dma_semaphore, #tpu.memory_space<semaphore_mem>>)
      %dma_start3A_444 = arith.constant 0 : i32
      %dma_start3A_445 = arith.constant 1 : i32
      %dma_start3A_446 = arith.constant 1 : i32
      %dma_start3A_447 = arith.constant 0 : i32
      %dma_start3A_448 = tpu.memref_slice %arg9[%dma_start3A_444, %dma_start3A_445, %dma_start3A_447] : memref<2x12x2048xf32, #tpu.memory_space<vmem>> -> memref<1x1x2048xf32, #tpu.memory_space<vmem>>
      %dma_start3A_449 = tpu.memref_squeeze %dma_start3A_448 : memref<1x1x2048xf32, #tpu.memory_space<vmem>> -> memref<2048xf32, #tpu.memory_space<vmem>>
      %dma_start3A_450 = arith.constant 0 : i32
      %dma_start3A_451 = tpu.memref_slice %arg5[%dma_start3A_446, %add3A_396, %dma_start3A_450] : memref<12x2048x2048xf32, #tpu.memory_space<hbm>> -> memref<1x1x2048xf32, #tpu.memory_space<hbm>>
      %dma_start3A_452 = tpu.memref_squeeze %dma_start3A_451 : memref<1x1x2048xf32, #tpu.memory_space<hbm>> -> memref<2048xf32, #tpu.memory_space<hbm>>
      %dma_start3A_453 = arith.constant 0 : i32
      %dma_start3A_454 = tpu.memref_slice %arg5[%dma_start3A_446, %add3A_396, %dma_start3A_453] : memref<12x2048x2048xf32, #tpu.memory_space<hbm>> -> memref<1x1x2048xf32, #tpu.memory_space<hbm>>
      %dma_start3A_455 = tpu.memref_squeeze %dma_start3A_454 : memref<1x1x2048xf32, #tpu.memory_space<hbm>> -> memref<2048xf32, #tpu.memory_space<hbm>>
      %dma_start3A_456 = arith.constant 0 : i32
      %dma_start3A_457 = tpu.memref_slice %arg9[%dma_start3A_444, %dma_start3A_445, %dma_start3A_456] : memref<2x12x2048xf32, #tpu.memory_space<vmem>> -> memref<1x1x2048xf32, #tpu.memory_space<vmem>>
      %dma_start3A_458 = tpu.memref_squeeze %dma_start3A_457 : memref<1x1x2048xf32, #tpu.memory_space<vmem>> -> memref<2048xf32, #tpu.memory_space<vmem>>
      tpu.enqueue_dma source(%dma_start3A_458 : memref<2048xf32, #tpu.memory_space<vmem>>) target(%dma_start3A_455 : memref<2048xf32, #tpu.memory_space<hbm>>) target_semaphore(%arg12 : memref<!tpu.dma_semaphore, #tpu.memory_space<semaphore_mem>>)
      %dma_start3A_459 = arith.constant 0 : i32
      %dma_start3A_460 = arith.constant 2 : i32
      %dma_start3A_461 = arith.constant 2 : i32
      %dma_start3A_462 = arith.constant 0 : i32
      %dma_start3A_463 = tpu.memref_slice %arg9[%dma_start3A_459, %dma_start3A_460, %dma_start3A_462] : memref<2x12x2048xf32, #tpu.memory_space<vmem>> -> memref<1x1x2048xf32, #tpu.memory_space<vmem>>
      %dma_start3A_464 = tpu.memref_squeeze %dma_start3A_463 : memref<1x1x2048xf32, #tpu.memory_space<vmem>> -> memref<2048xf32, #tpu.memory_space<vmem>>
      %dma_start3A_465 = arith.constant 0 : i32
      %dma_start3A_466 = tpu.memref_slice %arg5[%dma_start3A_461, %add3A_396, %dma_start3A_465] : memref<12x2048x2048xf32, #tpu.memory_space<hbm>> -> memref<1x1x2048xf32, #tpu.memory_space<hbm>>
      %dma_start3A_467 = tpu.memref_squeeze %dma_start3A_466 : memref<1x1x2048xf32, #tpu.memory_space<hbm>> -> memref<2048xf32, #tpu.memory_space<hbm>>
      %dma_start3A_468 = arith.constant 0 : i32
      %dma_start3A_469 = tpu.memref_slice %arg5[%dma_start3A_461, %add3A_396, %dma_start3A_468] : memref<12x2048x2048xf32, #tpu.memory_space<hbm>> -> memref<1x1x2048xf32, #tpu.memory_space<hbm>>
      %dma_start3A_470 = tpu.memref_squeeze %dma_start3A_469 : memref<1x1x2048xf32, #tpu.memory_space<hbm>> -> memref<2048xf32, #tpu.memory_space<hbm>>
      %dma_start3A_471 = arith.constant 0 : i32
      %dma_start3A_472 = tpu.memref_slice %arg9[%dma_start3A_459, %dma_start3A_460, %dma_start3A_471] : memref<2x12x2048xf32, #tpu.memory_space<vmem>> -> memref<1x1x2048xf32, #tpu.memory_space<vmem>>
      %dma_start3A_473 = tpu.memref_squeeze %dma_start3A_472 : memref<1x1x2048xf32, #tpu.memory_space<vmem>> -> memref<2048xf32, #tpu.memory_space<vmem>>
      tpu.enqueue_dma source(%dma_start3A_473 : memref<2048xf32, #tpu.memory_space<vmem>>) target(%dma_start3A_470 : memref<2048xf32, #tpu.memory_space<hbm>>) target_semaphore(%arg12 : memref<!tpu.dma_semaphore, #tpu.memory_space<semaphore_mem>>)
      %dma_start3A_474 = arith.constant 0 : i32
      %dma_start3A_475 = arith.constant 3 : i32
      %dma_start3A_476 = arith.constant 3 : i32
      %dma_start3A_477 = arith.constant 0 : i32
      %dma_start3A_478 = tpu.memref_slice %arg9[%dma_start3A_474, %dma_start3A_475, %dma_start3A_477] : memref<2x12x2048xf32, #tpu.memory_space<vmem>> -> memref<1x1x2048xf32, #tpu.memory_space<vmem>>
      %dma_start3A_479 = tpu.memref_squeeze %dma_start3A_478 : memref<1x1x2048xf32, #tpu.memory_space<vmem>> -> memref<2048xf32, #tpu.memory_space<vmem>>
      %dma_start3A_480 = arith.constant 0 : i32
      %dma_start3A_481 = tpu.memref_slice %arg5[%dma_start3A_476, %add3A_396, %dma_start3A_480] : memref<12x2048x2048xf32, #tpu.memory_space<hbm>> -> memref<1x1x2048xf32, #tpu.memory_space<hbm>>
      %dma_start3A_482 = tpu.memref_squeeze %dma_start3A_481 : memref<1x1x2048xf32, #tpu.memory_space<hbm>> -> memref<2048xf32, #tpu.memory_space<hbm>>
      %dma_start3A_483 = arith.constant 0 : i32
      %dma_start3A_484 = tpu.memref_slice %arg5[%dma_start3A_476, %add3A_396, %dma_start3A_483] : memref<12x2048x2048xf32, #tpu.memory_space<hbm>> -> memref<1x1x2048xf32, #tpu.memory_space<hbm>>
      %dma_start3A_485 = tpu.memref_squeeze %dma_start3A_484 : memref<1x1x2048xf32, #tpu.memory_space<hbm>> -> memref<2048xf32, #tpu.memory_space<hbm>>
      %dma_start3A_486 = arith.constant 0 : i32
      %dma_start3A_487 = tpu.memref_slice %arg9[%dma_start3A_474, %dma_start3A_475, %dma_start3A_486] : memref<2x12x2048xf32, #tpu.memory_space<vmem>> -> memref<1x1x2048xf32, #tpu.memory_space<vmem>>
      %dma_start3A_488 = tpu.memref_squeeze %dma_start3A_487 : memref<1x1x2048xf32, #tpu.memory_space<vmem>> -> memref<2048xf32, #tpu.memory_space<vmem>>
      tpu.enqueue_dma source(%dma_start3A_488 : memref<2048xf32, #tpu.memory_space<vmem>>) target(%dma_start3A_485 : memref<2048xf32, #tpu.memory_space<hbm>>) target_semaphore(%arg12 : memref<!tpu.dma_semaphore, #tpu.memory_space<semaphore_mem>>)
      %dma_start3A_489 = arith.constant 0 : i32
      %dma_start3A_490 = arith.constant 4 : i32
      %dma_start3A_491 = arith.constant 4 : i32
      %dma_start3A_492 = arith.constant 0 : i32
      %dma_start3A_493 = tpu.memref_slice %arg9[%dma_start3A_489, %dma_start3A_490, %dma_start3A_492] : memref<2x12x2048xf32, #tpu.memory_space<vmem>> -> memref<1x1x2048xf32, #tpu.memory_space<vmem>>
      %dma_start3A_494 = tpu.memref_squeeze %dma_start3A_493 : memref<1x1x2048xf32, #tpu.memory_space<vmem>> -> memref<2048xf32, #tpu.memory_space<vmem>>
      %dma_start3A_495 = arith.constant 0 : i32
      %dma_start3A_496 = tpu.memref_slice %arg5[%dma_start3A_491, %add3A_396, %dma_start3A_495] : memref<12x2048x2048xf32, #tpu.memory_space<hbm>> -> memref<1x1x2048xf32, #tpu.memory_space<hbm>>
      %dma_start3A_497 = tpu.memref_squeeze %dma_start3A_496 : memref<1x1x2048xf32, #tpu.memory_space<hbm>> -> memref<2048xf32, #tpu.memory_space<hbm>>
      %dma_start3A_498 = arith.constant 0 : i32
      %dma_start3A_499 = tpu.memref_slice %arg5[%dma_start3A_491, %add3A_396, %dma_start3A_498] : memref<12x2048x2048xf32, #tpu.memory_space<hbm>> -> memref<1x1x2048xf32, #tpu.memory_space<hbm>>
      %dma_start3A_500 = tpu.memref_squeeze %dma_start3A_499 : memref<1x1x2048xf32, #tpu.memory_space<hbm>> -> memref<2048xf32, #tpu.memory_space<hbm>>
      %dma_start3A_501 = arith.constant 0 : i32
      %dma_start3A_502 = tpu.memref_slice %arg9[%dma_start3A_489, %dma_start3A_490, %dma_start3A_501] : memref<2x12x2048xf32, #tpu.memory_space<vmem>> -> memref<1x1x2048xf32, #tpu.memory_space<vmem>>
      %dma_start3A_503 = tpu.memref_squeeze %dma_start3A_502 : memref<1x1x2048xf32, #tpu.memory_space<vmem>> -> memref<2048xf32, #tpu.memory_space<vmem>>
      tpu.enqueue_dma source(%dma_start3A_503 : memref<2048xf32, #tpu.memory_space<vmem>>) target(%dma_start3A_500 : memref<2048xf32, #tpu.memory_space<hbm>>) target_semaphore(%arg12 : memref<!tpu.dma_semaphore, #tpu.memory_space<semaphore_mem>>)
      %dma_start3A_504 = arith.constant 0 : i32
      %dma_start3A_505 = arith.constant 5 : i32
      %dma_start3A_506 = arith.constant 5 : i32
      %dma_start3A_507 = arith.constant 0 : i32
      %dma_start3A_508 = tpu.memref_slice %arg9[%dma_start3A_504, %dma_start3A_505, %dma_start3A_507] : memref<2x12x2048xf32, #tpu.memory_space<vmem>> -> memref<1x1x2048xf32, #tpu.memory_space<vmem>>
      %dma_start3A_509 = tpu.memref_squeeze %dma_start3A_508 : memref<1x1x2048xf32, #tpu.memory_space<vmem>> -> memref<2048xf32, #tpu.memory_space<vmem>>
      %dma_start3A_510 = arith.constant 0 : i32
      %dma_start3A_511 = tpu.memref_slice %arg5[%dma_start3A_506, %add3A_396, %dma_start3A_510] : memref<12x2048x2048xf32, #tpu.memory_space<hbm>> -> memref<1x1x2048xf32, #tpu.memory_space<hbm>>
      %dma_start3A_512 = tpu.memref_squeeze %dma_start3A_511 : memref<1x1x2048xf32, #tpu.memory_space<hbm>> -> memref<2048xf32, #tpu.memory_space<hbm>>
      %dma_start3A_513 = arith.constant 0 : i32
      %dma_start3A_514 = tpu.memref_slice %arg5[%dma_start3A_506, %add3A_396, %dma_start3A_513] : memref<12x2048x2048xf32, #tpu.memory_space<hbm>> -> memref<1x1x2048xf32, #tpu.memory_space<hbm>>
      %dma_start3A_515 = tpu.memref_squeeze %dma_start3A_514 : memref<1x1x2048xf32, #tpu.memory_space<hbm>> -> memref<2048xf32, #tpu.memory_space<hbm>>
      %dma_start3A_516 = arith.constant 0 : i32
      %dma_start3A_517 = tpu.memref_slice %arg9[%dma_start3A_504, %dma_start3A_505, %dma_start3A_516] : memref<2x12x2048xf32, #tpu.memory_space<vmem>> -> memref<1x1x2048xf32, #tpu.memory_space<vmem>>
      %dma_start3A_518 = tpu.memref_squeeze %dma_start3A_517 : memref<1x1x2048xf32, #tpu.memory_space<vmem>> -> memref<2048xf32, #tpu.memory_space<vmem>>
      tpu.enqueue_dma source(%dma_start3A_518 : memref<2048xf32, #tpu.memory_space<vmem>>) target(%dma_start3A_515 : memref<2048xf32, #tpu.memory_space<hbm>>) target_semaphore(%arg12 : memref<!tpu.dma_semaphore, #tpu.memory_space<semaphore_mem>>)
      %dma_start3A_519 = arith.constant 0 : i32
      %dma_start3A_520 = arith.constant 6 : i32
      %dma_start3A_521 = arith.constant 6 : i32
      %dma_start3A_522 = arith.constant 0 : i32
      %dma_start3A_523 = tpu.memref_slice %arg9[%dma_start3A_519, %dma_start3A_520, %dma_start3A_522] : memref<2x12x2048xf32, #tpu.memory_space<vmem>> -> memref<1x1x2048xf32, #tpu.memory_space<vmem>>
      %dma_start3A_524 = tpu.memref_squeeze %dma_start3A_523 : memref<1x1x2048xf32, #tpu.memory_space<vmem>> -> memref<2048xf32, #tpu.memory_space<vmem>>
      %dma_start3A_525 = arith.constant 0 : i32
      %dma_start3A_526 = tpu.memref_slice %arg5[%dma_start3A_521, %add3A_396, %dma_start3A_525] : memref<12x2048x2048xf32, #tpu.memory_space<hbm>> -> memref<1x1x2048xf32, #tpu.memory_space<hbm>>
      %dma_start3A_527 = tpu.memref_squeeze %dma_start3A_526 : memref<1x1x2048xf32, #tpu.memory_space<hbm>> -> memref<2048xf32, #tpu.memory_space<hbm>>
      %dma_start3A_528 = arith.constant 0 : i32
      %dma_start3A_529 = tpu.memref_slice %arg5[%dma_start3A_521, %add3A_396, %dma_start3A_528] : memref<12x2048x2048xf32, #tpu.memory_space<hbm>> -> memref<1x1x2048xf32, #tpu.memory_space<hbm>>
      %dma_start3A_530 = tpu.memref_squeeze %dma_start3A_529 : memref<1x1x2048xf32, #tpu.memory_space<hbm>> -> memref<2048xf32, #tpu.memory_space<hbm>>
      %dma_start3A_531 = arith.constant 0 : i32
      %dma_start3A_532 = tpu.memref_slice %arg9[%dma_start3A_519, %dma_start3A_520, %dma_start3A_531] : memref<2x12x2048xf32, #tpu.memory_space<vmem>> -> memref<1x1x2048xf32, #tpu.memory_space<vmem>>
      %dma_start3A_533 = tpu.memref_squeeze %dma_start3A_532 : memref<1x1x2048xf32, #tpu.memory_space<vmem>> -> memref<2048xf32, #tpu.memory_space<vmem>>
      tpu.enqueue_dma source(%dma_start3A_533 : memref<2048xf32, #tpu.memory_space<vmem>>) target(%dma_start3A_530 : memref<2048xf32, #tpu.memory_space<hbm>>) target_semaphore(%arg12 : memref<!tpu.dma_semaphore, #tpu.memory_space<semaphore_mem>>)
      %dma_start3A_534 = arith.constant 0 : i32
      %dma_start3A_535 = arith.constant 7 : i32
      %dma_start3A_536 = arith.constant 7 : i32
      %dma_start3A_537 = arith.constant 0 : i32
      %dma_start3A_538 = tpu.memref_slice %arg9[%dma_start3A_534, %dma_start3A_535, %dma_start3A_537] : memref<2x12x2048xf32, #tpu.memory_space<vmem>> -> memref<1x1x2048xf32, #tpu.memory_space<vmem>>
      %dma_start3A_539 = tpu.memref_squeeze %dma_start3A_538 : memref<1x1x2048xf32, #tpu.memory_space<vmem>> -> memref<2048xf32, #tpu.memory_space<vmem>>
      %dma_start3A_540 = arith.constant 0 : i32
      %dma_start3A_541 = tpu.memref_slice %arg5[%dma_start3A_536, %add3A_396, %dma_start3A_540] : memref<12x2048x2048xf32, #tpu.memory_space<hbm>> -> memref<1x1x2048xf32, #tpu.memory_space<hbm>>
      %dma_start3A_542 = tpu.memref_squeeze %dma_start3A_541 : memref<1x1x2048xf32, #tpu.memory_space<hbm>> -> memref<2048xf32, #tpu.memory_space<hbm>>
      %dma_start3A_543 = arith.constant 0 : i32
      %dma_start3A_544 = tpu.memref_slice %arg5[%dma_start3A_536, %add3A_396, %dma_start3A_543] : memref<12x2048x2048xf32, #tpu.memory_space<hbm>> -> memref<1x1x2048xf32, #tpu.memory_space<hbm>>
      %dma_start3A_545 = tpu.memref_squeeze %dma_start3A_544 : memref<1x1x2048xf32, #tpu.memory_space<hbm>> -> memref<2048xf32, #tpu.memory_space<hbm>>
      %dma_start3A_546 = arith.constant 0 : i32
      %dma_start3A_547 = tpu.memref_slice %arg9[%dma_start3A_534, %dma_start3A_535, %dma_start3A_546] : memref<2x12x2048xf32, #tpu.memory_space<vmem>> -> memref<1x1x2048xf32, #tpu.memory_space<vmem>>
      %dma_start3A_548 = tpu.memref_squeeze %dma_start3A_547 : memref<1x1x2048xf32, #tpu.memory_space<vmem>> -> memref<2048xf32, #tpu.memory_space<vmem>>
      tpu.enqueue_dma source(%dma_start3A_548 : memref<2048xf32, #tpu.memory_space<vmem>>) target(%dma_start3A_545 : memref<2048xf32, #tpu.memory_space<hbm>>) target_semaphore(%arg12 : memref<!tpu.dma_semaphore, #tpu.memory_space<semaphore_mem>>)
      %dma_start3A_549 = arith.constant 0 : i32
      %dma_start3A_550 = arith.constant 8 : i32
      %dma_start3A_551 = arith.constant 8 : i32
      %dma_start3A_552 = arith.constant 0 : i32
      %dma_start3A_553 = tpu.memref_slice %arg9[%dma_start3A_549, %dma_start3A_550, %dma_start3A_552] : memref<2x12x2048xf32, #tpu.memory_space<vmem>> -> memref<1x1x2048xf32, #tpu.memory_space<vmem>>
      %dma_start3A_554 = tpu.memref_squeeze %dma_start3A_553 : memref<1x1x2048xf32, #tpu.memory_space<vmem>> -> memref<2048xf32, #tpu.memory_space<vmem>>
      %dma_start3A_555 = arith.constant 0 : i32
      %dma_start3A_556 = tpu.memref_slice %arg5[%dma_start3A_551, %add3A_396, %dma_start3A_555] : memref<12x2048x2048xf32, #tpu.memory_space<hbm>> -> memref<1x1x2048xf32, #tpu.memory_space<hbm>>
      %dma_start3A_557 = tpu.memref_squeeze %dma_start3A_556 : memref<1x1x2048xf32, #tpu.memory_space<hbm>> -> memref<2048xf32, #tpu.memory_space<hbm>>
      %dma_start3A_558 = arith.constant 0 : i32
      %dma_start3A_559 = tpu.memref_slice %arg5[%dma_start3A_551, %add3A_396, %dma_start3A_558] : memref<12x2048x2048xf32, #tpu.memory_space<hbm>> -> memref<1x1x2048xf32, #tpu.memory_space<hbm>>
      %dma_start3A_560 = tpu.memref_squeeze %dma_start3A_559 : memref<1x1x2048xf32, #tpu.memory_space<hbm>> -> memref<2048xf32, #tpu.memory_space<hbm>>
      %dma_start3A_561 = arith.constant 0 : i32
      %dma_start3A_562 = tpu.memref_slice %arg9[%dma_start3A_549, %dma_start3A_550, %dma_start3A_561] : memref<2x12x2048xf32, #tpu.memory_space<vmem>> -> memref<1x1x2048xf32, #tpu.memory_space<vmem>>
      %dma_start3A_563 = tpu.memref_squeeze %dma_start3A_562 : memref<1x1x2048xf32, #tpu.memory_space<vmem>> -> memref<2048xf32, #tpu.memory_space<vmem>>
      tpu.enqueue_dma source(%dma_start3A_563 : memref<2048xf32, #tpu.memory_space<vmem>>) target(%dma_start3A_560 : memref<2048xf32, #tpu.memory_space<hbm>>) target_semaphore(%arg12 : memref<!tpu.dma_semaphore, #tpu.memory_space<semaphore_mem>>)
      %dma_start3A_564 = arith.constant 0 : i32
      %dma_start3A_565 = arith.constant 9 : i32
      %dma_start3A_566 = arith.constant 9 : i32
      %dma_start3A_567 = arith.constant 0 : i32
      %dma_start3A_568 = tpu.memref_slice %arg9[%dma_start3A_564, %dma_start3A_565, %dma_start3A_567] : memref<2x12x2048xf32, #tpu.memory_space<vmem>> -> memref<1x1x2048xf32, #tpu.memory_space<vmem>>
      %dma_start3A_569 = tpu.memref_squeeze %dma_start3A_568 : memref<1x1x2048xf32, #tpu.memory_space<vmem>> -> memref<2048xf32, #tpu.memory_space<vmem>>
      %dma_start3A_570 = arith.constant 0 : i32
      %dma_start3A_571 = tpu.memref_slice %arg5[%dma_start3A_566, %add3A_396, %dma_start3A_570] : memref<12x2048x2048xf32, #tpu.memory_space<hbm>> -> memref<1x1x2048xf32, #tpu.memory_space<hbm>>
      %dma_start3A_572 = tpu.memref_squeeze %dma_start3A_571 : memref<1x1x2048xf32, #tpu.memory_space<hbm>> -> memref<2048xf32, #tpu.memory_space<hbm>>
      %dma_start3A_573 = arith.constant 0 : i32
      %dma_start3A_574 = tpu.memref_slice %arg5[%dma_start3A_566, %add3A_396, %dma_start3A_573] : memref<12x2048x2048xf32, #tpu.memory_space<hbm>> -> memref<1x1x2048xf32, #tpu.memory_space<hbm>>
      %dma_start3A_575 = tpu.memref_squeeze %dma_start3A_574 : memref<1x1x2048xf32, #tpu.memory_space<hbm>> -> memref<2048xf32, #tpu.memory_space<hbm>>
      %dma_start3A_576 = arith.constant 0 : i32
      %dma_start3A_577 = tpu.memref_slice %arg9[%dma_start3A_564, %dma_start3A_565, %dma_start3A_576] : memref<2x12x2048xf32, #tpu.memory_space<vmem>> -> memref<1x1x2048xf32, #tpu.memory_space<vmem>>
      %dma_start3A_578 = tpu.memref_squeeze %dma_start3A_577 : memref<1x1x2048xf32, #tpu.memory_space<vmem>> -> memref<2048xf32, #tpu.memory_space<vmem>>
      tpu.enqueue_dma source(%dma_start3A_578 : memref<2048xf32, #tpu.memory_space<vmem>>) target(%dma_start3A_575 : memref<2048xf32, #tpu.memory_space<hbm>>) target_semaphore(%arg12 : memref<!tpu.dma_semaphore, #tpu.memory_space<semaphore_mem>>)
      %dma_start3A_579 = arith.constant 0 : i32
      %dma_start3A_580 = arith.constant 10 : i32
      %dma_start3A_581 = arith.constant 10 : i32
      %dma_start3A_582 = arith.constant 0 : i32
      %dma_start3A_583 = tpu.memref_slice %arg9[%dma_start3A_579, %dma_start3A_580, %dma_start3A_582] : memref<2x12x2048xf32, #tpu.memory_space<vmem>> -> memref<1x1x2048xf32, #tpu.memory_space<vmem>>
      %dma_start3A_584 = tpu.memref_squeeze %dma_start3A_583 : memref<1x1x2048xf32, #tpu.memory_space<vmem>> -> memref<2048xf32, #tpu.memory_space<vmem>>
      %dma_start3A_585 = arith.constant 0 : i32
      %dma_start3A_586 = tpu.memref_slice %arg5[%dma_start3A_581, %add3A_396, %dma_start3A_585] : memref<12x2048x2048xf32, #tpu.memory_space<hbm>> -> memref<1x1x2048xf32, #tpu.memory_space<hbm>>
      %dma_start3A_587 = tpu.memref_squeeze %dma_start3A_586 : memref<1x1x2048xf32, #tpu.memory_space<hbm>> -> memref<2048xf32, #tpu.memory_space<hbm>>
      %dma_start3A_588 = arith.constant 0 : i32
      %dma_start3A_589 = tpu.memref_slice %arg5[%dma_start3A_581, %add3A_396, %dma_start3A_588] : memref<12x2048x2048xf32, #tpu.memory_space<hbm>> -> memref<1x1x2048xf32, #tpu.memory_space<hbm>>
      %dma_start3A_590 = tpu.memref_squeeze %dma_start3A_589 : memref<1x1x2048xf32, #tpu.memory_space<hbm>> -> memref<2048xf32, #tpu.memory_space<hbm>>
      %dma_start3A_591 = arith.constant 0 : i32
      %dma_start3A_592 = tpu.memref_slice %arg9[%dma_start3A_579, %dma_start3A_580, %dma_start3A_591] : memref<2x12x2048xf32, #tpu.memory_space<vmem>> -> memref<1x1x2048xf32, #tpu.memory_space<vmem>>
      %dma_start3A_593 = tpu.memref_squeeze %dma_start3A_592 : memref<1x1x2048xf32, #tpu.memory_space<vmem>> -> memref<2048xf32, #tpu.memory_space<vmem>>
      tpu.enqueue_dma source(%dma_start3A_593 : memref<2048xf32, #tpu.memory_space<vmem>>) target(%dma_start3A_590 : memref<2048xf32, #tpu.memory_space<hbm>>) target_semaphore(%arg12 : memref<!tpu.dma_semaphore, #tpu.memory_space<semaphore_mem>>)
      %dma_start3A_594 = arith.constant 0 : i32
      %dma_start3A_595 = arith.constant 11 : i32
      %dma_start3A_596 = arith.constant 11 : i32
      %dma_start3A_597 = arith.constant 0 : i32
      %dma_start3A_598 = tpu.memref_slice %arg9[%dma_start3A_594, %dma_start3A_595, %dma_start3A_597] : memref<2x12x2048xf32, #tpu.memory_space<vmem>> -> memref<1x1x2048xf32, #tpu.memory_space<vmem>>
      %dma_start3A_599 = tpu.memref_squeeze %dma_start3A_598 : memref<1x1x2048xf32, #tpu.memory_space<vmem>> -> memref<2048xf32, #tpu.memory_space<vmem>>
      %dma_start3A_600 = arith.constant 0 : i32
      %dma_start3A_601 = tpu.memref_slice %arg5[%dma_start3A_596, %add3A_396, %dma_start3A_600] : memref<12x2048x2048xf32, #tpu.memory_space<hbm>> -> memref<1x1x2048xf32, #tpu.memory_space<hbm>>
      %dma_start3A_602 = tpu.memref_squeeze %dma_start3A_601 : memref<1x1x2048xf32, #tpu.memory_space<hbm>> -> memref<2048xf32, #tpu.memory_space<hbm>>
      %dma_start3A_603 = arith.constant 0 : i32
      %dma_start3A_604 = tpu.memref_slice %arg5[%dma_start3A_596, %add3A_396, %dma_start3A_603] : memref<12x2048x2048xf32, #tpu.memory_space<hbm>> -> memref<1x1x2048xf32, #tpu.memory_space<hbm>>
      %dma_start3A_605 = tpu.memref_squeeze %dma_start3A_604 : memref<1x1x2048xf32, #tpu.memory_space<hbm>> -> memref<2048xf32, #tpu.memory_space<hbm>>
      %dma_start3A_606 = arith.constant 0 : i32
      %dma_start3A_607 = tpu.memref_slice %arg9[%dma_start3A_594, %dma_start3A_595, %dma_start3A_606] : memref<2x12x2048xf32, #tpu.memory_space<vmem>> -> memref<1x1x2048xf32, #tpu.memory_space<vmem>>
      %dma_start3A_608 = tpu.memref_squeeze %dma_start3A_607 : memref<1x1x2048xf32, #tpu.memory_space<vmem>> -> memref<2048xf32, #tpu.memory_space<vmem>>
      tpu.enqueue_dma source(%dma_start3A_608 : memref<2048xf32, #tpu.memory_space<vmem>>) target(%dma_start3A_605 : memref<2048xf32, #tpu.memory_space<hbm>>) target_semaphore(%arg12 : memref<!tpu.dma_semaphore, #tpu.memory_space<semaphore_mem>>)
      %add3A_609 = arith.addi %mul3A_2, %add3A_393 : i32
      %add3A_610 = arith.constant 1 : i32
      %add3A_611 = arith.addi %add3A_609, %add3A_610 : i32
      %lt3A = arith.constant 62 : i32
      %lt3A_612 = arith.cmpi slt, %add3A_393, %lt3A : i32
      %convert_element_type3A_613 = arith.extui %lt3A_612 : i1 to i32
      %cond3A_614 = arith.constant 0 : i32
      %cond3A_615 = arith.cmpi ne, %convert_element_type3A_613, %cond3A_614 : i32
      scf.if %cond3A_615 {
        %add3A_817 = arith.constant 1 : i32
        %add3A_818 = arith.addi %add3A_611, %add3A_817 : i32
        %dma_start3A_819 = arith.constant 0 : i32
        %dma_start3A_820 = arith.constant 0 : i32
        %dma_start3A_821 = tpu.memref_slice %arg8[%dma_start3A_819, %dma_start3A_820] : memref<2x2048xi32, #tpu.memory_space<vmem>> -> memref<1x2048xi32, #tpu.memory_space<vmem>>
        %dma_start3A_822 = tpu.memref_squeeze %dma_start3A_821 : memref<1x2048xi32, #tpu.memory_space<vmem>> -> memref<2048xi32, #tpu.memory_space<vmem>>
        %dma_start3A_823 = arith.constant 0 : i32
        %dma_start3A_824 = tpu.memref_slice %arg2[%add3A_818, %dma_start3A_823] : memref<2048x2048xi32, #tpu.memory_space<hbm>> -> memref<1x2048xi32, #tpu.memory_space<hbm>>
        %dma_start3A_825 = tpu.memref_squeeze %dma_start3A_824 : memref<1x2048xi32, #tpu.memory_space<hbm>> -> memref<2048xi32, #tpu.memory_space<hbm>>
        %dma_start3A_826 = arith.constant 0 : i32
        %dma_start3A_827 = tpu.memref_slice %arg8[%dma_start3A_819, %dma_start3A_826] : memref<2x2048xi32, #tpu.memory_space<vmem>> -> memref<1x2048xi32, #tpu.memory_space<vmem>>
        %dma_start3A_828 = tpu.memref_squeeze %dma_start3A_827 : memref<1x2048xi32, #tpu.memory_space<vmem>> -> memref<2048xi32, #tpu.memory_space<vmem>>
        %dma_start3A_829 = arith.constant 0 : i32
        %dma_start3A_830 = tpu.memref_slice %arg2[%add3A_818, %dma_start3A_829] : memref<2048x2048xi32, #tpu.memory_space<hbm>> -> memref<1x2048xi32, #tpu.memory_space<hbm>>
        %dma_start3A_831 = tpu.memref_squeeze %dma_start3A_830 : memref<1x2048xi32, #tpu.memory_space<hbm>> -> memref<2048xi32, #tpu.memory_space<hbm>>
        tpu.enqueue_dma source(%dma_start3A_831 : memref<2048xi32, #tpu.memory_space<hbm>>) target(%dma_start3A_828 : memref<2048xi32, #tpu.memory_space<vmem>>) target_semaphore(%arg10 : memref<!tpu.dma_semaphore, #tpu.memory_space<semaphore_mem>>)
      } else {
      }
      %ge3A_616 = arith.constant 2 : i32
      %ge3A_617 = arith.cmpi sge, %add3A_393, %ge3A_616 : i32
      %convert_element_type3A_618 = arith.extui %ge3A_617 : i1 to i32
      %cond3A_619 = arith.constant 0 : i32
      %cond3A_620 = arith.cmpi ne, %convert_element_type3A_618, %cond3A_619 : i32
      scf.if %cond3A_620 {
        %dma_wait3A_817 = arith.constant 1 : i32
        %dma_wait3A_818 = arith.constant 0 : i32
        %dma_wait3A_819 = arith.constant 0 : i32
        %dma_wait3A_820 = arith.constant 0 : i32
        %dma_wait3A_821 = tpu.memref_slice %arg9[%dma_wait3A_817, %dma_wait3A_818, %dma_wait3A_820] : memref<2x12x2048xf32, #tpu.memory_space<vmem>> -> memref<1x1x2048xf32, #tpu.memory_space<vmem>>
        %dma_wait3A_822 = tpu.memref_squeeze %dma_wait3A_821 : memref<1x1x2048xf32, #tpu.memory_space<vmem>> -> memref<2048xf32, #tpu.memory_space<vmem>>
        %dma_wait3A_823 = arith.constant 0 : i32
        %dma_wait3A_824 = tpu.memref_slice %arg5[%dma_wait3A_819, %add3A_611, %dma_wait3A_823] : memref<12x2048x2048xf32, #tpu.memory_space<hbm>> -> memref<1x1x2048xf32, #tpu.memory_space<hbm>>
        %dma_wait3A_825 = tpu.memref_squeeze %dma_wait3A_824 : memref<1x1x2048xf32, #tpu.memory_space<hbm>> -> memref<2048xf32, #tpu.memory_space<hbm>>
        %dma_wait3A_826 = arith.constant 0 : i32
        %dma_wait3A_827 = tpu.memref_slice %arg5[%dma_wait3A_819, %add3A_611, %dma_wait3A_826] : memref<12x2048x2048xf32, #tpu.memory_space<hbm>> -> memref<1x1x2048xf32, #tpu.memory_space<hbm>>
        %dma_wait3A_828 = tpu.memref_squeeze %dma_wait3A_827 : memref<1x1x2048xf32, #tpu.memory_space<hbm>> -> memref<2048xf32, #tpu.memory_space<hbm>>
        %dma_wait3A_829 = arith.constant 0 : i32
        %dma_wait3A_830 = tpu.memref_slice %arg9[%dma_wait3A_817, %dma_wait3A_818, %dma_wait3A_829] : memref<2x12x2048xf32, #tpu.memory_space<vmem>> -> memref<1x1x2048xf32, #tpu.memory_space<vmem>>
        %dma_wait3A_831 = tpu.memref_squeeze %dma_wait3A_830 : memref<1x1x2048xf32, #tpu.memory_space<vmem>> -> memref<2048xf32, #tpu.memory_space<vmem>>
        tpu.wait_dma2 semaphore(%arg13 : memref<!tpu.dma_semaphore, #tpu.memory_space<semaphore_mem>>) src(%dma_wait3A_831 : memref<2048xf32, #tpu.memory_space<vmem>>) dst(%dma_wait3A_828 : memref<2048xf32, #tpu.memory_space<hbm>>)
        %dma_wait3A_832 = arith.constant 1 : i32
        %dma_wait3A_833 = arith.constant 1 : i32
        %dma_wait3A_834 = arith.constant 1 : i32
        %dma_wait3A_835 = arith.constant 0 : i32
        %dma_wait3A_836 = tpu.memref_slice %arg9[%dma_wait3A_832, %dma_wait3A_833, %dma_wait3A_835] : memref<2x12x2048xf32, #tpu.memory_space<vmem>> -> memref<1x1x2048xf32, #tpu.memory_space<vmem>>
        %dma_wait3A_837 = tpu.memref_squeeze %dma_wait3A_836 : memref<1x1x2048xf32, #tpu.memory_space<vmem>> -> memref<2048xf32, #tpu.memory_space<vmem>>
        %dma_wait3A_838 = arith.constant 0 : i32
        %dma_wait3A_839 = tpu.memref_slice %arg5[%dma_wait3A_834, %add3A_611, %dma_wait3A_838] : memref<12x2048x2048xf32, #tpu.memory_space<hbm>> -> memref<1x1x2048xf32, #tpu.memory_space<hbm>>
        %dma_wait3A_840 = tpu.memref_squeeze %dma_wait3A_839 : memref<1x1x2048xf32, #tpu.memory_space<hbm>> -> memref<2048xf32, #tpu.memory_space<hbm>>
        %dma_wait3A_841 = arith.constant 0 : i32
        %dma_wait3A_842 = tpu.memref_slice %arg5[%dma_wait3A_834, %add3A_611, %dma_wait3A_841] : memref<12x2048x2048xf32, #tpu.memory_space<hbm>> -> memref<1x1x2048xf32, #tpu.memory_space<hbm>>
        %dma_wait3A_843 = tpu.memref_squeeze %dma_wait3A_842 : memref<1x1x2048xf32, #tpu.memory_space<hbm>> -> memref<2048xf32, #tpu.memory_space<hbm>>
        %dma_wait3A_844 = arith.constant 0 : i32
        %dma_wait3A_845 = tpu.memref_slice %arg9[%dma_wait3A_832, %dma_wait3A_833, %dma_wait3A_844] : memref<2x12x2048xf32, #tpu.memory_space<vmem>> -> memref<1x1x2048xf32, #tpu.memory_space<vmem>>
        %dma_wait3A_846 = tpu.memref_squeeze %dma_wait3A_845 : memref<1x1x2048xf32, #tpu.memory_space<vmem>> -> memref<2048xf32, #tpu.memory_space<vmem>>
        tpu.wait_dma2 semaphore(%arg13 : memref<!tpu.dma_semaphore, #tpu.memory_space<semaphore_mem>>) src(%dma_wait3A_846 : memref<2048xf32, #tpu.memory_space<vmem>>) dst(%dma_wait3A_843 : memref<2048xf32, #tpu.memory_space<hbm>>)
        %dma_wait3A_847 = arith.constant 1 : i32
        %dma_wait3A_848 = arith.constant 2 : i32
        %dma_wait3A_849 = arith.constant 2 : i32
        %dma_wait3A_850 = arith.constant 0 : i32
        %dma_wait3A_851 = tpu.memref_slice %arg9[%dma_wait3A_847, %dma_wait3A_848, %dma_wait3A_850] : memref<2x12x2048xf32, #tpu.memory_space<vmem>> -> memref<1x1x2048xf32, #tpu.memory_space<vmem>>
        %dma_wait3A_852 = tpu.memref_squeeze %dma_wait3A_851 : memref<1x1x2048xf32, #tpu.memory_space<vmem>> -> memref<2048xf32, #tpu.memory_space<vmem>>
        %dma_wait3A_853 = arith.constant 0 : i32
        %dma_wait3A_854 = tpu.memref_slice %arg5[%dma_wait3A_849, %add3A_611, %dma_wait3A_853] : memref<12x2048x2048xf32, #tpu.memory_space<hbm>> -> memref<1x1x2048xf32, #tpu.memory_space<hbm>>
        %dma_wait3A_855 = tpu.memref_squeeze %dma_wait3A_854 : memref<1x1x2048xf32, #tpu.memory_space<hbm>> -> memref<2048xf32, #tpu.memory_space<hbm>>
        %dma_wait3A_856 = arith.constant 0 : i32
        %dma_wait3A_857 = tpu.memref_slice %arg5[%dma_wait3A_849, %add3A_611, %dma_wait3A_856] : memref<12x2048x2048xf32, #tpu.memory_space<hbm>> -> memref<1x1x2048xf32, #tpu.memory_space<hbm>>
        %dma_wait3A_858 = tpu.memref_squeeze %dma_wait3A_857 : memref<1x1x2048xf32, #tpu.memory_space<hbm>> -> memref<2048xf32, #tpu.memory_space<hbm>>
        %dma_wait3A_859 = arith.constant 0 : i32
        %dma_wait3A_860 = tpu.memref_slice %arg9[%dma_wait3A_847, %dma_wait3A_848, %dma_wait3A_859] : memref<2x12x2048xf32, #tpu.memory_space<vmem>> -> memref<1x1x2048xf32, #tpu.memory_space<vmem>>
        %dma_wait3A_861 = tpu.memref_squeeze %dma_wait3A_860 : memref<1x1x2048xf32, #tpu.memory_space<vmem>> -> memref<2048xf32, #tpu.memory_space<vmem>>
        tpu.wait_dma2 semaphore(%arg13 : memref<!tpu.dma_semaphore, #tpu.memory_space<semaphore_mem>>) src(%dma_wait3A_861 : memref<2048xf32, #tpu.memory_space<vmem>>) dst(%dma_wait3A_858 : memref<2048xf32, #tpu.memory_space<hbm>>)
        %dma_wait3A_862 = arith.constant 1 : i32
        %dma_wait3A_863 = arith.constant 3 : i32
        %dma_wait3A_864 = arith.constant 3 : i32
        %dma_wait3A_865 = arith.constant 0 : i32
        %dma_wait3A_866 = tpu.memref_slice %arg9[%dma_wait3A_862, %dma_wait3A_863, %dma_wait3A_865] : memref<2x12x2048xf32, #tpu.memory_space<vmem>> -> memref<1x1x2048xf32, #tpu.memory_space<vmem>>
        %dma_wait3A_867 = tpu.memref_squeeze %dma_wait3A_866 : memref<1x1x2048xf32, #tpu.memory_space<vmem>> -> memref<2048xf32, #tpu.memory_space<vmem>>
        %dma_wait3A_868 = arith.constant 0 : i32
        %dma_wait3A_869 = tpu.memref_slice %arg5[%dma_wait3A_864, %add3A_611, %dma_wait3A_868] : memref<12x2048x2048xf32, #tpu.memory_space<hbm>> -> memref<1x1x2048xf32, #tpu.memory_space<hbm>>
        %dma_wait3A_870 = tpu.memref_squeeze %dma_wait3A_869 : memref<1x1x2048xf32, #tpu.memory_space<hbm>> -> memref<2048xf32, #tpu.memory_space<hbm>>
        %dma_wait3A_871 = arith.constant 0 : i32
        %dma_wait3A_872 = tpu.memref_slice %arg5[%dma_wait3A_864, %add3A_611, %dma_wait3A_871] : memref<12x2048x2048xf32, #tpu.memory_space<hbm>> -> memref<1x1x2048xf32, #tpu.memory_space<hbm>>
        %dma_wait3A_873 = tpu.memref_squeeze %dma_wait3A_872 : memref<1x1x2048xf32, #tpu.memory_space<hbm>> -> memref<2048xf32, #tpu.memory_space<hbm>>
        %dma_wait3A_874 = arith.constant 0 : i32
        %dma_wait3A_875 = tpu.memref_slice %arg9[%dma_wait3A_862, %dma_wait3A_863, %dma_wait3A_874] : memref<2x12x2048xf32, #tpu.memory_space<vmem>> -> memref<1x1x2048xf32, #tpu.memory_space<vmem>>
        %dma_wait3A_876 = tpu.memref_squeeze %dma_wait3A_875 : memref<1x1x2048xf32, #tpu.memory_space<vmem>> -> memref<2048xf32, #tpu.memory_space<vmem>>
        tpu.wait_dma2 semaphore(%arg13 : memref<!tpu.dma_semaphore, #tpu.memory_space<semaphore_mem>>) src(%dma_wait3A_876 : memref<2048xf32, #tpu.memory_space<vmem>>) dst(%dma_wait3A_873 : memref<2048xf32, #tpu.memory_space<hbm>>)
        %dma_wait3A_877 = arith.constant 1 : i32
        %dma_wait3A_878 = arith.constant 4 : i32
        %dma_wait3A_879 = arith.constant 4 : i32
        %dma_wait3A_880 = arith.constant 0 : i32
        %dma_wait3A_881 = tpu.memref_slice %arg9[%dma_wait3A_877, %dma_wait3A_878, %dma_wait3A_880] : memref<2x12x2048xf32, #tpu.memory_space<vmem>> -> memref<1x1x2048xf32, #tpu.memory_space<vmem>>
        %dma_wait3A_882 = tpu.memref_squeeze %dma_wait3A_881 : memref<1x1x2048xf32, #tpu.memory_space<vmem>> -> memref<2048xf32, #tpu.memory_space<vmem>>
        %dma_wait3A_883 = arith.constant 0 : i32
        %dma_wait3A_884 = tpu.memref_slice %arg5[%dma_wait3A_879, %add3A_611, %dma_wait3A_883] : memref<12x2048x2048xf32, #tpu.memory_space<hbm>> -> memref<1x1x2048xf32, #tpu.memory_space<hbm>>
        %dma_wait3A_885 = tpu.memref_squeeze %dma_wait3A_884 : memref<1x1x2048xf32, #tpu.memory_space<hbm>> -> memref<2048xf32, #tpu.memory_space<hbm>>
        %dma_wait3A_886 = arith.constant 0 : i32
        %dma_wait3A_887 = tpu.memref_slice %arg5[%dma_wait3A_879, %add3A_611, %dma_wait3A_886] : memref<12x2048x2048xf32, #tpu.memory_space<hbm>> -> memref<1x1x2048xf32, #tpu.memory_space<hbm>>
        %dma_wait3A_888 = tpu.memref_squeeze %dma_wait3A_887 : memref<1x1x2048xf32, #tpu.memory_space<hbm>> -> memref<2048xf32, #tpu.memory_space<hbm>>
        %dma_wait3A_889 = arith.constant 0 : i32
        %dma_wait3A_890 = tpu.memref_slice %arg9[%dma_wait3A_877, %dma_wait3A_878, %dma_wait3A_889] : memref<2x12x2048xf32, #tpu.memory_space<vmem>> -> memref<1x1x2048xf32, #tpu.memory_space<vmem>>
        %dma_wait3A_891 = tpu.memref_squeeze %dma_wait3A_890 : memref<1x1x2048xf32, #tpu.memory_space<vmem>> -> memref<2048xf32, #tpu.memory_space<vmem>>
        tpu.wait_dma2 semaphore(%arg13 : memref<!tpu.dma_semaphore, #tpu.memory_space<semaphore_mem>>) src(%dma_wait3A_891 : memref<2048xf32, #tpu.memory_space<vmem>>) dst(%dma_wait3A_888 : memref<2048xf32, #tpu.memory_space<hbm>>)
        %dma_wait3A_892 = arith.constant 1 : i32
        %dma_wait3A_893 = arith.constant 5 : i32
        %dma_wait3A_894 = arith.constant 5 : i32
        %dma_wait3A_895 = arith.constant 0 : i32
        %dma_wait3A_896 = tpu.memref_slice %arg9[%dma_wait3A_892, %dma_wait3A_893, %dma_wait3A_895] : memref<2x12x2048xf32, #tpu.memory_space<vmem>> -> memref<1x1x2048xf32, #tpu.memory_space<vmem>>
        %dma_wait3A_897 = tpu.memref_squeeze %dma_wait3A_896 : memref<1x1x2048xf32, #tpu.memory_space<vmem>> -> memref<2048xf32, #tpu.memory_space<vmem>>
        %dma_wait3A_898 = arith.constant 0 : i32
        %dma_wait3A_899 = tpu.memref_slice %arg5[%dma_wait3A_894, %add3A_611, %dma_wait3A_898] : memref<12x2048x2048xf32, #tpu.memory_space<hbm>> -> memref<1x1x2048xf32, #tpu.memory_space<hbm>>
        %dma_wait3A_900 = tpu.memref_squeeze %dma_wait3A_899 : memref<1x1x2048xf32, #tpu.memory_space<hbm>> -> memref<2048xf32, #tpu.memory_space<hbm>>
        %dma_wait3A_901 = arith.constant 0 : i32
        %dma_wait3A_902 = tpu.memref_slice %arg5[%dma_wait3A_894, %add3A_611, %dma_wait3A_901] : memref<12x2048x2048xf32, #tpu.memory_space<hbm>> -> memref<1x1x2048xf32, #tpu.memory_space<hbm>>
        %dma_wait3A_903 = tpu.memref_squeeze %dma_wait3A_902 : memref<1x1x2048xf32, #tpu.memory_space<hbm>> -> memref<2048xf32, #tpu.memory_space<hbm>>
        %dma_wait3A_904 = arith.constant 0 : i32
        %dma_wait3A_905 = tpu.memref_slice %arg9[%dma_wait3A_892, %dma_wait3A_893, %dma_wait3A_904] : memref<2x12x2048xf32, #tpu.memory_space<vmem>> -> memref<1x1x2048xf32, #tpu.memory_space<vmem>>
        %dma_wait3A_906 = tpu.memref_squeeze %dma_wait3A_905 : memref<1x1x2048xf32, #tpu.memory_space<vmem>> -> memref<2048xf32, #tpu.memory_space<vmem>>
        tpu.wait_dma2 semaphore(%arg13 : memref<!tpu.dma_semaphore, #tpu.memory_space<semaphore_mem>>) src(%dma_wait3A_906 : memref<2048xf32, #tpu.memory_space<vmem>>) dst(%dma_wait3A_903 : memref<2048xf32, #tpu.memory_space<hbm>>)
        %dma_wait3A_907 = arith.constant 1 : i32
        %dma_wait3A_908 = arith.constant 6 : i32
        %dma_wait3A_909 = arith.constant 6 : i32
        %dma_wait3A_910 = arith.constant 0 : i32
        %dma_wait3A_911 = tpu.memref_slice %arg9[%dma_wait3A_907, %dma_wait3A_908, %dma_wait3A_910] : memref<2x12x2048xf32, #tpu.memory_space<vmem>> -> memref<1x1x2048xf32, #tpu.memory_space<vmem>>
        %dma_wait3A_912 = tpu.memref_squeeze %dma_wait3A_911 : memref<1x1x2048xf32, #tpu.memory_space<vmem>> -> memref<2048xf32, #tpu.memory_space<vmem>>
        %dma_wait3A_913 = arith.constant 0 : i32
        %dma_wait3A_914 = tpu.memref_slice %arg5[%dma_wait3A_909, %add3A_611, %dma_wait3A_913] : memref<12x2048x2048xf32, #tpu.memory_space<hbm>> -> memref<1x1x2048xf32, #tpu.memory_space<hbm>>
        %dma_wait3A_915 = tpu.memref_squeeze %dma_wait3A_914 : memref<1x1x2048xf32, #tpu.memory_space<hbm>> -> memref<2048xf32, #tpu.memory_space<hbm>>
        %dma_wait3A_916 = arith.constant 0 : i32
        %dma_wait3A_917 = tpu.memref_slice %arg5[%dma_wait3A_909, %add3A_611, %dma_wait3A_916] : memref<12x2048x2048xf32, #tpu.memory_space<hbm>> -> memref<1x1x2048xf32, #tpu.memory_space<hbm>>
        %dma_wait3A_918 = tpu.memref_squeeze %dma_wait3A_917 : memref<1x1x2048xf32, #tpu.memory_space<hbm>> -> memref<2048xf32, #tpu.memory_space<hbm>>
        %dma_wait3A_919 = arith.constant 0 : i32
        %dma_wait3A_920 = tpu.memref_slice %arg9[%dma_wait3A_907, %dma_wait3A_908, %dma_wait3A_919] : memref<2x12x2048xf32, #tpu.memory_space<vmem>> -> memref<1x1x2048xf32, #tpu.memory_space<vmem>>
        %dma_wait3A_921 = tpu.memref_squeeze %dma_wait3A_920 : memref<1x1x2048xf32, #tpu.memory_space<vmem>> -> memref<2048xf32, #tpu.memory_space<vmem>>
        tpu.wait_dma2 semaphore(%arg13 : memref<!tpu.dma_semaphore, #tpu.memory_space<semaphore_mem>>) src(%dma_wait3A_921 : memref<2048xf32, #tpu.memory_space<vmem>>) dst(%dma_wait3A_918 : memref<2048xf32, #tpu.memory_space<hbm>>)
        %dma_wait3A_922 = arith.constant 1 : i32
        %dma_wait3A_923 = arith.constant 7 : i32
        %dma_wait3A_924 = arith.constant 7 : i32
        %dma_wait3A_925 = arith.constant 0 : i32
        %dma_wait3A_926 = tpu.memref_slice %arg9[%dma_wait3A_922, %dma_wait3A_923, %dma_wait3A_925] : memref<2x12x2048xf32, #tpu.memory_space<vmem>> -> memref<1x1x2048xf32, #tpu.memory_space<vmem>>
        %dma_wait3A_927 = tpu.memref_squeeze %dma_wait3A_926 : memref<1x1x2048xf32, #tpu.memory_space<vmem>> -> memref<2048xf32, #tpu.memory_space<vmem>>
        %dma_wait3A_928 = arith.constant 0 : i32
        %dma_wait3A_929 = tpu.memref_slice %arg5[%dma_wait3A_924, %add3A_611, %dma_wait3A_928] : memref<12x2048x2048xf32, #tpu.memory_space<hbm>> -> memref<1x1x2048xf32, #tpu.memory_space<hbm>>
        %dma_wait3A_930 = tpu.memref_squeeze %dma_wait3A_929 : memref<1x1x2048xf32, #tpu.memory_space<hbm>> -> memref<2048xf32, #tpu.memory_space<hbm>>
        %dma_wait3A_931 = arith.constant 0 : i32
        %dma_wait3A_932 = tpu.memref_slice %arg5[%dma_wait3A_924, %add3A_611, %dma_wait3A_931] : memref<12x2048x2048xf32, #tpu.memory_space<hbm>> -> memref<1x1x2048xf32, #tpu.memory_space<hbm>>
        %dma_wait3A_933 = tpu.memref_squeeze %dma_wait3A_932 : memref<1x1x2048xf32, #tpu.memory_space<hbm>> -> memref<2048xf32, #tpu.memory_space<hbm>>
        %dma_wait3A_934 = arith.constant 0 : i32
        %dma_wait3A_935 = tpu.memref_slice %arg9[%dma_wait3A_922, %dma_wait3A_923, %dma_wait3A_934] : memref<2x12x2048xf32, #tpu.memory_space<vmem>> -> memref<1x1x2048xf32, #tpu.memory_space<vmem>>
        %dma_wait3A_936 = tpu.memref_squeeze %dma_wait3A_935 : memref<1x1x2048xf32, #tpu.memory_space<vmem>> -> memref<2048xf32, #tpu.memory_space<vmem>>
        tpu.wait_dma2 semaphore(%arg13 : memref<!tpu.dma_semaphore, #tpu.memory_space<semaphore_mem>>) src(%dma_wait3A_936 : memref<2048xf32, #tpu.memory_space<vmem>>) dst(%dma_wait3A_933 : memref<2048xf32, #tpu.memory_space<hbm>>)
        %dma_wait3A_937 = arith.constant 1 : i32
        %dma_wait3A_938 = arith.constant 8 : i32
        %dma_wait3A_939 = arith.constant 8 : i32
        %dma_wait3A_940 = arith.constant 0 : i32
        %dma_wait3A_941 = tpu.memref_slice %arg9[%dma_wait3A_937, %dma_wait3A_938, %dma_wait3A_940] : memref<2x12x2048xf32, #tpu.memory_space<vmem>> -> memref<1x1x2048xf32, #tpu.memory_space<vmem>>
        %dma_wait3A_942 = tpu.memref_squeeze %dma_wait3A_941 : memref<1x1x2048xf32, #tpu.memory_space<vmem>> -> memref<2048xf32, #tpu.memory_space<vmem>>
        %dma_wait3A_943 = arith.constant 0 : i32
        %dma_wait3A_944 = tpu.memref_slice %arg5[%dma_wait3A_939, %add3A_611, %dma_wait3A_943] : memref<12x2048x2048xf32, #tpu.memory_space<hbm>> -> memref<1x1x2048xf32, #tpu.memory_space<hbm>>
        %dma_wait3A_945 = tpu.memref_squeeze %dma_wait3A_944 : memref<1x1x2048xf32, #tpu.memory_space<hbm>> -> memref<2048xf32, #tpu.memory_space<hbm>>
        %dma_wait3A_946 = arith.constant 0 : i32
        %dma_wait3A_947 = tpu.memref_slice %arg5[%dma_wait3A_939, %add3A_611, %dma_wait3A_946] : memref<12x2048x2048xf32, #tpu.memory_space<hbm>> -> memref<1x1x2048xf32, #tpu.memory_space<hbm>>
        %dma_wait3A_948 = tpu.memref_squeeze %dma_wait3A_947 : memref<1x1x2048xf32, #tpu.memory_space<hbm>> -> memref<2048xf32, #tpu.memory_space<hbm>>
        %dma_wait3A_949 = arith.constant 0 : i32
        %dma_wait3A_950 = tpu.memref_slice %arg9[%dma_wait3A_937, %dma_wait3A_938, %dma_wait3A_949] : memref<2x12x2048xf32, #tpu.memory_space<vmem>> -> memref<1x1x2048xf32, #tpu.memory_space<vmem>>
        %dma_wait3A_951 = tpu.memref_squeeze %dma_wait3A_950 : memref<1x1x2048xf32, #tpu.memory_space<vmem>> -> memref<2048xf32, #tpu.memory_space<vmem>>
        tpu.wait_dma2 semaphore(%arg13 : memref<!tpu.dma_semaphore, #tpu.memory_space<semaphore_mem>>) src(%dma_wait3A_951 : memref<2048xf32, #tpu.memory_space<vmem>>) dst(%dma_wait3A_948 : memref<2048xf32, #tpu.memory_space<hbm>>)
        %dma_wait3A_952 = arith.constant 1 : i32
        %dma_wait3A_953 = arith.constant 9 : i32
        %dma_wait3A_954 = arith.constant 9 : i32
        %dma_wait3A_955 = arith.constant 0 : i32
        %dma_wait3A_956 = tpu.memref_slice %arg9[%dma_wait3A_952, %dma_wait3A_953, %dma_wait3A_955] : memref<2x12x2048xf32, #tpu.memory_space<vmem>> -> memref<1x1x2048xf32, #tpu.memory_space<vmem>>
        %dma_wait3A_957 = tpu.memref_squeeze %dma_wait3A_956 : memref<1x1x2048xf32, #tpu.memory_space<vmem>> -> memref<2048xf32, #tpu.memory_space<vmem>>
        %dma_wait3A_958 = arith.constant 0 : i32
        %dma_wait3A_959 = tpu.memref_slice %arg5[%dma_wait3A_954, %add3A_611, %dma_wait3A_958] : memref<12x2048x2048xf32, #tpu.memory_space<hbm>> -> memref<1x1x2048xf32, #tpu.memory_space<hbm>>
        %dma_wait3A_960 = tpu.memref_squeeze %dma_wait3A_959 : memref<1x1x2048xf32, #tpu.memory_space<hbm>> -> memref<2048xf32, #tpu.memory_space<hbm>>
        %dma_wait3A_961 = arith.constant 0 : i32
        %dma_wait3A_962 = tpu.memref_slice %arg5[%dma_wait3A_954, %add3A_611, %dma_wait3A_961] : memref<12x2048x2048xf32, #tpu.memory_space<hbm>> -> memref<1x1x2048xf32, #tpu.memory_space<hbm>>
        %dma_wait3A_963 = tpu.memref_squeeze %dma_wait3A_962 : memref<1x1x2048xf32, #tpu.memory_space<hbm>> -> memref<2048xf32, #tpu.memory_space<hbm>>
        %dma_wait3A_964 = arith.constant 0 : i32
        %dma_wait3A_965 = tpu.memref_slice %arg9[%dma_wait3A_952, %dma_wait3A_953, %dma_wait3A_964] : memref<2x12x2048xf32, #tpu.memory_space<vmem>> -> memref<1x1x2048xf32, #tpu.memory_space<vmem>>
        %dma_wait3A_966 = tpu.memref_squeeze %dma_wait3A_965 : memref<1x1x2048xf32, #tpu.memory_space<vmem>> -> memref<2048xf32, #tpu.memory_space<vmem>>
        tpu.wait_dma2 semaphore(%arg13 : memref<!tpu.dma_semaphore, #tpu.memory_space<semaphore_mem>>) src(%dma_wait3A_966 : memref<2048xf32, #tpu.memory_space<vmem>>) dst(%dma_wait3A_963 : memref<2048xf32, #tpu.memory_space<hbm>>)
        %dma_wait3A_967 = arith.constant 1 : i32
        %dma_wait3A_968 = arith.constant 10 : i32
        %dma_wait3A_969 = arith.constant 10 : i32
        %dma_wait3A_970 = arith.constant 0 : i32
        %dma_wait3A_971 = tpu.memref_slice %arg9[%dma_wait3A_967, %dma_wait3A_968, %dma_wait3A_970] : memref<2x12x2048xf32, #tpu.memory_space<vmem>> -> memref<1x1x2048xf32, #tpu.memory_space<vmem>>
        %dma_wait3A_972 = tpu.memref_squeeze %dma_wait3A_971 : memref<1x1x2048xf32, #tpu.memory_space<vmem>> -> memref<2048xf32, #tpu.memory_space<vmem>>
        %dma_wait3A_973 = arith.constant 0 : i32
        %dma_wait3A_974 = tpu.memref_slice %arg5[%dma_wait3A_969, %add3A_611, %dma_wait3A_973] : memref<12x2048x2048xf32, #tpu.memory_space<hbm>> -> memref<1x1x2048xf32, #tpu.memory_space<hbm>>
        %dma_wait3A_975 = tpu.memref_squeeze %dma_wait3A_974 : memref<1x1x2048xf32, #tpu.memory_space<hbm>> -> memref<2048xf32, #tpu.memory_space<hbm>>
        %dma_wait3A_976 = arith.constant 0 : i32
        %dma_wait3A_977 = tpu.memref_slice %arg5[%dma_wait3A_969, %add3A_611, %dma_wait3A_976] : memref<12x2048x2048xf32, #tpu.memory_space<hbm>> -> memref<1x1x2048xf32, #tpu.memory_space<hbm>>
        %dma_wait3A_978 = tpu.memref_squeeze %dma_wait3A_977 : memref<1x1x2048xf32, #tpu.memory_space<hbm>> -> memref<2048xf32, #tpu.memory_space<hbm>>
        %dma_wait3A_979 = arith.constant 0 : i32
        %dma_wait3A_980 = tpu.memref_slice %arg9[%dma_wait3A_967, %dma_wait3A_968, %dma_wait3A_979] : memref<2x12x2048xf32, #tpu.memory_space<vmem>> -> memref<1x1x2048xf32, #tpu.memory_space<vmem>>
        %dma_wait3A_981 = tpu.memref_squeeze %dma_wait3A_980 : memref<1x1x2048xf32, #tpu.memory_space<vmem>> -> memref<2048xf32, #tpu.memory_space<vmem>>
        tpu.wait_dma2 semaphore(%arg13 : memref<!tpu.dma_semaphore, #tpu.memory_space<semaphore_mem>>) src(%dma_wait3A_981 : memref<2048xf32, #tpu.memory_space<vmem>>) dst(%dma_wait3A_978 : memref<2048xf32, #tpu.memory_space<hbm>>)
        %dma_wait3A_982 = arith.constant 1 : i32
        %dma_wait3A_983 = arith.constant 11 : i32
        %dma_wait3A_984 = arith.constant 11 : i32
        %dma_wait3A_985 = arith.constant 0 : i32
        %dma_wait3A_986 = tpu.memref_slice %arg9[%dma_wait3A_982, %dma_wait3A_983, %dma_wait3A_985] : memref<2x12x2048xf32, #tpu.memory_space<vmem>> -> memref<1x1x2048xf32, #tpu.memory_space<vmem>>
        %dma_wait3A_987 = tpu.memref_squeeze %dma_wait3A_986 : memref<1x1x2048xf32, #tpu.memory_space<vmem>> -> memref<2048xf32, #tpu.memory_space<vmem>>
        %dma_wait3A_988 = arith.constant 0 : i32
        %dma_wait3A_989 = tpu.memref_slice %arg5[%dma_wait3A_984, %add3A_611, %dma_wait3A_988] : memref<12x2048x2048xf32, #tpu.memory_space<hbm>> -> memref<1x1x2048xf32, #tpu.memory_space<hbm>>
        %dma_wait3A_990 = tpu.memref_squeeze %dma_wait3A_989 : memref<1x1x2048xf32, #tpu.memory_space<hbm>> -> memref<2048xf32, #tpu.memory_space<hbm>>
        %dma_wait3A_991 = arith.constant 0 : i32
        %dma_wait3A_992 = tpu.memref_slice %arg5[%dma_wait3A_984, %add3A_611, %dma_wait3A_991] : memref<12x2048x2048xf32, #tpu.memory_space<hbm>> -> memref<1x1x2048xf32, #tpu.memory_space<hbm>>
        %dma_wait3A_993 = tpu.memref_squeeze %dma_wait3A_992 : memref<1x1x2048xf32, #tpu.memory_space<hbm>> -> memref<2048xf32, #tpu.memory_space<hbm>>
        %dma_wait3A_994 = arith.constant 0 : i32
        %dma_wait3A_995 = tpu.memref_slice %arg9[%dma_wait3A_982, %dma_wait3A_983, %dma_wait3A_994] : memref<2x12x2048xf32, #tpu.memory_space<vmem>> -> memref<1x1x2048xf32, #tpu.memory_space<vmem>>
        %dma_wait3A_996 = tpu.memref_squeeze %dma_wait3A_995 : memref<1x1x2048xf32, #tpu.memory_space<vmem>> -> memref<2048xf32, #tpu.memory_space<vmem>>
        tpu.wait_dma2 semaphore(%arg13 : memref<!tpu.dma_semaphore, #tpu.memory_space<semaphore_mem>>) src(%dma_wait3A_996 : memref<2048xf32, #tpu.memory_space<vmem>>) dst(%dma_wait3A_993 : memref<2048xf32, #tpu.memory_space<hbm>>)
      } else {
      }
      %dma_wait3A_621 = arith.constant 1 : i32
      %dma_wait3A_622 = arith.constant 0 : i32
      %dma_wait3A_623 = tpu.memref_slice %arg8[%dma_wait3A_621, %dma_wait3A_622] : memref<2x2048xi32, #tpu.memory_space<vmem>> -> memref<1x2048xi32, #tpu.memory_space<vmem>>
      %dma_wait3A_624 = tpu.memref_squeeze %dma_wait3A_623 : memref<1x2048xi32, #tpu.memory_space<vmem>> -> memref<2048xi32, #tpu.memory_space<vmem>>
      %dma_wait3A_625 = arith.constant 0 : i32
      %dma_wait3A_626 = tpu.memref_slice %arg2[%add3A_611, %dma_wait3A_625] : memref<2048x2048xi32, #tpu.memory_space<hbm>> -> memref<1x2048xi32, #tpu.memory_space<hbm>>
      %dma_wait3A_627 = tpu.memref_squeeze %dma_wait3A_626 : memref<1x2048xi32, #tpu.memory_space<hbm>> -> memref<2048xi32, #tpu.memory_space<hbm>>
      %dma_wait3A_628 = arith.constant 0 : i32
      %dma_wait3A_629 = tpu.memref_slice %arg8[%dma_wait3A_621, %dma_wait3A_628] : memref<2x2048xi32, #tpu.memory_space<vmem>> -> memref<1x2048xi32, #tpu.memory_space<vmem>>
      %dma_wait3A_630 = tpu.memref_squeeze %dma_wait3A_629 : memref<1x2048xi32, #tpu.memory_space<vmem>> -> memref<2048xi32, #tpu.memory_space<vmem>>
      %dma_wait3A_631 = arith.constant 0 : i32
      %dma_wait3A_632 = tpu.memref_slice %arg2[%add3A_611, %dma_wait3A_631] : memref<2048x2048xi32, #tpu.memory_space<hbm>> -> memref<1x2048xi32, #tpu.memory_space<hbm>>
      %dma_wait3A_633 = tpu.memref_squeeze %dma_wait3A_632 : memref<1x2048xi32, #tpu.memory_space<hbm>> -> memref<2048xi32, #tpu.memory_space<hbm>>
      tpu.wait_dma2 semaphore(%arg11 : memref<!tpu.dma_semaphore, #tpu.memory_space<semaphore_mem>>) src(%dma_wait3A_633 : memref<2048xi32, #tpu.memory_space<hbm>>) dst(%dma_wait3A_630 : memref<2048xi32, #tpu.memory_space<vmem>>)
      %parallel_loop3A_634 = arith.constant 0 : i32
      %parallel_loop3A_635 = arith.constant 128 : i32
      %parallel_loop3A_636 = arith.constant 1 : i32
      scf.for %parallel_loop3A_817 = %parallel_loop3A_634 to %parallel_loop3A_635 step %parallel_loop3A_636  : i32 {
        %parallel_loop3A_818 = arith.constant 16 : i32
        %parallel_loop3A_819 = arith.muli %parallel_loop3A_817, %parallel_loop3A_818 : i32
        %parallel_loop3A_820 = tpu.assume_multiple %parallel_loop3A_819, 16 : i32
        %parallel_loop3A_821 = arith.constant 1 : i32
        %parallel_loop3A_822 = arith.index_cast %parallel_loop3A_821 : i32 to index
        %parallel_loop3A_823 = arith.index_cast %parallel_loop3A_820 : i32 to index
        %parallel_loop3A_824 = tpu.vector_load %arg8[%parallel_loop3A_822, %parallel_loop3A_823] {strides = array<i32>} : memref<2x2048xi32, #tpu.memory_space<vmem>>, vector<16xi32>,
        %parallel_loop3A_825 = tpu.vector_load_idx %arg6[%parallel_loop3A_824] : memref<50000xi32, #tpu.memory_space<vmem>>[vector<16xi32>], vector<16xi32>,
        %parallel_loop3A_826 = arith.constant 0 : i32
        %parallel_loop3A_827 = vector.broadcast %parallel_loop3A_826 : i32 to vector<16xi32>
        %parallel_loop3A_828 = arith.addi %parallel_loop3A_825, %parallel_loop3A_827 : vector<16xi32>
        %parallel_loop3A_829 = tpu.vector_load_idx %arg7[%parallel_loop3A_828] : memref<384xf32, #tpu.memory_space<vmem>>[vector<16xi32>], vector<16xf32>,
        %parallel_loop3A_830 = arith.constant 1 : i32
        %parallel_loop3A_831 = arith.constant 0 : i32
        %parallel_loop3A_832 = arith.index_cast %parallel_loop3A_830 : i32 to index
        %parallel_loop3A_833 = arith.index_cast %parallel_loop3A_831 : i32 to index
        %parallel_loop3A_834 = arith.index_cast %parallel_loop3A_820 : i32 to index
        %parallel_loop3A_835 = tpu.vector_load %arg9[%parallel_loop3A_832, %parallel_loop3A_833, %parallel_loop3A_834] {strides = array<i32>} : memref<2x12x2048xf32, #tpu.memory_space<vmem>>, vector<16xf32>,
        tpu.vector_store %arg9[%parallel_loop3A_832, %parallel_loop3A_833, %parallel_loop3A_834], %parallel_loop3A_829 {strides = array<i32>} : memref<2x12x2048xf32, #tpu.memory_space<vmem>>, vector<16xf32>,
        %parallel_loop3A_836 = arith.constant 32 : i32
        %parallel_loop3A_837 = vector.broadcast %parallel_loop3A_836 : i32 to vector<16xi32>
        %parallel_loop3A_838 = arith.addi %parallel_loop3A_825, %parallel_loop3A_837 : vector<16xi32>
        %parallel_loop3A_839 = tpu.vector_load_idx %arg7[%parallel_loop3A_838] : memref<384xf32, #tpu.memory_space<vmem>>[vector<16xi32>], vector<16xf32>,
        %parallel_loop3A_840 = arith.constant 1 : i32
        %parallel_loop3A_841 = arith.constant 1 : i32
        %parallel_loop3A_842 = arith.index_cast %parallel_loop3A_840 : i32 to index
        %parallel_loop3A_843 = arith.index_cast %parallel_loop3A_841 : i32 to index
        %parallel_loop3A_844 = arith.index_cast %parallel_loop3A_820 : i32 to index
        %parallel_loop3A_845 = tpu.vector_load %arg9[%parallel_loop3A_842, %parallel_loop3A_843, %parallel_loop3A_844] {strides = array<i32>} : memref<2x12x2048xf32, #tpu.memory_space<vmem>>, vector<16xf32>,
        tpu.vector_store %arg9[%parallel_loop3A_842, %parallel_loop3A_843, %parallel_loop3A_844], %parallel_loop3A_839 {strides = array<i32>} : memref<2x12x2048xf32, #tpu.memory_space<vmem>>, vector<16xf32>,
        %parallel_loop3A_846 = arith.constant 64 : i32
        %parallel_loop3A_847 = vector.broadcast %parallel_loop3A_846 : i32 to vector<16xi32>
        %parallel_loop3A_848 = arith.addi %parallel_loop3A_825, %parallel_loop3A_847 : vector<16xi32>
        %parallel_loop3A_849 = tpu.vector_load_idx %arg7[%parallel_loop3A_848] : memref<384xf32, #tpu.memory_space<vmem>>[vector<16xi32>], vector<16xf32>,
        %parallel_loop3A_850 = arith.constant 1 : i32
        %parallel_loop3A_851 = arith.constant 2 : i32
        %parallel_loop3A_852 = arith.index_cast %parallel_loop3A_850 : i32 to index
        %parallel_loop3A_853 = arith.index_cast %parallel_loop3A_851 : i32 to index
        %parallel_loop3A_854 = arith.index_cast %parallel_loop3A_820 : i32 to index
        %parallel_loop3A_855 = tpu.vector_load %arg9[%parallel_loop3A_852, %parallel_loop3A_853, %parallel_loop3A_854] {strides = array<i32>} : memref<2x12x2048xf32, #tpu.memory_space<vmem>>, vector<16xf32>,
        tpu.vector_store %arg9[%parallel_loop3A_852, %parallel_loop3A_853, %parallel_loop3A_854], %parallel_loop3A_849 {strides = array<i32>} : memref<2x12x2048xf32, #tpu.memory_space<vmem>>, vector<16xf32>,
        %parallel_loop3A_856 = arith.constant 96 : i32
        %parallel_loop3A_857 = vector.broadcast %parallel_loop3A_856 : i32 to vector<16xi32>
        %parallel_loop3A_858 = arith.addi %parallel_loop3A_825, %parallel_loop3A_857 : vector<16xi32>
        %parallel_loop3A_859 = tpu.vector_load_idx %arg7[%parallel_loop3A_858] : memref<384xf32, #tpu.memory_space<vmem>>[vector<16xi32>], vector<16xf32>,
        %parallel_loop3A_860 = arith.constant 1 : i32
        %parallel_loop3A_861 = arith.constant 3 : i32
        %parallel_loop3A_862 = arith.index_cast %parallel_loop3A_860 : i32 to index
        %parallel_loop3A_863 = arith.index_cast %parallel_loop3A_861 : i32 to index
        %parallel_loop3A_864 = arith.index_cast %parallel_loop3A_820 : i32 to index
        %parallel_loop3A_865 = tpu.vector_load %arg9[%parallel_loop3A_862, %parallel_loop3A_863, %parallel_loop3A_864] {strides = array<i32>} : memref<2x12x2048xf32, #tpu.memory_space<vmem>>, vector<16xf32>,
        tpu.vector_store %arg9[%parallel_loop3A_862, %parallel_loop3A_863, %parallel_loop3A_864], %parallel_loop3A_859 {strides = array<i32>} : memref<2x12x2048xf32, #tpu.memory_space<vmem>>, vector<16xf32>,
        %parallel_loop3A_866 = arith.constant 128 : i32
        %parallel_loop3A_867 = vector.broadcast %parallel_loop3A_866 : i32 to vector<16xi32>
        %parallel_loop3A_868 = arith.addi %parallel_loop3A_825, %parallel_loop3A_867 : vector<16xi32>
        %parallel_loop3A_869 = tpu.vector_load_idx %arg7[%parallel_loop3A_868] : memref<384xf32, #tpu.memory_space<vmem>>[vector<16xi32>], vector<16xf32>,
        %parallel_loop3A_870 = arith.constant 1 : i32
        %parallel_loop3A_871 = arith.constant 4 : i32
        %parallel_loop3A_872 = arith.index_cast %parallel_loop3A_870 : i32 to index
        %parallel_loop3A_873 = arith.index_cast %parallel_loop3A_871 : i32 to index
        %parallel_loop3A_874 = arith.index_cast %parallel_loop3A_820 : i32 to index
        %parallel_loop3A_875 = tpu.vector_load %arg9[%parallel_loop3A_872, %parallel_loop3A_873, %parallel_loop3A_874] {strides = array<i32>} : memref<2x12x2048xf32, #tpu.memory_space<vmem>>, vector<16xf32>,
        tpu.vector_store %arg9[%parallel_loop3A_872, %parallel_loop3A_873, %parallel_loop3A_874], %parallel_loop3A_869 {strides = array<i32>} : memref<2x12x2048xf32, #tpu.memory_space<vmem>>, vector<16xf32>,
        %parallel_loop3A_876 = arith.constant 160 : i32
        %parallel_loop3A_877 = vector.broadcast %parallel_loop3A_876 : i32 to vector<16xi32>
        %parallel_loop3A_878 = arith.addi %parallel_loop3A_825, %parallel_loop3A_877 : vector<16xi32>
        %parallel_loop3A_879 = tpu.vector_load_idx %arg7[%parallel_loop3A_878] : memref<384xf32, #tpu.memory_space<vmem>>[vector<16xi32>], vector<16xf32>,
        %parallel_loop3A_880 = arith.constant 1 : i32
        %parallel_loop3A_881 = arith.constant 5 : i32
        %parallel_loop3A_882 = arith.index_cast %parallel_loop3A_880 : i32 to index
        %parallel_loop3A_883 = arith.index_cast %parallel_loop3A_881 : i32 to index
        %parallel_loop3A_884 = arith.index_cast %parallel_loop3A_820 : i32 to index
        %parallel_loop3A_885 = tpu.vector_load %arg9[%parallel_loop3A_882, %parallel_loop3A_883, %parallel_loop3A_884] {strides = array<i32>} : memref<2x12x2048xf32, #tpu.memory_space<vmem>>, vector<16xf32>,
        tpu.vector_store %arg9[%parallel_loop3A_882, %parallel_loop3A_883, %parallel_loop3A_884], %parallel_loop3A_879 {strides = array<i32>} : memref<2x12x2048xf32, #tpu.memory_space<vmem>>, vector<16xf32>,
        %parallel_loop3A_886 = arith.constant 192 : i32
        %parallel_loop3A_887 = vector.broadcast %parallel_loop3A_886 : i32 to vector<16xi32>
        %parallel_loop3A_888 = arith.addi %parallel_loop3A_825, %parallel_loop3A_887 : vector<16xi32>
        %parallel_loop3A_889 = tpu.vector_load_idx %arg7[%parallel_loop3A_888] : memref<384xf32, #tpu.memory_space<vmem>>[vector<16xi32>], vector<16xf32>,
        %parallel_loop3A_890 = arith.constant 1 : i32
        %parallel_loop3A_891 = arith.constant 6 : i32
        %parallel_loop3A_892 = arith.index_cast %parallel_loop3A_890 : i32 to index
        %parallel_loop3A_893 = arith.index_cast %parallel_loop3A_891 : i32 to index
        %parallel_loop3A_894 = arith.index_cast %parallel_loop3A_820 : i32 to index
        %parallel_loop3A_895 = tpu.vector_load %arg9[%parallel_loop3A_892, %parallel_loop3A_893, %parallel_loop3A_894] {strides = array<i32>} : memref<2x12x2048xf32, #tpu.memory_space<vmem>>, vector<16xf32>,
        tpu.vector_store %arg9[%parallel_loop3A_892, %parallel_loop3A_893, %parallel_loop3A_894], %parallel_loop3A_889 {strides = array<i32>} : memref<2x12x2048xf32, #tpu.memory_space<vmem>>, vector<16xf32>,
        %parallel_loop3A_896 = arith.constant 224 : i32
        %parallel_loop3A_897 = vector.broadcast %parallel_loop3A_896 : i32 to vector<16xi32>
        %parallel_loop3A_898 = arith.addi %parallel_loop3A_825, %parallel_loop3A_897 : vector<16xi32>
        %parallel_loop3A_899 = tpu.vector_load_idx %arg7[%parallel_loop3A_898] : memref<384xf32, #tpu.memory_space<vmem>>[vector<16xi32>], vector<16xf32>,
        %parallel_loop3A_900 = arith.constant 1 : i32
        %parallel_loop3A_901 = arith.constant 7 : i32
        %parallel_loop3A_902 = arith.index_cast %parallel_loop3A_900 : i32 to index
        %parallel_loop3A_903 = arith.index_cast %parallel_loop3A_901 : i32 to index
        %parallel_loop3A_904 = arith.index_cast %parallel_loop3A_820 : i32 to index
        %parallel_loop3A_905 = tpu.vector_load %arg9[%parallel_loop3A_902, %parallel_loop3A_903, %parallel_loop3A_904] {strides = array<i32>} : memref<2x12x2048xf32, #tpu.memory_space<vmem>>, vector<16xf32>,
        tpu.vector_store %arg9[%parallel_loop3A_902, %parallel_loop3A_903, %parallel_loop3A_904], %parallel_loop3A_899 {strides = array<i32>} : memref<2x12x2048xf32, #tpu.memory_space<vmem>>, vector<16xf32>,
        %parallel_loop3A_906 = arith.constant 256 : i32
        %parallel_loop3A_907 = vector.broadcast %parallel_loop3A_906 : i32 to vector<16xi32>
        %parallel_loop3A_908 = arith.addi %parallel_loop3A_825, %parallel_loop3A_907 : vector<16xi32>
        %parallel_loop3A_909 = tpu.vector_load_idx %arg7[%parallel_loop3A_908] : memref<384xf32, #tpu.memory_space<vmem>>[vector<16xi32>], vector<16xf32>,
        %parallel_loop3A_910 = arith.constant 1 : i32
        %parallel_loop3A_911 = arith.constant 8 : i32
        %parallel_loop3A_912 = arith.index_cast %parallel_loop3A_910 : i32 to index
        %parallel_loop3A_913 = arith.index_cast %parallel_loop3A_911 : i32 to index
        %parallel_loop3A_914 = arith.index_cast %parallel_loop3A_820 : i32 to index
        %parallel_loop3A_915 = tpu.vector_load %arg9[%parallel_loop3A_912, %parallel_loop3A_913, %parallel_loop3A_914] {strides = array<i32>} : memref<2x12x2048xf32, #tpu.memory_space<vmem>>, vector<16xf32>,
        tpu.vector_store %arg9[%parallel_loop3A_912, %parallel_loop3A_913, %parallel_loop3A_914], %parallel_loop3A_909 {strides = array<i32>} : memref<2x12x2048xf32, #tpu.memory_space<vmem>>, vector<16xf32>,
        %parallel_loop3A_916 = arith.constant 288 : i32
        %parallel_loop3A_917 = vector.broadcast %parallel_loop3A_916 : i32 to vector<16xi32>
        %parallel_loop3A_918 = arith.addi %parallel_loop3A_825, %parallel_loop3A_917 : vector<16xi32>
        %parallel_loop3A_919 = tpu.vector_load_idx %arg7[%parallel_loop3A_918] : memref<384xf32, #tpu.memory_space<vmem>>[vector<16xi32>], vector<16xf32>,
        %parallel_loop3A_920 = arith.constant 1 : i32
        %parallel_loop3A_921 = arith.constant 9 : i32
        %parallel_loop3A_922 = arith.index_cast %parallel_loop3A_920 : i32 to index
        %parallel_loop3A_923 = arith.index_cast %parallel_loop3A_921 : i32 to index
        %parallel_loop3A_924 = arith.index_cast %parallel_loop3A_820 : i32 to index
        %parallel_loop3A_925 = tpu.vector_load %arg9[%parallel_loop3A_922, %parallel_loop3A_923, %parallel_loop3A_924] {strides = array<i32>} : memref<2x12x2048xf32, #tpu.memory_space<vmem>>, vector<16xf32>,
        tpu.vector_store %arg9[%parallel_loop3A_922, %parallel_loop3A_923, %parallel_loop3A_924], %parallel_loop3A_919 {strides = array<i32>} : memref<2x12x2048xf32, #tpu.memory_space<vmem>>, vector<16xf32>,
        %parallel_loop3A_926 = arith.constant 320 : i32
        %parallel_loop3A_927 = vector.broadcast %parallel_loop3A_926 : i32 to vector<16xi32>
        %parallel_loop3A_928 = arith.addi %parallel_loop3A_825, %parallel_loop3A_927 : vector<16xi32>
        %parallel_loop3A_929 = tpu.vector_load_idx %arg7[%parallel_loop3A_928] : memref<384xf32, #tpu.memory_space<vmem>>[vector<16xi32>], vector<16xf32>,
        %parallel_loop3A_930 = arith.constant 1 : i32
        %parallel_loop3A_931 = arith.constant 10 : i32
        %parallel_loop3A_932 = arith.index_cast %parallel_loop3A_930 : i32 to index
        %parallel_loop3A_933 = arith.index_cast %parallel_loop3A_931 : i32 to index
        %parallel_loop3A_934 = arith.index_cast %parallel_loop3A_820 : i32 to index
        %parallel_loop3A_935 = tpu.vector_load %arg9[%parallel_loop3A_932, %parallel_loop3A_933, %parallel_loop3A_934] {strides = array<i32>} : memref<2x12x2048xf32, #tpu.memory_space<vmem>>, vector<16xf32>,
        tpu.vector_store %arg9[%parallel_loop3A_932, %parallel_loop3A_933, %parallel_loop3A_934], %parallel_loop3A_929 {strides = array<i32>} : memref<2x12x2048xf32, #tpu.memory_space<vmem>>, vector<16xf32>,
        %parallel_loop3A_936 = arith.constant 352 : i32
        %parallel_loop3A_937 = vector.broadcast %parallel_loop3A_936 : i32 to vector<16xi32>
        %parallel_loop3A_938 = arith.addi %parallel_loop3A_825, %parallel_loop3A_937 : vector<16xi32>
        %parallel_loop3A_939 = tpu.vector_load_idx %arg7[%parallel_loop3A_938] : memref<384xf32, #tpu.memory_space<vmem>>[vector<16xi32>], vector<16xf32>,
        %parallel_loop3A_940 = arith.constant 1 : i32
        %parallel_loop3A_941 = arith.constant 11 : i32
        %parallel_loop3A_942 = arith.index_cast %parallel_loop3A_940 : i32 to index
        %parallel_loop3A_943 = arith.index_cast %parallel_loop3A_941 : i32 to index
        %parallel_loop3A_944 = arith.index_cast %parallel_loop3A_820 : i32 to index
        %parallel_loop3A_945 = tpu.vector_load %arg9[%parallel_loop3A_942, %parallel_loop3A_943, %parallel_loop3A_944] {strides = array<i32>} : memref<2x12x2048xf32, #tpu.memory_space<vmem>>, vector<16xf32>,
        tpu.vector_store %arg9[%parallel_loop3A_942, %parallel_loop3A_943, %parallel_loop3A_944], %parallel_loop3A_939 {strides = array<i32>} : memref<2x12x2048xf32, #tpu.memory_space<vmem>>, vector<16xf32>,
      } {sc.loop_unroll_factor = 4 : i64, sc.parallel_access}
      %dma_start3A_637 = arith.constant 1 : i32
      %dma_start3A_638 = arith.constant 0 : i32
      %dma_start3A_639 = arith.constant 0 : i32
      %dma_start3A_640 = arith.constant 0 : i32
      %dma_start3A_641 = tpu.memref_slice %arg9[%dma_start3A_637, %dma_start3A_638, %dma_start3A_640] : memref<2x12x2048xf32, #tpu.memory_space<vmem>> -> memref<1x1x2048xf32, #tpu.memory_space<vmem>>
      %dma_start3A_642 = tpu.memref_squeeze %dma_start3A_641 : memref<1x1x2048xf32, #tpu.memory_space<vmem>> -> memref<2048xf32, #tpu.memory_space<vmem>>
      %dma_start3A_643 = arith.constant 0 : i32
      %dma_start3A_644 = tpu.memref_slice %arg5[%dma_start3A_639, %add3A_611, %dma_start3A_643] : memref<12x2048x2048xf32, #tpu.memory_space<hbm>> -> memref<1x1x2048xf32, #tpu.memory_space<hbm>>
      %dma_start3A_645 = tpu.memref_squeeze %dma_start3A_644 : memref<1x1x2048xf32, #tpu.memory_space<hbm>> -> memref<2048xf32, #tpu.memory_space<hbm>>
      %dma_start3A_646 = arith.constant 0 : i32
      %dma_start3A_647 = tpu.memref_slice %arg5[%dma_start3A_639, %add3A_611, %dma_start3A_646] : memref<12x2048x2048xf32, #tpu.memory_space<hbm>> -> memref<1x1x2048xf32, #tpu.memory_space<hbm>>
      %dma_start3A_648 = tpu.memref_squeeze %dma_start3A_647 : memref<1x1x2048xf32, #tpu.memory_space<hbm>> -> memref<2048xf32, #tpu.memory_space<hbm>>
      %dma_start3A_649 = arith.constant 0 : i32
      %dma_start3A_650 = tpu.memref_slice %arg9[%dma_start3A_637, %dma_start3A_638, %dma_start3A_649] : memref<2x12x2048xf32, #tpu.memory_space<vmem>> -> memref<1x1x2048xf32, #tpu.memory_space<vmem>>
      %dma_start3A_651 = tpu.memref_squeeze %dma_start3A_650 : memref<1x1x2048xf32, #tpu.memory_space<vmem>> -> memref<2048xf32, #tpu.memory_space<vmem>>
      tpu.enqueue_dma source(%dma_start3A_651 : memref<2048xf32, #tpu.memory_space<vmem>>) target(%dma_start3A_648 : memref<2048xf32, #tpu.memory_space<hbm>>) target_semaphore(%arg13 : memref<!tpu.dma_semaphore, #tpu.memory_space<semaphore_mem>>)
      %dma_start3A_652 = arith.constant 1 : i32
      %dma_start3A_653 = arith.constant 1 : i32
      %dma_start3A_654 = arith.constant 1 : i32
      %dma_start3A_655 = arith.constant 0 : i32
      %dma_start3A_656 = tpu.memref_slice %arg9[%dma_start3A_652, %dma_start3A_653, %dma_start3A_655] : memref<2x12x2048xf32, #tpu.memory_space<vmem>> -> memref<1x1x2048xf32, #tpu.memory_space<vmem>>
      %dma_start3A_657 = tpu.memref_squeeze %dma_start3A_656 : memref<1x1x2048xf32, #tpu.memory_space<vmem>> -> memref<2048xf32, #tpu.memory_space<vmem>>
      %dma_start3A_658 = arith.constant 0 : i32
      %dma_start3A_659 = tpu.memref_slice %arg5[%dma_start3A_654, %add3A_611, %dma_start3A_658] : memref<12x2048x2048xf32, #tpu.memory_space<hbm>> -> memref<1x1x2048xf32, #tpu.memory_space<hbm>>
      %dma_start3A_660 = tpu.memref_squeeze %dma_start3A_659 : memref<1x1x2048xf32, #tpu.memory_space<hbm>> -> memref<2048xf32, #tpu.memory_space<hbm>>
      %dma_start3A_661 = arith.constant 0 : i32
      %dma_start3A_662 = tpu.memref_slice %arg5[%dma_start3A_654, %add3A_611, %dma_start3A_661] : memref<12x2048x2048xf32, #tpu.memory_space<hbm>> -> memref<1x1x2048xf32, #tpu.memory_space<hbm>>
      %dma_start3A_663 = tpu.memref_squeeze %dma_start3A_662 : memref<1x1x2048xf32, #tpu.memory_space<hbm>> -> memref<2048xf32, #tpu.memory_space<hbm>>
      %dma_start3A_664 = arith.constant 0 : i32
      %dma_start3A_665 = tpu.memref_slice %arg9[%dma_start3A_652, %dma_start3A_653, %dma_start3A_664] : memref<2x12x2048xf32, #tpu.memory_space<vmem>> -> memref<1x1x2048xf32, #tpu.memory_space<vmem>>
      %dma_start3A_666 = tpu.memref_squeeze %dma_start3A_665 : memref<1x1x2048xf32, #tpu.memory_space<vmem>> -> memref<2048xf32, #tpu.memory_space<vmem>>
      tpu.enqueue_dma source(%dma_start3A_666 : memref<2048xf32, #tpu.memory_space<vmem>>) target(%dma_start3A_663 : memref<2048xf32, #tpu.memory_space<hbm>>) target_semaphore(%arg13 : memref<!tpu.dma_semaphore, #tpu.memory_space<semaphore_mem>>)
      %dma_start3A_667 = arith.constant 1 : i32
      %dma_start3A_668 = arith.constant 2 : i32
      %dma_start3A_669 = arith.constant 2 : i32
      %dma_start3A_670 = arith.constant 0 : i32
      %dma_start3A_671 = tpu.memref_slice %arg9[%dma_start3A_667, %dma_start3A_668, %dma_start3A_670] : memref<2x12x2048xf32, #tpu.memory_space<vmem>> -> memref<1x1x2048xf32, #tpu.memory_space<vmem>>
      %dma_start3A_672 = tpu.memref_squeeze %dma_start3A_671 : memref<1x1x2048xf32, #tpu.memory_space<vmem>> -> memref<2048xf32, #tpu.memory_space<vmem>>
      %dma_start3A_673 = arith.constant 0 : i32
      %dma_start3A_674 = tpu.memref_slice %arg5[%dma_start3A_669, %add3A_611, %dma_start3A_673] : memref<12x2048x2048xf32, #tpu.memory_space<hbm>> -> memref<1x1x2048xf32, #tpu.memory_space<hbm>>
      %dma_start3A_675 = tpu.memref_squeeze %dma_start3A_674 : memref<1x1x2048xf32, #tpu.memory_space<hbm>> -> memref<2048xf32, #tpu.memory_space<hbm>>
      %dma_start3A_676 = arith.constant 0 : i32
      %dma_start3A_677 = tpu.memref_slice %arg5[%dma_start3A_669, %add3A_611, %dma_start3A_676] : memref<12x2048x2048xf32, #tpu.memory_space<hbm>> -> memref<1x1x2048xf32, #tpu.memory_space<hbm>>
      %dma_start3A_678 = tpu.memref_squeeze %dma_start3A_677 : memref<1x1x2048xf32, #tpu.memory_space<hbm>> -> memref<2048xf32, #tpu.memory_space<hbm>>
      %dma_start3A_679 = arith.constant 0 : i32
      %dma_start3A_680 = tpu.memref_slice %arg9[%dma_start3A_667, %dma_start3A_668, %dma_start3A_679] : memref<2x12x2048xf32, #tpu.memory_space<vmem>> -> memref<1x1x2048xf32, #tpu.memory_space<vmem>>
      %dma_start3A_681 = tpu.memref_squeeze %dma_start3A_680 : memref<1x1x2048xf32, #tpu.memory_space<vmem>> -> memref<2048xf32, #tpu.memory_space<vmem>>
      tpu.enqueue_dma source(%dma_start3A_681 : memref<2048xf32, #tpu.memory_space<vmem>>) target(%dma_start3A_678 : memref<2048xf32, #tpu.memory_space<hbm>>) target_semaphore(%arg13 : memref<!tpu.dma_semaphore, #tpu.memory_space<semaphore_mem>>)
      %dma_start3A_682 = arith.constant 1 : i32
      %dma_start3A_683 = arith.constant 3 : i32
      %dma_start3A_684 = arith.constant 3 : i32
      %dma_start3A_685 = arith.constant 0 : i32
      %dma_start3A_686 = tpu.memref_slice %arg9[%dma_start3A_682, %dma_start3A_683, %dma_start3A_685] : memref<2x12x2048xf32, #tpu.memory_space<vmem>> -> memref<1x1x2048xf32, #tpu.memory_space<vmem>>
      %dma_start3A_687 = tpu.memref_squeeze %dma_start3A_686 : memref<1x1x2048xf32, #tpu.memory_space<vmem>> -> memref<2048xf32, #tpu.memory_space<vmem>>
      %dma_start3A_688 = arith.constant 0 : i32
      %dma_start3A_689 = tpu.memref_slice %arg5[%dma_start3A_684, %add3A_611, %dma_start3A_688] : memref<12x2048x2048xf32, #tpu.memory_space<hbm>> -> memref<1x1x2048xf32, #tpu.memory_space<hbm>>
      %dma_start3A_690 = tpu.memref_squeeze %dma_start3A_689 : memref<1x1x2048xf32, #tpu.memory_space<hbm>> -> memref<2048xf32, #tpu.memory_space<hbm>>
      %dma_start3A_691 = arith.constant 0 : i32
      %dma_start3A_692 = tpu.memref_slice %arg5[%dma_start3A_684, %add3A_611, %dma_start3A_691] : memref<12x2048x2048xf32, #tpu.memory_space<hbm>> -> memref<1x1x2048xf32, #tpu.memory_space<hbm>>
      %dma_start3A_693 = tpu.memref_squeeze %dma_start3A_692 : memref<1x1x2048xf32, #tpu.memory_space<hbm>> -> memref<2048xf32, #tpu.memory_space<hbm>>
      %dma_start3A_694 = arith.constant 0 : i32
      %dma_start3A_695 = tpu.memref_slice %arg9[%dma_start3A_682, %dma_start3A_683, %dma_start3A_694] : memref<2x12x2048xf32, #tpu.memory_space<vmem>> -> memref<1x1x2048xf32, #tpu.memory_space<vmem>>
      %dma_start3A_696 = tpu.memref_squeeze %dma_start3A_695 : memref<1x1x2048xf32, #tpu.memory_space<vmem>> -> memref<2048xf32, #tpu.memory_space<vmem>>
      tpu.enqueue_dma source(%dma_start3A_696 : memref<2048xf32, #tpu.memory_space<vmem>>) target(%dma_start3A_693 : memref<2048xf32, #tpu.memory_space<hbm>>) target_semaphore(%arg13 : memref<!tpu.dma_semaphore, #tpu.memory_space<semaphore_mem>>)
      %dma_start3A_697 = arith.constant 1 : i32
      %dma_start3A_698 = arith.constant 4 : i32
      %dma_start3A_699 = arith.constant 4 : i32
      %dma_start3A_700 = arith.constant 0 : i32
      %dma_start3A_701 = tpu.memref_slice %arg9[%dma_start3A_697, %dma_start3A_698, %dma_start3A_700] : memref<2x12x2048xf32, #tpu.memory_space<vmem>> -> memref<1x1x2048xf32, #tpu.memory_space<vmem>>
      %dma_start3A_702 = tpu.memref_squeeze %dma_start3A_701 : memref<1x1x2048xf32, #tpu.memory_space<vmem>> -> memref<2048xf32, #tpu.memory_space<vmem>>
      %dma_start3A_703 = arith.constant 0 : i32
      %dma_start3A_704 = tpu.memref_slice %arg5[%dma_start3A_699, %add3A_611, %dma_start3A_703] : memref<12x2048x2048xf32, #tpu.memory_space<hbm>> -> memref<1x1x2048xf32, #tpu.memory_space<hbm>>
      %dma_start3A_705 = tpu.memref_squeeze %dma_start3A_704 : memref<1x1x2048xf32, #tpu.memory_space<hbm>> -> memref<2048xf32, #tpu.memory_space<hbm>>
      %dma_start3A_706 = arith.constant 0 : i32
      %dma_start3A_707 = tpu.memref_slice %arg5[%dma_start3A_699, %add3A_611, %dma_start3A_706] : memref<12x2048x2048xf32, #tpu.memory_space<hbm>> -> memref<1x1x2048xf32, #tpu.memory_space<hbm>>
      %dma_start3A_708 = tpu.memref_squeeze %dma_start3A_707 : memref<1x1x2048xf32, #tpu.memory_space<hbm>> -> memref<2048xf32, #tpu.memory_space<hbm>>
      %dma_start3A_709 = arith.constant 0 : i32
      %dma_start3A_710 = tpu.memref_slice %arg9[%dma_start3A_697, %dma_start3A_698, %dma_start3A_709] : memref<2x12x2048xf32, #tpu.memory_space<vmem>> -> memref<1x1x2048xf32, #tpu.memory_space<vmem>>
      %dma_start3A_711 = tpu.memref_squeeze %dma_start3A_710 : memref<1x1x2048xf32, #tpu.memory_space<vmem>> -> memref<2048xf32, #tpu.memory_space<vmem>>
      tpu.enqueue_dma source(%dma_start3A_711 : memref<2048xf32, #tpu.memory_space<vmem>>) target(%dma_start3A_708 : memref<2048xf32, #tpu.memory_space<hbm>>) target_semaphore(%arg13 : memref<!tpu.dma_semaphore, #tpu.memory_space<semaphore_mem>>)
      %dma_start3A_712 = arith.constant 1 : i32
      %dma_start3A_713 = arith.constant 5 : i32
      %dma_start3A_714 = arith.constant 5 : i32
      %dma_start3A_715 = arith.constant 0 : i32
      %dma_start3A_716 = tpu.memref_slice %arg9[%dma_start3A_712, %dma_start3A_713, %dma_start3A_715] : memref<2x12x2048xf32, #tpu.memory_space<vmem>> -> memref<1x1x2048xf32, #tpu.memory_space<vmem>>
      %dma_start3A_717 = tpu.memref_squeeze %dma_start3A_716 : memref<1x1x2048xf32, #tpu.memory_space<vmem>> -> memref<2048xf32, #tpu.memory_space<vmem>>
      %dma_start3A_718 = arith.constant 0 : i32
      %dma_start3A_719 = tpu.memref_slice %arg5[%dma_start3A_714, %add3A_611, %dma_start3A_718] : memref<12x2048x2048xf32, #tpu.memory_space<hbm>> -> memref<1x1x2048xf32, #tpu.memory_space<hbm>>
      %dma_start3A_720 = tpu.memref_squeeze %dma_start3A_719 : memref<1x1x2048xf32, #tpu.memory_space<hbm>> -> memref<2048xf32, #tpu.memory_space<hbm>>
      %dma_start3A_721 = arith.constant 0 : i32
      %dma_start3A_722 = tpu.memref_slice %arg5[%dma_start3A_714, %add3A_611, %dma_start3A_721] : memref<12x2048x2048xf32, #tpu.memory_space<hbm>> -> memref<1x1x2048xf32, #tpu.memory_space<hbm>>
      %dma_start3A_723 = tpu.memref_squeeze %dma_start3A_722 : memref<1x1x2048xf32, #tpu.memory_space<hbm>> -> memref<2048xf32, #tpu.memory_space<hbm>>
      %dma_start3A_724 = arith.constant 0 : i32
      %dma_start3A_725 = tpu.memref_slice %arg9[%dma_start3A_712, %dma_start3A_713, %dma_start3A_724] : memref<2x12x2048xf32, #tpu.memory_space<vmem>> -> memref<1x1x2048xf32, #tpu.memory_space<vmem>>
      %dma_start3A_726 = tpu.memref_squeeze %dma_start3A_725 : memref<1x1x2048xf32, #tpu.memory_space<vmem>> -> memref<2048xf32, #tpu.memory_space<vmem>>
      tpu.enqueue_dma source(%dma_start3A_726 : memref<2048xf32, #tpu.memory_space<vmem>>) target(%dma_start3A_723 : memref<2048xf32, #tpu.memory_space<hbm>>) target_semaphore(%arg13 : memref<!tpu.dma_semaphore, #tpu.memory_space<semaphore_mem>>)
      %dma_start3A_727 = arith.constant 1 : i32
      %dma_start3A_728 = arith.constant 6 : i32
      %dma_start3A_729 = arith.constant 6 : i32
      %dma_start3A_730 = arith.constant 0 : i32
      %dma_start3A_731 = tpu.memref_slice %arg9[%dma_start3A_727, %dma_start3A_728, %dma_start3A_730] : memref<2x12x2048xf32, #tpu.memory_space<vmem>> -> memref<1x1x2048xf32, #tpu.memory_space<vmem>>
      %dma_start3A_732 = tpu.memref_squeeze %dma_start3A_731 : memref<1x1x2048xf32, #tpu.memory_space<vmem>> -> memref<2048xf32, #tpu.memory_space<vmem>>
      %dma_start3A_733 = arith.constant 0 : i32
      %dma_start3A_734 = tpu.memref_slice %arg5[%dma_start3A_729, %add3A_611, %dma_start3A_733] : memref<12x2048x2048xf32, #tpu.memory_space<hbm>> -> memref<1x1x2048xf32, #tpu.memory_space<hbm>>
      %dma_start3A_735 = tpu.memref_squeeze %dma_start3A_734 : memref<1x1x2048xf32, #tpu.memory_space<hbm>> -> memref<2048xf32, #tpu.memory_space<hbm>>
      %dma_start3A_736 = arith.constant 0 : i32
      %dma_start3A_737 = tpu.memref_slice %arg5[%dma_start3A_729, %add3A_611, %dma_start3A_736] : memref<12x2048x2048xf32, #tpu.memory_space<hbm>> -> memref<1x1x2048xf32, #tpu.memory_space<hbm>>
      %dma_start3A_738 = tpu.memref_squeeze %dma_start3A_737 : memref<1x1x2048xf32, #tpu.memory_space<hbm>> -> memref<2048xf32, #tpu.memory_space<hbm>>
      %dma_start3A_739 = arith.constant 0 : i32
      %dma_start3A_740 = tpu.memref_slice %arg9[%dma_start3A_727, %dma_start3A_728, %dma_start3A_739] : memref<2x12x2048xf32, #tpu.memory_space<vmem>> -> memref<1x1x2048xf32, #tpu.memory_space<vmem>>
      %dma_start3A_741 = tpu.memref_squeeze %dma_start3A_740 : memref<1x1x2048xf32, #tpu.memory_space<vmem>> -> memref<2048xf32, #tpu.memory_space<vmem>>
      tpu.enqueue_dma source(%dma_start3A_741 : memref<2048xf32, #tpu.memory_space<vmem>>) target(%dma_start3A_738 : memref<2048xf32, #tpu.memory_space<hbm>>) target_semaphore(%arg13 : memref<!tpu.dma_semaphore, #tpu.memory_space<semaphore_mem>>)
      %dma_start3A_742 = arith.constant 1 : i32
      %dma_start3A_743 = arith.constant 7 : i32
      %dma_start3A_744 = arith.constant 7 : i32
      %dma_start3A_745 = arith.constant 0 : i32
      %dma_start3A_746 = tpu.memref_slice %arg9[%dma_start3A_742, %dma_start3A_743, %dma_start3A_745] : memref<2x12x2048xf32, #tpu.memory_space<vmem>> -> memref<1x1x2048xf32, #tpu.memory_space<vmem>>
      %dma_start3A_747 = tpu.memref_squeeze %dma_start3A_746 : memref<1x1x2048xf32, #tpu.memory_space<vmem>> -> memref<2048xf32, #tpu.memory_space<vmem>>
      %dma_start3A_748 = arith.constant 0 : i32
      %dma_start3A_749 = tpu.memref_slice %arg5[%dma_start3A_744, %add3A_611, %dma_start3A_748] : memref<12x2048x2048xf32, #tpu.memory_space<hbm>> -> memref<1x1x2048xf32, #tpu.memory_space<hbm>>
      %dma_start3A_750 = tpu.memref_squeeze %dma_start3A_749 : memref<1x1x2048xf32, #tpu.memory_space<hbm>> -> memref<2048xf32, #tpu.memory_space<hbm>>
      %dma_start3A_751 = arith.constant 0 : i32
      %dma_start3A_752 = tpu.memref_slice %arg5[%dma_start3A_744, %add3A_611, %dma_start3A_751] : memref<12x2048x2048xf32, #tpu.memory_space<hbm>> -> memref<1x1x2048xf32, #tpu.memory_space<hbm>>
      %dma_start3A_753 = tpu.memref_squeeze %dma_start3A_752 : memref<1x1x2048xf32, #tpu.memory_space<hbm>> -> memref<2048xf32, #tpu.memory_space<hbm>>
      %dma_start3A_754 = arith.constant 0 : i32
      %dma_start3A_755 = tpu.memref_slice %arg9[%dma_start3A_742, %dma_start3A_743, %dma_start3A_754] : memref<2x12x2048xf32, #tpu.memory_space<vmem>> -> memref<1x1x2048xf32, #tpu.memory_space<vmem>>
      %dma_start3A_756 = tpu.memref_squeeze %dma_start3A_755 : memref<1x1x2048xf32, #tpu.memory_space<vmem>> -> memref<2048xf32, #tpu.memory_space<vmem>>
      tpu.enqueue_dma source(%dma_start3A_756 : memref<2048xf32, #tpu.memory_space<vmem>>) target(%dma_start3A_753 : memref<2048xf32, #tpu.memory_space<hbm>>) target_semaphore(%arg13 : memref<!tpu.dma_semaphore, #tpu.memory_space<semaphore_mem>>)
      %dma_start3A_757 = arith.constant 1 : i32
      %dma_start3A_758 = arith.constant 8 : i32
      %dma_start3A_759 = arith.constant 8 : i32
      %dma_start3A_760 = arith.constant 0 : i32
      %dma_start3A_761 = tpu.memref_slice %arg9[%dma_start3A_757, %dma_start3A_758, %dma_start3A_760] : memref<2x12x2048xf32, #tpu.memory_space<vmem>> -> memref<1x1x2048xf32, #tpu.memory_space<vmem>>
      %dma_start3A_762 = tpu.memref_squeeze %dma_start3A_761 : memref<1x1x2048xf32, #tpu.memory_space<vmem>> -> memref<2048xf32, #tpu.memory_space<vmem>>
      %dma_start3A_763 = arith.constant 0 : i32
      %dma_start3A_764 = tpu.memref_slice %arg5[%dma_start3A_759, %add3A_611, %dma_start3A_763] : memref<12x2048x2048xf32, #tpu.memory_space<hbm>> -> memref<1x1x2048xf32, #tpu.memory_space<hbm>>
      %dma_start3A_765 = tpu.memref_squeeze %dma_start3A_764 : memref<1x1x2048xf32, #tpu.memory_space<hbm>> -> memref<2048xf32, #tpu.memory_space<hbm>>
      %dma_start3A_766 = arith.constant 0 : i32
      %dma_start3A_767 = tpu.memref_slice %arg5[%dma_start3A_759, %add3A_611, %dma_start3A_766] : memref<12x2048x2048xf32, #tpu.memory_space<hbm>> -> memref<1x1x2048xf32, #tpu.memory_space<hbm>>
      %dma_start3A_768 = tpu.memref_squeeze %dma_start3A_767 : memref<1x1x2048xf32, #tpu.memory_space<hbm>> -> memref<2048xf32, #tpu.memory_space<hbm>>
      %dma_start3A_769 = arith.constant 0 : i32
      %dma_start3A_770 = tpu.memref_slice %arg9[%dma_start3A_757, %dma_start3A_758, %dma_start3A_769] : memref<2x12x2048xf32, #tpu.memory_space<vmem>> -> memref<1x1x2048xf32, #tpu.memory_space<vmem>>
      %dma_start3A_771 = tpu.memref_squeeze %dma_start3A_770 : memref<1x1x2048xf32, #tpu.memory_space<vmem>> -> memref<2048xf32, #tpu.memory_space<vmem>>
      tpu.enqueue_dma source(%dma_start3A_771 : memref<2048xf32, #tpu.memory_space<vmem>>) target(%dma_start3A_768 : memref<2048xf32, #tpu.memory_space<hbm>>) target_semaphore(%arg13 : memref<!tpu.dma_semaphore, #tpu.memory_space<semaphore_mem>>)
      %dma_start3A_772 = arith.constant 1 : i32
      %dma_start3A_773 = arith.constant 9 : i32
      %dma_start3A_774 = arith.constant 9 : i32
      %dma_start3A_775 = arith.constant 0 : i32
      %dma_start3A_776 = tpu.memref_slice %arg9[%dma_start3A_772, %dma_start3A_773, %dma_start3A_775] : memref<2x12x2048xf32, #tpu.memory_space<vmem>> -> memref<1x1x2048xf32, #tpu.memory_space<vmem>>
      %dma_start3A_777 = tpu.memref_squeeze %dma_start3A_776 : memref<1x1x2048xf32, #tpu.memory_space<vmem>> -> memref<2048xf32, #tpu.memory_space<vmem>>
      %dma_start3A_778 = arith.constant 0 : i32
      %dma_start3A_779 = tpu.memref_slice %arg5[%dma_start3A_774, %add3A_611, %dma_start3A_778] : memref<12x2048x2048xf32, #tpu.memory_space<hbm>> -> memref<1x1x2048xf32, #tpu.memory_space<hbm>>
      %dma_start3A_780 = tpu.memref_squeeze %dma_start3A_779 : memref<1x1x2048xf32, #tpu.memory_space<hbm>> -> memref<2048xf32, #tpu.memory_space<hbm>>
      %dma_start3A_781 = arith.constant 0 : i32
      %dma_start3A_782 = tpu.memref_slice %arg5[%dma_start3A_774, %add3A_611, %dma_start3A_781] : memref<12x2048x2048xf32, #tpu.memory_space<hbm>> -> memref<1x1x2048xf32, #tpu.memory_space<hbm>>
      %dma_start3A_783 = tpu.memref_squeeze %dma_start3A_782 : memref<1x1x2048xf32, #tpu.memory_space<hbm>> -> memref<2048xf32, #tpu.memory_space<hbm>>
      %dma_start3A_784 = arith.constant 0 : i32
      %dma_start3A_785 = tpu.memref_slice %arg9[%dma_start3A_772, %dma_start3A_773, %dma_start3A_784] : memref<2x12x2048xf32, #tpu.memory_space<vmem>> -> memref<1x1x2048xf32, #tpu.memory_space<vmem>>
      %dma_start3A_786 = tpu.memref_squeeze %dma_start3A_785 : memref<1x1x2048xf32, #tpu.memory_space<vmem>> -> memref<2048xf32, #tpu.memory_space<vmem>>
      tpu.enqueue_dma source(%dma_start3A_786 : memref<2048xf32, #tpu.memory_space<vmem>>) target(%dma_start3A_783 : memref<2048xf32, #tpu.memory_space<hbm>>) target_semaphore(%arg13 : memref<!tpu.dma_semaphore, #tpu.memory_space<semaphore_mem>>)
      %dma_start3A_787 = arith.constant 1 : i32
      %dma_start3A_788 = arith.constant 10 : i32
      %dma_start3A_789 = arith.constant 10 : i32
      %dma_start3A_790 = arith.constant 0 : i32
      %dma_start3A_791 = tpu.memref_slice %arg9[%dma_start3A_787, %dma_start3A_788, %dma_start3A_790] : memref<2x12x2048xf32, #tpu.memory_space<vmem>> -> memref<1x1x2048xf32, #tpu.memory_space<vmem>>
      %dma_start3A_792 = tpu.memref_squeeze %dma_start3A_791 : memref<1x1x2048xf32, #tpu.memory_space<vmem>> -> memref<2048xf32, #tpu.memory_space<vmem>>
      %dma_start3A_793 = arith.constant 0 : i32
      %dma_start3A_794 = tpu.memref_slice %arg5[%dma_start3A_789, %add3A_611, %dma_start3A_793] : memref<12x2048x2048xf32, #tpu.memory_space<hbm>> -> memref<1x1x2048xf32, #tpu.memory_space<hbm>>
      %dma_start3A_795 = tpu.memref_squeeze %dma_start3A_794 : memref<1x1x2048xf32, #tpu.memory_space<hbm>> -> memref<2048xf32, #tpu.memory_space<hbm>>
      %dma_start3A_796 = arith.constant 0 : i32
      %dma_start3A_797 = tpu.memref_slice %arg5[%dma_start3A_789, %add3A_611, %dma_start3A_796] : memref<12x2048x2048xf32, #tpu.memory_space<hbm>> -> memref<1x1x2048xf32, #tpu.memory_space<hbm>>
      %dma_start3A_798 = tpu.memref_squeeze %dma_start3A_797 : memref<1x1x2048xf32, #tpu.memory_space<hbm>> -> memref<2048xf32, #tpu.memory_space<hbm>>
      %dma_start3A_799 = arith.constant 0 : i32
      %dma_start3A_800 = tpu.memref_slice %arg9[%dma_start3A_787, %dma_start3A_788, %dma_start3A_799] : memref<2x12x2048xf32, #tpu.memory_space<vmem>> -> memref<1x1x2048xf32, #tpu.memory_space<vmem>>
      %dma_start3A_801 = tpu.memref_squeeze %dma_start3A_800 : memref<1x1x2048xf32, #tpu.memory_space<vmem>> -> memref<2048xf32, #tpu.memory_space<vmem>>
      tpu.enqueue_dma source(%dma_start3A_801 : memref<2048xf32, #tpu.memory_space<vmem>>) target(%dma_start3A_798 : memref<2048xf32, #tpu.memory_space<hbm>>) target_semaphore(%arg13 : memref<!tpu.dma_semaphore, #tpu.memory_space<semaphore_mem>>)
      %dma_start3A_802 = arith.constant 1 : i32
      %dma_start3A_803 = arith.constant 11 : i32
      %dma_start3A_804 = arith.constant 11 : i32
      %dma_start3A_805 = arith.constant 0 : i32
      %dma_start3A_806 = tpu.memref_slice %arg9[%dma_start3A_802, %dma_start3A_803, %dma_start3A_805] : memref<2x12x2048xf32, #tpu.memory_space<vmem>> -> memref<1x1x2048xf32, #tpu.memory_space<vmem>>
      %dma_start3A_807 = tpu.memref_squeeze %dma_start3A_806 : memref<1x1x2048xf32, #tpu.memory_space<vmem>> -> memref<2048xf32, #tpu.memory_space<vmem>>
      %dma_start3A_808 = arith.constant 0 : i32
      %dma_start3A_809 = tpu.memref_slice %arg5[%dma_start3A_804, %add3A_611, %dma_start3A_808] : memref<12x2048x2048xf32, #tpu.memory_space<hbm>> -> memref<1x1x2048xf32, #tpu.memory_space<hbm>>
      %dma_start3A_810 = tpu.memref_squeeze %dma_start3A_809 : memref<1x1x2048xf32, #tpu.memory_space<hbm>> -> memref<2048xf32, #tpu.memory_space<hbm>>
      %dma_start3A_811 = arith.constant 0 : i32
      %dma_start3A_812 = tpu.memref_slice %arg5[%dma_start3A_804, %add3A_611, %dma_start3A_811] : memref<12x2048x2048xf32, #tpu.memory_space<hbm>> -> memref<1x1x2048xf32, #tpu.memory_space<hbm>>
      %dma_start3A_813 = tpu.memref_squeeze %dma_start3A_812 : memref<1x1x2048xf32, #tpu.memory_space<hbm>> -> memref<2048xf32, #tpu.memory_space<hbm>>
      %dma_start3A_814 = arith.constant 0 : i32
      %dma_start3A_815 = tpu.memref_slice %arg9[%dma_start3A_802, %dma_start3A_803, %dma_start3A_814] : memref<2x12x2048xf32, #tpu.memory_space<vmem>> -> memref<1x1x2048xf32, #tpu.memory_space<vmem>>
      %dma_start3A_816 = tpu.memref_squeeze %dma_start3A_815 : memref<1x1x2048xf32, #tpu.memory_space<vmem>> -> memref<2048xf32, #tpu.memory_space<vmem>>
      tpu.enqueue_dma source(%dma_start3A_816 : memref<2048xf32, #tpu.memory_space<vmem>>) target(%dma_start3A_813 : memref<2048xf32, #tpu.memory_space<hbm>>) target_semaphore(%arg13 : memref<!tpu.dma_semaphore, #tpu.memory_space<semaphore_mem>>)
    }
    %scan3A_18 = arith.constant 32 : i32
    %add3A_19 = arith.constant 64 : i32
    %add3A_20 = arith.addi %mul3A_2, %add3A_19 : i32
    %sub3A = arith.constant 2 : i32
    %sub3A_21 = arith.subi %add3A_20, %sub3A : i32
    %add3A_22 = arith.constant 0 : i32
    %add3A_23 = arith.addi %sub3A_21, %add3A_22 : i32
    %dma_wait3A = arith.constant 0 : i32
    %dma_wait3A_24 = arith.constant 0 : i32
    %dma_wait3A_25 = arith.constant 0 : i32
    %dma_wait3A_26 = arith.constant 0 : i32
    %dma_wait3A_27 = tpu.memref_slice %arg9[%dma_wait3A, %dma_wait3A_24, %dma_wait3A_26] : memref<2x12x2048xf32, #tpu.memory_space<vmem>> -> memref<1x1x2048xf32, #tpu.memory_space<vmem>>
    %dma_wait3A_28 = tpu.memref_squeeze %dma_wait3A_27 : memref<1x1x2048xf32, #tpu.memory_space<vmem>> -> memref<2048xf32, #tpu.memory_space<vmem>>
    %dma_wait3A_29 = arith.constant 0 : i32
    %dma_wait3A_30 = tpu.memref_slice %arg5[%dma_wait3A_25, %add3A_23, %dma_wait3A_29] : memref<12x2048x2048xf32, #tpu.memory_space<hbm>> -> memref<1x1x2048xf32, #tpu.memory_space<hbm>>
    %dma_wait3A_31 = tpu.memref_squeeze %dma_wait3A_30 : memref<1x1x2048xf32, #tpu.memory_space<hbm>> -> memref<2048xf32, #tpu.memory_space<hbm>>
    %dma_wait3A_32 = arith.constant 0 : i32
    %dma_wait3A_33 = tpu.memref_slice %arg5[%dma_wait3A_25, %add3A_23, %dma_wait3A_32] : memref<12x2048x2048xf32, #tpu.memory_space<hbm>> -> memref<1x1x2048xf32, #tpu.memory_space<hbm>>
    %dma_wait3A_34 = tpu.memref_squeeze %dma_wait3A_33 : memref<1x1x2048xf32, #tpu.memory_space<hbm>> -> memref<2048xf32, #tpu.memory_space<hbm>>
    %dma_wait3A_35 = arith.constant 0 : i32
    %dma_wait3A_36 = tpu.memref_slice %arg9[%dma_wait3A, %dma_wait3A_24, %dma_wait3A_35] : memref<2x12x2048xf32, #tpu.memory_space<vmem>> -> memref<1x1x2048xf32, #tpu.memory_space<vmem>>
    %dma_wait3A_37 = tpu.memref_squeeze %dma_wait3A_36 : memref<1x1x2048xf32, #tpu.memory_space<vmem>> -> memref<2048xf32, #tpu.memory_space<vmem>>
    tpu.wait_dma2 semaphore(%arg12 : memref<!tpu.dma_semaphore, #tpu.memory_space<semaphore_mem>>) src(%dma_wait3A_37 : memref<2048xf32, #tpu.memory_space<vmem>>) dst(%dma_wait3A_34 : memref<2048xf32, #tpu.memory_space<hbm>>)
    %dma_wait3A_38 = arith.constant 0 : i32
    %dma_wait3A_39 = arith.constant 1 : i32
    %dma_wait3A_40 = arith.constant 1 : i32
    %dma_wait3A_41 = arith.constant 0 : i32
    %dma_wait3A_42 = tpu.memref_slice %arg9[%dma_wait3A_38, %dma_wait3A_39, %dma_wait3A_41] : memref<2x12x2048xf32, #tpu.memory_space<vmem>> -> memref<1x1x2048xf32, #tpu.memory_space<vmem>>
    %dma_wait3A_43 = tpu.memref_squeeze %dma_wait3A_42 : memref<1x1x2048xf32, #tpu.memory_space<vmem>> -> memref<2048xf32, #tpu.memory_space<vmem>>
    %dma_wait3A_44 = arith.constant 0 : i32
    %dma_wait3A_45 = tpu.memref_slice %arg5[%dma_wait3A_40, %add3A_23, %dma_wait3A_44] : memref<12x2048x2048xf32, #tpu.memory_space<hbm>> -> memref<1x1x2048xf32, #tpu.memory_space<hbm>>
    %dma_wait3A_46 = tpu.memref_squeeze %dma_wait3A_45 : memref<1x1x2048xf32, #tpu.memory_space<hbm>> -> memref<2048xf32, #tpu.memory_space<hbm>>
    %dma_wait3A_47 = arith.constant 0 : i32
    %dma_wait3A_48 = tpu.memref_slice %arg5[%dma_wait3A_40, %add3A_23, %dma_wait3A_47] : memref<12x2048x2048xf32, #tpu.memory_space<hbm>> -> memref<1x1x2048xf32, #tpu.memory_space<hbm>>
    %dma_wait3A_49 = tpu.memref_squeeze %dma_wait3A_48 : memref<1x1x2048xf32, #tpu.memory_space<hbm>> -> memref<2048xf32, #tpu.memory_space<hbm>>
    %dma_wait3A_50 = arith.constant 0 : i32
    %dma_wait3A_51 = tpu.memref_slice %arg9[%dma_wait3A_38, %dma_wait3A_39, %dma_wait3A_50] : memref<2x12x2048xf32, #tpu.memory_space<vmem>> -> memref<1x1x2048xf32, #tpu.memory_space<vmem>>
    %dma_wait3A_52 = tpu.memref_squeeze %dma_wait3A_51 : memref<1x1x2048xf32, #tpu.memory_space<vmem>> -> memref<2048xf32, #tpu.memory_space<vmem>>
    tpu.wait_dma2 semaphore(%arg12 : memref<!tpu.dma_semaphore, #tpu.memory_space<semaphore_mem>>) src(%dma_wait3A_52 : memref<2048xf32, #tpu.memory_space<vmem>>) dst(%dma_wait3A_49 : memref<2048xf32, #tpu.memory_space<hbm>>)
    %dma_wait3A_53 = arith.constant 0 : i32
    %dma_wait3A_54 = arith.constant 2 : i32
    %dma_wait3A_55 = arith.constant 2 : i32
    %dma_wait3A_56 = arith.constant 0 : i32
    %dma_wait3A_57 = tpu.memref_slice %arg9[%dma_wait3A_53, %dma_wait3A_54, %dma_wait3A_56] : memref<2x12x2048xf32, #tpu.memory_space<vmem>> -> memref<1x1x2048xf32, #tpu.memory_space<vmem>>
    %dma_wait3A_58 = tpu.memref_squeeze %dma_wait3A_57 : memref<1x1x2048xf32, #tpu.memory_space<vmem>> -> memref<2048xf32, #tpu.memory_space<vmem>>
    %dma_wait3A_59 = arith.constant 0 : i32
    %dma_wait3A_60 = tpu.memref_slice %arg5[%dma_wait3A_55, %add3A_23, %dma_wait3A_59] : memref<12x2048x2048xf32, #tpu.memory_space<hbm>> -> memref<1x1x2048xf32, #tpu.memory_space<hbm>>
    %dma_wait3A_61 = tpu.memref_squeeze %dma_wait3A_60 : memref<1x1x2048xf32, #tpu.memory_space<hbm>> -> memref<2048xf32, #tpu.memory_space<hbm>>
    %dma_wait3A_62 = arith.constant 0 : i32
    %dma_wait3A_63 = tpu.memref_slice %arg5[%dma_wait3A_55, %add3A_23, %dma_wait3A_62] : memref<12x2048x2048xf32, #tpu.memory_space<hbm>> -> memref<1x1x2048xf32, #tpu.memory_space<hbm>>
    %dma_wait3A_64 = tpu.memref_squeeze %dma_wait3A_63 : memref<1x1x2048xf32, #tpu.memory_space<hbm>> -> memref<2048xf32, #tpu.memory_space<hbm>>
    %dma_wait3A_65 = arith.constant 0 : i32
    %dma_wait3A_66 = tpu.memref_slice %arg9[%dma_wait3A_53, %dma_wait3A_54, %dma_wait3A_65] : memref<2x12x2048xf32, #tpu.memory_space<vmem>> -> memref<1x1x2048xf32, #tpu.memory_space<vmem>>
    %dma_wait3A_67 = tpu.memref_squeeze %dma_wait3A_66 : memref<1x1x2048xf32, #tpu.memory_space<vmem>> -> memref<2048xf32, #tpu.memory_space<vmem>>
    tpu.wait_dma2 semaphore(%arg12 : memref<!tpu.dma_semaphore, #tpu.memory_space<semaphore_mem>>) src(%dma_wait3A_67 : memref<2048xf32, #tpu.memory_space<vmem>>) dst(%dma_wait3A_64 : memref<2048xf32, #tpu.memory_space<hbm>>)
    %dma_wait3A_68 = arith.constant 0 : i32
    %dma_wait3A_69 = arith.constant 3 : i32
    %dma_wait3A_70 = arith.constant 3 : i32
    %dma_wait3A_71 = arith.constant 0 : i32
    %dma_wait3A_72 = tpu.memref_slice %arg9[%dma_wait3A_68, %dma_wait3A_69, %dma_wait3A_71] : memref<2x12x2048xf32, #tpu.memory_space<vmem>> -> memref<1x1x2048xf32, #tpu.memory_space<vmem>>
    %dma_wait3A_73 = tpu.memref_squeeze %dma_wait3A_72 : memref<1x1x2048xf32, #tpu.memory_space<vmem>> -> memref<2048xf32, #tpu.memory_space<vmem>>
    %dma_wait3A_74 = arith.constant 0 : i32
    %dma_wait3A_75 = tpu.memref_slice %arg5[%dma_wait3A_70, %add3A_23, %dma_wait3A_74] : memref<12x2048x2048xf32, #tpu.memory_space<hbm>> -> memref<1x1x2048xf32, #tpu.memory_space<hbm>>
    %dma_wait3A_76 = tpu.memref_squeeze %dma_wait3A_75 : memref<1x1x2048xf32, #tpu.memory_space<hbm>> -> memref<2048xf32, #tpu.memory_space<hbm>>
    %dma_wait3A_77 = arith.constant 0 : i32
    %dma_wait3A_78 = tpu.memref_slice %arg5[%dma_wait3A_70, %add3A_23, %dma_wait3A_77] : memref<12x2048x2048xf32, #tpu.memory_space<hbm>> -> memref<1x1x2048xf32, #tpu.memory_space<hbm>>
    %dma_wait3A_79 = tpu.memref_squeeze %dma_wait3A_78 : memref<1x1x2048xf32, #tpu.memory_space<hbm>> -> memref<2048xf32, #tpu.memory_space<hbm>>
    %dma_wait3A_80 = arith.constant 0 : i32
    %dma_wait3A_81 = tpu.memref_slice %arg9[%dma_wait3A_68, %dma_wait3A_69, %dma_wait3A_80] : memref<2x12x2048xf32, #tpu.memory_space<vmem>> -> memref<1x1x2048xf32, #tpu.memory_space<vmem>>
    %dma_wait3A_82 = tpu.memref_squeeze %dma_wait3A_81 : memref<1x1x2048xf32, #tpu.memory_space<vmem>> -> memref<2048xf32, #tpu.memory_space<vmem>>
    tpu.wait_dma2 semaphore(%arg12 : memref<!tpu.dma_semaphore, #tpu.memory_space<semaphore_mem>>) src(%dma_wait3A_82 : memref<2048xf32, #tpu.memory_space<vmem>>) dst(%dma_wait3A_79 : memref<2048xf32, #tpu.memory_space<hbm>>)
    %dma_wait3A_83 = arith.constant 0 : i32
    %dma_wait3A_84 = arith.constant 4 : i32
    %dma_wait3A_85 = arith.constant 4 : i32
    %dma_wait3A_86 = arith.constant 0 : i32
    %dma_wait3A_87 = tpu.memref_slice %arg9[%dma_wait3A_83, %dma_wait3A_84, %dma_wait3A_86] : memref<2x12x2048xf32, #tpu.memory_space<vmem>> -> memref<1x1x2048xf32, #tpu.memory_space<vmem>>
    %dma_wait3A_88 = tpu.memref_squeeze %dma_wait3A_87 : memref<1x1x2048xf32, #tpu.memory_space<vmem>> -> memref<2048xf32, #tpu.memory_space<vmem>>
    %dma_wait3A_89 = arith.constant 0 : i32
    %dma_wait3A_90 = tpu.memref_slice %arg5[%dma_wait3A_85, %add3A_23, %dma_wait3A_89] : memref<12x2048x2048xf32, #tpu.memory_space<hbm>> -> memref<1x1x2048xf32, #tpu.memory_space<hbm>>
    %dma_wait3A_91 = tpu.memref_squeeze %dma_wait3A_90 : memref<1x1x2048xf32, #tpu.memory_space<hbm>> -> memref<2048xf32, #tpu.memory_space<hbm>>
    %dma_wait3A_92 = arith.constant 0 : i32
    %dma_wait3A_93 = tpu.memref_slice %arg5[%dma_wait3A_85, %add3A_23, %dma_wait3A_92] : memref<12x2048x2048xf32, #tpu.memory_space<hbm>> -> memref<1x1x2048xf32, #tpu.memory_space<hbm>>
    %dma_wait3A_94 = tpu.memref_squeeze %dma_wait3A_93 : memref<1x1x2048xf32, #tpu.memory_space<hbm>> -> memref<2048xf32, #tpu.memory_space<hbm>>
    %dma_wait3A_95 = arith.constant 0 : i32
    %dma_wait3A_96 = tpu.memref_slice %arg9[%dma_wait3A_83, %dma_wait3A_84, %dma_wait3A_95] : memref<2x12x2048xf32, #tpu.memory_space<vmem>> -> memref<1x1x2048xf32, #tpu.memory_space<vmem>>
    %dma_wait3A_97 = tpu.memref_squeeze %dma_wait3A_96 : memref<1x1x2048xf32, #tpu.memory_space<vmem>> -> memref<2048xf32, #tpu.memory_space<vmem>>
    tpu.wait_dma2 semaphore(%arg12 : memref<!tpu.dma_semaphore, #tpu.memory_space<semaphore_mem>>) src(%dma_wait3A_97 : memref<2048xf32, #tpu.memory_space<vmem>>) dst(%dma_wait3A_94 : memref<2048xf32, #tpu.memory_space<hbm>>)
    %dma_wait3A_98 = arith.constant 0 : i32
    %dma_wait3A_99 = arith.constant 5 : i32
    %dma_wait3A_100 = arith.constant 5 : i32
    %dma_wait3A_101 = arith.constant 0 : i32
    %dma_wait3A_102 = tpu.memref_slice %arg9[%dma_wait3A_98, %dma_wait3A_99, %dma_wait3A_101] : memref<2x12x2048xf32, #tpu.memory_space<vmem>> -> memref<1x1x2048xf32, #tpu.memory_space<vmem>>
    %dma_wait3A_103 = tpu.memref_squeeze %dma_wait3A_102 : memref<1x1x2048xf32, #tpu.memory_space<vmem>> -> memref<2048xf32, #tpu.memory_space<vmem>>
    %dma_wait3A_104 = arith.constant 0 : i32
    %dma_wait3A_105 = tpu.memref_slice %arg5[%dma_wait3A_100, %add3A_23, %dma_wait3A_104] : memref<12x2048x2048xf32, #tpu.memory_space<hbm>> -> memref<1x1x2048xf32, #tpu.memory_space<hbm>>
    %dma_wait3A_106 = tpu.memref_squeeze %dma_wait3A_105 : memref<1x1x2048xf32, #tpu.memory_space<hbm>> -> memref<2048xf32, #tpu.memory_space<hbm>>
    %dma_wait3A_107 = arith.constant 0 : i32
    %dma_wait3A_108 = tpu.memref_slice %arg5[%dma_wait3A_100, %add3A_23, %dma_wait3A_107] : memref<12x2048x2048xf32, #tpu.memory_space<hbm>> -> memref<1x1x2048xf32, #tpu.memory_space<hbm>>
    %dma_wait3A_109 = tpu.memref_squeeze %dma_wait3A_108 : memref<1x1x2048xf32, #tpu.memory_space<hbm>> -> memref<2048xf32, #tpu.memory_space<hbm>>
    %dma_wait3A_110 = arith.constant 0 : i32
    %dma_wait3A_111 = tpu.memref_slice %arg9[%dma_wait3A_98, %dma_wait3A_99, %dma_wait3A_110] : memref<2x12x2048xf32, #tpu.memory_space<vmem>> -> memref<1x1x2048xf32, #tpu.memory_space<vmem>>
    %dma_wait3A_112 = tpu.memref_squeeze %dma_wait3A_111 : memref<1x1x2048xf32, #tpu.memory_space<vmem>> -> memref<2048xf32, #tpu.memory_space<vmem>>
    tpu.wait_dma2 semaphore(%arg12 : memref<!tpu.dma_semaphore, #tpu.memory_space<semaphore_mem>>) src(%dma_wait3A_112 : memref<2048xf32, #tpu.memory_space<vmem>>) dst(%dma_wait3A_109 : memref<2048xf32, #tpu.memory_space<hbm>>)
    %dma_wait3A_113 = arith.constant 0 : i32
    %dma_wait3A_114 = arith.constant 6 : i32
    %dma_wait3A_115 = arith.constant 6 : i32
    %dma_wait3A_116 = arith.constant 0 : i32
    %dma_wait3A_117 = tpu.memref_slice %arg9[%dma_wait3A_113, %dma_wait3A_114, %dma_wait3A_116] : memref<2x12x2048xf32, #tpu.memory_space<vmem>> -> memref<1x1x2048xf32, #tpu.memory_space<vmem>>
    %dma_wait3A_118 = tpu.memref_squeeze %dma_wait3A_117 : memref<1x1x2048xf32, #tpu.memory_space<vmem>> -> memref<2048xf32, #tpu.memory_space<vmem>>
    %dma_wait3A_119 = arith.constant 0 : i32
    %dma_wait3A_120 = tpu.memref_slice %arg5[%dma_wait3A_115, %add3A_23, %dma_wait3A_119] : memref<12x2048x2048xf32, #tpu.memory_space<hbm>> -> memref<1x1x2048xf32, #tpu.memory_space<hbm>>
    %dma_wait3A_121 = tpu.memref_squeeze %dma_wait3A_120 : memref<1x1x2048xf32, #tpu.memory_space<hbm>> -> memref<2048xf32, #tpu.memory_space<hbm>>
    %dma_wait3A_122 = arith.constant 0 : i32
    %dma_wait3A_123 = tpu.memref_slice %arg5[%dma_wait3A_115, %add3A_23, %dma_wait3A_122] : memref<12x2048x2048xf32, #tpu.memory_space<hbm>> -> memref<1x1x2048xf32, #tpu.memory_space<hbm>>
    %dma_wait3A_124 = tpu.memref_squeeze %dma_wait3A_123 : memref<1x1x2048xf32, #tpu.memory_space<hbm>> -> memref<2048xf32, #tpu.memory_space<hbm>>
    %dma_wait3A_125 = arith.constant 0 : i32
    %dma_wait3A_126 = tpu.memref_slice %arg9[%dma_wait3A_113, %dma_wait3A_114, %dma_wait3A_125] : memref<2x12x2048xf32, #tpu.memory_space<vmem>> -> memref<1x1x2048xf32, #tpu.memory_space<vmem>>
    %dma_wait3A_127 = tpu.memref_squeeze %dma_wait3A_126 : memref<1x1x2048xf32, #tpu.memory_space<vmem>> -> memref<2048xf32, #tpu.memory_space<vmem>>
    tpu.wait_dma2 semaphore(%arg12 : memref<!tpu.dma_semaphore, #tpu.memory_space<semaphore_mem>>) src(%dma_wait3A_127 : memref<2048xf32, #tpu.memory_space<vmem>>) dst(%dma_wait3A_124 : memref<2048xf32, #tpu.memory_space<hbm>>)
    %dma_wait3A_128 = arith.constant 0 : i32
    %dma_wait3A_129 = arith.constant 7 : i32
    %dma_wait3A_130 = arith.constant 7 : i32
    %dma_wait3A_131 = arith.constant 0 : i32
    %dma_wait3A_132 = tpu.memref_slice %arg9[%dma_wait3A_128, %dma_wait3A_129, %dma_wait3A_131] : memref<2x12x2048xf32, #tpu.memory_space<vmem>> -> memref<1x1x2048xf32, #tpu.memory_space<vmem>>
    %dma_wait3A_133 = tpu.memref_squeeze %dma_wait3A_132 : memref<1x1x2048xf32, #tpu.memory_space<vmem>> -> memref<2048xf32, #tpu.memory_space<vmem>>
    %dma_wait3A_134 = arith.constant 0 : i32
    %dma_wait3A_135 = tpu.memref_slice %arg5[%dma_wait3A_130, %add3A_23, %dma_wait3A_134] : memref<12x2048x2048xf32, #tpu.memory_space<hbm>> -> memref<1x1x2048xf32, #tpu.memory_space<hbm>>
    %dma_wait3A_136 = tpu.memref_squeeze %dma_wait3A_135 : memref<1x1x2048xf32, #tpu.memory_space<hbm>> -> memref<2048xf32, #tpu.memory_space<hbm>>
    %dma_wait3A_137 = arith.constant 0 : i32
    %dma_wait3A_138 = tpu.memref_slice %arg5[%dma_wait3A_130, %add3A_23, %dma_wait3A_137] : memref<12x2048x2048xf32, #tpu.memory_space<hbm>> -> memref<1x1x2048xf32, #tpu.memory_space<hbm>>
    %dma_wait3A_139 = tpu.memref_squeeze %dma_wait3A_138 : memref<1x1x2048xf32, #tpu.memory_space<hbm>> -> memref<2048xf32, #tpu.memory_space<hbm>>
    %dma_wait3A_140 = arith.constant 0 : i32
    %dma_wait3A_141 = tpu.memref_slice %arg9[%dma_wait3A_128, %dma_wait3A_129, %dma_wait3A_140] : memref<2x12x2048xf32, #tpu.memory_space<vmem>> -> memref<1x1x2048xf32, #tpu.memory_space<vmem>>
    %dma_wait3A_142 = tpu.memref_squeeze %dma_wait3A_141 : memref<1x1x2048xf32, #tpu.memory_space<vmem>> -> memref<2048xf32, #tpu.memory_space<vmem>>
    tpu.wait_dma2 semaphore(%arg12 : memref<!tpu.dma_semaphore, #tpu.memory_space<semaphore_mem>>) src(%dma_wait3A_142 : memref<2048xf32, #tpu.memory_space<vmem>>) dst(%dma_wait3A_139 : memref<2048xf32, #tpu.memory_space<hbm>>)
    %dma_wait3A_143 = arith.constant 0 : i32
    %dma_wait3A_144 = arith.constant 8 : i32
    %dma_wait3A_145 = arith.constant 8 : i32
    %dma_wait3A_146 = arith.constant 0 : i32
    %dma_wait3A_147 = tpu.memref_slice %arg9[%dma_wait3A_143, %dma_wait3A_144, %dma_wait3A_146] : memref<2x12x2048xf32, #tpu.memory_space<vmem>> -> memref<1x1x2048xf32, #tpu.memory_space<vmem>>
    %dma_wait3A_148 = tpu.memref_squeeze %dma_wait3A_147 : memref<1x1x2048xf32, #tpu.memory_space<vmem>> -> memref<2048xf32, #tpu.memory_space<vmem>>
    %dma_wait3A_149 = arith.constant 0 : i32
    %dma_wait3A_150 = tpu.memref_slice %arg5[%dma_wait3A_145, %add3A_23, %dma_wait3A_149] : memref<12x2048x2048xf32, #tpu.memory_space<hbm>> -> memref<1x1x2048xf32, #tpu.memory_space<hbm>>
    %dma_wait3A_151 = tpu.memref_squeeze %dma_wait3A_150 : memref<1x1x2048xf32, #tpu.memory_space<hbm>> -> memref<2048xf32, #tpu.memory_space<hbm>>
    %dma_wait3A_152 = arith.constant 0 : i32
    %dma_wait3A_153 = tpu.memref_slice %arg5[%dma_wait3A_145, %add3A_23, %dma_wait3A_152] : memref<12x2048x2048xf32, #tpu.memory_space<hbm>> -> memref<1x1x2048xf32, #tpu.memory_space<hbm>>
    %dma_wait3A_154 = tpu.memref_squeeze %dma_wait3A_153 : memref<1x1x2048xf32, #tpu.memory_space<hbm>> -> memref<2048xf32, #tpu.memory_space<hbm>>
    %dma_wait3A_155 = arith.constant 0 : i32
    %dma_wait3A_156 = tpu.memref_slice %arg9[%dma_wait3A_143, %dma_wait3A_144, %dma_wait3A_155] : memref<2x12x2048xf32, #tpu.memory_space<vmem>> -> memref<1x1x2048xf32, #tpu.memory_space<vmem>>
    %dma_wait3A_157 = tpu.memref_squeeze %dma_wait3A_156 : memref<1x1x2048xf32, #tpu.memory_space<vmem>> -> memref<2048xf32, #tpu.memory_space<vmem>>
    tpu.wait_dma2 semaphore(%arg12 : memref<!tpu.dma_semaphore, #tpu.memory_space<semaphore_mem>>) src(%dma_wait3A_157 : memref<2048xf32, #tpu.memory_space<vmem>>) dst(%dma_wait3A_154 : memref<2048xf32, #tpu.memory_space<hbm>>)
    %dma_wait3A_158 = arith.constant 0 : i32
    %dma_wait3A_159 = arith.constant 9 : i32
    %dma_wait3A_160 = arith.constant 9 : i32
    %dma_wait3A_161 = arith.constant 0 : i32
    %dma_wait3A_162 = tpu.memref_slice %arg9[%dma_wait3A_158, %dma_wait3A_159, %dma_wait3A_161] : memref<2x12x2048xf32, #tpu.memory_space<vmem>> -> memref<1x1x2048xf32, #tpu.memory_space<vmem>>
    %dma_wait3A_163 = tpu.memref_squeeze %dma_wait3A_162 : memref<1x1x2048xf32, #tpu.memory_space<vmem>> -> memref<2048xf32, #tpu.memory_space<vmem>>
    %dma_wait3A_164 = arith.constant 0 : i32
    %dma_wait3A_165 = tpu.memref_slice %arg5[%dma_wait3A_160, %add3A_23, %dma_wait3A_164] : memref<12x2048x2048xf32, #tpu.memory_space<hbm>> -> memref<1x1x2048xf32, #tpu.memory_space<hbm>>
    %dma_wait3A_166 = tpu.memref_squeeze %dma_wait3A_165 : memref<1x1x2048xf32, #tpu.memory_space<hbm>> -> memref<2048xf32, #tpu.memory_space<hbm>>
    %dma_wait3A_167 = arith.constant 0 : i32
    %dma_wait3A_168 = tpu.memref_slice %arg5[%dma_wait3A_160, %add3A_23, %dma_wait3A_167] : memref<12x2048x2048xf32, #tpu.memory_space<hbm>> -> memref<1x1x2048xf32, #tpu.memory_space<hbm>>
    %dma_wait3A_169 = tpu.memref_squeeze %dma_wait3A_168 : memref<1x1x2048xf32, #tpu.memory_space<hbm>> -> memref<2048xf32, #tpu.memory_space<hbm>>
    %dma_wait3A_170 = arith.constant 0 : i32
    %dma_wait3A_171 = tpu.memref_slice %arg9[%dma_wait3A_158, %dma_wait3A_159, %dma_wait3A_170] : memref<2x12x2048xf32, #tpu.memory_space<vmem>> -> memref<1x1x2048xf32, #tpu.memory_space<vmem>>
    %dma_wait3A_172 = tpu.memref_squeeze %dma_wait3A_171 : memref<1x1x2048xf32, #tpu.memory_space<vmem>> -> memref<2048xf32, #tpu.memory_space<vmem>>
    tpu.wait_dma2 semaphore(%arg12 : memref<!tpu.dma_semaphore, #tpu.memory_space<semaphore_mem>>) src(%dma_wait3A_172 : memref<2048xf32, #tpu.memory_space<vmem>>) dst(%dma_wait3A_169 : memref<2048xf32, #tpu.memory_space<hbm>>)
    %dma_wait3A_173 = arith.constant 0 : i32
    %dma_wait3A_174 = arith.constant 10 : i32
    %dma_wait3A_175 = arith.constant 10 : i32
    %dma_wait3A_176 = arith.constant 0 : i32
    %dma_wait3A_177 = tpu.memref_slice %arg9[%dma_wait3A_173, %dma_wait3A_174, %dma_wait3A_176] : memref<2x12x2048xf32, #tpu.memory_space<vmem>> -> memref<1x1x2048xf32, #tpu.memory_space<vmem>>
    %dma_wait3A_178 = tpu.memref_squeeze %dma_wait3A_177 : memref<1x1x2048xf32, #tpu.memory_space<vmem>> -> memref<2048xf32, #tpu.memory_space<vmem>>
    %dma_wait3A_179 = arith.constant 0 : i32
    %dma_wait3A_180 = tpu.memref_slice %arg5[%dma_wait3A_175, %add3A_23, %dma_wait3A_179] : memref<12x2048x2048xf32, #tpu.memory_space<hbm>> -> memref<1x1x2048xf32, #tpu.memory_space<hbm>>
    %dma_wait3A_181 = tpu.memref_squeeze %dma_wait3A_180 : memref<1x1x2048xf32, #tpu.memory_space<hbm>> -> memref<2048xf32, #tpu.memory_space<hbm>>
    %dma_wait3A_182 = arith.constant 0 : i32
    %dma_wait3A_183 = tpu.memref_slice %arg5[%dma_wait3A_175, %add3A_23, %dma_wait3A_182] : memref<12x2048x2048xf32, #tpu.memory_space<hbm>> -> memref<1x1x2048xf32, #tpu.memory_space<hbm>>
    %dma_wait3A_184 = tpu.memref_squeeze %dma_wait3A_183 : memref<1x1x2048xf32, #tpu.memory_space<hbm>> -> memref<2048xf32, #tpu.memory_space<hbm>>
    %dma_wait3A_185 = arith.constant 0 : i32
    %dma_wait3A_186 = tpu.memref_slice %arg9[%dma_wait3A_173, %dma_wait3A_174, %dma_wait3A_185] : memref<2x12x2048xf32, #tpu.memory_space<vmem>> -> memref<1x1x2048xf32, #tpu.memory_space<vmem>>
    %dma_wait3A_187 = tpu.memref_squeeze %dma_wait3A_186 : memref<1x1x2048xf32, #tpu.memory_space<vmem>> -> memref<2048xf32, #tpu.memory_space<vmem>>
    tpu.wait_dma2 semaphore(%arg12 : memref<!tpu.dma_semaphore, #tpu.memory_space<semaphore_mem>>) src(%dma_wait3A_187 : memref<2048xf32, #tpu.memory_space<vmem>>) dst(%dma_wait3A_184 : memref<2048xf32, #tpu.memory_space<hbm>>)
    %dma_wait3A_188 = arith.constant 0 : i32
    %dma_wait3A_189 = arith.constant 11 : i32
    %dma_wait3A_190 = arith.constant 11 : i32
    %dma_wait3A_191 = arith.constant 0 : i32
    %dma_wait3A_192 = tpu.memref_slice %arg9[%dma_wait3A_188, %dma_wait3A_189, %dma_wait3A_191] : memref<2x12x2048xf32, #tpu.memory_space<vmem>> -> memref<1x1x2048xf32, #tpu.memory_space<vmem>>
    %dma_wait3A_193 = tpu.memref_squeeze %dma_wait3A_192 : memref<1x1x2048xf32, #tpu.memory_space<vmem>> -> memref<2048xf32, #tpu.memory_space<vmem>>
    %dma_wait3A_194 = arith.constant 0 : i32
    %dma_wait3A_195 = tpu.memref_slice %arg5[%dma_wait3A_190, %add3A_23, %dma_wait3A_194] : memref<12x2048x2048xf32, #tpu.memory_space<hbm>> -> memref<1x1x2048xf32, #tpu.memory_space<hbm>>
    %dma_wait3A_196 = tpu.memref_squeeze %dma_wait3A_195 : memref<1x1x2048xf32, #tpu.memory_space<hbm>> -> memref<2048xf32, #tpu.memory_space<hbm>>
    %dma_wait3A_197 = arith.constant 0 : i32
    %dma_wait3A_198 = tpu.memref_slice %arg5[%dma_wait3A_190, %add3A_23, %dma_wait3A_197] : memref<12x2048x2048xf32, #tpu.memory_space<hbm>> -> memref<1x1x2048xf32, #tpu.memory_space<hbm>>
    %dma_wait3A_199 = tpu.memref_squeeze %dma_wait3A_198 : memref<1x1x2048xf32, #tpu.memory_space<hbm>> -> memref<2048xf32, #tpu.memory_space<hbm>>
    %dma_wait3A_200 = arith.constant 0 : i32
    %dma_wait3A_201 = tpu.memref_slice %arg9[%dma_wait3A_188, %dma_wait3A_189, %dma_wait3A_200] : memref<2x12x2048xf32, #tpu.memory_space<vmem>> -> memref<1x1x2048xf32, #tpu.memory_space<vmem>>
    %dma_wait3A_202 = tpu.memref_squeeze %dma_wait3A_201 : memref<1x1x2048xf32, #tpu.memory_space<vmem>> -> memref<2048xf32, #tpu.memory_space<vmem>>
    tpu.wait_dma2 semaphore(%arg12 : memref<!tpu.dma_semaphore, #tpu.memory_space<semaphore_mem>>) src(%dma_wait3A_202 : memref<2048xf32, #tpu.memory_space<vmem>>) dst(%dma_wait3A_199 : memref<2048xf32, #tpu.memory_space<hbm>>)
    %add3A_203 = arith.constant 64 : i32
    %add3A_204 = arith.addi %mul3A_2, %add3A_203 : i32
    %sub3A_205 = arith.constant 2 : i32
    %sub3A_206 = arith.subi %add3A_204, %sub3A_205 : i32
    %add3A_207 = arith.constant 1 : i32
    %add3A_208 = arith.addi %sub3A_206, %add3A_207 : i32
    %dma_wait3A_209 = arith.constant 1 : i32
    %dma_wait3A_210 = arith.constant 0 : i32
    %dma_wait3A_211 = arith.constant 0 : i32
    %dma_wait3A_212 = arith.constant 0 : i32
    %dma_wait3A_213 = tpu.memref_slice %arg9[%dma_wait3A_209, %dma_wait3A_210, %dma_wait3A_212] : memref<2x12x2048xf32, #tpu.memory_space<vmem>> -> memref<1x1x2048xf32, #tpu.memory_space<vmem>>
    %dma_wait3A_214 = tpu.memref_squeeze %dma_wait3A_213 : memref<1x1x2048xf32, #tpu.memory_space<vmem>> -> memref<2048xf32, #tpu.memory_space<vmem>>
    %dma_wait3A_215 = arith.constant 0 : i32
    %dma_wait3A_216 = tpu.memref_slice %arg5[%dma_wait3A_211, %add3A_208, %dma_wait3A_215] : memref<12x2048x2048xf32, #tpu.memory_space<hbm>> -> memref<1x1x2048xf32, #tpu.memory_space<hbm>>
    %dma_wait3A_217 = tpu.memref_squeeze %dma_wait3A_216 : memref<1x1x2048xf32, #tpu.memory_space<hbm>> -> memref<2048xf32, #tpu.memory_space<hbm>>
    %dma_wait3A_218 = arith.constant 0 : i32
    %dma_wait3A_219 = tpu.memref_slice %arg5[%dma_wait3A_211, %add3A_208, %dma_wait3A_218] : memref<12x2048x2048xf32, #tpu.memory_space<hbm>> -> memref<1x1x2048xf32, #tpu.memory_space<hbm>>
    %dma_wait3A_220 = tpu.memref_squeeze %dma_wait3A_219 : memref<1x1x2048xf32, #tpu.memory_space<hbm>> -> memref<2048xf32, #tpu.memory_space<hbm>>
    %dma_wait3A_221 = arith.constant 0 : i32
    %dma_wait3A_222 = tpu.memref_slice %arg9[%dma_wait3A_209, %dma_wait3A_210, %dma_wait3A_221] : memref<2x12x2048xf32, #tpu.memory_space<vmem>> -> memref<1x1x2048xf32, #tpu.memory_space<vmem>>
    %dma_wait3A_223 = tpu.memref_squeeze %dma_wait3A_222 : memref<1x1x2048xf32, #tpu.memory_space<vmem>> -> memref<2048xf32, #tpu.memory_space<vmem>>
    tpu.wait_dma2 semaphore(%arg13 : memref<!tpu.dma_semaphore, #tpu.memory_space<semaphore_mem>>) src(%dma_wait3A_223 : memref<2048xf32, #tpu.memory_space<vmem>>) dst(%dma_wait3A_220 : memref<2048xf32, #tpu.memory_space<hbm>>)
    %dma_wait3A_224 = arith.constant 1 : i32
    %dma_wait3A_225 = arith.constant 1 : i32
    %dma_wait3A_226 = arith.constant 1 : i32
    %dma_wait3A_227 = arith.constant 0 : i32
    %dma_wait3A_228 = tpu.memref_slice %arg9[%dma_wait3A_224, %dma_wait3A_225, %dma_wait3A_227] : memref<2x12x2048xf32, #tpu.memory_space<vmem>> -> memref<1x1x2048xf32, #tpu.memory_space<vmem>>
    %dma_wait3A_229 = tpu.memref_squeeze %dma_wait3A_228 : memref<1x1x2048xf32, #tpu.memory_space<vmem>> -> memref<2048xf32, #tpu.memory_space<vmem>>
    %dma_wait3A_230 = arith.constant 0 : i32
    %dma_wait3A_231 = tpu.memref_slice %arg5[%dma_wait3A_226, %add3A_208, %dma_wait3A_230] : memref<12x2048x2048xf32, #tpu.memory_space<hbm>> -> memref<1x1x2048xf32, #tpu.memory_space<hbm>>
    %dma_wait3A_232 = tpu.memref_squeeze %dma_wait3A_231 : memref<1x1x2048xf32, #tpu.memory_space<hbm>> -> memref<2048xf32, #tpu.memory_space<hbm>>
    %dma_wait3A_233 = arith.constant 0 : i32
    %dma_wait3A_234 = tpu.memref_slice %arg5[%dma_wait3A_226, %add3A_208, %dma_wait3A_233] : memref<12x2048x2048xf32, #tpu.memory_space<hbm>> -> memref<1x1x2048xf32, #tpu.memory_space<hbm>>
    %dma_wait3A_235 = tpu.memref_squeeze %dma_wait3A_234 : memref<1x1x2048xf32, #tpu.memory_space<hbm>> -> memref<2048xf32, #tpu.memory_space<hbm>>
    %dma_wait3A_236 = arith.constant 0 : i32
    %dma_wait3A_237 = tpu.memref_slice %arg9[%dma_wait3A_224, %dma_wait3A_225, %dma_wait3A_236] : memref<2x12x2048xf32, #tpu.memory_space<vmem>> -> memref<1x1x2048xf32, #tpu.memory_space<vmem>>
    %dma_wait3A_238 = tpu.memref_squeeze %dma_wait3A_237 : memref<1x1x2048xf32, #tpu.memory_space<vmem>> -> memref<2048xf32, #tpu.memory_space<vmem>>
    tpu.wait_dma2 semaphore(%arg13 : memref<!tpu.dma_semaphore, #tpu.memory_space<semaphore_mem>>) src(%dma_wait3A_238 : memref<2048xf32, #tpu.memory_space<vmem>>) dst(%dma_wait3A_235 : memref<2048xf32, #tpu.memory_space<hbm>>)
    %dma_wait3A_239 = arith.constant 1 : i32
    %dma_wait3A_240 = arith.constant 2 : i32
    %dma_wait3A_241 = arith.constant 2 : i32
    %dma_wait3A_242 = arith.constant 0 : i32
    %dma_wait3A_243 = tpu.memref_slice %arg9[%dma_wait3A_239, %dma_wait3A_240, %dma_wait3A_242] : memref<2x12x2048xf32, #tpu.memory_space<vmem>> -> memref<1x1x2048xf32, #tpu.memory_space<vmem>>
    %dma_wait3A_244 = tpu.memref_squeeze %dma_wait3A_243 : memref<1x1x2048xf32, #tpu.memory_space<vmem>> -> memref<2048xf32, #tpu.memory_space<vmem>>
    %dma_wait3A_245 = arith.constant 0 : i32
    %dma_wait3A_246 = tpu.memref_slice %arg5[%dma_wait3A_241, %add3A_208, %dma_wait3A_245] : memref<12x2048x2048xf32, #tpu.memory_space<hbm>> -> memref<1x1x2048xf32, #tpu.memory_space<hbm>>
    %dma_wait3A_247 = tpu.memref_squeeze %dma_wait3A_246 : memref<1x1x2048xf32, #tpu.memory_space<hbm>> -> memref<2048xf32, #tpu.memory_space<hbm>>
    %dma_wait3A_248 = arith.constant 0 : i32
    %dma_wait3A_249 = tpu.memref_slice %arg5[%dma_wait3A_241, %add3A_208, %dma_wait3A_248] : memref<12x2048x2048xf32, #tpu.memory_space<hbm>> -> memref<1x1x2048xf32, #tpu.memory_space<hbm>>
    %dma_wait3A_250 = tpu.memref_squeeze %dma_wait3A_249 : memref<1x1x2048xf32, #tpu.memory_space<hbm>> -> memref<2048xf32, #tpu.memory_space<hbm>>
    %dma_wait3A_251 = arith.constant 0 : i32
    %dma_wait3A_252 = tpu.memref_slice %arg9[%dma_wait3A_239, %dma_wait3A_240, %dma_wait3A_251] : memref<2x12x2048xf32, #tpu.memory_space<vmem>> -> memref<1x1x2048xf32, #tpu.memory_space<vmem>>
    %dma_wait3A_253 = tpu.memref_squeeze %dma_wait3A_252 : memref<1x1x2048xf32, #tpu.memory_space<vmem>> -> memref<2048xf32, #tpu.memory_space<vmem>>
    tpu.wait_dma2 semaphore(%arg13 : memref<!tpu.dma_semaphore, #tpu.memory_space<semaphore_mem>>) src(%dma_wait3A_253 : memref<2048xf32, #tpu.memory_space<vmem>>) dst(%dma_wait3A_250 : memref<2048xf32, #tpu.memory_space<hbm>>)
    %dma_wait3A_254 = arith.constant 1 : i32
    %dma_wait3A_255 = arith.constant 3 : i32
    %dma_wait3A_256 = arith.constant 3 : i32
    %dma_wait3A_257 = arith.constant 0 : i32
    %dma_wait3A_258 = tpu.memref_slice %arg9[%dma_wait3A_254, %dma_wait3A_255, %dma_wait3A_257] : memref<2x12x2048xf32, #tpu.memory_space<vmem>> -> memref<1x1x2048xf32, #tpu.memory_space<vmem>>
    %dma_wait3A_259 = tpu.memref_squeeze %dma_wait3A_258 : memref<1x1x2048xf32, #tpu.memory_space<vmem>> -> memref<2048xf32, #tpu.memory_space<vmem>>
    %dma_wait3A_260 = arith.constant 0 : i32
    %dma_wait3A_261 = tpu.memref_slice %arg5[%dma_wait3A_256, %add3A_208, %dma_wait3A_260] : memref<12x2048x2048xf32, #tpu.memory_space<hbm>> -> memref<1x1x2048xf32, #tpu.memory_space<hbm>>
    %dma_wait3A_262 = tpu.memref_squeeze %dma_wait3A_261 : memref<1x1x2048xf32, #tpu.memory_space<hbm>> -> memref<2048xf32, #tpu.memory_space<hbm>>
    %dma_wait3A_263 = arith.constant 0 : i32
    %dma_wait3A_264 = tpu.memref_slice %arg5[%dma_wait3A_256, %add3A_208, %dma_wait3A_263] : memref<12x2048x2048xf32, #tpu.memory_space<hbm>> -> memref<1x1x2048xf32, #tpu.memory_space<hbm>>
    %dma_wait3A_265 = tpu.memref_squeeze %dma_wait3A_264 : memref<1x1x2048xf32, #tpu.memory_space<hbm>> -> memref<2048xf32, #tpu.memory_space<hbm>>
    %dma_wait3A_266 = arith.constant 0 : i32
    %dma_wait3A_267 = tpu.memref_slice %arg9[%dma_wait3A_254, %dma_wait3A_255, %dma_wait3A_266] : memref<2x12x2048xf32, #tpu.memory_space<vmem>> -> memref<1x1x2048xf32, #tpu.memory_space<vmem>>
    %dma_wait3A_268 = tpu.memref_squeeze %dma_wait3A_267 : memref<1x1x2048xf32, #tpu.memory_space<vmem>> -> memref<2048xf32, #tpu.memory_space<vmem>>
    tpu.wait_dma2 semaphore(%arg13 : memref<!tpu.dma_semaphore, #tpu.memory_space<semaphore_mem>>) src(%dma_wait3A_268 : memref<2048xf32, #tpu.memory_space<vmem>>) dst(%dma_wait3A_265 : memref<2048xf32, #tpu.memory_space<hbm>>)
    %dma_wait3A_269 = arith.constant 1 : i32
    %dma_wait3A_270 = arith.constant 4 : i32
    %dma_wait3A_271 = arith.constant 4 : i32
    %dma_wait3A_272 = arith.constant 0 : i32
    %dma_wait3A_273 = tpu.memref_slice %arg9[%dma_wait3A_269, %dma_wait3A_270, %dma_wait3A_272] : memref<2x12x2048xf32, #tpu.memory_space<vmem>> -> memref<1x1x2048xf32, #tpu.memory_space<vmem>>
    %dma_wait3A_274 = tpu.memref_squeeze %dma_wait3A_273 : memref<1x1x2048xf32, #tpu.memory_space<vmem>> -> memref<2048xf32, #tpu.memory_space<vmem>>
    %dma_wait3A_275 = arith.constant 0 : i32
    %dma_wait3A_276 = tpu.memref_slice %arg5[%dma_wait3A_271, %add3A_208, %dma_wait3A_275] : memref<12x2048x2048xf32, #tpu.memory_space<hbm>> -> memref<1x1x2048xf32, #tpu.memory_space<hbm>>
    %dma_wait3A_277 = tpu.memref_squeeze %dma_wait3A_276 : memref<1x1x2048xf32, #tpu.memory_space<hbm>> -> memref<2048xf32, #tpu.memory_space<hbm>>
    %dma_wait3A_278 = arith.constant 0 : i32
    %dma_wait3A_279 = tpu.memref_slice %arg5[%dma_wait3A_271, %add3A_208, %dma_wait3A_278] : memref<12x2048x2048xf32, #tpu.memory_space<hbm>> -> memref<1x1x2048xf32, #tpu.memory_space<hbm>>
    %dma_wait3A_280 = tpu.memref_squeeze %dma_wait3A_279 : memref<1x1x2048xf32, #tpu.memory_space<hbm>> -> memref<2048xf32, #tpu.memory_space<hbm>>
    %dma_wait3A_281 = arith.constant 0 : i32
    %dma_wait3A_282 = tpu.memref_slice %arg9[%dma_wait3A_269, %dma_wait3A_270, %dma_wait3A_281] : memref<2x12x2048xf32, #tpu.memory_space<vmem>> -> memref<1x1x2048xf32, #tpu.memory_space<vmem>>
    %dma_wait3A_283 = tpu.memref_squeeze %dma_wait3A_282 : memref<1x1x2048xf32, #tpu.memory_space<vmem>> -> memref<2048xf32, #tpu.memory_space<vmem>>
    tpu.wait_dma2 semaphore(%arg13 : memref<!tpu.dma_semaphore, #tpu.memory_space<semaphore_mem>>) src(%dma_wait3A_283 : memref<2048xf32, #tpu.memory_space<vmem>>) dst(%dma_wait3A_280 : memref<2048xf32, #tpu.memory_space<hbm>>)
    %dma_wait3A_284 = arith.constant 1 : i32
    %dma_wait3A_285 = arith.constant 5 : i32
    %dma_wait3A_286 = arith.constant 5 : i32
    %dma_wait3A_287 = arith.constant 0 : i32
    %dma_wait3A_288 = tpu.memref_slice %arg9[%dma_wait3A_284, %dma_wait3A_285, %dma_wait3A_287] : memref<2x12x2048xf32, #tpu.memory_space<vmem>> -> memref<1x1x2048xf32, #tpu.memory_space<vmem>>
    %dma_wait3A_289 = tpu.memref_squeeze %dma_wait3A_288 : memref<1x1x2048xf32, #tpu.memory_space<vmem>> -> memref<2048xf32, #tpu.memory_space<vmem>>
    %dma_wait3A_290 = arith.constant 0 : i32
    %dma_wait3A_291 = tpu.memref_slice %arg5[%dma_wait3A_286, %add3A_208, %dma_wait3A_290] : memref<12x2048x2048xf32, #tpu.memory_space<hbm>> -> memref<1x1x2048xf32, #tpu.memory_space<hbm>>
    %dma_wait3A_292 = tpu.memref_squeeze %dma_wait3A_291 : memref<1x1x2048xf32, #tpu.memory_space<hbm>> -> memref<2048xf32, #tpu.memory_space<hbm>>
    %dma_wait3A_293 = arith.constant 0 : i32
    %dma_wait3A_294 = tpu.memref_slice %arg5[%dma_wait3A_286, %add3A_208, %dma_wait3A_293] : memref<12x2048x2048xf32, #tpu.memory_space<hbm>> -> memref<1x1x2048xf32, #tpu.memory_space<hbm>>
    %dma_wait3A_295 = tpu.memref_squeeze %dma_wait3A_294 : memref<1x1x2048xf32, #tpu.memory_space<hbm>> -> memref<2048xf32, #tpu.memory_space<hbm>>
    %dma_wait3A_296 = arith.constant 0 : i32
    %dma_wait3A_297 = tpu.memref_slice %arg9[%dma_wait3A_284, %dma_wait3A_285, %dma_wait3A_296] : memref<2x12x2048xf32, #tpu.memory_space<vmem>> -> memref<1x1x2048xf32, #tpu.memory_space<vmem>>
    %dma_wait3A_298 = tpu.memref_squeeze %dma_wait3A_297 : memref<1x1x2048xf32, #tpu.memory_space<vmem>> -> memref<2048xf32, #tpu.memory_space<vmem>>
    tpu.wait_dma2 semaphore(%arg13 : memref<!tpu.dma_semaphore, #tpu.memory_space<semaphore_mem>>) src(%dma_wait3A_298 : memref<2048xf32, #tpu.memory_space<vmem>>) dst(%dma_wait3A_295 : memref<2048xf32, #tpu.memory_space<hbm>>)
    %dma_wait3A_299 = arith.constant 1 : i32
    %dma_wait3A_300 = arith.constant 6 : i32
    %dma_wait3A_301 = arith.constant 6 : i32
    %dma_wait3A_302 = arith.constant 0 : i32
    %dma_wait3A_303 = tpu.memref_slice %arg9[%dma_wait3A_299, %dma_wait3A_300, %dma_wait3A_302] : memref<2x12x2048xf32, #tpu.memory_space<vmem>> -> memref<1x1x2048xf32, #tpu.memory_space<vmem>>
    %dma_wait3A_304 = tpu.memref_squeeze %dma_wait3A_303 : memref<1x1x2048xf32, #tpu.memory_space<vmem>> -> memref<2048xf32, #tpu.memory_space<vmem>>
    %dma_wait3A_305 = arith.constant 0 : i32
    %dma_wait3A_306 = tpu.memref_slice %arg5[%dma_wait3A_301, %add3A_208, %dma_wait3A_305] : memref<12x2048x2048xf32, #tpu.memory_space<hbm>> -> memref<1x1x2048xf32, #tpu.memory_space<hbm>>
    %dma_wait3A_307 = tpu.memref_squeeze %dma_wait3A_306 : memref<1x1x2048xf32, #tpu.memory_space<hbm>> -> memref<2048xf32, #tpu.memory_space<hbm>>
    %dma_wait3A_308 = arith.constant 0 : i32
    %dma_wait3A_309 = tpu.memref_slice %arg5[%dma_wait3A_301, %add3A_208, %dma_wait3A_308] : memref<12x2048x2048xf32, #tpu.memory_space<hbm>> -> memref<1x1x2048xf32, #tpu.memory_space<hbm>>
    %dma_wait3A_310 = tpu.memref_squeeze %dma_wait3A_309 : memref<1x1x2048xf32, #tpu.memory_space<hbm>> -> memref<2048xf32, #tpu.memory_space<hbm>>
    %dma_wait3A_311 = arith.constant 0 : i32
    %dma_wait3A_312 = tpu.memref_slice %arg9[%dma_wait3A_299, %dma_wait3A_300, %dma_wait3A_311] : memref<2x12x2048xf32, #tpu.memory_space<vmem>> -> memref<1x1x2048xf32, #tpu.memory_space<vmem>>
    %dma_wait3A_313 = tpu.memref_squeeze %dma_wait3A_312 : memref<1x1x2048xf32, #tpu.memory_space<vmem>> -> memref<2048xf32, #tpu.memory_space<vmem>>
    tpu.wait_dma2 semaphore(%arg13 : memref<!tpu.dma_semaphore, #tpu.memory_space<semaphore_mem>>) src(%dma_wait3A_313 : memref<2048xf32, #tpu.memory_space<vmem>>) dst(%dma_wait3A_310 : memref<2048xf32, #tpu.memory_space<hbm>>)
    %dma_wait3A_314 = arith.constant 1 : i32
    %dma_wait3A_315 = arith.constant 7 : i32
    %dma_wait3A_316 = arith.constant 7 : i32
    %dma_wait3A_317 = arith.constant 0 : i32
    %dma_wait3A_318 = tpu.memref_slice %arg9[%dma_wait3A_314, %dma_wait3A_315, %dma_wait3A_317] : memref<2x12x2048xf32, #tpu.memory_space<vmem>> -> memref<1x1x2048xf32, #tpu.memory_space<vmem>>
    %dma_wait3A_319 = tpu.memref_squeeze %dma_wait3A_318 : memref<1x1x2048xf32, #tpu.memory_space<vmem>> -> memref<2048xf32, #tpu.memory_space<vmem>>
    %dma_wait3A_320 = arith.constant 0 : i32
    %dma_wait3A_321 = tpu.memref_slice %arg5[%dma_wait3A_316, %add3A_208, %dma_wait3A_320] : memref<12x2048x2048xf32, #tpu.memory_space<hbm>> -> memref<1x1x2048xf32, #tpu.memory_space<hbm>>
    %dma_wait3A_322 = tpu.memref_squeeze %dma_wait3A_321 : memref<1x1x2048xf32, #tpu.memory_space<hbm>> -> memref<2048xf32, #tpu.memory_space<hbm>>
    %dma_wait3A_323 = arith.constant 0 : i32
    %dma_wait3A_324 = tpu.memref_slice %arg5[%dma_wait3A_316, %add3A_208, %dma_wait3A_323] : memref<12x2048x2048xf32, #tpu.memory_space<hbm>> -> memref<1x1x2048xf32, #tpu.memory_space<hbm>>
    %dma_wait3A_325 = tpu.memref_squeeze %dma_wait3A_324 : memref<1x1x2048xf32, #tpu.memory_space<hbm>> -> memref<2048xf32, #tpu.memory_space<hbm>>
    %dma_wait3A_326 = arith.constant 0 : i32
    %dma_wait3A_327 = tpu.memref_slice %arg9[%dma_wait3A_314, %dma_wait3A_315, %dma_wait3A_326] : memref<2x12x2048xf32, #tpu.memory_space<vmem>> -> memref<1x1x2048xf32, #tpu.memory_space<vmem>>
    %dma_wait3A_328 = tpu.memref_squeeze %dma_wait3A_327 : memref<1x1x2048xf32, #tpu.memory_space<vmem>> -> memref<2048xf32, #tpu.memory_space<vmem>>
    tpu.wait_dma2 semaphore(%arg13 : memref<!tpu.dma_semaphore, #tpu.memory_space<semaphore_mem>>) src(%dma_wait3A_328 : memref<2048xf32, #tpu.memory_space<vmem>>) dst(%dma_wait3A_325 : memref<2048xf32, #tpu.memory_space<hbm>>)
    %dma_wait3A_329 = arith.constant 1 : i32
    %dma_wait3A_330 = arith.constant 8 : i32
    %dma_wait3A_331 = arith.constant 8 : i32
    %dma_wait3A_332 = arith.constant 0 : i32
    %dma_wait3A_333 = tpu.memref_slice %arg9[%dma_wait3A_329, %dma_wait3A_330, %dma_wait3A_332] : memref<2x12x2048xf32, #tpu.memory_space<vmem>> -> memref<1x1x2048xf32, #tpu.memory_space<vmem>>
    %dma_wait3A_334 = tpu.memref_squeeze %dma_wait3A_333 : memref<1x1x2048xf32, #tpu.memory_space<vmem>> -> memref<2048xf32, #tpu.memory_space<vmem>>
    %dma_wait3A_335 = arith.constant 0 : i32
    %dma_wait3A_336 = tpu.memref_slice %arg5[%dma_wait3A_331, %add3A_208, %dma_wait3A_335] : memref<12x2048x2048xf32, #tpu.memory_space<hbm>> -> memref<1x1x2048xf32, #tpu.memory_space<hbm>>
    %dma_wait3A_337 = tpu.memref_squeeze %dma_wait3A_336 : memref<1x1x2048xf32, #tpu.memory_space<hbm>> -> memref<2048xf32, #tpu.memory_space<hbm>>
    %dma_wait3A_338 = arith.constant 0 : i32
    %dma_wait3A_339 = tpu.memref_slice %arg5[%dma_wait3A_331, %add3A_208, %dma_wait3A_338] : memref<12x2048x2048xf32, #tpu.memory_space<hbm>> -> memref<1x1x2048xf32, #tpu.memory_space<hbm>>
    %dma_wait3A_340 = tpu.memref_squeeze %dma_wait3A_339 : memref<1x1x2048xf32, #tpu.memory_space<hbm>> -> memref<2048xf32, #tpu.memory_space<hbm>>
    %dma_wait3A_341 = arith.constant 0 : i32
    %dma_wait3A_342 = tpu.memref_slice %arg9[%dma_wait3A_329, %dma_wait3A_330, %dma_wait3A_341] : memref<2x12x2048xf32, #tpu.memory_space<vmem>> -> memref<1x1x2048xf32, #tpu.memory_space<vmem>>
    %dma_wait3A_343 = tpu.memref_squeeze %dma_wait3A_342 : memref<1x1x2048xf32, #tpu.memory_space<vmem>> -> memref<2048xf32, #tpu.memory_space<vmem>>
    tpu.wait_dma2 semaphore(%arg13 : memref<!tpu.dma_semaphore, #tpu.memory_space<semaphore_mem>>) src(%dma_wait3A_343 : memref<2048xf32, #tpu.memory_space<vmem>>) dst(%dma_wait3A_340 : memref<2048xf32, #tpu.memory_space<hbm>>)
    %dma_wait3A_344 = arith.constant 1 : i32
    %dma_wait3A_345 = arith.constant 9 : i32
    %dma_wait3A_346 = arith.constant 9 : i32
    %dma_wait3A_347 = arith.constant 0 : i32
    %dma_wait3A_348 = tpu.memref_slice %arg9[%dma_wait3A_344, %dma_wait3A_345, %dma_wait3A_347] : memref<2x12x2048xf32, #tpu.memory_space<vmem>> -> memref<1x1x2048xf32, #tpu.memory_space<vmem>>
    %dma_wait3A_349 = tpu.memref_squeeze %dma_wait3A_348 : memref<1x1x2048xf32, #tpu.memory_space<vmem>> -> memref<2048xf32, #tpu.memory_space<vmem>>
    %dma_wait3A_350 = arith.constant 0 : i32
    %dma_wait3A_351 = tpu.memref_slice %arg5[%dma_wait3A_346, %add3A_208, %dma_wait3A_350] : memref<12x2048x2048xf32, #tpu.memory_space<hbm>> -> memref<1x1x2048xf32, #tpu.memory_space<hbm>>
    %dma_wait3A_352 = tpu.memref_squeeze %dma_wait3A_351 : memref<1x1x2048xf32, #tpu.memory_space<hbm>> -> memref<2048xf32, #tpu.memory_space<hbm>>
    %dma_wait3A_353 = arith.constant 0 : i32
    %dma_wait3A_354 = tpu.memref_slice %arg5[%dma_wait3A_346, %add3A_208, %dma_wait3A_353] : memref<12x2048x2048xf32, #tpu.memory_space<hbm>> -> memref<1x1x2048xf32, #tpu.memory_space<hbm>>
    %dma_wait3A_355 = tpu.memref_squeeze %dma_wait3A_354 : memref<1x1x2048xf32, #tpu.memory_space<hbm>> -> memref<2048xf32, #tpu.memory_space<hbm>>
    %dma_wait3A_356 = arith.constant 0 : i32
    %dma_wait3A_357 = tpu.memref_slice %arg9[%dma_wait3A_344, %dma_wait3A_345, %dma_wait3A_356] : memref<2x12x2048xf32, #tpu.memory_space<vmem>> -> memref<1x1x2048xf32, #tpu.memory_space<vmem>>
    %dma_wait3A_358 = tpu.memref_squeeze %dma_wait3A_357 : memref<1x1x2048xf32, #tpu.memory_space<vmem>> -> memref<2048xf32, #tpu.memory_space<vmem>>
    tpu.wait_dma2 semaphore(%arg13 : memref<!tpu.dma_semaphore, #tpu.memory_space<semaphore_mem>>) src(%dma_wait3A_358 : memref<2048xf32, #tpu.memory_space<vmem>>) dst(%dma_wait3A_355 : memref<2048xf32, #tpu.memory_space<hbm>>)
    %dma_wait3A_359 = arith.constant 1 : i32
    %dma_wait3A_360 = arith.constant 10 : i32
    %dma_wait3A_361 = arith.constant 10 : i32
    %dma_wait3A_362 = arith.constant 0 : i32
    %dma_wait3A_363 = tpu.memref_slice %arg9[%dma_wait3A_359, %dma_wait3A_360, %dma_wait3A_362] : memref<2x12x2048xf32, #tpu.memory_space<vmem>> -> memref<1x1x2048xf32, #tpu.memory_space<vmem>>
    %dma_wait3A_364 = tpu.memref_squeeze %dma_wait3A_363 : memref<1x1x2048xf32, #tpu.memory_space<vmem>> -> memref<2048xf32, #tpu.memory_space<vmem>>
    %dma_wait3A_365 = arith.constant 0 : i32
    %dma_wait3A_366 = tpu.memref_slice %arg5[%dma_wait3A_361, %add3A_208, %dma_wait3A_365] : memref<12x2048x2048xf32, #tpu.memory_space<hbm>> -> memref<1x1x2048xf32, #tpu.memory_space<hbm>>
    %dma_wait3A_367 = tpu.memref_squeeze %dma_wait3A_366 : memref<1x1x2048xf32, #tpu.memory_space<hbm>> -> memref<2048xf32, #tpu.memory_space<hbm>>
    %dma_wait3A_368 = arith.constant 0 : i32
    %dma_wait3A_369 = tpu.memref_slice %arg5[%dma_wait3A_361, %add3A_208, %dma_wait3A_368] : memref<12x2048x2048xf32, #tpu.memory_space<hbm>> -> memref<1x1x2048xf32, #tpu.memory_space<hbm>>
    %dma_wait3A_370 = tpu.memref_squeeze %dma_wait3A_369 : memref<1x1x2048xf32, #tpu.memory_space<hbm>> -> memref<2048xf32, #tpu.memory_space<hbm>>
    %dma_wait3A_371 = arith.constant 0 : i32
    %dma_wait3A_372 = tpu.memref_slice %arg9[%dma_wait3A_359, %dma_wait3A_360, %dma_wait3A_371] : memref<2x12x2048xf32, #tpu.memory_space<vmem>> -> memref<1x1x2048xf32, #tpu.memory_space<vmem>>
    %dma_wait3A_373 = tpu.memref_squeeze %dma_wait3A_372 : memref<1x1x2048xf32, #tpu.memory_space<vmem>> -> memref<2048xf32, #tpu.memory_space<vmem>>
    tpu.wait_dma2 semaphore(%arg13 : memref<!tpu.dma_semaphore, #tpu.memory_space<semaphore_mem>>) src(%dma_wait3A_373 : memref<2048xf32, #tpu.memory_space<vmem>>) dst(%dma_wait3A_370 : memref<2048xf32, #tpu.memory_space<hbm>>)
    %dma_wait3A_374 = arith.constant 1 : i32
    %dma_wait3A_375 = arith.constant 11 : i32
    %dma_wait3A_376 = arith.constant 11 : i32
    %dma_wait3A_377 = arith.constant 0 : i32
    %dma_wait3A_378 = tpu.memref_slice %arg9[%dma_wait3A_374, %dma_wait3A_375, %dma_wait3A_377] : memref<2x12x2048xf32, #tpu.memory_space<vmem>> -> memref<1x1x2048xf32, #tpu.memory_space<vmem>>
    %dma_wait3A_379 = tpu.memref_squeeze %dma_wait3A_378 : memref<1x1x2048xf32, #tpu.memory_space<vmem>> -> memref<2048xf32, #tpu.memory_space<vmem>>
    %dma_wait3A_380 = arith.constant 0 : i32
    %dma_wait3A_381 = tpu.memref_slice %arg5[%dma_wait3A_376, %add3A_208, %dma_wait3A_380] : memref<12x2048x2048xf32, #tpu.memory_space<hbm>> -> memref<1x1x2048xf32, #tpu.memory_space<hbm>>
    %dma_wait3A_382 = tpu.memref_squeeze %dma_wait3A_381 : memref<1x1x2048xf32, #tpu.memory_space<hbm>> -> memref<2048xf32, #tpu.memory_space<hbm>>
    %dma_wait3A_383 = arith.constant 0 : i32
    %dma_wait3A_384 = tpu.memref_slice %arg5[%dma_wait3A_376, %add3A_208, %dma_wait3A_383] : memref<12x2048x2048xf32, #tpu.memory_space<hbm>> -> memref<1x1x2048xf32, #tpu.memory_space<hbm>>
    %dma_wait3A_385 = tpu.memref_squeeze %dma_wait3A_384 : memref<1x1x2048xf32, #tpu.memory_space<hbm>> -> memref<2048xf32, #tpu.memory_space<hbm>>
    %dma_wait3A_386 = arith.constant 0 : i32
    %dma_wait3A_387 = tpu.memref_slice %arg9[%dma_wait3A_374, %dma_wait3A_375, %dma_wait3A_386] : memref<2x12x2048xf32, #tpu.memory_space<vmem>> -> memref<1x1x2048xf32, #tpu.memory_space<vmem>>
    %dma_wait3A_388 = tpu.memref_squeeze %dma_wait3A_387 : memref<1x1x2048xf32, #tpu.memory_space<vmem>> -> memref<2048xf32, #tpu.memory_space<vmem>>
    tpu.wait_dma2 semaphore(%arg13 : memref<!tpu.dma_semaphore, #tpu.memory_space<semaphore_mem>>) src(%dma_wait3A_388 : memref<2048xf32, #tpu.memory_space<vmem>>) dst(%dma_wait3A_385 : memref<2048xf32, #tpu.memory_space<hbm>>)
    return
  }
}

</mosaic_0001>

<sc_bundles>
// kernel: kernel.3.cloned.1.call-start
scs
__scs_entry_jumppad:
0x0: {  	(pc) =	sbr.rel $0x88, $3  }
0x1: {  	(tag) =	ssettag $0x0;
	lr =	simm.s32 $0x1  }
0x2: {  	[smem:$0x3F9F] =	sst lr;
	_ =	strace $0xD0000000  }
0x3: {  	_ = 	snop  }
0x4: {  	_ = 	snop  }
0x5: {  	_ = 	snop  }
0x6: {  	_ = 	snop  }
0x7: {  	_ = 	snop  }
__scs_overlays_trampoline_lowered:
0x8: {  	[smem:$0x3FAE] =	sst s0  }
0x9: {  	[smem:$0x3FAF] =	sst s1  }
0xa: {  	[smem:$0x3FB0] =	sst s2  }
0xb: {  	[smem:$0x3FB1] =	sst s3  }
0xc: {  	[smem:$0x3FB2] =	sst s4  }
0xd: {  	[smem:$0x3FB3] =	sst s5  }
0xe: {  	[smem:$0x3FB4] =	sst s6  }
0xf: {  	[smem:$0x3FB5] =	sst s7  }
0x10: {  	[smem:$0x3FB6] =	sst s8  }
0x11: {  	[smem:$0x3FB7] =	sst s9;
	s0 =	simm.s32 @!p0 $0x0  }
0x12: {  	s1 =	sld [smem:$0x3F9D];
	s0 =	simm.s32 @p0 $0x1  }
0x13: {  	[smem:$0x3FB8] =	sst s0;
	s0 =	simm.s32 @!p1 $0x0  }
0x14: {  	s2 =	sld [smem:$0x3F9C];
	s0 =	simm.s32 @p1 $0x1  }
0x15: {  	[smem:$0x3FB9] =	sst s0;
	s0 =	simm.s32 @!p2 $0x0  }
0x16: {  	s3 =	sld [smem:$0x3FDB];
	s0 =	simm.s32 @p2 $0x1  }
0x17: {  	s4 =	simm.s32 $0x1BF5;
	[smem:$0x3FBB] =	sst s0  }
0x18: {  	s0 =	sld [smem:$0x3F9E];
	_ =	swait.ge [sflag:s4], $0x0  }
0x19: {  	s7 =	sld [smem:$0x3F9F]  }
0x1a: {  	s8 =	sadd.s32 $0xFFFFE003, lr  }
0x1b: {  	s9 =	sadd.s32 $0xFFFFFEF7, lr;
	s5 =	simm.s32 $0xFFFFFFFF;
	p2 =	slt.u32 s8, $0xFFFFF086  }
0x1c: {  	p1 =	slt.u32 s9, $0xF7A;
	s5 =	simm.s32 @!p2 $0x0  }
0x1d: {  	s5 =	simm.s32 @p1 $0x1;
	p0 =	seq.s32 s7, s2  }
0x1e: {  	s7 =	smul.u32 @!p0 $0xF7A, s2;
	p2 =	seq.s32 @!p0 s5, $0x0  }
0x1f: {  	s9 =	smul.u32 $0xF7A, s1;
	s8 =	simm.s32 @!p0 $0x1BF5;
	p2 =	por !p2, p0  }
0x20: {  	[sflag:s8] =	ssyncset.s32 @!p0 $0xFFFFF086;
	s6 =	sadd.s32 @!p0 s3, s7;
	s7 =	simm.s32 @!p0 $0x108  }
0x21: {  	s3 =	sadd.s32 s3, s9;
	s6 =	sadd.s32 @!p0 $0x88, s6;
	s7 =	simm.s32 @p2 $0x1082  }
0x22: {  	[simem:s7], [sflag:s8] =	dma.local @!p0 [hbm:s6], $0xF7A  }
0x23: {  	s9 =	sor.u32 $0xD0000000, s2;
	s6 =	simm.s32 $0x108;
	_ =	swait.ge @!p0 [sflag:s8], $0x0  }
0x24: {  	s3 =	sadd.s32 $0x88, s3;
	s6 =	simm.s32 @!p1 $0x1082;
	[sflag:s4] =	ssyncset.s32 $0xFFFFF086  }
0x25: {  	[simem:s6], [sflag:s4] =	dma.local [hbm:s3], $0xF7A  }
0x26: {  	[smem:$0x3F9F] =	sst s1;
	(tag) =	ssettag s2;
	_ =	strace s9  }
0x27: {  	s1 =	sld [smem:$0x3FAF]  }
0x28: {  	s2 =	sld [smem:$0x3FB0]  }
0x29: {  	s4 =	sld [smem:$0x3FB2]  }
0x2a: {  	p0 =	seq.s32 s5, $0x0;
	s5 =	sld [smem:$0x3FB3]  }
0x2b: {  	s6 =	sld [smem:$0x3FB4]  }
0x2c: {  	s7 =	sld [smem:$0x3FB5]  }
0x2d: {  	s3 =	simm.s32 $0x108;
	s8 =	sld [smem:$0x3FB6]  }
0x2e: {  	s3 =	simm.s32 @!p0 $0x1082;
	s9 =	sld [smem:$0x3FB7]  }
0x2f: {  	lr =	sadd.s32 s0, s3;
	s0 =	sld [smem:$0x3FAE]  }
0x30: {  	s3 =	sld [smem:$0x3FB1]  }
0x31: {  	[smem:$0x3FBA] =	sst s10  }
0x32: {  	s10 =	sld [smem:$0x3FB8];
	_ =	sdelay $0x3  }
0x33: {  	p0 =	seq.s32 s10, $0x1;
	s10 =	sld [smem:$0x3FBA];
	_ =	sdelay $0x3  }
0x34: {  	[smem:$0x3FBA] =	sst s10  }
0x35: {  	s10 =	sld [smem:$0x3FB9];
	_ =	sdelay $0x3  }
0x36: {  	p1 =	seq.s32 s10, $0x1;
	s10 =	sld [smem:$0x3FBA];
	_ =	sdelay $0x3  }
0x37: {  	[smem:$0x3FBA] =	sst s10  }
0x38: {  	s10 =	sld [smem:$0x3FBB]  }
0x39: {  	_ = 	snop;
	(pc) =	sbr.ind lr, $3  }
0x3a: {  	_ = 	snop  }
0x3b: {  	_ = 	snop  }
0x3c: {  	p2 =	seq.s32 s10, $0x1;
	s10 =	sld [smem:$0x3FBA]  }
0x3d: {  	_ =	shalt  }
0x3e: {  	_ =	shalt  }
0x3f: {  	_ =	shalt  }
0x40: {  	_ =	shalt  }
0x41: {  	_ =	shalt  }
0x42: {  	_ =	shalt  }
0x43: {  	_ =	shalt  }
0x44: {  	_ =	shalt  }
0x45: {  	_ =	shalt  }
0x46: {  	_ =	shalt  }
0x47: {  	_ =	shalt  }
0x48: {  	_ =	shalt  }
0x49: {  	_ =	shalt  }
0x4a: {  	_ =	shalt  }
0x4b: {  	_ =	shalt  }
0x4c: {  	_ =	shalt  }
0x4d: {  	_ =	shalt  }
0x4e: {  	_ =	shalt  }
0x4f: {  	_ =	shalt  }
0x50: {  	_ =	shalt  }
0x51: {  	_ =	shalt  }
0x52: {  	_ =	shalt  }
0x53: {  	_ =	shalt  }
0x54: {  	_ =	shalt  }
0x55: {  	_ =	shalt  }
0x56: {  	_ =	shalt  }
0x57: {  	_ =	shalt  }
0x58: {  	_ =	shalt  }
0x59: {  	_ =	shalt  }
0x5a: {  	_ =	shalt  }
0x5b: {  	_ =	shalt  }
0x5c: {  	_ =	shalt  }
0x5d: {  	_ =	shalt  }
0x5e: {  	_ =	shalt  }
0x5f: {  	_ =	shalt  }
0x60: {  	_ =	shalt  }
0x61: {  	_ =	shalt  }
0x62: {  	_ =	shalt  }
0x63: {  	_ =	shalt  }
0x64: {  	_ =	shalt  }
0x65: {  	_ =	shalt  }
0x66: {  	_ =	shalt  }
0x67: {  	_ =	shalt  }
0x68: {  	_ =	shalt  }
0x69: {  	_ =	shalt  }
0x6a: {  	_ =	shalt  }
0x6b: {  	_ =	shalt  }
0x6c: {  	_ =	shalt  }
0x6d: {  	_ =	shalt  }
0x6e: {  	_ =	shalt  }
0x6f: {  	_ =	shalt  }
0x70: {  	_ =	shalt  }
0x71: {  	_ =	shalt  }
0x72: {  	_ =	shalt  }
0x73: {  	_ =	shalt  }
0x74: {  	_ =	shalt  }
0x75: {  	_ =	shalt  }
0x76: {  	_ =	shalt  }
0x77: {  	_ =	shalt  }
0x78: {  	_ =	shalt  }
0x79: {  	_ =	shalt  }
0x7a: {  	_ =	shalt  }
0x7b: {  	_ =	shalt  }
0x7c: {  	_ =	shalt  }
0x7d: {  	_ =	shalt  }
0x7e: {  	_ =	shalt  }
0x7f: {  	_ =	shalt  }
0x80: {  	_ =	shalt  }
0x81: {  	_ =	shalt  }
0x82: {  	_ =	shalt  }
0x83: {  	_ =	shalt  }
0x84: {  	_ =	shalt  }
0x85: {  	_ =	shalt  }
0x86: {  	_ =	shalt  }
0x87: {  	_ =	shalt  }
.Lfunc_end0:
.L_simem_size_0:
called_computation_lowered:
.L_overlay_start_0:
0x88: {  	s2 =	sld [smem:$0x3FD9]  }
0x89: {  	s3 =	sld [smem:$0x3FFE];
	_ =	sdelay $0x1  }
0x8a: {  	s1 =	srdreg.scid  }
0x8b: {  	s0 =	sand.u32 $0x1, s1  }
0x8c: {  	s17 =	sshll.u32 s0, $0xA;
	s2 =	sadd.s32 s3, s2  }
0x8d: {  	s2 =	sadd.s32 s2, s17  }
0x8e: {  	[smem:$0x3FC6] =	sst s2  }
0x8f: {  	_ = 	snop  }
0x90: {  	s2 =	sld [smem:$0x3FC9]  }
0x91: {  	s18 =	sld [smem:$0x3FD0];
	(tm) =	ssettm $0x1  }
0x92: {  	s4 =	sld [smem:$0x3FFB];
	_ =	sdelay $0x3  }
0x93: {  	_ =	strace s4  }
0x94: {  	s4 =	sld [smem:$0x3FFC];
	_ =	sdelay $0x3  }
0x95: {  	_ =	strace s4  }
0x96: {  	s4 =	sld [smem:$0x3FFD];
	_ =	sdelay $0x3  }
0x97: {  	_ =	strace s4  }
0x98: {  	_ =	strace $0x8FFFFFFF  }
0x99: {  	s19 =	sld [smem:$0x3FDB];
	_ =	sdelay $0x1  }
0x9a: {  	s5 =	simm.s32 $_scs_section_size  }
0x9b: {  	s6 =	simm.s32 $_size__tile_overlayer_lowered;
	s7 =	simm.s32 $_tile_overlayer_lowered  }
0x9c: {  	s22 =	simm.s32 $0x1BFF;
	s21 =	sshll.u32 s7, $0x1;
	s4 =	sadd.s32 s5, s19  }
0x9d: {  	s8 =	simm.s32 $0x0;
	s20 =	sshll.u32 s6, $0x1;
	s6 =	sadd.s32 s21, s4  }
0x9e: {  	[timem:s8], [sflag:s22] =	dma.local [hbm:s6], s20  }
0x9f: {  	_ =	swait.ge [sflag:s22], s20  }
0xa0: {  	s5 =	ssub.s32 $0x0, s20;
	[sflag:s22] =	ssyncset.done $0x0  }
0xa1: {  	[sflag:s22] =	ssyncadd.s32 s5;
	_ =	sdelay $0x1  }
0xa2: {  	s23 =	simm.s32 $0x1B8B  }
0xa3: {  	_ =	swait.ge [sflag:s23], $0x1  }
0xa4: {  	[sflag:s23] =	ssyncset.done $0x0  }
0xa5: {  	s25 =	simm.s32 $0x1B8E;
	s24 =	sld [smem:$0x3FFE];
	[sflag:s23] =	ssyncadd.s32 $0xFFFFFFFF  }
0xa6: {  	s26 =	simm.s32 $execute0_lowered;
	[smem:$0x3FD2] =	sst s25  }
0xa7: {  	s6 =	sshll.u32 s26, $0x1;
	_ =	strace $0x80000046;
	[dreg:$0x1] =	wrdreg $0xFFFFFFFF  }
0xa8: {  	s28 =	simm.s32 $_size_execute0_lowered;
	s4 =	sadd.s32 s4, s6;
	[dreg:$0x0] =	wrdreg $0x0  }
0xa9: {  	s6 =	sshll.u32 s28, $0x1;
	[dreg:$0x2] =	wrdreg s4  }
0xaa: {  	[dreg:$0x3] =	wrdreg s6  }
0xab: {  	[dreg:$0x4] =	wrdreg $0xC0  }
0xac: {  	_ =	task [dreg:s8], $0x5FFFF  }
0xad: {  	[dreg:$0x1] =	wrdreg $0xFFFFFFFF  }
0xae: {  	[dreg:$0x0] =	wrdreg $0x60  }
0xaf: {  	[dreg:$0x2] =	wrdreg s2  }
0xb0: {  	[dreg:$0x3] =	wrdreg s24  }
0xb1: {  	[dreg:$0x4] =	wrdreg s18  }
0xb2: {  	[dreg:$0x5] =	wrdreg $0x9  }
0xb3: {  	_ =	task.clear_ibuf [dreg:s8], $0x6FFFF;
	_ =	strace $0x90000046  }
0xb4: {  	s29 =	simm.s32 $0x9;
	_ =	strace $0x80000048  }
0xb5: {  	_ =	swait.ge [sflag:s29], $0x1  }
0xb6: {  	[sflag:s29] =	ssyncadd.s32 $0xFFFFFFFF  }
0xb7: {  	_ =	strace $0x90000048  }
0xb8: {  	_ =	sfence  }
0xb9: {  	s30 =	sld [smem:$0x0];
	_ =	sdelay $0x2  }
0xba: {  	s31 =	sshll.u32 s1, $0xD;
	s1 =	sshrl.u32 s1, $0x2  }
0xbb: {  	s3 =	sand.u32 $0x4000, s31;
	s1 =	sadd.s32 s1, s30  }
0xbc: {  	s0 =	sor.u32 s3, s0;
	s1 =	sshll.u32 s1, $0x11  }
0xbd: {  	s0 =	sor.u32 s1, s0  }
0xbe: {  	s0 =	sadd.s32 $0x8F2B, s0  }
0xbf: {  	[sflag:s0] =	ssyncadd.remote.s32 $0x1  }
0xc0: {  	_ =	sfence.sel $0xFFFF  }
0xc1: {  	[dreg:$0x0] =	wrdreg $0xFFFFFFFF;
	(pc) =	sbr.abs _section_cstart, $3  }
0xc2: {  	[dreg:$0x1] =	wrdreg $0xFFFFFFFF  }
0xc3: {  	_ =	task.clear_ibuf [dreg:s8], $0x2FFFF;
	_ =	strace $0x9FFFFFFF  }
0xc4: {  	(tm) =	ssettm $0x7FFFFFFF  }
0xc5: {  	_ =	shalt  }
tec
execute0_lowered:
.L_overlay_start_1:
0x0: {  	(tag) =	ssettag $0x1  }
0x1: {  	s25 =	rddreg [dreg:$0x0]  }
0x2: {  	s0 =	rddreg [dreg:$0x1]  }
0x3: {  	s26 =	rddreg [dreg:$0x2];
	s4 =	simm.s32 $0x0  }
0x4: {  	[smem:$0x7FF] =	sst s4;
	s5 =	sadd.s32 $0x400, s0  }
0x5: {  	s0 =	sadd.s32 $0x1E00, s0;
	_ =	strace $0x80000047;
	[dreg:$0x4] =	wrdreg s5  }
0x6: {  	s16 =	sadd.s32 $0x80000, s26;
	[dreg:$0x6] =	wrdreg s0  }
0x7: {  	s17 =	sadd.s32 $0x100000, s26;
	[dreg:$0x8] =	wrdreg s16  }
0x8: {  	s18 =	sadd.s32 $0x180000, s26;
	[dreg:$0x9] =	wrdreg s17  }
0x9: {  	s19 =	sadd.s32 $0x200000, s26;
	[dreg:$0xa] =	wrdreg s18  }
0xa: {  	s1 =	srdreg.scid;
	s20 =	sadd.s32 $0x280000, s26;
	[dreg:$0xb] =	wrdreg s19  }
0xb: {  	s3 =	stileid.u32;
	s21 =	sadd.s32 $0x300000, s26;
	[dreg:$0xc] =	wrdreg s20  }
0xc: {  	s1 =	sand.u32 $0x1, s1;
	s22 =	sadd.s32 $0x380000, s26;
	[dreg:$0xd] =	wrdreg s21  }
0xd: {  	s3 =	sshll.u32 s3, $0x7;
	s23 =	sadd.s32 $0x400000, s26;
	[dreg:$0xe] =	wrdreg s22  }
0xe: {  	s24 =	sadd.s32 $0x480000, s26;
	s28 =	sadd.s32 $0x500000, s26;
	[dreg:$0xf] =	wrdreg s23  }
0xf: {  	s29 =	sadd.s32 $0x580000, s26;
	s2 =	ssub.s32 $0x2, s1;
	[dreg:$0x10] =	wrdreg s24  }
0x10: {  	s1 =	sshll.u32 s1, $0x6;
	[dreg:$0x11] =	wrdreg s28;
	s14 =	sshrl.u32 s2, $0x1  }
0x11: {  	[dreg:$0x12] =	wrdreg s29;
	s1 =	sor.u32 s1, s3;
	s15 =	ssub.s32 s2, s14  }
0x12: {  	[dreg:$0x5] =	wrdreg s1;
	s1 =	sshll.u32 s1, $0x8;
	s0 =	smax.u32 s15, $0x1  }
0x13: {  	s1 =	sadd.s32 s25, s1;
	[dreg:$0x13] =	wrdreg s0  }
0x14: {  	s30 =	sadd.s32 $0x80, s1;
	[dreg:$0x7] =	wrdreg s1  }
0x15: {  	s22 =	simm.s32 $0xC380;
	s31 =	sadd.s32 $0x100, s1;
	[dreg:$0x14] =	wrdreg s30  }
0x16: {  	s20 =	simm.s32 $0x4;
	s1 =	simm.s32 $0x0;
	[dreg:$0x15] =	wrdreg s31  }
.LBB2_1:
0x17: {  	[dreg:$0x16] =	wrdreg s1  }
0x18: {  	s0 =	rddreg [dreg:$0x4];
	s19 =	simm.s32 $0x5  }
0x19: {  	[tilespmem:s4], [sflag:$0x5] =	stream.linear.gather [hbm4b:s0+s4], $0xC380, $0x38;
	[tilespmem:$0x1D500] =	vst v63  }
0x1a: {  	_ =	swait.ge [sflag:s19], $0xC380  }
0x1b: {  	[sflag:s19] =	ssyncset.done $0x0  }
0x1c: {  	s21 =	rddreg [dreg:$0x6];
	[sflag:s19] =	ssyncadd.s32 $0xFFFF3C80  }
0x1d: {  	[tilespmem:s22], [sflag:$0x5] =	stream.linear.gather [hbm4b:s21+s4], $0x180, $0x38;
	[tilespmem:$0x1D500] =	vst v63  }
0x1e: {  	_ =	swait.ge [sflag:s19], $0x180  }
0x1f: {  	[sflag:s19] =	ssyncset.done $0x0  }
0x20: {  	s23 =	simm.s32 $0xC500;
	s1 =	rddreg [dreg:$0x7];
	[sflag:s19] =	ssyncadd.s32 $0xFFFFFE80  }
0x21: {  	[tilespmem:s23], [sflag:$0x1] =	stream.linear.gather [hbm4b:s1+s4], $0x80, $0x38;
	[tilespmem:$0x1D500] =	vst v63  }
0x22: {  	s2 =	simm.s32 $0xC600;
	s24 =	rddreg [dreg:$0x14]  }
0x23: {  	[tilespmem:s2], [sflag:$0x1] =	stream.linear.gather [hbm4b:s24+s4], $0x80, $0x38;
	[tilespmem:$0x1D500] =	vst v63  }
0x24: {  	s29 =	simm.s32 $0xC700;
	s28 =	rddreg [dreg:$0x15]  }
0x25: {  	[tilespmem:s29], [sflag:$0x1] =	stream.linear.gather [hbm4b:s28+s4], $0x80, $0x38;
	[tilespmem:$0x1D500] =	vst v63  }
0x26: {  	s31 =	simm.s32 $0xC800;
	s30 =	sadd.s32 $0x180, s1  }
0x27: {  	[tilespmem:s31], [sflag:$0x1] =	stream.linear.gather [hbm4b:s30+s4], $0x80, $0x38;
	[tilespmem:$0x1D500] =	vst v63  }
0x28: {  	s3 =	simm.s32 $0xC900;
	s2 =	sadd.s32 $0x200, s1  }
0x29: {  	[tilespmem:s3], [sflag:$0x1] =	stream.linear.gather [hbm4b:s2+s4], $0x80, $0x38;
	[tilespmem:$0x1D500] =	vst v63  }
0x2a: {  	s6 =	simm.s32 $0xCA00;
	s5 =	sadd.s32 $0x280, s1  }
0x2b: {  	[tilespmem:s6], [sflag:$0x1] =	stream.linear.gather [hbm4b:s5+s4], $0x80, $0x38;
	[tilespmem:$0x1D500] =	vst v63  }
0x2c: {  	s8 =	simm.s32 $0xCB00;
	s7 =	sadd.s32 $0x300, s1  }
0x2d: {  	[tilespmem:s8], [sflag:$0x1] =	stream.linear.gather [hbm4b:s7+s4], $0x80, $0x38;
	[tilespmem:$0x1D500] =	vst v63  }
0x2e: {  	s10 =	simm.s32 $0xCC00;
	s9 =	sadd.s32 $0x380, s1  }
0x2f: {  	[tilespmem:s10], [sflag:$0x1] =	stream.linear.gather [hbm4b:s9+s4], $0x80, $0x38;
	[tilespmem:$0x1D500] =	vst v63  }
0x30: {  	s12 =	simm.s32 $0xCD00;
	s11 =	sadd.s32 $0x400, s1  }
0x31: {  	[tilespmem:s12], [sflag:$0x1] =	stream.linear.gather [hbm4b:s11+s4], $0x80, $0x38;
	[tilespmem:$0x1D500] =	vst v63  }
0x32: {  	s14 =	simm.s32 $0xCE00;
	s13 =	sadd.s32 $0x480, s1  }
0x33: {  	[tilespmem:s14], [sflag:$0x1] =	stream.linear.gather [hbm4b:s13+s4], $0x80, $0x38;
	[tilespmem:$0x1D500] =	vst v63  }
0x34: {  	s16 =	simm.s32 $0xCF00;
	s15 =	sadd.s32 $0x500, s1  }
0x35: {  	[tilespmem:s16], [sflag:$0x1] =	stream.linear.gather [hbm4b:s15+s4], $0x80, $0x38;
	[tilespmem:$0x1D500] =	vst v63  }
0x36: {  	s18 =	simm.s32 $0xD000;
	s17 =	sadd.s32 $0x580, s1  }
0x37: {  	[tilespmem:s18], [sflag:$0x1] =	stream.linear.gather [hbm4b:s17+s4], $0x80, $0x38;
	[tilespmem:$0x1D500] =	vst v63  }
0x38: {  	s21 =	simm.s32 $0xD100;
	s19 =	sadd.s32 $0x600, s1  }
0x39: {  	[tilespmem:s21], [sflag:$0x1] =	stream.linear.gather [hbm4b:s19+s4], $0x80, $0x38;
	[tilespmem:$0x1D500] =	vst v63  }
0x3a: {  	s23 =	sadd.s32 $0x680, s1;
	s24 =	simm.s32 $0xD200  }
0x3b: {  	[tilespmem:s24], [sflag:$0x1] =	stream.linear.gather [hbm4b:s23+s4], $0x80, $0x38;
	[tilespmem:$0x1D500] =	vst v63  }
0x3c: {  	s28 =	sadd.s32 $0x700, s1;
	s29 =	simm.s32 $0xD300  }
0x3d: {  	[tilespmem:s29], [sflag:$0x1] =	stream.linear.gather [hbm4b:s28+s4], $0x80, $0x38;
	[tilespmem:$0x1D500] =	vst v63  }
0x3e: {  	s30 =	sadd.s32 $0x780, s1;
	s31 =	simm.s32 $0xD400;
	s24 =	simm.s32 $0x0  }
0x3f: {  	[tilespmem:s31], [sflag:$0x1] =	stream.linear.gather [hbm4b:s30+s4], $0x80, $0x38;
	[tilespmem:$0x1D500] =	vst v63  }
.LBB2_2:
0x40: {  	s0 =	sshll.u32 s24, $0x1;
	s1 =	rddreg [dreg:$0x5]  }
0x41: {  	s0 =	sadd.s32 s1, s0  }
0x42: {  	s13 =	sshll.u32 s24, $0x8;
	[dreg:$0x17] =	wrdreg s0;
	s0 =	sshll.u32 s0, $0xB  }
0x43: {  	s1 =	sand.u32 $0x300, s13;
	s0 =	sand.u32 $0x3FC000, s0  }
0x44: {  	s0 =	sor.u32 s1, s0  }
0x45: {  	s23 =	sshrl.u32 s0, $0x3  }
0x46: {  	s21 =	sor.u32 $0x10, s23  }
0x47: {  	s14 =	simm.s32 $0xC580;
	s0 =	sadd.s32 s25, s21  }
0x48: {  	[tilespmem:s14], [sflag:$0x2] =	stream.linear.gather [hbm4b:s0+s4], $0x80, $0x38;
	[tilespmem:$0x1D500] =	vst v63  }
0x49: {  	s2 =	simm.s32 $0xC680;
	s15 =	sadd.s32 $0x80, s0  }
0x4a: {  	[tilespmem:s2], [sflag:$0x2] =	stream.linear.gather [hbm4b:s15+s4], $0x80, $0x38;
	[tilespmem:$0x1D500] =	vst v63  }
0x4b: {  	s17 =	simm.s32 $0xC780;
	s16 =	sadd.s32 $0x100, s0  }
0x4c: {  	[tilespmem:s17], [sflag:$0x2] =	stream.linear.gather [hbm4b:s16+s4], $0x80, $0x38;
	[tilespmem:$0x1D500] =	vst v63  }
0x4d: {  	s19 =	simm.s32 $0xC880;
	s18 =	sadd.s32 $0x180, s0  }
0x4e: {  	[tilespmem:s19], [sflag:$0x2] =	stream.linear.gather [hbm4b:s18+s4], $0x80, $0x38;
	[tilespmem:$0x1D500] =	vst v63  }
0x4f: {  	s8 =	smov.u32 s26;
	s26 =	simm.s32 $0xC980;
	s25 =	sadd.s32 $0x200, s0  }
0x50: {  	[tilespmem:s26], [sflag:$0x2] =	stream.linear.gather [hbm4b:s25+s4], $0x80, $0x38;
	[tilespmem:$0x1D500] =	vst v63  }
0x51: {  	s3 =	simm.s32 $0xCA80;
	s2 =	sadd.s32 $0x280, s0  }
0x52: {  	[tilespmem:s3], [sflag:$0x2] =	stream.linear.gather [hbm4b:s2+s4], $0x80, $0x38;
	[tilespmem:$0x1D500] =	vst v63  }
0x53: {  	s6 =	simm.s32 $0xCB80;
	s5 =	sadd.s32 $0x300, s0  }
0x54: {  	[tilespmem:s6], [sflag:$0x2] =	stream.linear.gather [hbm4b:s5+s4], $0x80, $0x38;
	[tilespmem:$0x1D500] =	vst v63  }
0x55: {  	s9 =	simm.s32 $0xCC80;
	s7 =	sadd.s32 $0x380, s0  }
0x56: {  	[tilespmem:s9], [sflag:$0x2] =	stream.linear.gather [hbm4b:s7+s4], $0x80, $0x38;
	[tilespmem:$0x1D500] =	vst v63  }
0x57: {  	s11 =	simm.s32 $0xCD80;
	s10 =	sadd.s32 $0x400, s0  }
0x58: {  	[tilespmem:s11], [sflag:$0x2] =	stream.linear.gather [hbm4b:s10+s4], $0x80, $0x38;
	[tilespmem:$0x1D500] =	vst v63  }
0x59: {  	s13 =	simm.s32 $0xCE80;
	s12 =	sadd.s32 $0x480, s0  }
0x5a: {  	[tilespmem:s13], [sflag:$0x2] =	stream.linear.gather [hbm4b:s12+s4], $0x80, $0x38;
	[tilespmem:$0x1D500] =	vst v63  }
0x5b: {  	s14 =	sadd.s32 $0x500, s0;
	s15 =	simm.s32 $0xCF80  }
0x5c: {  	[tilespmem:s15], [sflag:$0x2] =	stream.linear.gather [hbm4b:s14+s4], $0x80, $0x38;
	[tilespmem:$0x1D500] =	vst v63  }
0x5d: {  	s16 =	sadd.s32 $0x580, s0;
	s17 =	simm.s32 $0xD080  }
0x5e: {  	[tilespmem:s17], [sflag:$0x2] =	stream.linear.gather [hbm4b:s16+s4], $0x80, $0x38;
	[tilespmem:$0x1D500] =	vst v63  }
0x5f: {  	s18 =	sadd.s32 $0x600, s0;
	s19 =	simm.s32 $0xD180  }
0x60: {  	[tilespmem:s19], [sflag:$0x2] =	stream.linear.gather [hbm4b:s18+s4], $0x80, $0x38;
	[tilespmem:$0x1D500] =	vst v63  }
0x61: {  	s25 =	sadd.s32 $0x680, s0;
	s26 =	simm.s32 $0xD280  }
0x62: {  	[tilespmem:s26], [sflag:$0x2] =	stream.linear.gather [hbm4b:s25+s4], $0x80, $0x38;
	[tilespmem:$0x1D500] =	vst v63  }
0x63: {  	s3 =	sadd.s32 $0x700, s0;
	s5 =	simm.s32 $0xD380  }
0x64: {  	[tilespmem:s5], [sflag:$0x2] =	stream.linear.gather [hbm4b:s3+s4], $0x80, $0x38;
	[tilespmem:$0x1D500] =	vst v63  }
0x65: {  	p0 =	seq.s32 s24, $0x0;
	s0 =	sadd.s32 $0x780, s0;
	s6 =	simm.s32 $0xD480  }
0x66: {  	[tilespmem:s6], [sflag:$0x2] =	stream.linear.gather [hbm4b:s0+s4], $0x80, $0x38;
	[tilespmem:$0x1D500] =	vst v63  }
0x67: {  	s0 =	simm.s32 @!p0 $0x3  }
0x68: {  	_ =	swait.ge @!p0 [sflag:s0], $0x800  }
0x69: {  	[sflag:s0] =	ssyncset.done @!p0 $0x0  }
0x6a: {  	[sflag:s0] =	ssyncadd.s32 @!p0 $0xFFFFF800  }
0x6b: {  	_ =	swait.ge @!p0 [sflag:s0], $0x800  }
0x6c: {  	[sflag:s0] =	ssyncset.done @!p0 $0x0  }
0x6d: {  	[sflag:s0] =	ssyncadd.s32 @!p0 $0xFFFFF800  }
0x6e: {  	_ =	swait.ge @!p0 [sflag:s0], $0x800  }
0x6f: {  	[sflag:s0] =	ssyncset.done @!p0 $0x0  }
0x70: {  	[sflag:s0] =	ssyncadd.s32 @!p0 $0xFFFFF800  }
0x71: {  	_ =	swait.ge @!p0 [sflag:s0], $0x800  }
0x72: {  	[sflag:s0] =	ssyncset.done @!p0 $0x0  }
0x73: {  	[sflag:s0] =	ssyncadd.s32 @!p0 $0xFFFFF800  }
0x74: {  	_ =	swait.ge @!p0 [sflag:s0], $0x800  }
0x75: {  	[sflag:s0] =	ssyncset.done @!p0 $0x0  }
0x76: {  	[sflag:s0] =	ssyncadd.s32 @!p0 $0xFFFFF800  }
0x77: {  	_ =	swait.ge @!p0 [sflag:s0], $0x800  }
0x78: {  	[sflag:s0] =	ssyncset.done @!p0 $0x0  }
0x79: {  	[sflag:s0] =	ssyncadd.s32 @!p0 $0xFFFFF800  }
0x7a: {  	_ =	swait.ge @!p0 [sflag:s0], $0x800  }
0x7b: {  	[sflag:s0] =	ssyncset.done @!p0 $0x0  }
0x7c: {  	[sflag:s0] =	ssyncadd.s32 @!p0 $0xFFFFF800  }
0x7d: {  	_ =	swait.ge @!p0 [sflag:s0], $0x800  }
0x7e: {  	[sflag:s0] =	ssyncset.done @!p0 $0x0  }
0x7f: {  	[sflag:s0] =	ssyncadd.s32 @!p0 $0xFFFFF800  }
0x80: {  	_ =	swait.ge @!p0 [sflag:s0], $0x800  }
0x81: {  	[sflag:s0] =	ssyncset.done @!p0 $0x0  }
0x82: {  	[sflag:s0] =	ssyncadd.s32 @!p0 $0xFFFFF800  }
0x83: {  	_ =	swait.ge @!p0 [sflag:s0], $0x800  }
0x84: {  	[sflag:s0] =	ssyncset.done @!p0 $0x0  }
0x85: {  	[sflag:s0] =	ssyncadd.s32 @!p0 $0xFFFFF800  }
0x86: {  	_ =	swait.ge @!p0 [sflag:s0], $0x800  }
0x87: {  	[sflag:s0] =	ssyncset.done @!p0 $0x0  }
0x88: {  	[sflag:s0] =	ssyncadd.s32 @!p0 $0xFFFFF800  }
0x89: {  	_ =	swait.ge @!p0 [sflag:s0], $0x800  }
0x8a: {  	s7 =	simm.s32 $0x0;
	[sflag:s0] =	ssyncset.done @!p0 $0x0  }
0x8b: {  	s9 =	simm.s32 $0x1;
	s6 =	sand.u32 $0x3C00, s7;
	[sflag:s0] =	ssyncadd.s32 @!p0 $0xFFFFF800  }
0x8c: {  	s25 =	sand.u32 $0x40, s7;
	s10 =	sshrl.u32 s6, $0x2;
	_ =	swait.ge [sflag:s9], $0x800  }
0x8d: {  	s0 =	sadd.s32 $0xC500, s10;
	s10 =	sor.u32 $0x30, s25;
	[sflag:s9] =	ssyncset.done $0x0  }
0x8e: {  	s11 =	sor.u32 s10, s0;
	[sflag:s9] =	ssyncadd.s32 $0xFFFFF800  }
0x8f: {  	s26 =	sor.u32 $0x10, s25;
	s12 =	sor.u32 s25, s0;
	v0 =	vld [tilespmem:s11+$0x0]  }
0x90: {  	s13 =	sor.u32 s26, s0;
	v1 =	vld [tilespmem:s12+$0x0]  }
0x91: {  	s9 =	sor.u32 $0x20, s25;
	v2 =	vld [tilespmem:s13+$0x0]  }
0x92: {  	s0 =	sor.u32 s9, s0  }
0x93: {  	v5 =	vld [tilespmem:s0+$0x0];
	_ =	sdelay $0x3  }
0x94: {  	v4 =	vld.idx.msk [tilespmem:v0+s4+$0x0], $0xffff  }
0x95: {  	v3 =	vld.idx.msk [tilespmem:v1+s4+$0x0], $0xffff  }
0x96: {  	v1 =	vld.idx.msk [tilespmem:v2+s4+$0x0], $0xffff;
	_ =	sdelay $0x1  }
0x97: {  	v2 =	vld.idx.msk [tilespmem:v5+s4+$0x0], $0xffff;
	_ =	sdelay $0x3  }
0x98: {  	v0 =	vld.idx.msk [tilespmem:v4+s22+$0x0], $0xffff  }
0x99: {  	v6 =	vadd.s32 $0x20, v4;
	v5 =	vld.idx.msk [tilespmem:v3+s22+$0x0], $0xffff  }
0x9a: {  	v7 =	vadd.s32 $0x20, v3;
	v8 =	vld.idx.msk [tilespmem:v1+s22+$0x0], $0xffff  }
0x9b: {  	s14 =	sadd.s32 $0xD500, s6;
	v9 =	vadd.s32 $0x20, v1  }
0x9c: {  	s7 =	sor.u32 s10, s14;
	v10 =	vld.idx.msk [tilespmem:v2+s22+$0x0], $0xffff  }
0x9d: {  	s5 =	sor.u32 s25, s14;
	v11 =	vadd.s32 $0x20, v2;
	[tilespmem:s7+$0x0] =	vst v0  }
0x9e: {  	s15 =	sor.u32 s26, s14;
	[tilespmem:s5+$0x0] =	vst v5;
	v0 =	vld.idx.msk [tilespmem:v6+s22+$0x0], $0xffff  }
0x9f: {  	[tilespmem:s15+$0x0] =	vst v8;
	v5 =	vld.idx.msk [tilespmem:v7+s22+$0x0], $0xffff;
	v6 =	vadd.s32 $0x40, v4  }
0xa0: {  	s16 =	sor.u32 s9, s14;
	v7 =	vadd.s32 $0x40, v3;
	v8 =	vld.idx.msk [tilespmem:v9+s22+$0x0], $0xffff  }
0xa1: {  	[tilespmem:s16+$0x0] =	vst v10;
	v9 =	vadd.s32 $0x40, v1  }
0xa2: {  	v10 =	vld.idx.msk [tilespmem:v11+s22+$0x0], $0xffff  }
0xa3: {  	v11 =	vadd.s32 $0x40, v2;
	[tilespmem:s7+$0x80] =	vst v0  }
0xa4: {  	[tilespmem:s5+$0x80] =	vst v5;
	v0 =	vld.idx.msk [tilespmem:v6+s22+$0x0], $0xffff  }
0xa5: {  	[tilespmem:s15+$0x80] =	vst v8;
	v5 =	vld.idx.msk [tilespmem:v7+s22+$0x0], $0xffff;
	v6 =	vadd.s32 $0x60, v4  }
0xa6: {  	v7 =	vadd.s32 $0x60, v3;
	v8 =	vld.idx.msk [tilespmem:v9+s22+$0x0], $0xffff  }
0xa7: {  	[tilespmem:s16+$0x80] =	vst v10;
	v9 =	vadd.s32 $0x60, v1  }
0xa8: {  	s17 =	simm.s32 $0x200;
	v10 =	vld.idx.msk [tilespmem:v11+s22+$0x0], $0xffff  }
0xa9: {  	s28 =	sand.u32 $0x3C00, s17;
	s3 =	simm.s32 $0x40;
	v11 =	vadd.s32 $0x60, v2;
	[tilespmem:s7+$0x100] =	vst v0  }
0xaa: {  	s29 =	sand.u32 $0x40, s3;
	s0 =	sshrl.u32 s28, $0x2;
	[tilespmem:s5+$0x100] =	vst v5;
	v0 =	vld.idx.msk [tilespmem:v6+s22+$0x0], $0xffff  }
0xab: {  	s31 =	sor.u32 $0x10, s29;
	s11 =	sadd.s32 $0xC500, s0;
	[tilespmem:s15+$0x100] =	vst v8;
	v5 =	vld.idx.msk [tilespmem:v7+s22+$0x0], $0xffff;
	v6 =	vadd.s32 $0x80, v4  }
0xac: {  	s13 =	sor.u32 s31, s11;
	v7 =	vadd.s32 $0x80, v3;
	v8 =	vld.idx.msk [tilespmem:v9+s22+$0x0], $0xffff  }
0xad: {  	v14 =	vld [tilespmem:s13+$0x0];
	[tilespmem:s16+$0x100] =	vst v10;
	v9 =	vadd.s32 $0x80, v1  }
0xae: {  	v10 =	vld.idx.msk [tilespmem:v11+s22+$0x0], $0xffff  }
0xaf: {  	v11 =	vadd.s32 $0x80, v2;
	[tilespmem:s7+$0x180] =	vst v0  }
0xb0: {  	[tilespmem:s5+$0x180] =	vst v5;
	v0 =	vld.idx.msk [tilespmem:v6+s22+$0x0], $0xffff  }
0xb1: {  	[tilespmem:s15+$0x180] =	vst v8;
	v5 =	vld.idx.msk [tilespmem:v7+s22+$0x0], $0xffff;
	v6 =	vadd.s32 $0xA0, v4  }
0xb2: {  	s12 =	sor.u32 s29, s11;
	v7 =	vadd.s32 $0xA0, v3;
	v8 =	vld.idx.msk [tilespmem:v9+s22+$0x0], $0xffff  }
0xb3: {  	v12 =	vld [tilespmem:s12+$0x0];
	[tilespmem:s16+$0x180] =	vst v10;
	v9 =	vadd.s32 $0xA0, v1  }
0xb4: {  	v10 =	vld.idx.msk [tilespmem:v11+s22+$0x0], $0xffff  }
0xb5: {  	v23 =	vld.idx.msk [tilespmem:v14+s4+$0x0], $0xffff;
	v11 =	vadd.s32 $0xA0, v2;
	[tilespmem:s7+$0x200] =	vst v0  }
0xb6: {  	[tilespmem:s5+$0x200] =	vst v5;
	v0 =	vld.idx.msk [tilespmem:v6+s22+$0x0], $0xffff  }
0xb7: {  	s30 =	sor.u32 $0x30, s29;
	[tilespmem:s15+$0x200] =	vst v8;
	v5 =	vld.idx.msk [tilespmem:v7+s22+$0x0], $0xffff  }
0xb8: {  	s0 =	sor.u32 s30, s11;
	v6 =	vld.idx.msk [tilespmem:v9+s22+$0x0], $0xffff;
	v7 =	vadd.s32 $0xC0, v4  }
0xb9: {  	[tilespmem:s16+$0x200] =	vst v10;
	v9 =	vadd.s32 $0xC0, v3;
	v10 =	vld [tilespmem:s0+$0x0]  }
0xba: {  	s0 =	sor.u32 $0x20, s29;
	v8 =	vld.idx.msk [tilespmem:v11+s22+$0x0], $0xffff;
	v11 =	vadd.s32 $0xC0, v1  }
0xbb: {  	v22 =	vld.idx.msk [tilespmem:v12+s4+$0x0], $0xffff;
	v13 =	vadd.s32 $0xC0, v2;
	s11 =	sor.u32 s0, s11;
	[tilespmem:s7+$0x280] =	vst v0  }
0xbc: {  	[tilespmem:s5+$0x280] =	vst v5;
	v5 =	vld [tilespmem:s11+$0x0]  }
0xbd: {  	v7 =	vld.idx.msk [tilespmem:v7+s22+$0x0], $0xffff  }
0xbe: {  	[tilespmem:s15+$0x280] =	vst v6;
	v6 =	vld.idx.msk [tilespmem:v9+s22+$0x0], $0xffff;
	v9 =	vadd.s32 $0xE0, v4  }
0xbf: {  	[tilespmem:s16+$0x280] =	vst v8;
	v8 =	vld.idx.msk [tilespmem:v11+s22+$0x0], $0xffff  }
0xc0: {  	v11 =	vld.idx.msk [tilespmem:v13+s22+$0x0], $0xffff;
	v13 =	vadd.s32 $0xE0, v3  }
0xc1: {  	v0 =	vld.idx.msk [tilespmem:v10+s4+$0x0], $0xffff;
	v10 =	vadd.s32 $0xE0, v1  }
0xc2: {  	v14 =	vld.idx.msk [tilespmem:v23+s22+$0x0], $0xffff;
	[tilespmem:s7+$0x300] =	vst v7  }
0xc3: {  	v7 =	vadd.s32 $0xE0, v2;
	v9 =	vld.idx.msk [tilespmem:v9+s22+$0x0], $0xffff  }
0xc4: {  	[tilespmem:s5+$0x300] =	vst v6;
	v24 =	vld.idx.msk [tilespmem:v5+s4+$0x0], $0xffff  }
0xc5: {  	[tilespmem:s15+$0x300] =	vst v8;
	v6 =	vld.idx.msk [tilespmem:v13+s22+$0x0], $0xffff;
	v5 =	vadd.s32 $0x100, v4  }
0xc6: {  	s18 =	sadd.s32 $0xD500, s28;
	v8 =	vld.idx.msk [tilespmem:v10+s22+$0x0], $0xffff;
	v10 =	vadd.s32 $0x100, v3  }
0xc7: {  	s1 =	sor.u32 s31, s18;
	v12 =	vld.idx.msk [tilespmem:v22+s22+$0x0], $0xffff;
	[tilespmem:s16+$0x300] =	vst v11  }
0xc8: {  	v15 =	vadd.s32 $0x20, v22;
	[tilespmem:s1+$0x0] =	vst v14;
	v7 =	vld.idx.msk [tilespmem:v7+s22+$0x0], $0xffff  }
0xc9: {  	v11 =	vld.idx.msk [tilespmem:v0+s22+$0x0], $0xffff;
	[tilespmem:s7+$0x380] =	vst v9;
	v9 =	vadd.s32 $0x100, v1  }
0xca: {  	v13 =	vadd.s32 $0x20, v0;
	[tilespmem:s5+$0x380] =	vst v6;
	v5 =	vld.idx.msk [tilespmem:v5+s22+$0x0], $0xffff  }
0xcb: {  	s7 =	sor.u32 s29, s18;
	[tilespmem:s15+$0x380] =	vst v8;
	v8 =	vadd.s32 $0x20, v23;
	v10 =	vld.idx.msk [tilespmem:v10+s22+$0x0], $0xffff  }
0xcc: {  	v6 =	vadd.s32 $0x120, v4;
	[tilespmem:s7+$0x0] =	vst v12;
	v16 =	vld.idx.msk [tilespmem:v24+s22+$0x0], $0xffff  }
0xcd: {  	s2 =	sor.u32 s30, s18;
	s19 =	sadd.s32 $0x11500, s6;
	v12 =	vld.idx.msk [tilespmem:v15+s22+$0x0], $0xffff;
	[tilespmem:s16+$0x380] =	vst v7;
	v7 =	vadd.s32 $0x20, v24  }
0xce: {  	s13 =	sor.u32 s10, s19;
	[tilespmem:s2+$0x0] =	vst v11;
	v11 =	vadd.s32 $0x100, v2;
	v9 =	vld.idx.msk [tilespmem:v9+s22+$0x0], $0xffff  }
0xcf: {  	s14 =	sor.u32 s25, s19;
	v13 =	vld.idx.msk [tilespmem:v13+s22+$0x0], $0xffff;
	[tilespmem:s13+$0x0] =	vst v5;
	v5 =	vadd.s32 $0x120, v3  }
0xd0: {  	v14 =	vadd.s32 $0x40, v0;
	s5 =	sor.u32 s0, s18;
	v8 =	vld.idx.msk [tilespmem:v8+s22+$0x0], $0xffff;
	[tilespmem:s14+$0x0] =	vst v10  }
0xd1: {  	v10 =	vadd.s32 $0x40, v23;
	v6 =	vld.idx.msk [tilespmem:v6+s22+$0x0], $0xffff;
	[tilespmem:s5+$0x0] =	vst v16  }
0xd2: {  	s15 =	sor.u32 s26, s19;
	v15 =	vadd.s32 $0x140, v4;
	v7 =	vld.idx.msk [tilespmem:v7+s22+$0x0], $0xffff  }
0xd3: {  	v16 =	vadd.s32 $0x40, v22;
	[tilespmem:s15+$0x0] =	vst v9;
	v9 =	vld.idx.msk [tilespmem:v11+s22+$0x0], $0xffff  }
0xd4: {  	s16 =	sadd.s32 $0x11580, s6;
	v11 =	vadd.s32 $0x40, v24;
	[tilespmem:s2+$0x80] =	vst v13;
	v5 =	vld.idx.msk [tilespmem:v5+s22+$0x0], $0xffff  }
0xd5: {  	s17 =	sor.u32 s10, s16;
	v13 =	vadd.s32 $0x120, v1;
	v14 =	vld.idx.msk [tilespmem:v14+s22+$0x0], $0xffff;
	[tilespmem:s1+$0x80] =	vst v8  }
0xd6: {  	[tilespmem:s17+$0x0] =	vst v6;
	v6 =	vadd.s32 $0x120, v2;
	v10 =	vld.idx.msk [tilespmem:v10+s22+$0x0], $0xffff  }
0xd7: {  	[tilespmem:s7+$0x80] =	vst v12;
	v8 =	vadd.s32 $0x60, v0;
	v12 =	vld.idx.msk [tilespmem:v15+s22+$0x0], $0xffff  }
0xd8: {  	s11 =	sor.u32 s9, s19;
	v4 =	vadd.s32 $0x160, v4;
	v15 =	vld.idx.msk [tilespmem:v16+s22+$0x0], $0xffff;
	[tilespmem:s5+$0x80] =	vst v7  }
0xd9: {  	s18 =	sor.u32 s25, s16;
	v7 =	vadd.s32 $0x60, v22;
	[tilespmem:s11+$0x0] =	vst v9;
	v11 =	vld.idx.msk [tilespmem:v11+s22+$0x0], $0xffff  }
0xda: {  	s19 =	sadd.s32 $0x11600, s6;
	v9 =	vadd.s32 $0x60, v23;
	[tilespmem:s18+$0x0] =	vst v5;
	v5 =	vld.idx.msk [tilespmem:v13+s22+$0x0], $0xffff  }
0xdb: {  	s14 =	sor.u32 s10, s19;
	[tilespmem:s2+$0x100] =	vst v14;
	v14 =	vadd.s32 $0x140, v3;
	v6 =	vld.idx.msk [tilespmem:v6+s22+$0x0], $0xffff  }
0xdc: {  	v13 =	vadd.s32 $0x60, v24;
	v8 =	vld.idx.msk [tilespmem:v8+s22+$0x0], $0xffff;
	[tilespmem:s14+$0x0] =	vst v12  }
0xdd: {  	v12 =	vadd.s32 $0x140, v1;
	[tilespmem:s7+$0x100] =	vst v15;
	v4 =	vld.idx.msk [tilespmem:v4+s22+$0x0], $0xffff  }
0xde: {  	[tilespmem:s1+$0x100] =	vst v10;
	v10 =	vadd.s32 $0x80, v0;
	v7 =	vld.idx.msk [tilespmem:v7+s22+$0x0], $0xffff  }
0xdf: {  	s15 =	sor.u32 s26, s16;
	v15 =	vadd.s32 $0x140, v2;
	v9 =	vld.idx.msk [tilespmem:v9+s22+$0x0], $0xffff;
	[tilespmem:s5+$0x100] =	vst v11  }
0xe0: {  	s12 =	sor.u32 s9, s16;
	[tilespmem:s15+$0x0] =	vst v5;
	v5 =	vadd.s32 $0x80, v22;
	v25 =	vld.idx.msk [tilespmem:v14+s22+$0x0], $0xffff  }
0xe1: {  	s16 =	sadd.s32 $0x11680, s6;
	v11 =	vld.idx.msk [tilespmem:v13+s22+$0x0], $0xffff;
	[tilespmem:s12+$0x0] =	vst v6;
	v6 =	vadd.s32 $0x80, v23  }
0xe2: {  	v30 =	vadd.s32 $0x160, v2;
	s6 =	sor.u32 s10, s16;
	v3 =	vadd.s32 $0x160, v3;
	[tilespmem:s2+$0x180] =	vst v8;
	v8 =	vld.idx.msk [tilespmem:v12+s22+$0x0], $0xffff  }
0xe3: {  	v19 =	vadd.s32 $0xA0, v22;
	v21 =	vadd.s32 $0xA0, v23;
	v28 =	vadd.s32 $0x80, v24;
	v31 =	vld.idx.msk [tilespmem:v10+s22+$0x0], $0xffff;
	[tilespmem:s6+$0x0] =	vst v4  }
0xe4: {  	v18 =	vadd.s32 $0xC0, v23;
	v29 =	vadd.s32 $0xA0, v0;
	v1 =	vadd.s32 $0x160, v1;
	v2 =	vld.idx.msk [tilespmem:v15+s22+$0x0], $0xffff;
	[tilespmem:s7+$0x180] =	vst v7  }
0xe5: {  	v20 =	vadd.s32 $0xA0, v24;
	v17 =	vadd.s32 $0xC0, v24;
	s17 =	sor.u32 s25, s19;
	v16 =	vadd.s32 $0xE0, v23;
	[tilespmem:s1+$0x180] =	vst v9;
	v27 =	vld.idx.msk [tilespmem:v5+s22+$0x0], $0xffff  }
0xe6: {  	v14 =	vadd.s32 $0xE0, v22;
	v13 =	vadd.s32 $0xC0, v22;
	v10 =	vadd.s32 $0x100, v22;
	[tilespmem:s17+$0x0] =	vst v25;
	v26 =	vld.idx.msk [tilespmem:v6+s22+$0x0], $0xffff  }
0xe7: {  	s18 =	sor.u32 s26, s19;
	v12 =	vadd.s32 $0x100, v23;
	v15 =	vadd.s32 $0xE0, v24;
	v4 =	vadd.s32 $0x140, v22;
	[tilespmem:s5+$0x180] =	vst v11;
	v25 =	vld.idx.msk [tilespmem:v3+s22+$0x0], $0xffff  }
0xe8: {  	s19 =	sor.u32 s9, s19;
	v7 =	vadd.s32 $0x120, v22;
	v9 =	vadd.s32 $0x120, v24;
	v5 =	vadd.s32 $0x140, v24;
	v28 =	vld.idx.msk [tilespmem:v28+s22+$0x0], $0xffff;
	[tilespmem:s18+$0x0] =	vst v8  }
0xe9: {  	s13 =	sor.u32 s26, s16;
	s14 =	sor.u32 s9, s16;
	v11 =	vadd.s32 $0x100, v24;
	v6 =	vadd.s32 $0x140, v23;
	[tilespmem:s19+$0x0] =	vst v2;
	v2 =	vadd.s32 $0x160, v22;
	v22 =	vld.idx.msk [tilespmem:v1+s22+$0x0], $0xffff  }
0xea: {  	s9 =	simm.s32 $0x400;
	s15 =	sor.u32 s25, s16;
	s6 =	simm.s32 $0x4;
	v3 =	vadd.s32 $0x160, v23;
	v8 =	vadd.s32 $0x120, v23;
	[tilespmem:s2+$0x200] =	vst v31;
	v1 =	vadd.s32 $0x160, v24;
	v23 =	vld.idx.msk [tilespmem:v30+s22+$0x0], $0xffff  }
.LBB2_3:
0xeb: {  	s26 =	sand.u32 $0x3C00, s9;
	[tilespmem:s7+$0x200] =	vst v27;
	v24 =	vld.idx.msk [tilespmem:v29+s22+$0x0], $0xffff;
	s3 =	sadd.s32 $0x40, s3  }
0xec: {  	s6 =	sadd.s32 $0x4, s6;
	s10 =	sand.u32 $0x40, s3;
	s11 =	sshrl.u32 s26, $0x2;
	v19 =	vld.idx.msk [tilespmem:v19+s22+$0x0], $0xffff;
	[tilespmem:s1+$0x200] =	vst v26  }
0xed: {  	p0 =	slt.u32 s6, $0x7C;
	v26 =	vadd.s32 $0xC0, v0;
	s16 =	sadd.s32 $0xC500, s11;
	s25 =	sor.u32 $0x30, s10;
	v21 =	vld.idx.msk [tilespmem:v21+s22+$0x0], $0xffff;
	[tilespmem:s5+$0x200] =	vst v28  }
0xee: {  	s11 =	sor.u32 $0x10, s10;
	s12 =	sor.u32 $0x20, s10;
	s17 =	sor.u32 s25, s16;
	v20 =	vld.idx.msk [tilespmem:v20+s22+$0x0], $0xffff;
	[tilespmem:s15+$0x0] =	vst v25  }
0xef: {  	s15 =	sor.u32 s10, s16;
	s18 =	sor.u32 s11, s16;
	s16 =	sor.u32 s12, s16;
	v25 =	vld [tilespmem:s17+$0x0];
	[tilespmem:s13+$0x0] =	vst v22  }
0xf0: {  	v22 =	vld [tilespmem:s15+$0x0];
	[tilespmem:s14+$0x0] =	vst v23  }
0xf1: {  	v23 =	vld [tilespmem:s18+$0x0];
	[tilespmem:s2+$0x280] =	vst v24  }
0xf2: {  	[tilespmem:s7+$0x280] =	vst v19;
	v19 =	vld.idx.msk [tilespmem:v26+s22+$0x0], $0xffff  }
0xf3: {  	v24 =	vld [tilespmem:s16+$0x0];
	[tilespmem:s1+$0x280] =	vst v21  }
0xf4: {  	v13 =	vld.idx.msk [tilespmem:v13+s22+$0x0], $0xffff;
	[tilespmem:s5+$0x280] =	vst v20;
	v20 =	vadd.s32 $0xE0, v0  }
0xf5: {  	v18 =	vld.idx.msk [tilespmem:v18+s22+$0x0], $0xffff  }
0xf6: {  	v17 =	vld.idx.msk [tilespmem:v17+s22+$0x0], $0xffff  }
0xf7: {  	v26 =	vld.idx.msk [tilespmem:v25+s4+$0x0], $0xffff  }
0xf8: {  	v27 =	vld.idx.msk [tilespmem:v22+s4+$0x0], $0xffff;
	[tilespmem:s2+$0x300] =	vst v19  }
0xf9: {  	v20 =	vld.idx.msk [tilespmem:v20+s22+$0x0], $0xffff  }
0xfa: {  	v28 =	vld.idx.msk [tilespmem:v23+s4+$0x0], $0xffff;
	[tilespmem:s7+$0x300] =	vst v13  }
0xfb: {  	v29 =	vld.idx.msk [tilespmem:v24+s4+$0x0], $0xffff;
	[tilespmem:s1+$0x300] =	vst v18;
	v18 =	vadd.s32 $0x100, v0  }
0xfc: {  	v14 =	vld.idx.msk [tilespmem:v14+s22+$0x0], $0xffff;
	[tilespmem:s5+$0x300] =	vst v17  }
0xfd: {  	v16 =	vld.idx.msk [tilespmem:v16+s22+$0x0], $0xffff  }
0xfe: {  	v30 =	vadd.s32 $0x20, v27;
	v31 =	vadd.s32 $0x40, v27;
	v25 =	vadd.s32 $0x60, v27;
	v15 =	vld.idx.msk [tilespmem:v15+s22+$0x0], $0xffff  }
0xff: {  	v22 =	vadd.s32 $0x80, v27;
	v19 =	vadd.s32 $0xA0, v27;
	v13 =	vadd.s32 $0xC0, v27;
	v32 =	vld.idx.msk [tilespmem:v26+s22+$0x0], $0xffff;
	[tilespmem:s2+$0x380] =	vst v20  }
0x100: {  	v33 =	vadd.s32 $0x20, v28;
	v34 =	vadd.s32 $0x40, v28;
	v35 =	vadd.s32 $0x60, v28;
	v36 =	vld.idx.msk [tilespmem:v18+s22+$0x0], $0xffff  }
0x101: {  	v40 =	vadd.s32 $0x20, v26;
	v38 =	vadd.s32 $0x20, v29;
	v39 =	vadd.s32 $0x40, v29;
	v37 =	vld.idx.msk [tilespmem:v27+s22+$0x0], $0xffff  }
0x102: {  	v43 =	vadd.s32 $0x120, v0;
	v23 =	vadd.s32 $0x80, v28;
	v42 =	vadd.s32 $0x60, v29;
	v41 =	vld.idx.msk [tilespmem:v28+s22+$0x0], $0xffff;
	[tilespmem:s7+$0x380] =	vst v14  }
0x103: {  	s13 =	sadd.s32 $0xD500, s26;
	v21 =	vadd.s32 $0xA0, v28;
	v24 =	vadd.s32 $0x80, v29;
	v20 =	vadd.s32 $0xA0, v29;
	v44 =	vld.idx.msk [tilespmem:v29+s22+$0x0], $0xffff;
	[tilespmem:s1+$0x380] =	vst v16  }
0x104: {  	s14 =	sadd.s32 $0x11500, s28;
	s2 =	sor.u32 s25, s13;
	v18 =	vadd.s32 $0xC0, v28;
	v17 =	vadd.s32 $0xC0, v29;
	s7 =	sor.u32 s10, s13;
	v14 =	vadd.s32 $0xE0, v27;
	v45 =	vld.idx.msk [tilespmem:v10+s22+$0x0], $0xffff;
	[tilespmem:s5+$0x380] =	vst v15  }
0x105: {  	s1 =	sor.u32 s11, s13;
	v16 =	vadd.s32 $0xE0, v28;
	v10 =	vadd.s32 $0x100, v27;
	s5 =	sor.u32 s12, s13;
	v15 =	vadd.s32 $0xE0, v29;
	s13 =	sor.u32 s30, s14;
	[tilespmem:s2+$0x0] =	vst v32;
	v32 =	vld.idx.msk [tilespmem:v12+s22+$0x0], $0xffff  }
0x106: {  	s15 =	sor.u32 s29, s14;
	s16 =	sor.u32 s31, s14;
	v46 =	vadd.s32 $0x120, v27;
	v47 =	vadd.s32 $0x100, v29;
	s14 =	sor.u32 s0, s14;
	v12 =	vadd.s32 $0x100, v28;
	v40 =	vld.idx.msk [tilespmem:v40+s22+$0x0], $0xffff;
	[tilespmem:s13+$0x0] =	vst v36  }
0x107: {  	v48 =	vadd.s32 $0x120, v29;
	v36 =	vadd.s32 $0x140, v27;
	[tilespmem:s7+$0x0] =	vst v37;
	v37 =	vadd.s32 $0x120, v28;
	v43 =	vld.idx.msk [tilespmem:v43+s22+$0x0], $0xffff  }
0x108: {  	v50 =	vadd.s32 $0x40, v26;
	v49 =	vadd.s32 $0x140, v29;
	v30 =	vld.idx.msk [tilespmem:v30+s22+$0x0], $0xffff;
	[tilespmem:s1+$0x0] =	vst v41;
	v41 =	vadd.s32 $0x140, v28  }
0x109: {  	v51 =	vadd.s32 $0x160, v27;
	v27 =	vld.idx.msk [tilespmem:v33+s22+$0x0], $0xffff;
	v33 =	vadd.s32 $0x160, v28;
	[tilespmem:s5+$0x0] =	vst v44;
	v28 =	vadd.s32 $0x140, v0  }
0x10a: {  	v44 =	vadd.s32 $0x160, v29;
	v38 =	vld.idx.msk [tilespmem:v38+s22+$0x0], $0xffff;
	[tilespmem:s15+$0x0] =	vst v45  }
0x10b: {  	s13 =	sadd.s32 $0x11580, s28;
	[tilespmem:s16+$0x0] =	vst v32;
	v29 =	vld.idx.msk [tilespmem:v11+s22+$0x0], $0xffff;
	v11 =	vmov v47  }
0x10c: {  	s17 =	sor.u32 s30, s13;
	s15 =	sor.u32 s29, s13;
	s16 =	sor.u32 s31, s13;
	[tilespmem:s2+$0x80] =	vst v40;
	v32 =	vld.idx.msk [tilespmem:v7+s22+$0x0], $0xffff;
	v7 =	vmov v46  }
0x10d: {  	s13 =	sor.u32 s0, s13;
	v40 =	vld.idx.msk [tilespmem:v50+s22+$0x0], $0xffff;
	[tilespmem:s17+$0x0] =	vst v43  }
0x10e: {  	[tilespmem:s7+$0x80] =	vst v30;
	v28 =	vld.idx.msk [tilespmem:v28+s22+$0x0], $0xffff  }
0x10f: {  	v30 =	vld.idx.msk [tilespmem:v31+s22+$0x0], $0xffff;
	[tilespmem:s1+$0x80] =	vst v27;
	v27 =	vadd.s32 $0x60, v26  }
0x110: {  	v31 =	vld.idx.msk [tilespmem:v34+s22+$0x0], $0xffff;
	[tilespmem:s5+$0x80] =	vst v38;
	v34 =	vadd.s32 $0x160, v0;
	v0 =	vmov v26  }
0x111: {  	v26 =	vld.idx.msk [tilespmem:v39+s22+$0x0], $0xffff;
	[tilespmem:s14+$0x0] =	vst v29  }
0x112: {  	s14 =	sadd.s32 $0x11600, s28;
	[tilespmem:s15+$0x0] =	vst v32;
	v29 =	vld.idx.msk [tilespmem:v8+s22+$0x0], $0xffff;
	v8 =	vmov v37  }
0x113: {  	s17 =	sor.u32 s29, s14;
	s18 =	sor.u32 s31, s14;
	s15 =	sor.u32 s30, s14;
	[tilespmem:s2+$0x100] =	vst v40;
	v32 =	vld.idx.msk [tilespmem:v9+s22+$0x0], $0xffff;
	v9 =	vmov v48  }
0x114: {  	s19 =	sor.u32 s0, s14;
	v27 =	vld.idx.msk [tilespmem:v27+s22+$0x0], $0xffff;
	[tilespmem:s15+$0x0] =	vst v28  }
0x115: {  	[tilespmem:s7+$0x100] =	vst v30;
	v28 =	vld.idx.msk [tilespmem:v34+s22+$0x0], $0xffff  }
0x116: {  	v25 =	vld.idx.msk [tilespmem:v25+s22+$0x0], $0xffff;
	[tilespmem:s1+$0x100] =	vst v31  }
0x117: {  	v30 =	vld.idx.msk [tilespmem:v35+s22+$0x0], $0xffff;
	[tilespmem:s5+$0x100] =	vst v26;
	v26 =	vadd.s32 $0x80, v0  }
0x118: {  	v31 =	vld.idx.msk [tilespmem:v42+s22+$0x0], $0xffff;
	[tilespmem:s16+$0x0] =	vst v29  }
0x119: {  	s14 =	sadd.s32 $0x11680, s28;
	s28 =	smov.u32 s26;
	v34 =	vld.idx.msk [tilespmem:v4+s22+$0x0], $0xffff;
	[tilespmem:s13+$0x0] =	vst v32;
	v4 =	vmov v36  }
0x11a: {  	s15 =	sor.u32 s29, s14;
	s16 =	sor.u32 s30, s14;
	s13 =	sor.u32 s31, s14;
	[tilespmem:s2+$0x180] =	vst v27;
	v32 =	vld.idx.msk [tilespmem:v6+s22+$0x0], $0xffff;
	v6 =	vmov v41  }
0x11b: {  	s29 =	smov.u32 s10;
	s30 =	smov.u32 s25;
	s14 =	sor.u32 s0, s14;
	v35 =	vld.idx.msk [tilespmem:v5+s22+$0x0], $0xffff;
	[tilespmem:s16+$0x0] =	vst v28;
	v5 =	vmov v49  }
0x11c: {  	s31 =	smov.u32 s11;
	s0 =	smov.u32 s12;
	[tilespmem:s7+$0x180] =	vst v25;
	v36 =	vld.idx.msk [tilespmem:v26+s22+$0x0], $0xffff  }
0x11d: {  	v27 =	vld.idx.msk [tilespmem:v22+s22+$0x0], $0xffff;
	[tilespmem:s1+$0x180] =	vst v30  }
.Ltmp0:
0x11e: {  	v29 =	vadd.s32 $0xA0, v0;
	v26 =	vld.idx.msk [tilespmem:v23+s22+$0x0], $0xffff;
	[tilespmem:s5+$0x180] =	vst v31;
	(pc) =	sbr.rel @p0 .LBB2_3-.Ltmp0, $4  }
0x11f: {  	v28 =	vld.idx.msk [tilespmem:v24+s22+$0x0], $0xffff;
	[tilespmem:s17+$0x0] =	vst v34  }
0x120: {  	v25 =	vld.idx.msk [tilespmem:v2+s22+$0x0], $0xffff;
	[tilespmem:s18+$0x0] =	vst v32;
	v2 =	vmov v51  }
0x121: {  	v22 =	vld.idx.msk [tilespmem:v3+s22+$0x0], $0xffff;
	[tilespmem:s19+$0x0] =	vst v35;
	v3 =	vmov v33  }
0x122: {  	s9 =	sadd.s32 $0x200, s9;
	[tilespmem:s2+$0x200] =	vst v36;
	v23 =	vld.idx.msk [tilespmem:v1+s22+$0x0], $0xffff;
	v1 =	vmov v44  }
0x123: {  	_ =	sdelay $0x3  }
0x124: {  	[tilespmem:s7+$0x200] =	vst v27;
	v24 =	vld.idx.msk [tilespmem:v29+s22+$0x0], $0xffff  }
0x125: {  	[tilespmem:s1+$0x200] =	vst v26;
	v26 =	vadd.s32 $0xC0, v0;
	v19 =	vld.idx.msk [tilespmem:v19+s22+$0x0], $0xffff  }
0x126: {  	v21 =	vld.idx.msk [tilespmem:v21+s22+$0x0], $0xffff;
	[tilespmem:s5+$0x200] =	vst v28  }
0x127: {  	v20 =	vld.idx.msk [tilespmem:v20+s22+$0x0], $0xffff;
	_ =	sdelay $0x1  }
0x128: {  	[tilespmem:s2+$0x280] =	vst v24  }
0x129: {  	[tilespmem:s7+$0x280] =	vst v19;
	v19 =	vld.idx.msk [tilespmem:v26+s22+$0x0], $0xffff  }
0x12a: {  	[tilespmem:s1+$0x280] =	vst v21;
	v21 =	vadd.s32 $0xE0, v0;
	v13 =	vld.idx.msk [tilespmem:v13+s22+$0x0], $0xffff  }
0x12b: {  	[tilespmem:s5+$0x280] =	vst v20;
	v18 =	vld.idx.msk [tilespmem:v18+s22+$0x0], $0xffff  }
0x12c: {  	v17 =	vld.idx.msk [tilespmem:v17+s22+$0x0], $0xffff;
	_ =	sdelay $0x1  }
0x12d: {  	[tilespmem:s2+$0x300] =	vst v19  }
0x12e: {  	v19 =	vld.idx.msk [tilespmem:v21+s22+$0x0], $0xffff;
	[tilespmem:s7+$0x300] =	vst v13  }
0x12f: {  	[tilespmem:s1+$0x300] =	vst v18;
	v13 =	vadd.s32 $0x100, v0;
	v14 =	vld.idx.msk [tilespmem:v14+s22+$0x0], $0xffff  }
0x130: {  	[tilespmem:s5+$0x300] =	vst v17;
	v16 =	vld.idx.msk [tilespmem:v16+s22+$0x0], $0xffff  }
0x131: {  	v15 =	vld.idx.msk [tilespmem:v15+s22+$0x0], $0xffff;
	_ =	sdelay $0x1  }
0x132: {  	[tilespmem:s2+$0x380] =	vst v19  }
0x133: {  	[tilespmem:s7+$0x380] =	vst v14;
	v13 =	vld.idx.msk [tilespmem:v13+s22+$0x0], $0xffff  }
0x134: {  	v14 =	vadd.s32 $0x120, v0;
	[tilespmem:s1+$0x380] =	vst v16;
	v10 =	vld.idx.msk [tilespmem:v10+s22+$0x0], $0xffff  }
0x135: {  	[tilespmem:s5+$0x380] =	vst v15;
	v12 =	vld.idx.msk [tilespmem:v12+s22+$0x0], $0xffff  }
0x136: {  	s5 =	sadd.s32 $0x11500, s28;
	v11 =	vld.idx.msk [tilespmem:v11+s22+$0x0], $0xffff  }
0x137: {  	s6 =	sor.u32 s30, s5  }
0x138: {  	s7 =	sor.u32 s29, s5;
	[tilespmem:s6+$0x0] =	vst v13  }
0x139: {  	s9 =	sor.u32 s31, s5;
	[tilespmem:s7+$0x0] =	vst v10;
	v10 =	vld.idx.msk [tilespmem:v14+s22+$0x0], $0xffff  }
0x13a: {  	s1 =	sor.u32 s0, s5;
	v13 =	vadd.s32 $0x140, v0;
	[tilespmem:s9+$0x0] =	vst v12;
	v7 =	vld.idx.msk [tilespmem:v7+s22+$0x0], $0xffff  }
0x13b: {  	[tilespmem:s1+$0x0] =	vst v11;
	v8 =	vld.idx.msk [tilespmem:v8+s22+$0x0], $0xffff  }
0x13c: {  	s10 =	sadd.s32 $0x11580, s28;
	v9 =	vld.idx.msk [tilespmem:v9+s22+$0x0], $0xffff  }
0x13d: {  	s11 =	sor.u32 s30, s10  }
0x13e: {  	s12 =	sor.u32 s29, s10;
	[tilespmem:s11+$0x0] =	vst v10  }
0x13f: {  	s16 =	sor.u32 s31, s10;
	[tilespmem:s12+$0x0] =	vst v7;
	v7 =	vld.idx.msk [tilespmem:v13+s22+$0x0], $0xffff  }
0x140: {  	v0 =	vadd.s32 $0x160, v0;
	s1 =	sor.u32 s0, s10;
	[tilespmem:s16+$0x0] =	vst v8;
	v4 =	vld.idx.msk [tilespmem:v4+s22+$0x0], $0xffff  }
0x141: {  	[tilespmem:s1+$0x0] =	vst v9;
	v6 =	vld.idx.msk [tilespmem:v6+s22+$0x0], $0xffff  }
0x142: {  	s17 =	sadd.s32 $0x11600, s28;
	v5 =	vld.idx.msk [tilespmem:v5+s22+$0x0], $0xffff  }
0x143: {  	s18 =	sor.u32 s30, s17;
	[tilespmem:s15+$0x0] =	vst v25  }
0x144: {  	s19 =	sor.u32 s29, s17;
	[tilespmem:s18+$0x0] =	vst v7  }
0x145: {  	s25 =	sor.u32 s31, s17;
	[tilespmem:s19+$0x0] =	vst v4;
	v0 =	vld.idx.msk [tilespmem:v0+s22+$0x0], $0xffff  }
0x146: {  	s1 =	sor.u32 s0, s17;
	[tilespmem:s25+$0x0] =	vst v6;
	v2 =	vld.idx.msk [tilespmem:v2+s22+$0x0], $0xffff  }
0x147: {  	[tilespmem:s1+$0x0] =	vst v5;
	v3 =	vld.idx.msk [tilespmem:v3+s22+$0x0], $0xffff  }
0x148: {  	s26 =	sadd.s32 $0x11680, s28;
	[tilespmem:s13+$0x0] =	vst v22;
	v1 =	vld.idx.msk [tilespmem:v1+s22+$0x0], $0xffff  }
0x149: {  	s3 =	sor.u32 s30, s26;
	[tilespmem:s14+$0x0] =	vst v23  }
0x14a: {  	s5 =	sor.u32 s29, s26;
	[tilespmem:s3+$0x0] =	vst v0  }
0x14b: {  	s6 =	sor.u32 s31, s26;
	[tilespmem:s5+$0x0] =	vst v2  }
0x14c: {  	s7 =	sor.u32 s0, s26;
	[tilespmem:s6+$0x0] =	vst v3  }
0x14d: {  	s26 =	smov.u32 s8;
	s0 =	sadd.s32 s8, s23;
	s8 =	simm.s32 $0xD500;
	[tilespmem:s7+$0x0] =	vst v1  }
0x14e: {  	[hbm4b:s0+s4] =	stream.linear.scatter [tilespmem:s8], [sflag:$0x3], $0x80, $0x38;
	[tilespmem:$0x1D500] =	vst v63  }
0x14f: {  	s10 =	simm.s32 $0xD900;
	s9 =	sadd.s32 $0x80, s0  }
0x150: {  	[hbm4b:s9+s4] =	stream.linear.scatter [tilespmem:s10], [sflag:$0x3], $0x80, $0x38;
	[tilespmem:$0x1D500] =	vst v63  }
0x151: {  	s12 =	simm.s32 $0xDD00;
	s11 =	sadd.s32 $0x100, s0  }
0x152: {  	[hbm4b:s11+s4] =	stream.linear.scatter [tilespmem:s12], [sflag:$0x3], $0x80, $0x38;
	[tilespmem:$0x1D500] =	vst v63  }
0x153: {  	s14 =	simm.s32 $0xE100;
	s13 =	sadd.s32 $0x180, s0  }
0x154: {  	[hbm4b:s13+s4] =	stream.linear.scatter [tilespmem:s14], [sflag:$0x3], $0x80, $0x38;
	[tilespmem:$0x1D500] =	vst v63  }
0x155: {  	s16 =	simm.s32 $0xE500;
	s15 =	sadd.s32 $0x200, s0  }
0x156: {  	[hbm4b:s15+s4] =	stream.linear.scatter [tilespmem:s16], [sflag:$0x3], $0x80, $0x38;
	[tilespmem:$0x1D500] =	vst v63  }
0x157: {  	s17 =	sadd.s32 $0x280, s0;
	s18 =	simm.s32 $0xE900  }
0x158: {  	[hbm4b:s17+s4] =	stream.linear.scatter [tilespmem:s18], [sflag:$0x3], $0x80, $0x38;
	[tilespmem:$0x1D500] =	vst v63  }
0x159: {  	s19 =	sadd.s32 $0x300, s0;
	s25 =	simm.s32 $0xED00  }
0x15a: {  	[hbm4b:s19+s4] =	stream.linear.scatter [tilespmem:s25], [sflag:$0x3], $0x80, $0x38;
	[tilespmem:$0x1D500] =	vst v63  }
0x15b: {  	s3 =	sadd.s32 $0x380, s0;
	s5 =	simm.s32 $0xF100  }
0x15c: {  	[hbm4b:s3+s4] =	stream.linear.scatter [tilespmem:s5], [sflag:$0x3], $0x80, $0x38;
	[tilespmem:$0x1D500] =	vst v63  }
0x15d: {  	s6 =	sadd.s32 $0x400, s0;
	s7 =	simm.s32 $0xF500  }
0x15e: {  	[hbm4b:s6+s4] =	stream.linear.scatter [tilespmem:s7], [sflag:$0x3], $0x80, $0x38;
	[tilespmem:$0x1D500] =	vst v63  }
0x15f: {  	s8 =	sadd.s32 $0x480, s0;
	s9 =	simm.s32 $0xF900  }
0x160: {  	[hbm4b:s8+s4] =	stream.linear.scatter [tilespmem:s9], [sflag:$0x3], $0x80, $0x38;
	[tilespmem:$0x1D500] =	vst v63  }
0x161: {  	s10 =	sadd.s32 $0x500, s0;
	s11 =	simm.s32 $0xFD00  }
0x162: {  	[hbm4b:s10+s4] =	stream.linear.scatter [tilespmem:s11], [sflag:$0x3], $0x80, $0x38;
	[tilespmem:$0x1D500] =	vst v63  }
0x163: {  	s12 =	sadd.s32 $0x580, s0;
	s13 =	simm.s32 $0x10100  }
0x164: {  	[hbm4b:s12+s4] =	stream.linear.scatter [tilespmem:s13], [sflag:$0x3], $0x80, $0x38;
	[tilespmem:$0x1D500] =	vst v63  }
0x165: {  	s14 =	sadd.s32 $0x600, s0;
	s15 =	simm.s32 $0x10500  }
0x166: {  	[hbm4b:s14+s4] =	stream.linear.scatter [tilespmem:s15], [sflag:$0x3], $0x80, $0x38;
	[tilespmem:$0x1D500] =	vst v63  }
0x167: {  	s16 =	sadd.s32 $0x680, s0;
	s17 =	simm.s32 $0x10900  }
0x168: {  	[hbm4b:s16+s4] =	stream.linear.scatter [tilespmem:s17], [sflag:$0x3], $0x80, $0x38;
	[tilespmem:$0x1D500] =	vst v63  }
0x169: {  	s18 =	sadd.s32 $0x700, s0;
	s19 =	simm.s32 $0x10D00  }
0x16a: {  	[hbm4b:s18+s4] =	stream.linear.scatter [tilespmem:s19], [sflag:$0x3], $0x80, $0x38;
	[tilespmem:$0x1D500] =	vst v63  }
0x16b: {  	s2 =	rddreg [dreg:$0x8];
	s0 =	sadd.s32 $0x780, s0;
	s25 =	simm.s32 $0x11100  }
0x16c: {  	[hbm4b:s0+s4] =	stream.linear.scatter [tilespmem:s25], [sflag:$0x3], $0x80, $0x38;
	[tilespmem:$0x1D500] =	vst v63  }
0x16d: {  	s3 =	simm.s32 $0xD580;
	s0 =	sadd.s32 s23, s2  }
0x16e: {  	[hbm4b:s0+s4] =	stream.linear.scatter [tilespmem:s3], [sflag:$0x3], $0x80, $0x38;
	[tilespmem:$0x1D500] =	vst v63  }
0x16f: {  	s6 =	simm.s32 $0xD980;
	s5 =	sadd.s32 $0x80, s0  }
0x170: {  	[hbm4b:s5+s4] =	stream.linear.scatter [tilespmem:s6], [sflag:$0x3], $0x80, $0x38;
	[tilespmem:$0x1D500] =	vst v63  }
0x171: {  	s8 =	simm.s32 $0xDD80;
	s7 =	sadd.s32 $0x100, s0  }
0x172: {  	[hbm4b:s7+s4] =	stream.linear.scatter [tilespmem:s8], [sflag:$0x3], $0x80, $0x38;
	[tilespmem:$0x1D500] =	vst v63  }
0x173: {  	s10 =	simm.s32 $0xE180;
	s9 =	sadd.s32 $0x180, s0  }
0x174: {  	[hbm4b:s9+s4] =	stream.linear.scatter [tilespmem:s10], [sflag:$0x3], $0x80, $0x38;
	[tilespmem:$0x1D500] =	vst v63  }
0x175: {  	s12 =	simm.s32 $0xE580;
	s11 =	sadd.s32 $0x200, s0  }
0x176: {  	[hbm4b:s11+s4] =	stream.linear.scatter [tilespmem:s12], [sflag:$0x3], $0x80, $0x38;
	[tilespmem:$0x1D500] =	vst v63  }
0x177: {  	s14 =	simm.s32 $0xE980;
	s13 =	sadd.s32 $0x280, s0  }
0x178: {  	[hbm4b:s13+s4] =	stream.linear.scatter [tilespmem:s14], [sflag:$0x3], $0x80, $0x38;
	[tilespmem:$0x1D500] =	vst v63  }
0x179: {  	s16 =	simm.s32 $0xED80;
	s15 =	sadd.s32 $0x300, s0  }
0x17a: {  	[hbm4b:s15+s4] =	stream.linear.scatter [tilespmem:s16], [sflag:$0x3], $0x80, $0x38;
	[tilespmem:$0x1D500] =	vst v63  }
0x17b: {  	s18 =	simm.s32 $0xF180;
	s17 =	sadd.s32 $0x380, s0  }
0x17c: {  	[hbm4b:s17+s4] =	stream.linear.scatter [tilespmem:s18], [sflag:$0x3], $0x80, $0x38;
	[tilespmem:$0x1D500] =	vst v63  }
0x17d: {  	s25 =	simm.s32 $0xF580;
	s19 =	sadd.s32 $0x400, s0  }
0x17e: {  	[hbm4b:s19+s4] =	stream.linear.scatter [tilespmem:s25], [sflag:$0x3], $0x80, $0x38;
	[tilespmem:$0x1D500] =	vst v63  }
0x17f: {  	s3 =	sadd.s32 $0x480, s0;
	s5 =	simm.s32 $0xF980  }
0x180: {  	[hbm4b:s3+s4] =	stream.linear.scatter [tilespmem:s5], [sflag:$0x3], $0x80, $0x38;
	[tilespmem:$0x1D500] =	vst v63  }
0x181: {  	s6 =	sadd.s32 $0x500, s0;
	s7 =	simm.s32 $0xFD80  }
0x182: {  	[hbm4b:s6+s4] =	stream.linear.scatter [tilespmem:s7], [sflag:$0x3], $0x80, $0x38;
	[tilespmem:$0x1D500] =	vst v63  }
0x183: {  	s8 =	sadd.s32 $0x580, s0;
	s9 =	simm.s32 $0x10180  }
0x184: {  	[hbm4b:s8+s4] =	stream.linear.scatter [tilespmem:s9], [sflag:$0x3], $0x80, $0x38;
	[tilespmem:$0x1D500] =	vst v63  }
0x185: {  	s10 =	sadd.s32 $0x600, s0;
	s11 =	simm.s32 $0x10580  }
0x186: {  	[hbm4b:s10+s4] =	stream.linear.scatter [tilespmem:s11], [sflag:$0x3], $0x80, $0x38;
	[tilespmem:$0x1D500] =	vst v63  }
0x187: {  	s12 =	sadd.s32 $0x680, s0;
	s13 =	simm.s32 $0x10980  }
0x188: {  	[hbm4b:s12+s4] =	stream.linear.scatter [tilespmem:s13], [sflag:$0x3], $0x80, $0x38;
	[tilespmem:$0x1D500] =	vst v63  }
0x189: {  	s14 =	sadd.s32 $0x700, s0;
	s15 =	simm.s32 $0x10D80  }
0x18a: {  	[hbm4b:s14+s4] =	stream.linear.scatter [tilespmem:s15], [sflag:$0x3], $0x80, $0x38;
	[tilespmem:$0x1D500] =	vst v63  }
0x18b: {  	s0 =	sadd.s32 $0x780, s0;
	s16 =	simm.s32 $0x11180;
	s17 =	rddreg [dreg:$0x9]  }
0x18c: {  	[hbm4b:s0+s4] =	stream.linear.scatter [tilespmem:s16], [sflag:$0x3], $0x80, $0x38;
	[tilespmem:$0x1D500] =	vst v63  }
0x18d: {  	s18 =	simm.s32 $0xD600;
	s0 =	sadd.s32 s23, s17  }
0x18e: {  	[hbm4b:s0+s4] =	stream.linear.scatter [tilespmem:s18], [sflag:$0x3], $0x80, $0x38;
	[tilespmem:$0x1D500] =	vst v63  }
0x18f: {  	s25 =	simm.s32 $0xDA00;
	s19 =	sadd.s32 $0x80, s0  }
0x190: {  	[hbm4b:s19+s4] =	stream.linear.scatter [tilespmem:s25], [sflag:$0x3], $0x80, $0x38;
	[tilespmem:$0x1D500] =	vst v63  }
0x191: {  	s3 =	simm.s32 $0xDE00;
	s2 =	sadd.s32 $0x100, s0  }
0x192: {  	[hbm4b:s2+s4] =	stream.linear.scatter [tilespmem:s3], [sflag:$0x3], $0x80, $0x38;
	[tilespmem:$0x1D500] =	vst v63  }
0x193: {  	s6 =	simm.s32 $0xE200;
	s5 =	sadd.s32 $0x180, s0  }
0x194: {  	[hbm4b:s5+s4] =	stream.linear.scatter [tilespmem:s6], [sflag:$0x3], $0x80, $0x38;
	[tilespmem:$0x1D500] =	vst v63  }
0x195: {  	s8 =	simm.s32 $0xE600;
	s7 =	sadd.s32 $0x200, s0  }
0x196: {  	[hbm4b:s7+s4] =	stream.linear.scatter [tilespmem:s8], [sflag:$0x3], $0x80, $0x38;
	[tilespmem:$0x1D500] =	vst v63  }
0x197: {  	s10 =	simm.s32 $0xEA00;
	s9 =	sadd.s32 $0x280, s0  }
0x198: {  	[hbm4b:s9+s4] =	stream.linear.scatter [tilespmem:s10], [sflag:$0x3], $0x80, $0x38;
	[tilespmem:$0x1D500] =	vst v63  }
0x199: {  	s12 =	simm.s32 $0xEE00;
	s11 =	sadd.s32 $0x300, s0  }
0x19a: {  	[hbm4b:s11+s4] =	stream.linear.scatter [tilespmem:s12], [sflag:$0x3], $0x80, $0x38;
	[tilespmem:$0x1D500] =	vst v63  }
0x19b: {  	s14 =	simm.s32 $0xF200;
	s13 =	sadd.s32 $0x380, s0  }
0x19c: {  	[hbm4b:s13+s4] =	stream.linear.scatter [tilespmem:s14], [sflag:$0x3], $0x80, $0x38;
	[tilespmem:$0x1D500] =	vst v63  }
0x19d: {  	s16 =	simm.s32 $0xF600;
	s15 =	sadd.s32 $0x400, s0  }
0x19e: {  	[hbm4b:s15+s4] =	stream.linear.scatter [tilespmem:s16], [sflag:$0x3], $0x80, $0x38;
	[tilespmem:$0x1D500] =	vst v63  }
0x19f: {  	s17 =	sadd.s32 $0x480, s0;
	s18 =	simm.s32 $0xFA00  }
0x1a0: {  	[hbm4b:s17+s4] =	stream.linear.scatter [tilespmem:s18], [sflag:$0x3], $0x80, $0x38;
	[tilespmem:$0x1D500] =	vst v63  }
0x1a1: {  	s19 =	sadd.s32 $0x500, s0;
	s25 =	simm.s32 $0xFE00  }
0x1a2: {  	[hbm4b:s19+s4] =	stream.linear.scatter [tilespmem:s25], [sflag:$0x3], $0x80, $0x38;
	[tilespmem:$0x1D500] =	vst v63  }
0x1a3: {  	s3 =	sadd.s32 $0x580, s0;
	s5 =	simm.s32 $0x10200  }
0x1a4: {  	[hbm4b:s3+s4] =	stream.linear.scatter [tilespmem:s5], [sflag:$0x3], $0x80, $0x38;
	[tilespmem:$0x1D500] =	vst v63  }
0x1a5: {  	s6 =	sadd.s32 $0x600, s0;
	s7 =	simm.s32 $0x10600  }
0x1a6: {  	[hbm4b:s6+s4] =	stream.linear.scatter [tilespmem:s7], [sflag:$0x3], $0x80, $0x38;
	[tilespmem:$0x1D500] =	vst v63  }
0x1a7: {  	s8 =	sadd.s32 $0x680, s0;
	s9 =	simm.s32 $0x10A00  }
0x1a8: {  	[hbm4b:s8+s4] =	stream.linear.scatter [tilespmem:s9], [sflag:$0x3], $0x80, $0x38;
	[tilespmem:$0x1D500] =	vst v63  }
0x1a9: {  	s10 =	sadd.s32 $0x700, s0;
	s11 =	simm.s32 $0x10E00  }
0x1aa: {  	[hbm4b:s10+s4] =	stream.linear.scatter [tilespmem:s11], [sflag:$0x3], $0x80, $0x38;
	[tilespmem:$0x1D500] =	vst v63  }
0x1ab: {  	s0 =	sadd.s32 $0x780, s0;
	s12 =	simm.s32 $0x11200;
	s13 =	rddreg [dreg:$0xa]  }
0x1ac: {  	[hbm4b:s0+s4] =	stream.linear.scatter [tilespmem:s12], [sflag:$0x3], $0x80, $0x38;
	[tilespmem:$0x1D500] =	vst v63  }
0x1ad: {  	s14 =	simm.s32 $0xD680;
	s0 =	sadd.s32 s23, s13  }
0x1ae: {  	[hbm4b:s0+s4] =	stream.linear.scatter [tilespmem:s14], [sflag:$0x3], $0x80, $0x38;
	[tilespmem:$0x1D500] =	vst v63  }
0x1af: {  	s16 =	simm.s32 $0xDA80;
	s15 =	sadd.s32 $0x80, s0  }
0x1b0: {  	[hbm4b:s15+s4] =	stream.linear.scatter [tilespmem:s16], [sflag:$0x3], $0x80, $0x38;
	[tilespmem:$0x1D500] =	vst v63  }
0x1b1: {  	s18 =	simm.s32 $0xDE80;
	s17 =	sadd.s32 $0x100, s0  }
0x1b2: {  	[hbm4b:s17+s4] =	stream.linear.scatter [tilespmem:s18], [sflag:$0x3], $0x80, $0x38;
	[tilespmem:$0x1D500] =	vst v63  }
0x1b3: {  	s25 =	simm.s32 $0xE280;
	s19 =	sadd.s32 $0x180, s0  }
0x1b4: {  	[hbm4b:s19+s4] =	stream.linear.scatter [tilespmem:s25], [sflag:$0x3], $0x80, $0x38;
	[tilespmem:$0x1D500] =	vst v63  }
0x1b5: {  	s3 =	simm.s32 $0xE680;
	s2 =	sadd.s32 $0x200, s0  }
0x1b6: {  	[hbm4b:s2+s4] =	stream.linear.scatter [tilespmem:s3], [sflag:$0x3], $0x80, $0x38;
	[tilespmem:$0x1D500] =	vst v63  }
0x1b7: {  	s6 =	simm.s32 $0xEA80;
	s5 =	sadd.s32 $0x280, s0  }
0x1b8: {  	[hbm4b:s5+s4] =	stream.linear.scatter [tilespmem:s6], [sflag:$0x3], $0x80, $0x38;
	[tilespmem:$0x1D500] =	vst v63  }
0x1b9: {  	s8 =	simm.s32 $0xEE80;
	s7 =	sadd.s32 $0x300, s0  }
0x1ba: {  	[hbm4b:s7+s4] =	stream.linear.scatter [tilespmem:s8], [sflag:$0x3], $0x80, $0x38;
	[tilespmem:$0x1D500] =	vst v63  }
0x1bb: {  	s10 =	simm.s32 $0xF280;
	s9 =	sadd.s32 $0x380, s0  }
0x1bc: {  	[hbm4b:s9+s4] =	stream.linear.scatter [tilespmem:s10], [sflag:$0x3], $0x80, $0x38;
	[tilespmem:$0x1D500] =	vst v63  }
0x1bd: {  	s12 =	simm.s32 $0xF680;
	s11 =	sadd.s32 $0x400, s0  }
0x1be: {  	[hbm4b:s11+s4] =	stream.linear.scatter [tilespmem:s12], [sflag:$0x3], $0x80, $0x38;
	[tilespmem:$0x1D500] =	vst v63  }
0x1bf: {  	s13 =	sadd.s32 $0x480, s0;
	s14 =	simm.s32 $0xFA80  }
0x1c0: {  	[hbm4b:s13+s4] =	stream.linear.scatter [tilespmem:s14], [sflag:$0x3], $0x80, $0x38;
	[tilespmem:$0x1D500] =	vst v63  }
0x1c1: {  	s15 =	sadd.s32 $0x500, s0;
	s16 =	simm.s32 $0xFE80  }
0x1c2: {  	[hbm4b:s15+s4] =	stream.linear.scatter [tilespmem:s16], [sflag:$0x3], $0x80, $0x38;
	[tilespmem:$0x1D500] =	vst v63  }
0x1c3: {  	s17 =	sadd.s32 $0x580, s0;
	s18 =	simm.s32 $0x10280  }
0x1c4: {  	[hbm4b:s17+s4] =	stream.linear.scatter [tilespmem:s18], [sflag:$0x3], $0x80, $0x38;
	[tilespmem:$0x1D500] =	vst v63  }
0x1c5: {  	s19 =	sadd.s32 $0x600, s0;
	s25 =	simm.s32 $0x10680  }
0x1c6: {  	[hbm4b:s19+s4] =	stream.linear.scatter [tilespmem:s25], [sflag:$0x3], $0x80, $0x38;
	[tilespmem:$0x1D500] =	vst v63  }
0x1c7: {  	s3 =	sadd.s32 $0x680, s0;
	s5 =	simm.s32 $0x10A80  }
0x1c8: {  	[hbm4b:s3+s4] =	stream.linear.scatter [tilespmem:s5], [sflag:$0x3], $0x80, $0x38;
	[tilespmem:$0x1D500] =	vst v63  }
0x1c9: {  	s6 =	sadd.s32 $0x700, s0;
	s7 =	simm.s32 $0x10E80  }
0x1ca: {  	[hbm4b:s6+s4] =	stream.linear.scatter [tilespmem:s7], [sflag:$0x3], $0x80, $0x38;
	[tilespmem:$0x1D500] =	vst v63  }
0x1cb: {  	s0 =	sadd.s32 $0x780, s0;
	s8 =	simm.s32 $0x11280;
	s9 =	rddreg [dreg:$0xb]  }
0x1cc: {  	[hbm4b:s0+s4] =	stream.linear.scatter [tilespmem:s8], [sflag:$0x3], $0x80, $0x38;
	[tilespmem:$0x1D500] =	vst v63  }
0x1cd: {  	s10 =	simm.s32 $0xD700;
	s0 =	sadd.s32 s23, s9  }
0x1ce: {  	[hbm4b:s0+s4] =	stream.linear.scatter [tilespmem:s10], [sflag:$0x3], $0x80, $0x38;
	[tilespmem:$0x1D500] =	vst v63  }
0x1cf: {  	s12 =	simm.s32 $0xDB00;
	s11 =	sadd.s32 $0x80, s0  }
0x1d0: {  	[hbm4b:s11+s4] =	stream.linear.scatter [tilespmem:s12], [sflag:$0x3], $0x80, $0x38;
	[tilespmem:$0x1D500] =	vst v63  }
0x1d1: {  	s14 =	simm.s32 $0xDF00;
	s13 =	sadd.s32 $0x100, s0  }
0x1d2: {  	[hbm4b:s13+s4] =	stream.linear.scatter [tilespmem:s14], [sflag:$0x3], $0x80, $0x38;
	[tilespmem:$0x1D500] =	vst v63  }
0x1d3: {  	s16 =	simm.s32 $0xE300;
	s15 =	sadd.s32 $0x180, s0  }
0x1d4: {  	[hbm4b:s15+s4] =	stream.linear.scatter [tilespmem:s16], [sflag:$0x3], $0x80, $0x38;
	[tilespmem:$0x1D500] =	vst v63  }
0x1d5: {  	s18 =	simm.s32 $0xE700;
	s17 =	sadd.s32 $0x200, s0  }
0x1d6: {  	[hbm4b:s17+s4] =	stream.linear.scatter [tilespmem:s18], [sflag:$0x3], $0x80, $0x38;
	[tilespmem:$0x1D500] =	vst v63  }
0x1d7: {  	s25 =	simm.s32 $0xEB00;
	s19 =	sadd.s32 $0x280, s0  }
0x1d8: {  	[hbm4b:s19+s4] =	stream.linear.scatter [tilespmem:s25], [sflag:$0x3], $0x80, $0x38;
	[tilespmem:$0x1D500] =	vst v63  }
0x1d9: {  	s3 =	simm.s32 $0xEF00;
	s2 =	sadd.s32 $0x300, s0  }
0x1da: {  	[hbm4b:s2+s4] =	stream.linear.scatter [tilespmem:s3], [sflag:$0x3], $0x80, $0x38;
	[tilespmem:$0x1D500] =	vst v63  }
0x1db: {  	s6 =	simm.s32 $0xF300;
	s5 =	sadd.s32 $0x380, s0  }
0x1dc: {  	[hbm4b:s5+s4] =	stream.linear.scatter [tilespmem:s6], [sflag:$0x3], $0x80, $0x38;
	[tilespmem:$0x1D500] =	vst v63  }
0x1dd: {  	s8 =	simm.s32 $0xF700;
	s7 =	sadd.s32 $0x400, s0  }
0x1de: {  	[hbm4b:s7+s4] =	stream.linear.scatter [tilespmem:s8], [sflag:$0x3], $0x80, $0x38;
	[tilespmem:$0x1D500] =	vst v63  }
0x1df: {  	s9 =	sadd.s32 $0x480, s0;
	s10 =	simm.s32 $0xFB00  }
0x1e0: {  	[hbm4b:s9+s4] =	stream.linear.scatter [tilespmem:s10], [sflag:$0x3], $0x80, $0x38;
	[tilespmem:$0x1D500] =	vst v63  }
0x1e1: {  	s11 =	sadd.s32 $0x500, s0;
	s12 =	simm.s32 $0xFF00  }
0x1e2: {  	[hbm4b:s11+s4] =	stream.linear.scatter [tilespmem:s12], [sflag:$0x3], $0x80, $0x38;
	[tilespmem:$0x1D500] =	vst v63  }
0x1e3: {  	s13 =	sadd.s32 $0x580, s0;
	s14 =	simm.s32 $0x10300  }
0x1e4: {  	[hbm4b:s13+s4] =	stream.linear.scatter [tilespmem:s14], [sflag:$0x3], $0x80, $0x38;
	[tilespmem:$0x1D500] =	vst v63  }
0x1e5: {  	s15 =	sadd.s32 $0x600, s0;
	s16 =	simm.s32 $0x10700  }
0x1e6: {  	[hbm4b:s15+s4] =	stream.linear.scatter [tilespmem:s16], [sflag:$0x3], $0x80, $0x38;
	[tilespmem:$0x1D500] =	vst v63  }
0x1e7: {  	s17 =	sadd.s32 $0x680, s0;
	s18 =	simm.s32 $0x10B00  }
0x1e8: {  	[hbm4b:s17+s4] =	stream.linear.scatter [tilespmem:s18], [sflag:$0x3], $0x80, $0x38;
	[tilespmem:$0x1D500] =	vst v63  }
0x1e9: {  	s19 =	sadd.s32 $0x700, s0;
	s25 =	simm.s32 $0x10F00  }
0x1ea: {  	[hbm4b:s19+s4] =	stream.linear.scatter [tilespmem:s25], [sflag:$0x3], $0x80, $0x38;
	[tilespmem:$0x1D500] =	vst v63  }
0x1eb: {  	s0 =	sadd.s32 $0x780, s0;
	s3 =	simm.s32 $0x11300;
	s5 =	rddreg [dreg:$0xc]  }
0x1ec: {  	[hbm4b:s0+s4] =	stream.linear.scatter [tilespmem:s3], [sflag:$0x3], $0x80, $0x38;
	[tilespmem:$0x1D500] =	vst v63  }
0x1ed: {  	s6 =	simm.s32 $0xD780;
	s0 =	sadd.s32 s23, s5  }
0x1ee: {  	[hbm4b:s0+s4] =	stream.linear.scatter [tilespmem:s6], [sflag:$0x3], $0x80, $0x38;
	[tilespmem:$0x1D500] =	vst v63  }
0x1ef: {  	s8 =	simm.s32 $0xDB80;
	s7 =	sadd.s32 $0x80, s0  }
0x1f0: {  	[hbm4b:s7+s4] =	stream.linear.scatter [tilespmem:s8], [sflag:$0x3], $0x80, $0x38;
	[tilespmem:$0x1D500] =	vst v63  }
0x1f1: {  	s10 =	simm.s32 $0xDF80;
	s9 =	sadd.s32 $0x100, s0  }
0x1f2: {  	[hbm4b:s9+s4] =	stream.linear.scatter [tilespmem:s10], [sflag:$0x3], $0x80, $0x38;
	[tilespmem:$0x1D500] =	vst v63  }
0x1f3: {  	s12 =	simm.s32 $0xE380;
	s11 =	sadd.s32 $0x180, s0  }
0x1f4: {  	[hbm4b:s11+s4] =	stream.linear.scatter [tilespmem:s12], [sflag:$0x3], $0x80, $0x38;
	[tilespmem:$0x1D500] =	vst v63  }
0x1f5: {  	s14 =	simm.s32 $0xE780;
	s13 =	sadd.s32 $0x200, s0  }
0x1f6: {  	[hbm4b:s13+s4] =	stream.linear.scatter [tilespmem:s14], [sflag:$0x3], $0x80, $0x38;
	[tilespmem:$0x1D500] =	vst v63  }
0x1f7: {  	s16 =	simm.s32 $0xEB80;
	s15 =	sadd.s32 $0x280, s0  }
0x1f8: {  	[hbm4b:s15+s4] =	stream.linear.scatter [tilespmem:s16], [sflag:$0x3], $0x80, $0x38;
	[tilespmem:$0x1D500] =	vst v63  }
0x1f9: {  	s18 =	simm.s32 $0xEF80;
	s17 =	sadd.s32 $0x300, s0  }
0x1fa: {  	[hbm4b:s17+s4] =	stream.linear.scatter [tilespmem:s18], [sflag:$0x3], $0x80, $0x38;
	[tilespmem:$0x1D500] =	vst v63  }
0x1fb: {  	s25 =	simm.s32 $0xF380;
	s19 =	sadd.s32 $0x380, s0  }
0x1fc: {  	[hbm4b:s19+s4] =	stream.linear.scatter [tilespmem:s25], [sflag:$0x3], $0x80, $0x38;
	[tilespmem:$0x1D500] =	vst v63  }
0x1fd: {  	s5 =	simm.s32 $0xF780;
	s3 =	sadd.s32 $0x400, s0  }
0x1fe: {  	[hbm4b:s3+s4] =	stream.linear.scatter [tilespmem:s5], [sflag:$0x3], $0x80, $0x38;
	[tilespmem:$0x1D500] =	vst v63  }
0x1ff: {  	s6 =	sadd.s32 $0x480, s0;
	s7 =	simm.s32 $0xFB80  }
0x200: {  	[hbm4b:s6+s4] =	stream.linear.scatter [tilespmem:s7], [sflag:$0x3], $0x80, $0x38;
	[tilespmem:$0x1D500] =	vst v63  }
0x201: {  	s8 =	sadd.s32 $0x500, s0;
	s9 =	simm.s32 $0xFF80  }
0x202: {  	[hbm4b:s8+s4] =	stream.linear.scatter [tilespmem:s9], [sflag:$0x3], $0x80, $0x38;
	[tilespmem:$0x1D500] =	vst v63  }
0x203: {  	s10 =	sadd.s32 $0x580, s0;
	s11 =	simm.s32 $0x10380  }
0x204: {  	[hbm4b:s10+s4] =	stream.linear.scatter [tilespmem:s11], [sflag:$0x3], $0x80, $0x38;
	[tilespmem:$0x1D500] =	vst v63  }
0x205: {  	s12 =	sadd.s32 $0x600, s0;
	s13 =	simm.s32 $0x10780  }
0x206: {  	[hbm4b:s12+s4] =	stream.linear.scatter [tilespmem:s13], [sflag:$0x3], $0x80, $0x38;
	[tilespmem:$0x1D500] =	vst v63  }
0x207: {  	s14 =	sadd.s32 $0x680, s0;
	s15 =	simm.s32 $0x10B80  }
0x208: {  	[hbm4b:s14+s4] =	stream.linear.scatter [tilespmem:s15], [sflag:$0x3], $0x80, $0x38;
	[tilespmem:$0x1D500] =	vst v63  }
0x209: {  	s16 =	sadd.s32 $0x700, s0;
	s17 =	simm.s32 $0x10F80  }
0x20a: {  	[hbm4b:s16+s4] =	stream.linear.scatter [tilespmem:s17], [sflag:$0x3], $0x80, $0x38;
	[tilespmem:$0x1D500] =	vst v63  }
0x20b: {  	s0 =	sadd.s32 $0x780, s0;
	s18 =	simm.s32 $0x11380;
	s19 =	rddreg [dreg:$0xd]  }
0x20c: {  	[hbm4b:s0+s4] =	stream.linear.scatter [tilespmem:s18], [sflag:$0x3], $0x80, $0x38;
	[tilespmem:$0x1D500] =	vst v63  }
0x20d: {  	s25 =	simm.s32 $0xD800;
	s0 =	sadd.s32 s23, s19  }
0x20e: {  	[hbm4b:s0+s4] =	stream.linear.scatter [tilespmem:s25], [sflag:$0x3], $0x80, $0x38;
	[tilespmem:$0x1D500] =	vst v63  }
0x20f: {  	s3 =	simm.s32 $0xDC00;
	s2 =	sadd.s32 $0x80, s0  }
0x210: {  	[hbm4b:s2+s4] =	stream.linear.scatter [tilespmem:s3], [sflag:$0x3], $0x80, $0x38;
	[tilespmem:$0x1D500] =	vst v63  }
0x211: {  	s6 =	simm.s32 $0xE000;
	s5 =	sadd.s32 $0x100, s0  }
0x212: {  	[hbm4b:s5+s4] =	stream.linear.scatter [tilespmem:s6], [sflag:$0x3], $0x80, $0x38;
	[tilespmem:$0x1D500] =	vst v63  }
0x213: {  	s8 =	simm.s32 $0xE400;
	s7 =	sadd.s32 $0x180, s0  }
0x214: {  	[hbm4b:s7+s4] =	stream.linear.scatter [tilespmem:s8], [sflag:$0x3], $0x80, $0x38;
	[tilespmem:$0x1D500] =	vst v63  }
0x215: {  	s10 =	simm.s32 $0xE800;
	s9 =	sadd.s32 $0x200, s0  }
0x216: {  	[hbm4b:s9+s4] =	stream.linear.scatter [tilespmem:s10], [sflag:$0x3], $0x80, $0x38;
	[tilespmem:$0x1D500] =	vst v63  }
0x217: {  	s12 =	simm.s32 $0xEC00;
	s11 =	sadd.s32 $0x280, s0  }
0x218: {  	[hbm4b:s11+s4] =	stream.linear.scatter [tilespmem:s12], [sflag:$0x3], $0x80, $0x38;
	[tilespmem:$0x1D500] =	vst v63  }
0x219: {  	s14 =	simm.s32 $0xF000;
	s13 =	sadd.s32 $0x300, s0  }
0x21a: {  	[hbm4b:s13+s4] =	stream.linear.scatter [tilespmem:s14], [sflag:$0x3], $0x80, $0x38;
	[tilespmem:$0x1D500] =	vst v63  }
0x21b: {  	s16 =	simm.s32 $0xF400;
	s15 =	sadd.s32 $0x380, s0  }
0x21c: {  	[hbm4b:s15+s4] =	stream.linear.scatter [tilespmem:s16], [sflag:$0x3], $0x80, $0x38;
	[tilespmem:$0x1D500] =	vst v63  }
0x21d: {  	s18 =	simm.s32 $0xF800;
	s17 =	sadd.s32 $0x400, s0  }
0x21e: {  	[hbm4b:s17+s4] =	stream.linear.scatter [tilespmem:s18], [sflag:$0x3], $0x80, $0x38;
	[tilespmem:$0x1D500] =	vst v63  }
0x21f: {  	s19 =	sadd.s32 $0x480, s0;
	s25 =	simm.s32 $0xFC00  }
0x220: {  	[hbm4b:s19+s4] =	stream.linear.scatter [tilespmem:s25], [sflag:$0x3], $0x80, $0x38;
	[tilespmem:$0x1D500] =	vst v63  }
0x221: {  	s3 =	sadd.s32 $0x500, s0;
	s5 =	simm.s32 $0x10000  }
0x222: {  	[hbm4b:s3+s4] =	stream.linear.scatter [tilespmem:s5], [sflag:$0x3], $0x80, $0x38;
	[tilespmem:$0x1D500] =	vst v63  }
0x223: {  	s6 =	sadd.s32 $0x580, s0;
	s7 =	simm.s32 $0x10400  }
0x224: {  	[hbm4b:s6+s4] =	stream.linear.scatter [tilespmem:s7], [sflag:$0x3], $0x80, $0x38;
	[tilespmem:$0x1D500] =	vst v63  }
0x225: {  	s8 =	sadd.s32 $0x600, s0;
	s9 =	simm.s32 $0x10800  }
0x226: {  	[hbm4b:s8+s4] =	stream.linear.scatter [tilespmem:s9], [sflag:$0x3], $0x80, $0x38;
	[tilespmem:$0x1D500] =	vst v63  }
0x227: {  	s10 =	sadd.s32 $0x680, s0;
	s11 =	simm.s32 $0x10C00  }
0x228: {  	[hbm4b:s10+s4] =	stream.linear.scatter [tilespmem:s11], [sflag:$0x3], $0x80, $0x38;
	[tilespmem:$0x1D500] =	vst v63  }
0x229: {  	s12 =	sadd.s32 $0x700, s0;
	s13 =	simm.s32 $0x11000  }
0x22a: {  	[hbm4b:s12+s4] =	stream.linear.scatter [tilespmem:s13], [sflag:$0x3], $0x80, $0x38;
	[tilespmem:$0x1D500] =	vst v63  }
0x22b: {  	s0 =	sadd.s32 $0x780, s0;
	s14 =	simm.s32 $0x11400;
	s15 =	rddreg [dreg:$0xe]  }
0x22c: {  	[hbm4b:s0+s4] =	stream.linear.scatter [tilespmem:s14], [sflag:$0x3], $0x80, $0x38;
	[tilespmem:$0x1D500] =	vst v63  }
0x22d: {  	s16 =	simm.s32 $0xD880;
	s0 =	sadd.s32 s23, s15  }
0x22e: {  	[hbm4b:s0+s4] =	stream.linear.scatter [tilespmem:s16], [sflag:$0x3], $0x80, $0x38;
	[tilespmem:$0x1D500] =	vst v63  }
0x22f: {  	s18 =	simm.s32 $0xDC80;
	s17 =	sadd.s32 $0x80, s0  }
0x230: {  	[hbm4b:s17+s4] =	stream.linear.scatter [tilespmem:s18], [sflag:$0x3], $0x80, $0x38;
	[tilespmem:$0x1D500] =	vst v63  }
0x231: {  	s25 =	simm.s32 $0xE080;
	s19 =	sadd.s32 $0x100, s0  }
0x232: {  	[hbm4b:s19+s4] =	stream.linear.scatter [tilespmem:s25], [sflag:$0x3], $0x80, $0x38;
	[tilespmem:$0x1D500] =	vst v63  }
0x233: {  	s3 =	simm.s32 $0xE480;
	s2 =	sadd.s32 $0x180, s0  }
0x234: {  	[hbm4b:s2+s4] =	stream.linear.scatter [tilespmem:s3], [sflag:$0x3], $0x80, $0x38;
	[tilespmem:$0x1D500] =	vst v63  }
0x235: {  	s6 =	simm.s32 $0xE880;
	s5 =	sadd.s32 $0x200, s0  }
0x236: {  	[hbm4b:s5+s4] =	stream.linear.scatter [tilespmem:s6], [sflag:$0x3], $0x80, $0x38;
	[tilespmem:$0x1D500] =	vst v63  }
0x237: {  	s8 =	simm.s32 $0xEC80;
	s7 =	sadd.s32 $0x280, s0  }
0x238: {  	[hbm4b:s7+s4] =	stream.linear.scatter [tilespmem:s8], [sflag:$0x3], $0x80, $0x38;
	[tilespmem:$0x1D500] =	vst v63  }
0x239: {  	s10 =	simm.s32 $0xF080;
	s9 =	sadd.s32 $0x300, s0  }
0x23a: {  	[hbm4b:s9+s4] =	stream.linear.scatter [tilespmem:s10], [sflag:$0x3], $0x80, $0x38;
	[tilespmem:$0x1D500] =	vst v63  }
0x23b: {  	s12 =	simm.s32 $0xF480;
	s11 =	sadd.s32 $0x380, s0  }
0x23c: {  	[hbm4b:s11+s4] =	stream.linear.scatter [tilespmem:s12], [sflag:$0x3], $0x80, $0x38;
	[tilespmem:$0x1D500] =	vst v63  }
0x23d: {  	s14 =	simm.s32 $0xF880;
	s13 =	sadd.s32 $0x400, s0  }
0x23e: {  	[hbm4b:s13+s4] =	stream.linear.scatter [tilespmem:s14], [sflag:$0x3], $0x80, $0x38;
	[tilespmem:$0x1D500] =	vst v63  }
0x23f: {  	s15 =	sadd.s32 $0x480, s0;
	s16 =	simm.s32 $0xFC80  }
0x240: {  	[hbm4b:s15+s4] =	stream.linear.scatter [tilespmem:s16], [sflag:$0x3], $0x80, $0x38;
	[tilespmem:$0x1D500] =	vst v63  }
0x241: {  	s17 =	sadd.s32 $0x500, s0;
	s18 =	simm.s32 $0x10080  }
0x242: {  	[hbm4b:s17+s4] =	stream.linear.scatter [tilespmem:s18], [sflag:$0x3], $0x80, $0x38;
	[tilespmem:$0x1D500] =	vst v63  }
0x243: {  	s19 =	sadd.s32 $0x580, s0;
	s25 =	simm.s32 $0x10480  }
0x244: {  	[hbm4b:s19+s4] =	stream.linear.scatter [tilespmem:s25], [sflag:$0x3], $0x80, $0x38;
	[tilespmem:$0x1D500] =	vst v63  }
0x245: {  	s3 =	sadd.s32 $0x600, s0;
	s5 =	simm.s32 $0x10880  }
0x246: {  	[hbm4b:s3+s4] =	stream.linear.scatter [tilespmem:s5], [sflag:$0x3], $0x80, $0x38;
	[tilespmem:$0x1D500] =	vst v63  }
0x247: {  	s6 =	sadd.s32 $0x680, s0;
	s7 =	simm.s32 $0x10C80  }
0x248: {  	[hbm4b:s6+s4] =	stream.linear.scatter [tilespmem:s7], [sflag:$0x3], $0x80, $0x38;
	[tilespmem:$0x1D500] =	vst v63  }
0x249: {  	s8 =	sadd.s32 $0x700, s0;
	s9 =	simm.s32 $0x11080  }
0x24a: {  	[hbm4b:s8+s4] =	stream.linear.scatter [tilespmem:s9], [sflag:$0x3], $0x80, $0x38;
	[tilespmem:$0x1D500] =	vst v63  }
0x24b: {  	s0 =	sadd.s32 $0x780, s0;
	s10 =	simm.s32 $0x11480;
	s11 =	rddreg [dreg:$0xf]  }
0x24c: {  	[hbm4b:s0+s4] =	stream.linear.scatter [tilespmem:s10], [sflag:$0x3], $0x80, $0x38;
	[tilespmem:$0x1D500] =	vst v63  }
0x24d: {  	s12 =	simm.s32 $0x11500;
	s0 =	sadd.s32 s23, s11  }
0x24e: {  	[hbm4b:s0+s4] =	stream.linear.scatter [tilespmem:s12], [sflag:$0x3], $0x80, $0x38;
	[tilespmem:$0x1D500] =	vst v63  }
0x24f: {  	s14 =	simm.s32 $0x11900;
	s13 =	sadd.s32 $0x80, s0  }
0x250: {  	[hbm4b:s13+s4] =	stream.linear.scatter [tilespmem:s14], [sflag:$0x3], $0x80, $0x38;
	[tilespmem:$0x1D500] =	vst v63  }
0x251: {  	s16 =	simm.s32 $0x11D00;
	s15 =	sadd.s32 $0x100, s0  }
0x252: {  	[hbm4b:s15+s4] =	stream.linear.scatter [tilespmem:s16], [sflag:$0x3], $0x80, $0x38;
	[tilespmem:$0x1D500] =	vst v63  }
0x253: {  	s18 =	simm.s32 $0x12100;
	s17 =	sadd.s32 $0x180, s0  }
0x254: {  	[hbm4b:s17+s4] =	stream.linear.scatter [tilespmem:s18], [sflag:$0x3], $0x80, $0x38;
	[tilespmem:$0x1D500] =	vst v63  }
0x255: {  	s25 =	simm.s32 $0x12500;
	s19 =	sadd.s32 $0x200, s0  }
0x256: {  	[hbm4b:s19+s4] =	stream.linear.scatter [tilespmem:s25], [sflag:$0x3], $0x80, $0x38;
	[tilespmem:$0x1D500] =	vst v63  }
0x257: {  	s3 =	simm.s32 $0x12900;
	s2 =	sadd.s32 $0x280, s0  }
0x258: {  	[hbm4b:s2+s4] =	stream.linear.scatter [tilespmem:s3], [sflag:$0x3], $0x80, $0x38;
	[tilespmem:$0x1D500] =	vst v63  }
0x259: {  	s6 =	simm.s32 $0x12D00;
	s5 =	sadd.s32 $0x300, s0  }
0x25a: {  	[hbm4b:s5+s4] =	stream.linear.scatter [tilespmem:s6], [sflag:$0x3], $0x80, $0x38;
	[tilespmem:$0x1D500] =	vst v63  }
0x25b: {  	s8 =	simm.s32 $0x13100;
	s7 =	sadd.s32 $0x380, s0  }
0x25c: {  	[hbm4b:s7+s4] =	stream.linear.scatter [tilespmem:s8], [sflag:$0x3], $0x80, $0x38;
	[tilespmem:$0x1D500] =	vst v63  }
0x25d: {  	s10 =	simm.s32 $0x13500;
	s9 =	sadd.s32 $0x400, s0  }
0x25e: {  	[hbm4b:s9+s4] =	stream.linear.scatter [tilespmem:s10], [sflag:$0x3], $0x80, $0x38;
	[tilespmem:$0x1D500] =	vst v63  }
0x25f: {  	s11 =	sadd.s32 $0x480, s0;
	s12 =	simm.s32 $0x13900  }
0x260: {  	[hbm4b:s11+s4] =	stream.linear.scatter [tilespmem:s12], [sflag:$0x3], $0x80, $0x38;
	[tilespmem:$0x1D500] =	vst v63  }
0x261: {  	s13 =	sadd.s32 $0x500, s0;
	s14 =	simm.s32 $0x13D00  }
0x262: {  	[hbm4b:s13+s4] =	stream.linear.scatter [tilespmem:s14], [sflag:$0x3], $0x80, $0x38;
	[tilespmem:$0x1D500] =	vst v63  }
0x263: {  	s15 =	sadd.s32 $0x580, s0;
	s16 =	simm.s32 $0x14100  }
0x264: {  	[hbm4b:s15+s4] =	stream.linear.scatter [tilespmem:s16], [sflag:$0x3], $0x80, $0x38;
	[tilespmem:$0x1D500] =	vst v63  }
0x265: {  	s17 =	sadd.s32 $0x600, s0;
	s18 =	simm.s32 $0x14500  }
0x266: {  	[hbm4b:s17+s4] =	stream.linear.scatter [tilespmem:s18], [sflag:$0x3], $0x80, $0x38;
	[tilespmem:$0x1D500] =	vst v63  }
0x267: {  	s19 =	sadd.s32 $0x680, s0;
	s25 =	simm.s32 $0x14900  }
0x268: {  	[hbm4b:s19+s4] =	stream.linear.scatter [tilespmem:s25], [sflag:$0x3], $0x80, $0x38;
	[tilespmem:$0x1D500] =	vst v63  }
0x269: {  	s3 =	sadd.s32 $0x700, s0;
	s5 =	simm.s32 $0x14D00  }
0x26a: {  	[hbm4b:s3+s4] =	stream.linear.scatter [tilespmem:s5], [sflag:$0x3], $0x80, $0x38;
	[tilespmem:$0x1D500] =	vst v63  }
0x26b: {  	s0 =	sadd.s32 $0x780, s0;
	s6 =	simm.s32 $0x15100;
	s7 =	rddreg [dreg:$0x10]  }
0x26c: {  	[hbm4b:s0+s4] =	stream.linear.scatter [tilespmem:s6], [sflag:$0x3], $0x80, $0x38;
	[tilespmem:$0x1D500] =	vst v63  }
0x26d: {  	s8 =	simm.s32 $0x11580;
	s0 =	sadd.s32 s23, s7  }
0x26e: {  	[hbm4b:s0+s4] =	stream.linear.scatter [tilespmem:s8], [sflag:$0x3], $0x80, $0x38;
	[tilespmem:$0x1D500] =	vst v63  }
0x26f: {  	s10 =	simm.s32 $0x11980;
	s9 =	sadd.s32 $0x80, s0  }
0x270: {  	[hbm4b:s9+s4] =	stream.linear.scatter [tilespmem:s10], [sflag:$0x3], $0x80, $0x38;
	[tilespmem:$0x1D500] =	vst v63  }
0x271: {  	s12 =	simm.s32 $0x11D80;
	s11 =	sadd.s32 $0x100, s0  }
0x272: {  	[hbm4b:s11+s4] =	stream.linear.scatter [tilespmem:s12], [sflag:$0x3], $0x80, $0x38;
	[tilespmem:$0x1D500] =	vst v63  }
0x273: {  	s14 =	simm.s32 $0x12180;
	s13 =	sadd.s32 $0x180, s0  }
0x274: {  	[hbm4b:s13+s4] =	stream.linear.scatter [tilespmem:s14], [sflag:$0x3], $0x80, $0x38;
	[tilespmem:$0x1D500] =	vst v63  }
0x275: {  	s16 =	simm.s32 $0x12580;
	s15 =	sadd.s32 $0x200, s0  }
0x276: {  	[hbm4b:s15+s4] =	stream.linear.scatter [tilespmem:s16], [sflag:$0x3], $0x80, $0x38;
	[tilespmem:$0x1D500] =	vst v63  }
0x277: {  	s18 =	simm.s32 $0x12980;
	s17 =	sadd.s32 $0x280, s0  }
0x278: {  	[hbm4b:s17+s4] =	stream.linear.scatter [tilespmem:s18], [sflag:$0x3], $0x80, $0x38;
	[tilespmem:$0x1D500] =	vst v63  }
0x279: {  	s25 =	simm.s32 $0x12D80;
	s19 =	sadd.s32 $0x300, s0  }
0x27a: {  	[hbm4b:s19+s4] =	stream.linear.scatter [tilespmem:s25], [sflag:$0x3], $0x80, $0x38;
	[tilespmem:$0x1D500] =	vst v63  }
0x27b: {  	s5 =	simm.s32 $0x13180;
	s3 =	sadd.s32 $0x380, s0  }
0x27c: {  	[hbm4b:s3+s4] =	stream.linear.scatter [tilespmem:s5], [sflag:$0x3], $0x80, $0x38;
	[tilespmem:$0x1D500] =	vst v63  }
0x27d: {  	s7 =	simm.s32 $0x13580;
	s6 =	sadd.s32 $0x400, s0  }
0x27e: {  	[hbm4b:s6+s4] =	stream.linear.scatter [tilespmem:s7], [sflag:$0x3], $0x80, $0x38;
	[tilespmem:$0x1D500] =	vst v63  }
0x27f: {  	s8 =	sadd.s32 $0x480, s0;
	s9 =	simm.s32 $0x13980  }
0x280: {  	[hbm4b:s8+s4] =	stream.linear.scatter [tilespmem:s9], [sflag:$0x3], $0x80, $0x38;
	[tilespmem:$0x1D500] =	vst v63  }
0x281: {  	s10 =	sadd.s32 $0x500, s0;
	s11 =	simm.s32 $0x13D80  }
0x282: {  	[hbm4b:s10+s4] =	stream.linear.scatter [tilespmem:s11], [sflag:$0x3], $0x80, $0x38;
	[tilespmem:$0x1D500] =	vst v63  }
0x283: {  	s12 =	sadd.s32 $0x580, s0;
	s13 =	simm.s32 $0x14180  }
0x284: {  	[hbm4b:s12+s4] =	stream.linear.scatter [tilespmem:s13], [sflag:$0x3], $0x80, $0x38;
	[tilespmem:$0x1D500] =	vst v63  }
0x285: {  	s14 =	sadd.s32 $0x600, s0;
	s15 =	simm.s32 $0x14580  }
0x286: {  	[hbm4b:s14+s4] =	stream.linear.scatter [tilespmem:s15], [sflag:$0x3], $0x80, $0x38;
	[tilespmem:$0x1D500] =	vst v63  }
0x287: {  	s16 =	sadd.s32 $0x680, s0;
	s17 =	simm.s32 $0x14980  }
0x288: {  	[hbm4b:s16+s4] =	stream.linear.scatter [tilespmem:s17], [sflag:$0x3], $0x80, $0x38;
	[tilespmem:$0x1D500] =	vst v63  }
0x289: {  	s18 =	sadd.s32 $0x700, s0;
	s19 =	simm.s32 $0x14D80  }
0x28a: {  	[hbm4b:s18+s4] =	stream.linear.scatter [tilespmem:s19], [sflag:$0x3], $0x80, $0x38;
	[tilespmem:$0x1D500] =	vst v63  }
0x28b: {  	s2 =	rddreg [dreg:$0x11];
	s0 =	sadd.s32 $0x780, s0;
	s25 =	simm.s32 $0x15180  }
0x28c: {  	[hbm4b:s0+s4] =	stream.linear.scatter [tilespmem:s25], [sflag:$0x3], $0x80, $0x38;
	[tilespmem:$0x1D500] =	vst v63  }
0x28d: {  	s3 =	simm.s32 $0x11600;
	s0 =	sadd.s32 s23, s2  }
0x28e: {  	[hbm4b:s0+s4] =	stream.linear.scatter [tilespmem:s3], [sflag:$0x3], $0x80, $0x38;
	[tilespmem:$0x1D500] =	vst v63  }
0x28f: {  	s6 =	simm.s32 $0x11A00;
	s5 =	sadd.s32 $0x80, s0  }
0x290: {  	[hbm4b:s5+s4] =	stream.linear.scatter [tilespmem:s6], [sflag:$0x3], $0x80, $0x38;
	[tilespmem:$0x1D500] =	vst v63  }
0x291: {  	s8 =	simm.s32 $0x11E00;
	s7 =	sadd.s32 $0x100, s0  }
0x292: {  	[hbm4b:s7+s4] =	stream.linear.scatter [tilespmem:s8], [sflag:$0x3], $0x80, $0x38;
	[tilespmem:$0x1D500] =	vst v63  }
0x293: {  	s10 =	simm.s32 $0x12200;
	s9 =	sadd.s32 $0x180, s0  }
0x294: {  	[hbm4b:s9+s4] =	stream.linear.scatter [tilespmem:s10], [sflag:$0x3], $0x80, $0x38;
	[tilespmem:$0x1D500] =	vst v63  }
0x295: {  	s12 =	simm.s32 $0x12600;
	s11 =	sadd.s32 $0x200, s0  }
0x296: {  	[hbm4b:s11+s4] =	stream.linear.scatter [tilespmem:s12], [sflag:$0x3], $0x80, $0x38;
	[tilespmem:$0x1D500] =	vst v63  }
0x297: {  	s14 =	simm.s32 $0x12A00;
	s13 =	sadd.s32 $0x280, s0  }
0x298: {  	[hbm4b:s13+s4] =	stream.linear.scatter [tilespmem:s14], [sflag:$0x3], $0x80, $0x38;
	[tilespmem:$0x1D500] =	vst v63  }
0x299: {  	s16 =	simm.s32 $0x12E00;
	s15 =	sadd.s32 $0x300, s0  }
0x29a: {  	[hbm4b:s15+s4] =	stream.linear.scatter [tilespmem:s16], [sflag:$0x3], $0x80, $0x38;
	[tilespmem:$0x1D500] =	vst v63  }
0x29b: {  	s18 =	simm.s32 $0x13200;
	s17 =	sadd.s32 $0x380, s0  }
0x29c: {  	[hbm4b:s17+s4] =	stream.linear.scatter [tilespmem:s18], [sflag:$0x3], $0x80, $0x38;
	[tilespmem:$0x1D500] =	vst v63  }
0x29d: {  	s25 =	simm.s32 $0x13600;
	s19 =	sadd.s32 $0x400, s0  }
0x29e: {  	[hbm4b:s19+s4] =	stream.linear.scatter [tilespmem:s25], [sflag:$0x3], $0x80, $0x38;
	[tilespmem:$0x1D500] =	vst v63  }
0x29f: {  	s2 =	sadd.s32 $0x480, s0;
	s3 =	simm.s32 $0x13A00  }
0x2a0: {  	[hbm4b:s2+s4] =	stream.linear.scatter [tilespmem:s3], [sflag:$0x3], $0x80, $0x38;
	[tilespmem:$0x1D500] =	vst v63  }
0x2a1: {  	s5 =	sadd.s32 $0x500, s0;
	s6 =	simm.s32 $0x13E00  }
0x2a2: {  	[hbm4b:s5+s4] =	stream.linear.scatter [tilespmem:s6], [sflag:$0x3], $0x80, $0x38;
	[tilespmem:$0x1D500] =	vst v63  }
0x2a3: {  	s7 =	sadd.s32 $0x580, s0;
	s8 =	simm.s32 $0x14200  }
0x2a4: {  	[hbm4b:s7+s4] =	stream.linear.scatter [tilespmem:s8], [sflag:$0x3], $0x80, $0x38;
	[tilespmem:$0x1D500] =	vst v63  }
0x2a5: {  	s9 =	sadd.s32 $0x600, s0;
	s10 =	simm.s32 $0x14600  }
0x2a6: {  	[hbm4b:s9+s4] =	stream.linear.scatter [tilespmem:s10], [sflag:$0x3], $0x80, $0x38;
	[tilespmem:$0x1D500] =	vst v63  }
0x2a7: {  	s11 =	sadd.s32 $0x680, s0;
	s12 =	simm.s32 $0x14A00  }
0x2a8: {  	[hbm4b:s11+s4] =	stream.linear.scatter [tilespmem:s12], [sflag:$0x3], $0x80, $0x38;
	[tilespmem:$0x1D500] =	vst v63  }
0x2a9: {  	s13 =	sadd.s32 $0x700, s0;
	s14 =	simm.s32 $0x14E00  }
0x2aa: {  	[hbm4b:s13+s4] =	stream.linear.scatter [tilespmem:s14], [sflag:$0x3], $0x80, $0x38;
	[tilespmem:$0x1D500] =	vst v63  }
0x2ab: {  	s0 =	sadd.s32 $0x780, s0;
	s15 =	simm.s32 $0x15200;
	s16 =	rddreg [dreg:$0x12]  }
0x2ac: {  	[hbm4b:s0+s4] =	stream.linear.scatter [tilespmem:s15], [sflag:$0x3], $0x80, $0x38;
	[tilespmem:$0x1D500] =	vst v63  }
0x2ad: {  	s17 =	simm.s32 $0x11680;
	s0 =	sadd.s32 s23, s16  }
0x2ae: {  	[hbm4b:s0+s4] =	stream.linear.scatter [tilespmem:s17], [sflag:$0x3], $0x80, $0x38;
	[tilespmem:$0x1D500] =	vst v63  }
0x2af: {  	s19 =	simm.s32 $0x11A80;
	s18 =	sadd.s32 $0x80, s0  }
0x2b0: {  	[hbm4b:s18+s4] =	stream.linear.scatter [tilespmem:s19], [sflag:$0x3], $0x80, $0x38;
	[tilespmem:$0x1D500] =	vst v63  }
0x2b1: {  	s25 =	simm.s32 $0x11E80;
	s23 =	sadd.s32 $0x100, s0  }
0x2b2: {  	[hbm4b:s23+s4] =	stream.linear.scatter [tilespmem:s25], [sflag:$0x3], $0x80, $0x38;
	[tilespmem:$0x1D500] =	vst v63  }
0x2b3: {  	s5 =	simm.s32 $0x12280;
	s3 =	sadd.s32 $0x180, s0  }
0x2b4: {  	[hbm4b:s3+s4] =	stream.linear.scatter [tilespmem:s5], [sflag:$0x3], $0x80, $0x38;
	[tilespmem:$0x1D500] =	vst v63  }
0x2b5: {  	s7 =	simm.s32 $0x12680;
	s6 =	sadd.s32 $0x200, s0  }
0x2b6: {  	[hbm4b:s6+s4] =	stream.linear.scatter [tilespmem:s7], [sflag:$0x3], $0x80, $0x38;
	[tilespmem:$0x1D500] =	vst v63  }
0x2b7: {  	s9 =	simm.s32 $0x12A80;
	s8 =	sadd.s32 $0x280, s0  }
0x2b8: {  	[hbm4b:s8+s4] =	stream.linear.scatter [tilespmem:s9], [sflag:$0x3], $0x80, $0x38;
	[tilespmem:$0x1D500] =	vst v63  }
0x2b9: {  	s11 =	simm.s32 $0x12E80;
	s10 =	sadd.s32 $0x300, s0  }
0x2ba: {  	[hbm4b:s10+s4] =	stream.linear.scatter [tilespmem:s11], [sflag:$0x3], $0x80, $0x38;
	[tilespmem:$0x1D500] =	vst v63  }
0x2bb: {  	s13 =	simm.s32 $0x13280;
	s12 =	sadd.s32 $0x380, s0  }
0x2bc: {  	[hbm4b:s12+s4] =	stream.linear.scatter [tilespmem:s13], [sflag:$0x3], $0x80, $0x38;
	[tilespmem:$0x1D500] =	vst v63  }
0x2bd: {  	s15 =	simm.s32 $0x13680;
	s14 =	sadd.s32 $0x400, s0  }
0x2be: {  	[hbm4b:s14+s4] =	stream.linear.scatter [tilespmem:s15], [sflag:$0x3], $0x80, $0x38;
	[tilespmem:$0x1D500] =	vst v63  }
0x2bf: {  	s16 =	sadd.s32 $0x480, s0;
	s17 =	simm.s32 $0x13A80  }
0x2c0: {  	[hbm4b:s16+s4] =	stream.linear.scatter [tilespmem:s17], [sflag:$0x3], $0x80, $0x38;
	[tilespmem:$0x1D500] =	vst v63  }
0x2c1: {  	s18 =	sadd.s32 $0x500, s0;
	s19 =	simm.s32 $0x13E80  }
0x2c2: {  	[hbm4b:s18+s4] =	stream.linear.scatter [tilespmem:s19], [sflag:$0x3], $0x80, $0x38;
	[tilespmem:$0x1D500] =	vst v63  }
0x2c3: {  	s23 =	sadd.s32 $0x580, s0;
	s25 =	simm.s32 $0x14280  }
0x2c4: {  	[hbm4b:s23+s4] =	stream.linear.scatter [tilespmem:s25], [sflag:$0x3], $0x80, $0x38;
	[tilespmem:$0x1D500] =	vst v63  }
0x2c5: {  	s3 =	sadd.s32 $0x600, s0;
	s5 =	simm.s32 $0x14680  }
0x2c6: {  	[hbm4b:s3+s4] =	stream.linear.scatter [tilespmem:s5], [sflag:$0x3], $0x80, $0x38;
	[tilespmem:$0x1D500] =	vst v63  }
0x2c7: {  	s6 =	sadd.s32 $0x680, s0;
	s7 =	simm.s32 $0x14A80  }
0x2c8: {  	[hbm4b:s6+s4] =	stream.linear.scatter [tilespmem:s7], [sflag:$0x3], $0x80, $0x38;
	[tilespmem:$0x1D500] =	vst v63  }
0x2c9: {  	s8 =	sadd.s32 $0x700, s0;
	s9 =	simm.s32 $0x14E80  }
0x2ca: {  	[hbm4b:s8+s4] =	stream.linear.scatter [tilespmem:s9], [sflag:$0x3], $0x80, $0x38;
	[tilespmem:$0x1D500] =	vst v63  }
0x2cb: {  	s0 =	sadd.s32 $0x780, s0;
	s10 =	simm.s32 $0x15280  }
0x2cc: {  	[hbm4b:s0+s4] =	stream.linear.scatter [tilespmem:s10], [sflag:$0x3], $0x80, $0x38;
	[tilespmem:$0x1D500] =	vst v63  }
0x2cd: {  	p0 =	seq.s32 s24, $0x1F;
	s0 =	rddreg [dreg:$0x17]  }
0x2ce: {  	s0 =	sadd.s32 @!p0 $0x2, s0  }
0x2cf: {  	s1 =	sshll.u32 @!p0 s0, $0x4  }
0x2d0: {  	s25 =	rddreg [dreg:$0x0];
	s0 =	sshll.u32 @!p0 s0, $0x8;
	s1 =	sand.u32 @!p0 $0x60, s1  }
0x2d1: {  	s0 =	sand.u32 @!p0 $0xFFFF800, s0;
	s1 =	sadd.s32 @!p0 s25, s1  }
0x2d2: {  	s2 =	simm.s32 @!p0 $0xC500;
	s0 =	sadd.s32 @!p0 s0, s1;
	s1 =	simm.s32 @!p0 $0x0  }
0x2d3: {  	[tilespmem:s2], [sflag:$0x1] =	stream.linear.gather @!p0 [hbm4b:s0+s1], $0x80, $0x38;
	[tilespmem:$0x1D500] =	vst v63  }
0x2d4: {  	s3 =	simm.s32 @!p0 $0xC600;
	s2 =	sadd.s32 @!p0 $0x80, s0  }
0x2d5: {  	[tilespmem:s3], [sflag:$0x1] =	stream.linear.gather @!p0 [hbm4b:s2+s1], $0x80, $0x38;
	[tilespmem:$0x1D500] =	vst v63  }
0x2d6: {  	s2 =	sadd.s32 @!p0 $0x100, s0;
	s3 =	simm.s32 @!p0 $0xC700  }
0x2d7: {  	[tilespmem:s3], [sflag:$0x1] =	stream.linear.gather @!p0 [hbm4b:s2+s1], $0x80, $0x38;
	[tilespmem:$0x1D500] =	vst v63  }
0x2d8: {  	s2 =	sadd.s32 @!p0 $0x180, s0;
	s3 =	simm.s32 @!p0 $0xC800  }
0x2d9: {  	[tilespmem:s3], [sflag:$0x1] =	stream.linear.gather @!p0 [hbm4b:s2+s1], $0x80, $0x38;
	[tilespmem:$0x1D500] =	vst v63  }
0x2da: {  	s2 =	sadd.s32 @!p0 $0x200, s0;
	s3 =	simm.s32 @!p0 $0xC900  }
0x2db: {  	[tilespmem:s3], [sflag:$0x1] =	stream.linear.gather @!p0 [hbm4b:s2+s1], $0x80, $0x38;
	[tilespmem:$0x1D500] =	vst v63  }
0x2dc: {  	s2 =	sadd.s32 @!p0 $0x280, s0;
	s3 =	simm.s32 @!p0 $0xCA00  }
0x2dd: {  	[tilespmem:s3], [sflag:$0x1] =	stream.linear.gather @!p0 [hbm4b:s2+s1], $0x80, $0x38;
	[tilespmem:$0x1D500] =	vst v63  }
0x2de: {  	s2 =	sadd.s32 @!p0 $0x300, s0;
	s3 =	simm.s32 @!p0 $0xCB00  }
0x2df: {  	[tilespmem:s3], [sflag:$0x1] =	stream.linear.gather @!p0 [hbm4b:s2+s1], $0x80, $0x38;
	[tilespmem:$0x1D500] =	vst v63  }
0x2e0: {  	s2 =	sadd.s32 @!p0 $0x380, s0;
	s3 =	simm.s32 @!p0 $0xCC00  }
0x2e1: {  	[tilespmem:s3], [sflag:$0x1] =	stream.linear.gather @!p0 [hbm4b:s2+s1], $0x80, $0x38;
	[tilespmem:$0x1D500] =	vst v63  }
0x2e2: {  	s2 =	sadd.s32 @!p0 $0x400, s0;
	s3 =	simm.s32 @!p0 $0xCD00  }
0x2e3: {  	[tilespmem:s3], [sflag:$0x1] =	stream.linear.gather @!p0 [hbm4b:s2+s1], $0x80, $0x38;
	[tilespmem:$0x1D500] =	vst v63  }
0x2e4: {  	s2 =	sadd.s32 @!p0 $0x480, s0;
	s3 =	simm.s32 @!p0 $0xCE00  }
0x2e5: {  	[tilespmem:s3], [sflag:$0x1] =	stream.linear.gather @!p0 [hbm4b:s2+s1], $0x80, $0x38;
	[tilespmem:$0x1D500] =	vst v63  }
0x2e6: {  	s2 =	sadd.s32 @!p0 $0x500, s0;
	s3 =	simm.s32 @!p0 $0xCF00  }
0x2e7: {  	[tilespmem:s3], [sflag:$0x1] =	stream.linear.gather @!p0 [hbm4b:s2+s1], $0x80, $0x38;
	[tilespmem:$0x1D500] =	vst v63  }
0x2e8: {  	s2 =	sadd.s32 @!p0 $0x580, s0;
	s3 =	simm.s32 @!p0 $0xD000  }
0x2e9: {  	[tilespmem:s3], [sflag:$0x1] =	stream.linear.gather @!p0 [hbm4b:s2+s1], $0x80, $0x38;
	[tilespmem:$0x1D500] =	vst v63  }
0x2ea: {  	s2 =	sadd.s32 @!p0 $0x600, s0;
	s3 =	simm.s32 @!p0 $0xD100  }
0x2eb: {  	[tilespmem:s3], [sflag:$0x1] =	stream.linear.gather @!p0 [hbm4b:s2+s1], $0x80, $0x38;
	[tilespmem:$0x1D500] =	vst v63  }
0x2ec: {  	s2 =	sadd.s32 @!p0 $0x680, s0;
	s3 =	simm.s32 @!p0 $0xD200  }
0x2ed: {  	[tilespmem:s3], [sflag:$0x1] =	stream.linear.gather @!p0 [hbm4b:s2+s1], $0x80, $0x38;
	[tilespmem:$0x1D500] =	vst v63  }
0x2ee: {  	s2 =	sadd.s32 @!p0 $0x700, s0;
	s3 =	simm.s32 @!p0 $0xD300  }
0x2ef: {  	[tilespmem:s3], [sflag:$0x1] =	stream.linear.gather @!p0 [hbm4b:s2+s1], $0x80, $0x38;
	[tilespmem:$0x1D500] =	vst v63  }
0x2f0: {  	p1 =	seq.s32 @!p0 s24, $0x0;
	s0 =	sadd.s32 @!p0 $0x780, s0;
	s2 =	simm.s32 @!p0 $0xD400  }
0x2f1: {  	[tilespmem:s2], [sflag:$0x1] =	stream.linear.gather @!p0 [hbm4b:s0+s1], $0x80, $0x38;
	[tilespmem:$0x1D500] =	vst v63  }
0x2f2: {  	p0 =	por p0, !p1  }
0x2f3: {  	_ =	swait.ge @p0 [sflag:s20], $0x800  }
0x2f4: {  	[sflag:s20] =	ssyncset.done @p0 $0x0  }
0x2f5: {  	[sflag:s20] =	ssyncadd.s32 @p0 $0xFFFFF800  }
0x2f6: {  	_ =	swait.ge @p0 [sflag:s20], $0x800  }
0x2f7: {  	[sflag:s20] =	ssyncset.done @p0 $0x0  }
0x2f8: {  	[sflag:s20] =	ssyncadd.s32 @p0 $0xFFFFF800  }
0x2f9: {  	_ =	swait.ge @p0 [sflag:s20], $0x800  }
0x2fa: {  	[sflag:s20] =	ssyncset.done @p0 $0x0  }
0x2fb: {  	[sflag:s20] =	ssyncadd.s32 @p0 $0xFFFFF800  }
0x2fc: {  	_ =	swait.ge @p0 [sflag:s20], $0x800  }
0x2fd: {  	[sflag:s20] =	ssyncset.done @p0 $0x0  }
0x2fe: {  	[sflag:s20] =	ssyncadd.s32 @p0 $0xFFFFF800  }
0x2ff: {  	_ =	swait.ge @p0 [sflag:s20], $0x800  }
0x300: {  	[sflag:s20] =	ssyncset.done @p0 $0x0  }
0x301: {  	[sflag:s20] =	ssyncadd.s32 @p0 $0xFFFFF800  }
0x302: {  	_ =	swait.ge @p0 [sflag:s20], $0x800  }
0x303: {  	[sflag:s20] =	ssyncset.done @p0 $0x0  }
0x304: {  	[sflag:s20] =	ssyncadd.s32 @p0 $0xFFFFF800  }
0x305: {  	_ =	swait.ge @p0 [sflag:s20], $0x800  }
0x306: {  	[sflag:s20] =	ssyncset.done @p0 $0x0  }
0x307: {  	[sflag:s20] =	ssyncadd.s32 @p0 $0xFFFFF800  }
0x308: {  	_ =	swait.ge @p0 [sflag:s20], $0x800  }
0x309: {  	[sflag:s20] =	ssyncset.done @p0 $0x0  }
0x30a: {  	[sflag:s20] =	ssyncadd.s32 @p0 $0xFFFFF800  }
0x30b: {  	_ =	swait.ge @p0 [sflag:s20], $0x800  }
0x30c: {  	[sflag:s20] =	ssyncset.done @p0 $0x0  }
0x30d: {  	[sflag:s20] =	ssyncadd.s32 @p0 $0xFFFFF800  }
0x30e: {  	_ =	swait.ge @p0 [sflag:s20], $0x800  }
0x30f: {  	[sflag:s20] =	ssyncset.done @p0 $0x0  }
0x310: {  	[sflag:s20] =	ssyncadd.s32 @p0 $0xFFFFF800  }
0x311: {  	_ =	swait.ge @p0 [sflag:s20], $0x800  }
0x312: {  	[sflag:s20] =	ssyncset.done @p0 $0x0  }
0x313: {  	[sflag:s20] =	ssyncadd.s32 @p0 $0xFFFFF800  }
0x314: {  	_ =	swait.ge @p0 [sflag:s20], $0x800  }
0x315: {  	s11 =	simm.s32 $0x0;
	[sflag:s20] =	ssyncset.done @p0 $0x0  }
0x316: {  	s12 =	simm.s32 $0x2;
	s0 =	sand.u32 $0x3C00, s11;
	[sflag:s20] =	ssyncadd.s32 @p0 $0xFFFFF800  }
0x317: {  	s1 =	sand.u32 $0x40, s11;
	s13 =	sshrl.u32 s0, $0x2;
	_ =	swait.ge [sflag:s12], $0x800  }
0x318: {  	s5 =	sor.u32 $0x30, s1;
	s6 =	sadd.s32 $0xC500, s13;
	[sflag:s12] =	ssyncset.done $0x0  }
0x319: {  	s2 =	sor.u32 s5, s6;
	[sflag:s12] =	ssyncadd.s32 $0xFFFFF800  }
0x31a: {  	s3 =	sor.u32 $0x10, s1;
	s14 =	sor.u32 s1, s6;
	v0 =	vld [tilespmem:s2+$0x80]  }
0x31b: {  	s15 =	sor.u32 s3, s6;
	v1 =	vld [tilespmem:s14+$0x80]  }
0x31c: {  	v2 =	vld [tilespmem:s15+$0x80]  }
0x31d: {  	s2 =	sor.u32 $0x20, s1  }
0x31e: {  	s6 =	sor.u32 s2, s6  }
0x31f: {  	v5 =	vld [tilespmem:s6+$0x80];
	_ =	sdelay $0x2  }
0x320: {  	v4 =	vld.idx.msk [tilespmem:v0+s4+$0x0], $0xffff  }
0x321: {  	v3 =	vld.idx.msk [tilespmem:v1+s4+$0x0], $0xffff  }
0x322: {  	v1 =	vld.idx.msk [tilespmem:v2+s4+$0x0], $0xffff;
	_ =	sdelay $0x2  }
0x323: {  	v2 =	vld.idx.msk [tilespmem:v5+s4+$0x0], $0xffff;
	_ =	sdelay $0x2  }
0x324: {  	v0 =	vld.idx.msk [tilespmem:v4+s22+$0x0], $0xffff  }
0x325: {  	v6 =	vadd.s32 $0x20, v4;
	v5 =	vld.idx.msk [tilespmem:v3+s22+$0x0], $0xffff  }
0x326: {  	v7 =	vadd.s32 $0x20, v3;
	v8 =	vld.idx.msk [tilespmem:v1+s22+$0x0], $0xffff  }
0x327: {  	s16 =	sadd.s32 $0x15500, s0;
	v9 =	vadd.s32 $0x20, v1  }
0x328: {  	s17 =	sor.u32 s5, s16  }
0x329: {  	s18 =	sor.u32 s1, s16;
	v10 =	vld.idx.msk [tilespmem:v2+s22+$0x0], $0xffff;
	[tilespmem:s17+$0x0] =	vst v0  }
0x32a: {  	s19 =	sor.u32 s3, s16;
	v11 =	vadd.s32 $0x20, v2;
	[tilespmem:s18+$0x0] =	vst v5;
	v0 =	vld.idx.msk [tilespmem:v6+s22+$0x0], $0xffff  }
0x32b: {  	[tilespmem:s19+$0x0] =	vst v8;
	v5 =	vld.idx.msk [tilespmem:v7+s22+$0x0], $0xffff;
	v6 =	vadd.s32 $0x40, v4  }
0x32c: {  	v7 =	vadd.s32 $0x40, v3;
	v8 =	vld.idx.msk [tilespmem:v9+s22+$0x0], $0xffff  }
0x32d: {  	s23 =	sadd.s32 $0x15580, s0;
	s6 =	sor.u32 s2, s16;
	v9 =	vadd.s32 $0x40, v1  }
0x32e: {  	s8 =	sor.u32 s5, s23;
	[tilespmem:s6+$0x0] =	vst v10  }
0x32f: {  	s9 =	sor.u32 s1, s23;
	v10 =	vld.idx.msk [tilespmem:v11+s22+$0x0], $0xffff;
	[tilespmem:s8+$0x0] =	vst v0  }
0x330: {  	s10 =	sor.u32 s3, s23;
	v11 =	vadd.s32 $0x40, v2;
	[tilespmem:s9+$0x0] =	vst v5;
	v0 =	vld.idx.msk [tilespmem:v6+s22+$0x0], $0xffff  }
0x331: {  	[tilespmem:s10+$0x0] =	vst v8;
	v5 =	vld.idx.msk [tilespmem:v7+s22+$0x0], $0xffff;
	v6 =	vadd.s32 $0x60, v4  }
0x332: {  	v7 =	vadd.s32 $0x60, v3;
	v8 =	vld.idx.msk [tilespmem:v9+s22+$0x0], $0xffff  }
0x333: {  	s11 =	sadd.s32 $0x15600, s0;
	s6 =	sor.u32 s2, s23;
	v9 =	vadd.s32 $0x60, v1  }
0x334: {  	s12 =	sor.u32 s5, s11;
	[tilespmem:s6+$0x0] =	vst v10  }
0x335: {  	s13 =	sor.u32 s1, s11;
	v10 =	vld.idx.msk [tilespmem:v11+s22+$0x0], $0xffff;
	[tilespmem:s12+$0x0] =	vst v0  }
0x336: {  	s14 =	sor.u32 s3, s11;
	v11 =	vadd.s32 $0x60, v2;
	[tilespmem:s13+$0x0] =	vst v5;
	v0 =	vld.idx.msk [tilespmem:v6+s22+$0x0], $0xffff  }
0x337: {  	[tilespmem:s14+$0x0] =	vst v8;
	v5 =	vld.idx.msk [tilespmem:v7+s22+$0x0], $0xffff;
	v6 =	vadd.s32 $0x80, v4  }
0x338: {  	v7 =	vadd.s32 $0x80, v3;
	v8 =	vld.idx.msk [tilespmem:v9+s22+$0x0], $0xffff  }
0x339: {  	s15 =	sadd.s32 $0x15680, s0;
	s6 =	sor.u32 s2, s11;
	v9 =	vadd.s32 $0x80, v1  }
0x33a: {  	s16 =	sor.u32 s5, s15;
	[tilespmem:s6+$0x0] =	vst v10  }
0x33b: {  	s17 =	sor.u32 s1, s15;
	s12 =	simm.s32 $0x200;
	v10 =	vld.idx.msk [tilespmem:v11+s22+$0x0], $0xffff;
	[tilespmem:s16+$0x0] =	vst v0  }
0x33c: {  	s18 =	sor.u32 s3, s15;
	s23 =	sand.u32 $0x3C00, s12;
	v11 =	vadd.s32 $0x80, v2;
	[tilespmem:s17+$0x0] =	vst v5;
	v0 =	vld.idx.msk [tilespmem:v6+s22+$0x0], $0xffff  }
0x33d: {  	s31 =	simm.s32 $0x40;
	s7 =	sshrl.u32 s23, $0x2;
	[tilespmem:s18+$0x0] =	vst v8;
	v5 =	vld.idx.msk [tilespmem:v7+s22+$0x0], $0xffff;
	v6 =	vadd.s32 $0xA0, v4  }
0x33e: {  	s8 =	sand.u32 $0x40, s31;
	s7 =	sadd.s32 $0xC500, s7;
	v7 =	vadd.s32 $0xA0, v3;
	v8 =	vld.idx.msk [tilespmem:v9+s22+$0x0], $0xffff  }
0x33f: {  	s19 =	sadd.s32 $0x15700, s0;
	s6 =	sor.u32 s2, s15;
	s14 =	sor.u32 s8, s7;
	v9 =	vadd.s32 $0xA0, v1  }
0x340: {  	s10 =	sor.u32 s5, s19;
	v12 =	vld [tilespmem:s14+$0x80];
	[tilespmem:s6+$0x0] =	vst v10  }
0x341: {  	s11 =	sor.u32 s1, s19;
	v10 =	vld.idx.msk [tilespmem:v11+s22+$0x0], $0xffff;
	[tilespmem:s10+$0x0] =	vst v0  }
0x342: {  	s9 =	sor.u32 s3, s19;
	v11 =	vadd.s32 $0xA0, v2;
	[tilespmem:s11+$0x0] =	vst v5;
	v0 =	vld.idx.msk [tilespmem:v6+s22+$0x0], $0xffff  }
0x343: {  	s29 =	sor.u32 $0x10, s8;
	[tilespmem:s9+$0x0] =	vst v8;
	v5 =	vld.idx.msk [tilespmem:v7+s22+$0x0], $0xffff  }
0x344: {  	s28 =	sor.u32 $0x30, s8;
	s10 =	sor.u32 s29, s7;
	v6 =	vld.idx.msk [tilespmem:v9+s22+$0x0], $0xffff  }
0x345: {  	s13 =	sor.u32 s28, s7;
	s6 =	sor.u32 s2, s19;
	v7 =	vadd.s32 $0xC0, v4;
	v14 =	vld [tilespmem:s10+$0x80]  }
0x346: {  	s15 =	sadd.s32 $0x15780, s0;
	v9 =	vadd.s32 $0xC0, v3;
	[tilespmem:s6+$0x0] =	vst v10;
	v10 =	vld [tilespmem:s13+$0x80]  }
0x347: {  	s30 =	sor.u32 $0x20, s8;
	s16 =	sor.u32 s5, s15;
	v8 =	vld.idx.msk [tilespmem:v11+s22+$0x0], $0xffff;
	v11 =	vadd.s32 $0xC0, v1  }
0x348: {  	v13 =	vadd.s32 $0xC0, v2;
	s17 =	sor.u32 s1, s15;
	s7 =	sor.u32 s30, s7;
	v23 =	vld.idx.msk [tilespmem:v12+s4+$0x0], $0xffff;
	[tilespmem:s16+$0x0] =	vst v0  }
0x349: {  	[tilespmem:s17+$0x0] =	vst v5;
	v5 =	vld [tilespmem:s7+$0x80]  }
0x34a: {  	s18 =	sor.u32 s3, s15;
	v7 =	vld.idx.msk [tilespmem:v7+s22+$0x0], $0xffff  }
0x34b: {  	s6 =	sor.u32 s2, s15;
	[tilespmem:s18+$0x0] =	vst v6;
	v6 =	vld.idx.msk [tilespmem:v9+s22+$0x0], $0xffff  }
0x34c: {  	v9 =	vadd.s32 $0xE0, v4;
	[tilespmem:s6+$0x0] =	vst v8;
	v8 =	vld.idx.msk [tilespmem:v11+s22+$0x0], $0xffff  }
0x34d: {  	v11 =	vld.idx.msk [tilespmem:v13+s22+$0x0], $0xffff  }
0x34e: {  	s19 =	sadd.s32 $0x15800, s0;
	v13 =	vadd.s32 $0xE0, v3;
	v22 =	vld.idx.msk [tilespmem:v14+s4+$0x0], $0xffff  }
0x34f: {  	s9 =	sor.u32 s5, s19;
	v0 =	vld.idx.msk [tilespmem:v10+s4+$0x0], $0xffff;
	v10 =	vadd.s32 $0xE0, v1  }
0x350: {  	v12 =	vld.idx.msk [tilespmem:v23+s22+$0x0], $0xffff;
	[tilespmem:s9+$0x0] =	vst v7;
	v7 =	vadd.s32 $0xE0, v2  }
0x351: {  	s10 =	sor.u32 s1, s19;
	v9 =	vld.idx.msk [tilespmem:v9+s22+$0x0], $0xffff  }
0x352: {  	s11 =	sor.u32 s3, s19;
	[tilespmem:s10+$0x0] =	vst v6;
	v24 =	vld.idx.msk [tilespmem:v5+s4+$0x0], $0xffff  }
0x353: {  	s6 =	sor.u32 s2, s19;
	[tilespmem:s11+$0x0] =	vst v8;
	v5 =	vadd.s32 $0x100, v4;
	v6 =	vld.idx.msk [tilespmem:v13+s22+$0x0], $0xffff  }
0x354: {  	v15 =	vadd.s32 $0x20, v23;
	s16 =	sadd.s32 $0x15500, s23;
	[tilespmem:s6+$0x0] =	vst v11;
	v8 =	vld.idx.msk [tilespmem:v10+s22+$0x0], $0xffff  }
0x355: {  	s12 =	sadd.s32 $0x15880, s0;
	s19 =	sor.u32 s8, s16;
	v7 =	vld.idx.msk [tilespmem:v7+s22+$0x0], $0xffff  }
0x356: {  	s13 =	sor.u32 s5, s12;
	[tilespmem:s19+$0x0] =	vst v12;
	v10 =	vadd.s32 $0x100, v3;
	v14 =	vld.idx.msk [tilespmem:v22+s22+$0x0], $0xffff  }
0x357: {  	s14 =	sor.u32 s1, s12;
	v11 =	vld.idx.msk [tilespmem:v0+s22+$0x0], $0xffff;
	[tilespmem:s13+$0x0] =	vst v9;
	v9 =	vadd.s32 $0x100, v1  }
0x358: {  	s15 =	sor.u32 s3, s12;
	v13 =	vadd.s32 $0x20, v0;
	v5 =	vld.idx.msk [tilespmem:v5+s22+$0x0], $0xffff;
	[tilespmem:s14+$0x0] =	vst v6  }
0x359: {  	s6 =	sor.u32 s2, s12;
	v12 =	vld.idx.msk [tilespmem:v15+s22+$0x0], $0xffff;
	v6 =	vadd.s32 $0x120, v4;
	[tilespmem:s15+$0x0] =	vst v8  }
0x35a: {  	s11 =	sor.u32 s29, s16;
	v8 =	vadd.s32 $0x20, v22;
	v16 =	vld.idx.msk [tilespmem:v24+s22+$0x0], $0xffff;
	[tilespmem:s6+$0x0] =	vst v7  }
0x35b: {  	s17 =	sor.u32 s28, s16;
	s10 =	sadd.s32 $0x19500, s0;
	v10 =	vld.idx.msk [tilespmem:v10+s22+$0x0], $0xffff;
	v7 =	vadd.s32 $0x20, v24;
	[tilespmem:s11+$0x0] =	vst v14  }
0x35c: {  	s18 =	sor.u32 s5, s10;
	s14 =	sadd.s32 $0x15580, s23;
	[tilespmem:s17+$0x0] =	vst v11;
	v9 =	vld.idx.msk [tilespmem:v9+s22+$0x0], $0xffff;
	v11 =	vadd.s32 $0x100, v2  }
0x35d: {  	s17 =	sor.u32 s8, s14;
	v13 =	vld.idx.msk [tilespmem:v13+s22+$0x0], $0xffff;
	[tilespmem:s18+$0x0] =	vst v5;
	v5 =	vadd.s32 $0x120, v3  }
0x35e: {  	s7 =	sor.u32 s30, s16;
	v14 =	vadd.s32 $0x40, v0;
	[tilespmem:s17+$0x0] =	vst v12;
	v6 =	vld.idx.msk [tilespmem:v6+s22+$0x0], $0xffff  }
0x35f: {  	s12 =	sor.u32 s1, s10;
	v15 =	vadd.s32 $0x140, v4;
	v8 =	vld.idx.msk [tilespmem:v8+s22+$0x0], $0xffff;
	[tilespmem:s7+$0x0] =	vst v16  }
0x360: {  	s13 =	sor.u32 s3, s10;
	[tilespmem:s12+$0x0] =	vst v10;
	v10 =	vadd.s32 $0x40, v22;
	v7 =	vld.idx.msk [tilespmem:v7+s22+$0x0], $0xffff  }
0x361: {  	s15 =	sor.u32 s28, s14;
	s11 =	sadd.s32 $0x19580, s0;
	v16 =	vadd.s32 $0x40, v23;
	[tilespmem:s13+$0x0] =	vst v9;
	v9 =	vld.idx.msk [tilespmem:v11+s22+$0x0], $0xffff  }
0x362: {  	s16 =	sor.u32 s5, s11;
	v11 =	vadd.s32 $0x40, v24;
	[tilespmem:s15+$0x0] =	vst v13;
	v5 =	vld.idx.msk [tilespmem:v5+s22+$0x0], $0xffff  }
0x363: {  	s18 =	sor.u32 s29, s14;
	v13 =	vadd.s32 $0x120, v1;
	v14 =	vld.idx.msk [tilespmem:v14+s22+$0x0], $0xffff;
	[tilespmem:s16+$0x0] =	vst v6  }
0x364: {  	v6 =	vadd.s32 $0x120, v2;
	[tilespmem:s18+$0x0] =	vst v8;
	v12 =	vld.idx.msk [tilespmem:v15+s22+$0x0], $0xffff  }
0x365: {  	s19 =	sor.u32 s30, s14;
	v8 =	vadd.s32 $0x60, v0;
	v10 =	vld.idx.msk [tilespmem:v10+s22+$0x0], $0xffff  }
0x366: {  	s9 =	sor.u32 s2, s10;
	v4 =	vadd.s32 $0x160, v4;
	v15 =	vld.idx.msk [tilespmem:v16+s22+$0x0], $0xffff;
	[tilespmem:s19+$0x0] =	vst v7  }
0x367: {  	s10 =	sor.u32 s1, s11;
	s12 =	sadd.s32 $0x15600, s23;
	v7 =	vadd.s32 $0x60, v23;
	[tilespmem:s9+$0x0] =	vst v9;
	v11 =	vld.idx.msk [tilespmem:v11+s22+$0x0], $0xffff  }
0x368: {  	s6 =	sadd.s32 $0x19600, s0;
	s13 =	sor.u32 s28, s12;
	v9 =	vadd.s32 $0x60, v22;
	[tilespmem:s10+$0x0] =	vst v5;
	v5 =	vld.idx.msk [tilespmem:v13+s22+$0x0], $0xffff  }
0x369: {  	s14 =	sor.u32 s5, s6;
	v13 =	vadd.s32 $0x60, v24;
	[tilespmem:s13+$0x0] =	vst v14;
	v6 =	vld.idx.msk [tilespmem:v6+s22+$0x0], $0xffff  }
0x36a: {  	s15 =	sor.u32 s8, s12;
	v14 =	vadd.s32 $0x140, v3;
	v8 =	vld.idx.msk [tilespmem:v8+s22+$0x0], $0xffff;
	[tilespmem:s14+$0x0] =	vst v12  }
0x36b: {  	s16 =	sor.u32 s29, s12;
	v12 =	vadd.s32 $0x140, v1;
	[tilespmem:s15+$0x0] =	vst v15;
	v4 =	vld.idx.msk [tilespmem:v4+s22+$0x0], $0xffff  }
0x36c: {  	s9 =	sor.u32 s30, s12;
	[tilespmem:s16+$0x0] =	vst v10;
	v15 =	vadd.s32 $0x140, v2;
	v7 =	vld.idx.msk [tilespmem:v7+s22+$0x0], $0xffff  }
0x36d: {  	s17 =	sor.u32 s3, s11;
	v10 =	vadd.s32 $0x80, v0;
	v9 =	vld.idx.msk [tilespmem:v9+s22+$0x0], $0xffff;
	[tilespmem:s9+$0x0] =	vst v11  }
0x36e: {  	s18 =	sor.u32 s2, s11;
	s19 =	sadd.s32 $0x15680, s23;
	v11 =	vadd.s32 $0x80, v23;
	[tilespmem:s17+$0x0] =	vst v5;
	v25 =	vld.idx.msk [tilespmem:v13+s22+$0x0], $0xffff  }
0x36f: {  	s11 =	sor.u32 s28, s19;
	v5 =	vadd.s32 $0x80, v22;
	v29 =	vld.idx.msk [tilespmem:v14+s22+$0x0], $0xffff;
	[tilespmem:s18+$0x0] =	vst v6  }
0x370: {  	v31 =	vadd.s32 $0x160, v1;
	s13 =	sor.u32 s8, s19;
	v6 =	vadd.s32 $0x80, v24;
	[tilespmem:s11+$0x0] =	vst v8;
	v30 =	vld.idx.msk [tilespmem:v12+s22+$0x0], $0xffff  }
0x371: {  	v32 =	vadd.s32 $0x160, v2;
	v19 =	vadd.s32 $0xA0, v23;
	v3 =	vadd.s32 $0x160, v3;
	s14 =	sor.u32 s29, s19;
	v2 =	vld.idx.msk [tilespmem:v15+s22+$0x0], $0xffff;
	[tilespmem:s13+$0x0] =	vst v7  }
0x372: {  	v21 =	vadd.s32 $0xA0, v22;
	v18 =	vadd.s32 $0xC0, v22;
	v20 =	vadd.s32 $0xA0, v24;
	s15 =	sor.u32 s30, s19;
	v33 =	vld.idx.msk [tilespmem:v10+s22+$0x0], $0xffff;
	[tilespmem:s14+$0x0] =	vst v9  }
0x373: {  	v17 =	vadd.s32 $0xC0, v24;
	v16 =	vadd.s32 $0xE0, v22;
	s12 =	sadd.s32 $0x19680, s0;
	s16 =	sor.u32 s1, s6;
	v1 =	vadd.s32 $0x160, v23;
	v26 =	vld.idx.msk [tilespmem:v11+s22+$0x0], $0xffff;
	[tilespmem:s15+$0x0] =	vst v25  }
0x374: {  	s0 =	sor.u32 s5, s12;
	v13 =	vadd.s32 $0xE0, v23;
	v14 =	vadd.s32 $0xE0, v24;
	v27 =	vld.idx.msk [tilespmem:v5+s22+$0x0], $0xffff;
	[tilespmem:s16+$0x0] =	vst v29;
	v29 =	vadd.s32 $0xA0, v0  }
0x375: {  	s10 =	sor.u32 s2, s12;
	s17 =	sor.u32 s3, s6;
	s6 =	sor.u32 s2, s6;
	v12 =	vadd.s32 $0x100, v22;
	v8 =	vadd.s32 $0x120, v22;
	[tilespmem:s0+$0x0] =	vst v4;
	v15 =	vadd.s32 $0xC0, v23;
	v28 =	vld.idx.msk [tilespmem:v6+s22+$0x0], $0xffff  }
0x376: {  	s9 =	sor.u32 s3, s12;
	s18 =	sadd.s32 $0x15700, s23;
	s11 =	sor.u32 s1, s12;
	v10 =	vadd.s32 $0x100, v23;
	v4 =	vadd.s32 $0x140, v23;
	v7 =	vadd.s32 $0x120, v23;
	v25 =	vld.idx.msk [tilespmem:v3+s22+$0x0], $0xffff;
	[tilespmem:s17+$0x0] =	vst v30  }
0x377: {  	s3 =	sor.u32 s8, s18;
	s19 =	sor.u32 s28, s18;
	s5 =	sor.u32 s29, s18;
	v9 =	vadd.s32 $0x120, v24;
	v11 =	vadd.s32 $0x100, v24;
	v5 =	vadd.s32 $0x140, v22;
	v23 =	vld.idx.msk [tilespmem:v31+s22+$0x0], $0xffff;
	[tilespmem:s6+$0x0] =	vst v2  }
0x378: {  	s1 =	simm.s32 $0x400;
	s0 =	simm.s32 $0x4;
	v6 =	vadd.s32 $0x140, v24;
	v3 =	vadd.s32 $0x160, v22;
	v2 =	vadd.s32 $0x160, v24;
	s6 =	sor.u32 s30, s18;
	[tilespmem:s19+$0x0] =	vst v33;
	v22 =	vld.idx.msk [tilespmem:v32+s22+$0x0], $0xffff  }
.LBB2_5:
0x379: {  	s2 =	sand.u32 $0x3C00, s1;
	[tilespmem:s3+$0x0] =	vst v26;
	v24 =	vld.idx.msk [tilespmem:v29+s22+$0x0], $0xffff;
	s31 =	sadd.s32 $0x40, s31  }
0x37a: {  	s0 =	sadd.s32 $0x4, s0;
	s3 =	sand.u32 $0x40, s31;
	s7 =	sshrl.u32 s2, $0x2;
	v19 =	vld.idx.msk [tilespmem:v19+s22+$0x0], $0xffff;
	[tilespmem:s5+$0x0] =	vst v27  }
0x37b: {  	v26 =	vadd.s32 $0xC0, v0;
	p0 =	slt.u32 s0, $0x7C;
	s12 =	sadd.s32 $0xC500, s7;
	s5 =	sor.u32 $0x30, s3;
	v21 =	vld.idx.msk [tilespmem:v21+s22+$0x0], $0xffff;
	[tilespmem:s6+$0x0] =	vst v28  }
0x37c: {  	s6 =	sor.u32 $0x10, s3;
	s7 =	sor.u32 $0x20, s3;
	s13 =	sor.u32 s5, s12;
	v20 =	vld.idx.msk [tilespmem:v20+s22+$0x0], $0xffff;
	[tilespmem:s11+$0x0] =	vst v25  }
0x37d: {  	s11 =	sor.u32 s3, s12;
	s14 =	sor.u32 s6, s12;
	v25 =	vld [tilespmem:s13+$0x80];
	s13 =	sadd.s32 $0x15780, s23;
	[tilespmem:s9+$0x0] =	vst v23  }
0x37e: {  	s9 =	sor.u32 s7, s12;
	v23 =	vld [tilespmem:s11+$0x80];
	s11 =	sor.u32 s8, s13;
	s12 =	sor.u32 s28, s13;
	[tilespmem:s10+$0x0] =	vst v22  }
0x37f: {  	s10 =	sor.u32 s29, s13;
	s13 =	sor.u32 s30, s13;
	v22 =	vld [tilespmem:s14+$0x80];
	[tilespmem:s12+$0x0] =	vst v24  }
0x380: {  	[tilespmem:s11+$0x0] =	vst v19;
	v19 =	vld.idx.msk [tilespmem:v26+s22+$0x0], $0xffff  }
0x381: {  	v24 =	vld [tilespmem:s9+$0x80];
	[tilespmem:s10+$0x0] =	vst v21  }
0x382: {  	v15 =	vld.idx.msk [tilespmem:v15+s22+$0x0], $0xffff;
	[tilespmem:s13+$0x0] =	vst v20;
	v20 =	vadd.s32 $0xE0, v0  }
0x383: {  	v18 =	vld.idx.msk [tilespmem:v18+s22+$0x0], $0xffff  }
0x384: {  	s9 =	sadd.s32 $0x15800, s23;
	v17 =	vld.idx.msk [tilespmem:v17+s22+$0x0], $0xffff  }
0x385: {  	s10 =	sor.u32 s8, s9;
	s11 =	sor.u32 s29, s9;
	s12 =	sor.u32 s28, s9;
	v26 =	vld.idx.msk [tilespmem:v25+s4+$0x0], $0xffff  }
0x386: {  	s9 =	sor.u32 s30, s9;
	v28 =	vld.idx.msk [tilespmem:v23+s4+$0x0], $0xffff;
	[tilespmem:s12+$0x0] =	vst v19  }
0x387: {  	v20 =	vld.idx.msk [tilespmem:v20+s22+$0x0], $0xffff  }
0x388: {  	v29 =	vld.idx.msk [tilespmem:v22+s4+$0x0], $0xffff;
	[tilespmem:s10+$0x0] =	vst v15  }
0x389: {  	v30 =	vld.idx.msk [tilespmem:v24+s4+$0x0], $0xffff;
	[tilespmem:s11+$0x0] =	vst v18;
	v18 =	vadd.s32 $0x100, v0  }
0x38a: {  	v13 =	vld.idx.msk [tilespmem:v13+s22+$0x0], $0xffff;
	[tilespmem:s9+$0x0] =	vst v17  }
0x38b: {  	s9 =	sadd.s32 $0x15880, s23;
	v16 =	vld.idx.msk [tilespmem:v16+s22+$0x0], $0xffff  }
0x38c: {  	v31 =	vadd.s32 $0x20, v28;
	v32 =	vadd.s32 $0x40, v28;
	v25 =	vadd.s32 $0x60, v28;
	s10 =	sor.u32 s8, s9;
	s11 =	sor.u32 s29, s9;
	s12 =	sor.u32 s28, s9;
	v14 =	vld.idx.msk [tilespmem:v14+s22+$0x0], $0xffff  }
0x38d: {  	v22 =	vadd.s32 $0x80, v28;
	v19 =	vadd.s32 $0xA0, v28;
	v15 =	vadd.s32 $0xC0, v28;
	s9 =	sor.u32 s30, s9;
	v33 =	vld.idx.msk [tilespmem:v26+s22+$0x0], $0xffff;
	[tilespmem:s12+$0x0] =	vst v20  }
0x38e: {  	v34 =	vadd.s32 $0x20, v29;
	v35 =	vadd.s32 $0x40, v29;
	v27 =	vadd.s32 $0x60, v29;
	v36 =	vld.idx.msk [tilespmem:v18+s22+$0x0], $0xffff  }
0x38f: {  	v40 =	vadd.s32 $0x20, v26;
	v38 =	vadd.s32 $0x20, v30;
	v39 =	vadd.s32 $0x40, v30;
	v37 =	vld.idx.msk [tilespmem:v28+s22+$0x0], $0xffff  }
0x390: {  	v43 =	vadd.s32 $0x120, v0;
	v23 =	vadd.s32 $0x80, v29;
	v42 =	vadd.s32 $0x60, v30;
	v41 =	vld.idx.msk [tilespmem:v29+s22+$0x0], $0xffff;
	[tilespmem:s10+$0x0] =	vst v13  }
0x391: {  	v21 =	vadd.s32 $0xA0, v29;
	v24 =	vadd.s32 $0x80, v30;
	v20 =	vadd.s32 $0xA0, v30;
	s10 =	sadd.s32 $0x15500, s2;
	v44 =	vld.idx.msk [tilespmem:v30+s22+$0x0], $0xffff;
	[tilespmem:s11+$0x0] =	vst v16  }
0x392: {  	s13 =	sadd.s32 $0x19500, s23;
	v18 =	vadd.s32 $0xC0, v29;
	v17 =	vadd.s32 $0xC0, v30;
	v13 =	vadd.s32 $0xE0, v28;
	s11 =	sor.u32 s3, s10;
	s12 =	sor.u32 s5, s10;
	v45 =	vld.idx.msk [tilespmem:v10+s22+$0x0], $0xffff;
	[tilespmem:s9+$0x0] =	vst v14  }
0x393: {  	v16 =	vadd.s32 $0xE0, v29;
	v10 =	vadd.s32 $0x100, v28;
	s9 =	sor.u32 s6, s10;
	s10 =	sor.u32 s7, s10;
	v14 =	vadd.s32 $0xE0, v30;
	[tilespmem:s12+$0x0] =	vst v33;
	v33 =	vld.idx.msk [tilespmem:v12+s22+$0x0], $0xffff;
	s12 =	sor.u32 s28, s13  }
0x394: {  	s14 =	sor.u32 s8, s13;
	s15 =	sor.u32 s29, s13;
	v46 =	vadd.s32 $0x120, v28;
	v47 =	vadd.s32 $0x100, v30;
	v12 =	vadd.s32 $0x100, v29;
	s13 =	sor.u32 s30, s13;
	v40 =	vld.idx.msk [tilespmem:v40+s22+$0x0], $0xffff;
	[tilespmem:s12+$0x0] =	vst v36  }
0x395: {  	v48 =	vadd.s32 $0x120, v30;
	v36 =	vadd.s32 $0x140, v28;
	[tilespmem:s11+$0x0] =	vst v37;
	v37 =	vadd.s32 $0x120, v29;
	v43 =	vld.idx.msk [tilespmem:v43+s22+$0x0], $0xffff  }
0x396: {  	v50 =	vadd.s32 $0x40, v26;
	v49 =	vadd.s32 $0x140, v30;
	v31 =	vld.idx.msk [tilespmem:v31+s22+$0x0], $0xffff;
	[tilespmem:s9+$0x0] =	vst v41;
	v41 =	vadd.s32 $0x140, v29  }
0x397: {  	v51 =	vadd.s32 $0x160, v28;
	v28 =	vld.idx.msk [tilespmem:v34+s22+$0x0], $0xffff;
	v34 =	vadd.s32 $0x160, v29;
	[tilespmem:s10+$0x0] =	vst v44;
	v29 =	vadd.s32 $0x140, v0  }
0x398: {  	v30 =	vadd.s32 $0x160, v30;
	s9 =	sadd.s32 $0x15580, s2;
	v38 =	vld.idx.msk [tilespmem:v38+s22+$0x0], $0xffff;
	[tilespmem:s14+$0x0] =	vst v45  }
0x399: {  	s12 =	sadd.s32 $0x19580, s23;
	s10 =	sor.u32 s3, s9;
	s11 =	sor.u32 s5, s9;
	[tilespmem:s15+$0x0] =	vst v33;
	v33 =	vld.idx.msk [tilespmem:v11+s22+$0x0], $0xffff;
	v11 =	vmov v47  }
0x39a: {  	s14 =	sor.u32 s6, s9;
	s9 =	sor.u32 s7, s9;
	[tilespmem:s11+$0x0] =	vst v40;
	v40 =	vld.idx.msk [tilespmem:v7+s22+$0x0], $0xffff;
	s11 =	sor.u32 s28, s12;
	v7 =	vmov v46  }
0x39b: {  	s16 =	sor.u32 s29, s12;
	s17 =	sor.u32 s30, s12;
	s15 =	sor.u32 s8, s12;
	v44 =	vld.idx.msk [tilespmem:v50+s22+$0x0], $0xffff;
	[tilespmem:s11+$0x0] =	vst v43  }
0x39c: {  	[tilespmem:s10+$0x0] =	vst v31;
	v29 =	vld.idx.msk [tilespmem:v29+s22+$0x0], $0xffff  }
0x39d: {  	v31 =	vld.idx.msk [tilespmem:v32+s22+$0x0], $0xffff;
	[tilespmem:s14+$0x0] =	vst v28;
	v28 =	vadd.s32 $0x60, v26  }
0x39e: {  	v32 =	vld.idx.msk [tilespmem:v35+s22+$0x0], $0xffff;
	[tilespmem:s9+$0x0] =	vst v38;
	v35 =	vadd.s32 $0x160, v0;
	v0 =	vmov v26  }
0x39f: {  	s9 =	sadd.s32 $0x15600, s2;
	v26 =	vld.idx.msk [tilespmem:v39+s22+$0x0], $0xffff;
	[tilespmem:s13+$0x0] =	vst v33  }
0x3a0: {  	s12 =	sadd.s32 $0x19600, s23;
	s10 =	sor.u32 s3, s9;
	s11 =	sor.u32 s5, s9;
	[tilespmem:s15+$0x0] =	vst v40;
	v33 =	vld.idx.msk [tilespmem:v8+s22+$0x0], $0xffff;
	v8 =	vmov v37  }
0x3a1: {  	s13 =	sor.u32 s6, s9;
	s9 =	sor.u32 s7, s9;
	[tilespmem:s11+$0x0] =	vst v44;
	v37 =	vld.idx.msk [tilespmem:v9+s22+$0x0], $0xffff;
	s11 =	sor.u32 s28, s12;
	v9 =	vmov v48  }
0x3a2: {  	s14 =	sor.u32 s8, s12;
	s15 =	sor.u32 s29, s12;
	s12 =	sor.u32 s30, s12;
	v28 =	vld.idx.msk [tilespmem:v28+s22+$0x0], $0xffff;
	[tilespmem:s11+$0x0] =	vst v29  }
0x3a3: {  	[tilespmem:s10+$0x0] =	vst v31;
	v29 =	vld.idx.msk [tilespmem:v35+s22+$0x0], $0xffff  }
0x3a4: {  	v25 =	vld.idx.msk [tilespmem:v25+s22+$0x0], $0xffff;
	[tilespmem:s13+$0x0] =	vst v32  }
0x3a5: {  	v27 =	vld.idx.msk [tilespmem:v27+s22+$0x0], $0xffff;
	[tilespmem:s9+$0x0] =	vst v26;
	v26 =	vadd.s32 $0x80, v0  }
0x3a6: {  	s9 =	sadd.s32 $0x15680, s2;
	v31 =	vld.idx.msk [tilespmem:v42+s22+$0x0], $0xffff;
	[tilespmem:s16+$0x0] =	vst v33  }
0x3a7: {  	s13 =	sor.u32 s3, s9;
	s10 =	sor.u32 s5, s9;
	s16 =	sadd.s32 $0x19680, s23;
	v32 =	vld.idx.msk [tilespmem:v4+s22+$0x0], $0xffff;
	[tilespmem:s17+$0x0] =	vst v37;
	v4 =	vmov v36  }
0x3a8: {  	s18 =	sor.u32 s7, s9;
	s17 =	sor.u32 s6, s9;
	s19 =	sor.u32 s28, s16;
	[tilespmem:s10+$0x0] =	vst v28;
	v33 =	vld.idx.msk [tilespmem:v5+s22+$0x0], $0xffff;
	v5 =	vmov v41  }
0x3a9: {  	s11 =	sor.u32 s8, s16;
	s9 =	sor.u32 s29, s16;
	s10 =	sor.u32 s30, s16;
	v35 =	vld.idx.msk [tilespmem:v6+s22+$0x0], $0xffff;
	[tilespmem:s19+$0x0] =	vst v29;
	v6 =	vmov v49  }
0x3aa: {  	s23 =	smov.u32 s2;
	s8 =	smov.u32 s3;
	s28 =	smov.u32 s5;
	[tilespmem:s13+$0x0] =	vst v25;
	v36 =	vld.idx.msk [tilespmem:v26+s22+$0x0], $0xffff  }
0x3ab: {  	s29 =	smov.u32 s6;
	s30 =	smov.u32 s7;
	v26 =	vld.idx.msk [tilespmem:v22+s22+$0x0], $0xffff;
	[tilespmem:s17+$0x0] =	vst v27  }
.Ltmp1:
0x3ac: {  	v29 =	vadd.s32 $0xA0, v0;
	v27 =	vld.idx.msk [tilespmem:v23+s22+$0x0], $0xffff;
	[tilespmem:s18+$0x0] =	vst v31;
	(pc) =	sbr.rel @p0 .LBB2_5-.Ltmp1, $4  }
0x3ad: {  	v28 =	vld.idx.msk [tilespmem:v24+s22+$0x0], $0xffff;
	[tilespmem:s14+$0x0] =	vst v32  }
0x3ae: {  	s2 =	sadd.s32 $0x15700, s23;
	v25 =	vld.idx.msk [tilespmem:v1+s22+$0x0], $0xffff;
	[tilespmem:s15+$0x0] =	vst v33;
	v1 =	vmov v51  }
0x3af: {  	s3 =	sor.u32 s8, s2;
	s5 =	sor.u32 s29, s2;
	s7 =	sor.u32 s28, s2;
	v23 =	vld.idx.msk [tilespmem:v3+s22+$0x0], $0xffff;
	[tilespmem:s12+$0x0] =	vst v35;
	v3 =	vmov v34  }
0x3b0: {  	s1 =	sadd.s32 $0x200, s1;
	s6 =	sor.u32 s30, s2;
	[tilespmem:s7+$0x0] =	vst v36;
	v22 =	vld.idx.msk [tilespmem:v2+s22+$0x0], $0xffff;
	v2 =	vmov v30  }
0x3b1: {  	_ =	sdelay $0x3  }
0x3b2: {  	[tilespmem:s3+$0x0] =	vst v26;
	v24 =	vld.idx.msk [tilespmem:v29+s22+$0x0], $0xffff  }
0x3b3: {  	[tilespmem:s5+$0x0] =	vst v27;
	v53 =	vadd.s32 $0xC0, v0;
	v19 =	vld.idx.msk [tilespmem:v19+s22+$0x0], $0xffff  }
0x3b4: {  	v21 =	vld.idx.msk [tilespmem:v21+s22+$0x0], $0xffff;
	[tilespmem:s6+$0x0] =	vst v28  }
0x3b5: {  	s0 =	sadd.s32 $0x15780, s23;
	v20 =	vld.idx.msk [tilespmem:v20+s22+$0x0], $0xffff  }
0x3b6: {  	s1 =	sor.u32 s28, s0  }
0x3b7: {  	s5 =	sor.u32 s8, s0;
	[tilespmem:s1+$0x0] =	vst v24  }
0x3b8: {  	s6 =	sor.u32 s29, s0;
	[tilespmem:s5+$0x0] =	vst v19;
	v54 =	vld.idx.msk [tilespmem:v53+s22+$0x0], $0xffff  }
0x3b9: {  	v55 =	vadd.s32 $0xE0, v0;
	s0 =	sor.u32 s30, s0;
	[tilespmem:s6+$0x0] =	vst v21;
	v15 =	vld.idx.msk [tilespmem:v15+s22+$0x0], $0xffff  }
0x3ba: {  	[tilespmem:s0+$0x0] =	vst v20;
	v18 =	vld.idx.msk [tilespmem:v18+s22+$0x0], $0xffff  }
0x3bb: {  	s7 =	sadd.s32 $0x15800, s23;
	v17 =	vld.idx.msk [tilespmem:v17+s22+$0x0], $0xffff  }
0x3bc: {  	s12 =	sor.u32 s28, s7  }
0x3bd: {  	s13 =	sor.u32 s8, s7;
	[tilespmem:s12+$0x0] =	vst v54  }
0x3be: {  	s14 =	sor.u32 s29, s7;
	[tilespmem:s13+$0x0] =	vst v15;
	v56 =	vld.idx.msk [tilespmem:v55+s22+$0x0], $0xffff  }
0x3bf: {  	v57 =	vadd.s32 $0x100, v0;
	s0 =	sor.u32 s30, s7;
	[tilespmem:s14+$0x0] =	vst v18;
	v13 =	vld.idx.msk [tilespmem:v13+s22+$0x0], $0xffff  }
0x3c0: {  	[tilespmem:s0+$0x0] =	vst v17;
	v16 =	vld.idx.msk [tilespmem:v16+s22+$0x0], $0xffff  }
0x3c1: {  	s15 =	sadd.s32 $0x15880, s23;
	v14 =	vld.idx.msk [tilespmem:v14+s22+$0x0], $0xffff  }
0x3c2: {  	s16 =	sor.u32 s28, s15  }
0x3c3: {  	s17 =	sor.u32 s8, s15;
	[tilespmem:s16+$0x0] =	vst v56  }
0x3c4: {  	s18 =	sor.u32 s29, s15;
	[tilespmem:s17+$0x0] =	vst v13;
	v58 =	vld.idx.msk [tilespmem:v57+s22+$0x0], $0xffff  }
0x3c5: {  	v59 =	vadd.s32 $0x120, v0;
	s0 =	sor.u32 s30, s15;
	[tilespmem:s18+$0x0] =	vst v16;
	v10 =	vld.idx.msk [tilespmem:v10+s22+$0x0], $0xffff  }
0x3c6: {  	[tilespmem:s0+$0x0] =	vst v14;
	v12 =	vld.idx.msk [tilespmem:v12+s22+$0x0], $0xffff  }
0x3c7: {  	s19 =	sadd.s32 $0x19500, s23;
	v11 =	vld.idx.msk [tilespmem:v11+s22+$0x0], $0xffff  }
0x3c8: {  	s31 =	sor.u32 s28, s19  }
0x3c9: {  	s2 =	sor.u32 s8, s19;
	[tilespmem:s31+$0x0] =	vst v58  }
0x3ca: {  	s3 =	sor.u32 s29, s19;
	[tilespmem:s2+$0x0] =	vst v10;
	v60 =	vld.idx.msk [tilespmem:v59+s22+$0x0], $0xffff  }
0x3cb: {  	v61 =	vadd.s32 $0x140, v0;
	s0 =	sor.u32 s30, s19;
	[tilespmem:s3+$0x0] =	vst v12;
	v7 =	vld.idx.msk [tilespmem:v7+s22+$0x0], $0xffff  }
0x3cc: {  	[tilespmem:s0+$0x0] =	vst v11;
	v8 =	vld.idx.msk [tilespmem:v8+s22+$0x0], $0xffff  }
0x3cd: {  	s5 =	sadd.s32 $0x19580, s23;
	v9 =	vld.idx.msk [tilespmem:v9+s22+$0x0], $0xffff  }
0x3ce: {  	s6 =	sor.u32 s28, s5  }
0x3cf: {  	s7 =	sor.u32 s8, s5;
	[tilespmem:s6+$0x0] =	vst v60  }
0x3d0: {  	s12 =	sor.u32 s29, s5;
	[tilespmem:s7+$0x0] =	vst v7;
	v62 =	vld.idx.msk [tilespmem:v61+s22+$0x0], $0xffff  }
0x3d1: {  	v63 =	vadd.s32 $0x160, v0;
	s0 =	sor.u32 s30, s5;
	[tilespmem:s12+$0x0] =	vst v8;
	v4 =	vld.idx.msk [tilespmem:v4+s22+$0x0], $0xffff  }
0x3d2: {  	[tilespmem:s0+$0x0] =	vst v9;
	v5 =	vld.idx.msk [tilespmem:v5+s22+$0x0], $0xffff  }
0x3d3: {  	s13 =	sadd.s32 $0x19600, s23;
	v6 =	vld.idx.msk [tilespmem:v6+s22+$0x0], $0xffff  }
0x3d4: {  	[tilespmem:s11+$0x0] =	vst v25;
	s14 =	sor.u32 s28, s13  }
0x3d5: {  	s15 =	sor.u32 s8, s13;
	[tilespmem:s14+$0x0] =	vst v62  }
0x3d6: {  	s16 =	sor.u32 s29, s13;
	[tilespmem:s15+$0x0] =	vst v4;
	v0 =	vld.idx.msk [tilespmem:v63+s22+$0x0], $0xffff  }
0x3d7: {  	s0 =	sor.u32 s30, s13;
	[tilespmem:s16+$0x0] =	vst v5;
	v1 =	vld.idx.msk [tilespmem:v1+s22+$0x0], $0xffff  }
0x3d8: {  	[tilespmem:s0+$0x0] =	vst v6;
	v3 =	vld.idx.msk [tilespmem:v3+s22+$0x0], $0xffff  }
0x3d9: {  	[tilespmem:s9+$0x0] =	vst v23;
	s17 =	sadd.s32 $0x19680, s23;
	v2 =	vld.idx.msk [tilespmem:v2+s22+$0x0], $0xffff  }
0x3da: {  	[tilespmem:s10+$0x0] =	vst v22;
	s18 =	sor.u32 s28, s17  }
0x3db: {  	s19 =	sor.u32 s8, s17;
	[tilespmem:s18+$0x0] =	vst v0  }
0x3dc: {  	s23 =	sor.u32 s29, s17;
	[tilespmem:s19+$0x0] =	vst v1  }
0x3dd: {  	s0 =	sor.u32 s30, s17;
	[tilespmem:s23+$0x0] =	vst v3  }
0x3de: {  	s28 =	simm.s32 $0x15500;
	[tilespmem:s0+$0x0] =	vst v2;
	s0 =	sadd.s32 s26, s21  }
0x3df: {  	[hbm4b:s0+s4] =	stream.linear.scatter [tilespmem:s28], [sflag:$0x4], $0x80, $0x38;
	[tilespmem:$0x1D500] =	vst v63  }
0x3e0: {  	s2 =	simm.s32 $0x15900;
	s29 =	sadd.s32 $0x80, s0  }
0x3e1: {  	[hbm4b:s29+s4] =	stream.linear.scatter [tilespmem:s2], [sflag:$0x4], $0x80, $0x38;
	[tilespmem:$0x1D500] =	vst v63  }
0x3e2: {  	s31 =	simm.s32 $0x15D00;
	s30 =	sadd.s32 $0x100, s0  }
0x3e3: {  	[hbm4b:s30+s4] =	stream.linear.scatter [tilespmem:s31], [sflag:$0x4], $0x80, $0x38;
	[tilespmem:$0x1D500] =	vst v63  }
0x3e4: {  	s3 =	simm.s32 $0x16100;
	s2 =	sadd.s32 $0x180, s0  }
0x3e5: {  	[hbm4b:s2+s4] =	stream.linear.scatter [tilespmem:s3], [sflag:$0x4], $0x80, $0x38;
	[tilespmem:$0x1D500] =	vst v63  }
0x3e6: {  	s6 =	simm.s32 $0x16500;
	s5 =	sadd.s32 $0x200, s0  }
0x3e7: {  	[hbm4b:s5+s4] =	stream.linear.scatter [tilespmem:s6], [sflag:$0x4], $0x80, $0x38;
	[tilespmem:$0x1D500] =	vst v63  }
0x3e8: {  	s8 =	simm.s32 $0x16900;
	s7 =	sadd.s32 $0x280, s0  }
0x3e9: {  	[hbm4b:s7+s4] =	stream.linear.scatter [tilespmem:s8], [sflag:$0x4], $0x80, $0x38;
	[tilespmem:$0x1D500] =	vst v63  }
0x3ea: {  	s10 =	simm.s32 $0x16D00;
	s9 =	sadd.s32 $0x300, s0  }
0x3eb: {  	[hbm4b:s9+s4] =	stream.linear.scatter [tilespmem:s10], [sflag:$0x4], $0x80, $0x38;
	[tilespmem:$0x1D500] =	vst v63  }
0x3ec: {  	s12 =	simm.s32 $0x17100;
	s11 =	sadd.s32 $0x380, s0  }
0x3ed: {  	[hbm4b:s11+s4] =	stream.linear.scatter [tilespmem:s12], [sflag:$0x4], $0x80, $0x38;
	[tilespmem:$0x1D500] =	vst v63  }
0x3ee: {  	s14 =	simm.s32 $0x17500;
	s13 =	sadd.s32 $0x400, s0  }
0x3ef: {  	[hbm4b:s13+s4] =	stream.linear.scatter [tilespmem:s14], [sflag:$0x4], $0x80, $0x38;
	[tilespmem:$0x1D500] =	vst v63  }
0x3f0: {  	s16 =	simm.s32 $0x17900;
	s15 =	sadd.s32 $0x480, s0  }
0x3f1: {  	[hbm4b:s15+s4] =	stream.linear.scatter [tilespmem:s16], [sflag:$0x4], $0x80, $0x38;
	[tilespmem:$0x1D500] =	vst v63  }
0x3f2: {  	s18 =	simm.s32 $0x17D00;
	s17 =	sadd.s32 $0x500, s0  }
0x3f3: {  	[hbm4b:s17+s4] =	stream.linear.scatter [tilespmem:s18], [sflag:$0x4], $0x80, $0x38;
	[tilespmem:$0x1D500] =	vst v63  }
0x3f4: {  	s23 =	simm.s32 $0x18100;
	s19 =	sadd.s32 $0x580, s0  }
0x3f5: {  	[hbm4b:s19+s4] =	stream.linear.scatter [tilespmem:s23], [sflag:$0x4], $0x80, $0x38;
	[tilespmem:$0x1D500] =	vst v63  }
0x3f6: {  	s28 =	sadd.s32 $0x600, s0;
	s29 =	simm.s32 $0x18500  }
0x3f7: {  	[hbm4b:s28+s4] =	stream.linear.scatter [tilespmem:s29], [sflag:$0x4], $0x80, $0x38;
	[tilespmem:$0x1D500] =	vst v63  }
0x3f8: {  	s30 =	sadd.s32 $0x680, s0;
	s31 =	simm.s32 $0x18900  }
0x3f9: {  	[hbm4b:s30+s4] =	stream.linear.scatter [tilespmem:s31], [sflag:$0x4], $0x80, $0x38;
	[tilespmem:$0x1D500] =	vst v63  }
0x3fa: {  	s3 =	sadd.s32 $0x700, s0;
	s5 =	simm.s32 $0x18D00  }
0x3fb: {  	[hbm4b:s3+s4] =	stream.linear.scatter [tilespmem:s5], [sflag:$0x4], $0x80, $0x38;
	[tilespmem:$0x1D500] =	vst v63  }
0x3fc: {  	s0 =	sadd.s32 $0x780, s0;
	s6 =	simm.s32 $0x19100;
	s7 =	rddreg [dreg:$0x8]  }
0x3fd: {  	[hbm4b:s0+s4] =	stream.linear.scatter [tilespmem:s6], [sflag:$0x4], $0x80, $0x38;
	[tilespmem:$0x1D500] =	vst v63  }
0x3fe: {  	s8 =	simm.s32 $0x15580;
	s0 =	sadd.s32 s21, s7  }
0x3ff: {  	[hbm4b:s0+s4] =	stream.linear.scatter [tilespmem:s8], [sflag:$0x4], $0x80, $0x38;
	[tilespmem:$0x1D500] =	vst v63  }
0x400: {  	s10 =	simm.s32 $0x15980;
	s9 =	sadd.s32 $0x80, s0  }
0x401: {  	[hbm4b:s9+s4] =	stream.linear.scatter [tilespmem:s10], [sflag:$0x4], $0x80, $0x38;
	[tilespmem:$0x1D500] =	vst v63  }
0x402: {  	s12 =	simm.s32 $0x15D80;
	s11 =	sadd.s32 $0x100, s0  }
0x403: {  	[hbm4b:s11+s4] =	stream.linear.scatter [tilespmem:s12], [sflag:$0x4], $0x80, $0x38;
	[tilespmem:$0x1D500] =	vst v63  }
0x404: {  	s14 =	simm.s32 $0x16180;
	s13 =	sadd.s32 $0x180, s0  }
0x405: {  	[hbm4b:s13+s4] =	stream.linear.scatter [tilespmem:s14], [sflag:$0x4], $0x80, $0x38;
	[tilespmem:$0x1D500] =	vst v63  }
0x406: {  	s16 =	simm.s32 $0x16580;
	s15 =	sadd.s32 $0x200, s0  }
0x407: {  	[hbm4b:s15+s4] =	stream.linear.scatter [tilespmem:s16], [sflag:$0x4], $0x80, $0x38;
	[tilespmem:$0x1D500] =	vst v63  }
0x408: {  	s18 =	simm.s32 $0x16980;
	s17 =	sadd.s32 $0x280, s0  }
0x409: {  	[hbm4b:s17+s4] =	stream.linear.scatter [tilespmem:s18], [sflag:$0x4], $0x80, $0x38;
	[tilespmem:$0x1D500] =	vst v63  }
0x40a: {  	s23 =	simm.s32 $0x16D80;
	s19 =	sadd.s32 $0x300, s0  }
0x40b: {  	[hbm4b:s19+s4] =	stream.linear.scatter [tilespmem:s23], [sflag:$0x4], $0x80, $0x38;
	[tilespmem:$0x1D500] =	vst v63  }
0x40c: {  	s29 =	simm.s32 $0x17180;
	s28 =	sadd.s32 $0x380, s0  }
0x40d: {  	[hbm4b:s28+s4] =	stream.linear.scatter [tilespmem:s29], [sflag:$0x4], $0x80, $0x38;
	[tilespmem:$0x1D500] =	vst v63  }
0x40e: {  	s31 =	simm.s32 $0x17580;
	s30 =	sadd.s32 $0x400, s0  }
0x40f: {  	[hbm4b:s30+s4] =	stream.linear.scatter [tilespmem:s31], [sflag:$0x4], $0x80, $0x38;
	[tilespmem:$0x1D500] =	vst v63  }
0x410: {  	s5 =	simm.s32 $0x17980;
	s3 =	sadd.s32 $0x480, s0  }
0x411: {  	[hbm4b:s3+s4] =	stream.linear.scatter [tilespmem:s5], [sflag:$0x4], $0x80, $0x38;
	[tilespmem:$0x1D500] =	vst v63  }
0x412: {  	s7 =	simm.s32 $0x17D80;
	s6 =	sadd.s32 $0x500, s0  }
0x413: {  	[hbm4b:s6+s4] =	stream.linear.scatter [tilespmem:s7], [sflag:$0x4], $0x80, $0x38;
	[tilespmem:$0x1D500] =	vst v63  }
0x414: {  	s8 =	sadd.s32 $0x580, s0;
	s9 =	simm.s32 $0x18180  }
0x415: {  	[hbm4b:s8+s4] =	stream.linear.scatter [tilespmem:s9], [sflag:$0x4], $0x80, $0x38;
	[tilespmem:$0x1D500] =	vst v63  }
0x416: {  	s10 =	sadd.s32 $0x600, s0;
	s11 =	simm.s32 $0x18580  }
0x417: {  	[hbm4b:s10+s4] =	stream.linear.scatter [tilespmem:s11], [sflag:$0x4], $0x80, $0x38;
	[tilespmem:$0x1D500] =	vst v63  }
0x418: {  	s12 =	sadd.s32 $0x680, s0;
	s13 =	simm.s32 $0x18980  }
0x419: {  	[hbm4b:s12+s4] =	stream.linear.scatter [tilespmem:s13], [sflag:$0x4], $0x80, $0x38;
	[tilespmem:$0x1D500] =	vst v63  }
0x41a: {  	s14 =	sadd.s32 $0x700, s0;
	s15 =	simm.s32 $0x18D80  }
0x41b: {  	[hbm4b:s14+s4] =	stream.linear.scatter [tilespmem:s15], [sflag:$0x4], $0x80, $0x38;
	[tilespmem:$0x1D500] =	vst v63  }
0x41c: {  	s0 =	sadd.s32 $0x780, s0;
	s16 =	simm.s32 $0x19180;
	s17 =	rddreg [dreg:$0x9]  }
0x41d: {  	[hbm4b:s0+s4] =	stream.linear.scatter [tilespmem:s16], [sflag:$0x4], $0x80, $0x38;
	[tilespmem:$0x1D500] =	vst v63  }
0x41e: {  	s18 =	simm.s32 $0x15600;
	s0 =	sadd.s32 s21, s17  }
0x41f: {  	[hbm4b:s0+s4] =	stream.linear.scatter [tilespmem:s18], [sflag:$0x4], $0x80, $0x38;
	[tilespmem:$0x1D500] =	vst v63  }
0x420: {  	s23 =	simm.s32 $0x15A00;
	s19 =	sadd.s32 $0x80, s0  }
0x421: {  	[hbm4b:s19+s4] =	stream.linear.scatter [tilespmem:s23], [sflag:$0x4], $0x80, $0x38;
	[tilespmem:$0x1D500] =	vst v63  }
0x422: {  	s29 =	simm.s32 $0x15E00;
	s28 =	sadd.s32 $0x100, s0  }
0x423: {  	[hbm4b:s28+s4] =	stream.linear.scatter [tilespmem:s29], [sflag:$0x4], $0x80, $0x38;
	[tilespmem:$0x1D500] =	vst v63  }
0x424: {  	s31 =	simm.s32 $0x16200;
	s30 =	sadd.s32 $0x180, s0  }
0x425: {  	[hbm4b:s30+s4] =	stream.linear.scatter [tilespmem:s31], [sflag:$0x4], $0x80, $0x38;
	[tilespmem:$0x1D500] =	vst v63  }
0x426: {  	s3 =	simm.s32 $0x16600;
	s2 =	sadd.s32 $0x200, s0  }
0x427: {  	[hbm4b:s2+s4] =	stream.linear.scatter [tilespmem:s3], [sflag:$0x4], $0x80, $0x38;
	[tilespmem:$0x1D500] =	vst v63  }
0x428: {  	s6 =	simm.s32 $0x16A00;
	s5 =	sadd.s32 $0x280, s0  }
0x429: {  	[hbm4b:s5+s4] =	stream.linear.scatter [tilespmem:s6], [sflag:$0x4], $0x80, $0x38;
	[tilespmem:$0x1D500] =	vst v63  }
0x42a: {  	s8 =	simm.s32 $0x16E00;
	s7 =	sadd.s32 $0x300, s0  }
0x42b: {  	[hbm4b:s7+s4] =	stream.linear.scatter [tilespmem:s8], [sflag:$0x4], $0x80, $0x38;
	[tilespmem:$0x1D500] =	vst v63  }
0x42c: {  	s10 =	simm.s32 $0x17200;
	s9 =	sadd.s32 $0x380, s0  }
0x42d: {  	[hbm4b:s9+s4] =	stream.linear.scatter [tilespmem:s10], [sflag:$0x4], $0x80, $0x38;
	[tilespmem:$0x1D500] =	vst v63  }
0x42e: {  	s12 =	simm.s32 $0x17600;
	s11 =	sadd.s32 $0x400, s0  }
0x42f: {  	[hbm4b:s11+s4] =	stream.linear.scatter [tilespmem:s12], [sflag:$0x4], $0x80, $0x38;
	[tilespmem:$0x1D500] =	vst v63  }
0x430: {  	s14 =	simm.s32 $0x17A00;
	s13 =	sadd.s32 $0x480, s0  }
0x431: {  	[hbm4b:s13+s4] =	stream.linear.scatter [tilespmem:s14], [sflag:$0x4], $0x80, $0x38;
	[tilespmem:$0x1D500] =	vst v63  }
0x432: {  	s16 =	simm.s32 $0x17E00;
	s15 =	sadd.s32 $0x500, s0  }
0x433: {  	[hbm4b:s15+s4] =	stream.linear.scatter [tilespmem:s16], [sflag:$0x4], $0x80, $0x38;
	[tilespmem:$0x1D500] =	vst v63  }
0x434: {  	s17 =	sadd.s32 $0x580, s0;
	s18 =	simm.s32 $0x18200  }
0x435: {  	[hbm4b:s17+s4] =	stream.linear.scatter [tilespmem:s18], [sflag:$0x4], $0x80, $0x38;
	[tilespmem:$0x1D500] =	vst v63  }
0x436: {  	s19 =	sadd.s32 $0x600, s0;
	s23 =	simm.s32 $0x18600  }
0x437: {  	[hbm4b:s19+s4] =	stream.linear.scatter [tilespmem:s23], [sflag:$0x4], $0x80, $0x38;
	[tilespmem:$0x1D500] =	vst v63  }
0x438: {  	s28 =	sadd.s32 $0x680, s0;
	s29 =	simm.s32 $0x18A00  }
0x439: {  	[hbm4b:s28+s4] =	stream.linear.scatter [tilespmem:s29], [sflag:$0x4], $0x80, $0x38;
	[tilespmem:$0x1D500] =	vst v63  }
0x43a: {  	s30 =	sadd.s32 $0x700, s0;
	s31 =	simm.s32 $0x18E00  }
0x43b: {  	[hbm4b:s30+s4] =	stream.linear.scatter [tilespmem:s31], [sflag:$0x4], $0x80, $0x38;
	[tilespmem:$0x1D500] =	vst v63  }
0x43c: {  	s0 =	sadd.s32 $0x780, s0;
	s3 =	simm.s32 $0x19200;
	s5 =	rddreg [dreg:$0xa]  }
0x43d: {  	[hbm4b:s0+s4] =	stream.linear.scatter [tilespmem:s3], [sflag:$0x4], $0x80, $0x38;
	[tilespmem:$0x1D500] =	vst v63  }
0x43e: {  	s6 =	simm.s32 $0x15680;
	s0 =	sadd.s32 s21, s5  }
0x43f: {  	[hbm4b:s0+s4] =	stream.linear.scatter [tilespmem:s6], [sflag:$0x4], $0x80, $0x38;
	[tilespmem:$0x1D500] =	vst v63  }
0x440: {  	s8 =	simm.s32 $0x15A80;
	s7 =	sadd.s32 $0x80, s0  }
0x441: {  	[hbm4b:s7+s4] =	stream.linear.scatter [tilespmem:s8], [sflag:$0x4], $0x80, $0x38;
	[tilespmem:$0x1D500] =	vst v63  }
0x442: {  	s10 =	simm.s32 $0x15E80;
	s9 =	sadd.s32 $0x100, s0  }
0x443: {  	[hbm4b:s9+s4] =	stream.linear.scatter [tilespmem:s10], [sflag:$0x4], $0x80, $0x38;
	[tilespmem:$0x1D500] =	vst v63  }
0x444: {  	s12 =	simm.s32 $0x16280;
	s11 =	sadd.s32 $0x180, s0  }
0x445: {  	[hbm4b:s11+s4] =	stream.linear.scatter [tilespmem:s12], [sflag:$0x4], $0x80, $0x38;
	[tilespmem:$0x1D500] =	vst v63  }
0x446: {  	s14 =	simm.s32 $0x16680;
	s13 =	sadd.s32 $0x200, s0  }
0x447: {  	[hbm4b:s13+s4] =	stream.linear.scatter [tilespmem:s14], [sflag:$0x4], $0x80, $0x38;
	[tilespmem:$0x1D500] =	vst v63  }
0x448: {  	s16 =	simm.s32 $0x16A80;
	s15 =	sadd.s32 $0x280, s0  }
0x449: {  	[hbm4b:s15+s4] =	stream.linear.scatter [tilespmem:s16], [sflag:$0x4], $0x80, $0x38;
	[tilespmem:$0x1D500] =	vst v63  }
0x44a: {  	s18 =	simm.s32 $0x16E80;
	s17 =	sadd.s32 $0x300, s0  }
0x44b: {  	[hbm4b:s17+s4] =	stream.linear.scatter [tilespmem:s18], [sflag:$0x4], $0x80, $0x38;
	[tilespmem:$0x1D500] =	vst v63  }
0x44c: {  	s23 =	simm.s32 $0x17280;
	s19 =	sadd.s32 $0x380, s0  }
0x44d: {  	[hbm4b:s19+s4] =	stream.linear.scatter [tilespmem:s23], [sflag:$0x4], $0x80, $0x38;
	[tilespmem:$0x1D500] =	vst v63  }
0x44e: {  	s29 =	simm.s32 $0x17680;
	s28 =	sadd.s32 $0x400, s0  }
0x44f: {  	[hbm4b:s28+s4] =	stream.linear.scatter [tilespmem:s29], [sflag:$0x4], $0x80, $0x38;
	[tilespmem:$0x1D500] =	vst v63  }
0x450: {  	s31 =	simm.s32 $0x17A80;
	s30 =	sadd.s32 $0x480, s0  }
0x451: {  	[hbm4b:s30+s4] =	stream.linear.scatter [tilespmem:s31], [sflag:$0x4], $0x80, $0x38;
	[tilespmem:$0x1D500] =	vst v63  }
0x452: {  	s5 =	simm.s32 $0x17E80;
	s3 =	sadd.s32 $0x500, s0  }
0x453: {  	[hbm4b:s3+s4] =	stream.linear.scatter [tilespmem:s5], [sflag:$0x4], $0x80, $0x38;
	[tilespmem:$0x1D500] =	vst v63  }
0x454: {  	s6 =	sadd.s32 $0x580, s0;
	s7 =	simm.s32 $0x18280  }
0x455: {  	[hbm4b:s6+s4] =	stream.linear.scatter [tilespmem:s7], [sflag:$0x4], $0x80, $0x38;
	[tilespmem:$0x1D500] =	vst v63  }
0x456: {  	s8 =	sadd.s32 $0x600, s0;
	s9 =	simm.s32 $0x18680  }
0x457: {  	[hbm4b:s8+s4] =	stream.linear.scatter [tilespmem:s9], [sflag:$0x4], $0x80, $0x38;
	[tilespmem:$0x1D500] =	vst v63  }
0x458: {  	s10 =	sadd.s32 $0x680, s0;
	s11 =	simm.s32 $0x18A80  }
0x459: {  	[hbm4b:s10+s4] =	stream.linear.scatter [tilespmem:s11], [sflag:$0x4], $0x80, $0x38;
	[tilespmem:$0x1D500] =	vst v63  }
0x45a: {  	s12 =	sadd.s32 $0x700, s0;
	s13 =	simm.s32 $0x18E80  }
0x45b: {  	[hbm4b:s12+s4] =	stream.linear.scatter [tilespmem:s13], [sflag:$0x4], $0x80, $0x38;
	[tilespmem:$0x1D500] =	vst v63  }
0x45c: {  	s0 =	sadd.s32 $0x780, s0;
	s14 =	simm.s32 $0x19280;
	s15 =	rddreg [dreg:$0xb]  }
0x45d: {  	[hbm4b:s0+s4] =	stream.linear.scatter [tilespmem:s14], [sflag:$0x4], $0x80, $0x38;
	[tilespmem:$0x1D500] =	vst v63  }
0x45e: {  	s16 =	simm.s32 $0x15700;
	s0 =	sadd.s32 s21, s15  }
0x45f: {  	[hbm4b:s0+s4] =	stream.linear.scatter [tilespmem:s16], [sflag:$0x4], $0x80, $0x38;
	[tilespmem:$0x1D500] =	vst v63  }
0x460: {  	s18 =	simm.s32 $0x15B00;
	s17 =	sadd.s32 $0x80, s0  }
0x461: {  	[hbm4b:s17+s4] =	stream.linear.scatter [tilespmem:s18], [sflag:$0x4], $0x80, $0x38;
	[tilespmem:$0x1D500] =	vst v63  }
0x462: {  	s23 =	simm.s32 $0x15F00;
	s19 =	sadd.s32 $0x100, s0  }
0x463: {  	[hbm4b:s19+s4] =	stream.linear.scatter [tilespmem:s23], [sflag:$0x4], $0x80, $0x38;
	[tilespmem:$0x1D500] =	vst v63  }
0x464: {  	s29 =	simm.s32 $0x16300;
	s28 =	sadd.s32 $0x180, s0  }
0x465: {  	[hbm4b:s28+s4] =	stream.linear.scatter [tilespmem:s29], [sflag:$0x4], $0x80, $0x38;
	[tilespmem:$0x1D500] =	vst v63  }
0x466: {  	s31 =	simm.s32 $0x16700;
	s30 =	sadd.s32 $0x200, s0  }
0x467: {  	[hbm4b:s30+s4] =	stream.linear.scatter [tilespmem:s31], [sflag:$0x4], $0x80, $0x38;
	[tilespmem:$0x1D500] =	vst v63  }
0x468: {  	s5 =	simm.s32 $0x16B00;
	s3 =	sadd.s32 $0x280, s0  }
0x469: {  	[hbm4b:s3+s4] =	stream.linear.scatter [tilespmem:s5], [sflag:$0x4], $0x80, $0x38;
	[tilespmem:$0x1D500] =	vst v63  }
0x46a: {  	s7 =	simm.s32 $0x16F00;
	s6 =	sadd.s32 $0x300, s0  }
0x46b: {  	[hbm4b:s6+s4] =	stream.linear.scatter [tilespmem:s7], [sflag:$0x4], $0x80, $0x38;
	[tilespmem:$0x1D500] =	vst v63  }
0x46c: {  	s9 =	simm.s32 $0x17300;
	s8 =	sadd.s32 $0x380, s0  }
0x46d: {  	[hbm4b:s8+s4] =	stream.linear.scatter [tilespmem:s9], [sflag:$0x4], $0x80, $0x38;
	[tilespmem:$0x1D500] =	vst v63  }
0x46e: {  	s11 =	simm.s32 $0x17700;
	s10 =	sadd.s32 $0x400, s0  }
0x46f: {  	[hbm4b:s10+s4] =	stream.linear.scatter [tilespmem:s11], [sflag:$0x4], $0x80, $0x38;
	[tilespmem:$0x1D500] =	vst v63  }
0x470: {  	s13 =	simm.s32 $0x17B00;
	s12 =	sadd.s32 $0x480, s0  }
0x471: {  	[hbm4b:s12+s4] =	stream.linear.scatter [tilespmem:s13], [sflag:$0x4], $0x80, $0x38;
	[tilespmem:$0x1D500] =	vst v63  }
0x472: {  	s15 =	simm.s32 $0x17F00;
	s14 =	sadd.s32 $0x500, s0  }
0x473: {  	[hbm4b:s14+s4] =	stream.linear.scatter [tilespmem:s15], [sflag:$0x4], $0x80, $0x38;
	[tilespmem:$0x1D500] =	vst v63  }
0x474: {  	s16 =	sadd.s32 $0x580, s0;
	s17 =	simm.s32 $0x18300  }
0x475: {  	[hbm4b:s16+s4] =	stream.linear.scatter [tilespmem:s17], [sflag:$0x4], $0x80, $0x38;
	[tilespmem:$0x1D500] =	vst v63  }
0x476: {  	s18 =	sadd.s32 $0x600, s0;
	s19 =	simm.s32 $0x18700  }
0x477: {  	[hbm4b:s18+s4] =	stream.linear.scatter [tilespmem:s19], [sflag:$0x4], $0x80, $0x38;
	[tilespmem:$0x1D500] =	vst v63  }
0x478: {  	s23 =	sadd.s32 $0x680, s0;
	s28 =	simm.s32 $0x18B00  }
0x479: {  	[hbm4b:s23+s4] =	stream.linear.scatter [tilespmem:s28], [sflag:$0x4], $0x80, $0x38;
	[tilespmem:$0x1D500] =	vst v63  }
0x47a: {  	s29 =	sadd.s32 $0x700, s0;
	s30 =	simm.s32 $0x18F00  }
0x47b: {  	[hbm4b:s29+s4] =	stream.linear.scatter [tilespmem:s30], [sflag:$0x4], $0x80, $0x38;
	[tilespmem:$0x1D500] =	vst v63  }
0x47c: {  	s2 =	rddreg [dreg:$0xc];
	s0 =	sadd.s32 $0x780, s0;
	s31 =	simm.s32 $0x19300  }
0x47d: {  	[hbm4b:s0+s4] =	stream.linear.scatter [tilespmem:s31], [sflag:$0x4], $0x80, $0x38;
	[tilespmem:$0x1D500] =	vst v63  }
0x47e: {  	s3 =	simm.s32 $0x15780;
	s0 =	sadd.s32 s21, s2  }
0x47f: {  	[hbm4b:s0+s4] =	stream.linear.scatter [tilespmem:s3], [sflag:$0x4], $0x80, $0x38;
	[tilespmem:$0x1D500] =	vst v63  }
0x480: {  	s6 =	simm.s32 $0x15B80;
	s5 =	sadd.s32 $0x80, s0  }
0x481: {  	[hbm4b:s5+s4] =	stream.linear.scatter [tilespmem:s6], [sflag:$0x4], $0x80, $0x38;
	[tilespmem:$0x1D500] =	vst v63  }
0x482: {  	s8 =	simm.s32 $0x15F80;
	s7 =	sadd.s32 $0x100, s0  }
0x483: {  	[hbm4b:s7+s4] =	stream.linear.scatter [tilespmem:s8], [sflag:$0x4], $0x80, $0x38;
	[tilespmem:$0x1D500] =	vst v63  }
0x484: {  	s10 =	simm.s32 $0x16380;
	s9 =	sadd.s32 $0x180, s0  }
0x485: {  	[hbm4b:s9+s4] =	stream.linear.scatter [tilespmem:s10], [sflag:$0x4], $0x80, $0x38;
	[tilespmem:$0x1D500] =	vst v63  }
0x486: {  	s12 =	simm.s32 $0x16780;
	s11 =	sadd.s32 $0x200, s0  }
0x487: {  	[hbm4b:s11+s4] =	stream.linear.scatter [tilespmem:s12], [sflag:$0x4], $0x80, $0x38;
	[tilespmem:$0x1D500] =	vst v63  }
0x488: {  	s14 =	simm.s32 $0x16B80;
	s13 =	sadd.s32 $0x280, s0  }
0x489: {  	[hbm4b:s13+s4] =	stream.linear.scatter [tilespmem:s14], [sflag:$0x4], $0x80, $0x38;
	[tilespmem:$0x1D500] =	vst v63  }
0x48a: {  	s16 =	simm.s32 $0x16F80;
	s15 =	sadd.s32 $0x300, s0  }
0x48b: {  	[hbm4b:s15+s4] =	stream.linear.scatter [tilespmem:s16], [sflag:$0x4], $0x80, $0x38;
	[tilespmem:$0x1D500] =	vst v63  }
0x48c: {  	s18 =	simm.s32 $0x17380;
	s17 =	sadd.s32 $0x380, s0  }
0x48d: {  	[hbm4b:s17+s4] =	stream.linear.scatter [tilespmem:s18], [sflag:$0x4], $0x80, $0x38;
	[tilespmem:$0x1D500] =	vst v63  }
0x48e: {  	s23 =	simm.s32 $0x17780;
	s19 =	sadd.s32 $0x400, s0  }
0x48f: {  	[hbm4b:s19+s4] =	stream.linear.scatter [tilespmem:s23], [sflag:$0x4], $0x80, $0x38;
	[tilespmem:$0x1D500] =	vst v63  }
0x490: {  	s29 =	simm.s32 $0x17B80;
	s28 =	sadd.s32 $0x480, s0  }
0x491: {  	[hbm4b:s28+s4] =	stream.linear.scatter [tilespmem:s29], [sflag:$0x4], $0x80, $0x38;
	[tilespmem:$0x1D500] =	vst v63  }
0x492: {  	s31 =	simm.s32 $0x17F80;
	s30 =	sadd.s32 $0x500, s0  }
0x493: {  	[hbm4b:s30+s4] =	stream.linear.scatter [tilespmem:s31], [sflag:$0x4], $0x80, $0x38;
	[tilespmem:$0x1D500] =	vst v63  }
0x494: {  	s3 =	sadd.s32 $0x580, s0;
	s5 =	simm.s32 $0x18380  }
0x495: {  	[hbm4b:s3+s4] =	stream.linear.scatter [tilespmem:s5], [sflag:$0x4], $0x80, $0x38;
	[tilespmem:$0x1D500] =	vst v63  }
0x496: {  	s6 =	sadd.s32 $0x600, s0;
	s7 =	simm.s32 $0x18780  }
0x497: {  	[hbm4b:s6+s4] =	stream.linear.scatter [tilespmem:s7], [sflag:$0x4], $0x80, $0x38;
	[tilespmem:$0x1D500] =	vst v63  }
0x498: {  	s8 =	sadd.s32 $0x680, s0;
	s9 =	simm.s32 $0x18B80  }
0x499: {  	[hbm4b:s8+s4] =	stream.linear.scatter [tilespmem:s9], [sflag:$0x4], $0x80, $0x38;
	[tilespmem:$0x1D500] =	vst v63  }
0x49a: {  	s10 =	sadd.s32 $0x700, s0;
	s11 =	simm.s32 $0x18F80  }
0x49b: {  	[hbm4b:s10+s4] =	stream.linear.scatter [tilespmem:s11], [sflag:$0x4], $0x80, $0x38;
	[tilespmem:$0x1D500] =	vst v63  }
0x49c: {  	s0 =	sadd.s32 $0x780, s0;
	s12 =	simm.s32 $0x19380;
	s13 =	rddreg [dreg:$0xd]  }
0x49d: {  	[hbm4b:s0+s4] =	stream.linear.scatter [tilespmem:s12], [sflag:$0x4], $0x80, $0x38;
	[tilespmem:$0x1D500] =	vst v63  }
0x49e: {  	s14 =	simm.s32 $0x15800;
	s0 =	sadd.s32 s21, s13  }
0x49f: {  	[hbm4b:s0+s4] =	stream.linear.scatter [tilespmem:s14], [sflag:$0x4], $0x80, $0x38;
	[tilespmem:$0x1D500] =	vst v63  }
0x4a0: {  	s16 =	simm.s32 $0x15C00;
	s15 =	sadd.s32 $0x80, s0  }
0x4a1: {  	[hbm4b:s15+s4] =	stream.linear.scatter [tilespmem:s16], [sflag:$0x4], $0x80, $0x38;
	[tilespmem:$0x1D500] =	vst v63  }
0x4a2: {  	s18 =	simm.s32 $0x16000;
	s17 =	sadd.s32 $0x100, s0  }
0x4a3: {  	[hbm4b:s17+s4] =	stream.linear.scatter [tilespmem:s18], [sflag:$0x4], $0x80, $0x38;
	[tilespmem:$0x1D500] =	vst v63  }
0x4a4: {  	s23 =	simm.s32 $0x16400;
	s19 =	sadd.s32 $0x180, s0  }
0x4a5: {  	[hbm4b:s19+s4] =	stream.linear.scatter [tilespmem:s23], [sflag:$0x4], $0x80, $0x38;
	[tilespmem:$0x1D500] =	vst v63  }
0x4a6: {  	s29 =	simm.s32 $0x16800;
	s28 =	sadd.s32 $0x200, s0  }
0x4a7: {  	[hbm4b:s28+s4] =	stream.linear.scatter [tilespmem:s29], [sflag:$0x4], $0x80, $0x38;
	[tilespmem:$0x1D500] =	vst v63  }
0x4a8: {  	s31 =	simm.s32 $0x16C00;
	s30 =	sadd.s32 $0x280, s0  }
0x4a9: {  	[hbm4b:s30+s4] =	stream.linear.scatter [tilespmem:s31], [sflag:$0x4], $0x80, $0x38;
	[tilespmem:$0x1D500] =	vst v63  }
0x4aa: {  	s5 =	simm.s32 $0x17000;
	s3 =	sadd.s32 $0x300, s0  }
0x4ab: {  	[hbm4b:s3+s4] =	stream.linear.scatter [tilespmem:s5], [sflag:$0x4], $0x80, $0x38;
	[tilespmem:$0x1D500] =	vst v63  }
0x4ac: {  	s7 =	simm.s32 $0x17400;
	s6 =	sadd.s32 $0x380, s0  }
0x4ad: {  	[hbm4b:s6+s4] =	stream.linear.scatter [tilespmem:s7], [sflag:$0x4], $0x80, $0x38;
	[tilespmem:$0x1D500] =	vst v63  }
0x4ae: {  	s9 =	simm.s32 $0x17800;
	s8 =	sadd.s32 $0x400, s0  }
0x4af: {  	[hbm4b:s8+s4] =	stream.linear.scatter [tilespmem:s9], [sflag:$0x4], $0x80, $0x38;
	[tilespmem:$0x1D500] =	vst v63  }
0x4b0: {  	s11 =	simm.s32 $0x17C00;
	s10 =	sadd.s32 $0x480, s0  }
0x4b1: {  	[hbm4b:s10+s4] =	stream.linear.scatter [tilespmem:s11], [sflag:$0x4], $0x80, $0x38;
	[tilespmem:$0x1D500] =	vst v63  }
0x4b2: {  	s13 =	simm.s32 $0x18000;
	s12 =	sadd.s32 $0x500, s0  }
0x4b3: {  	[hbm4b:s12+s4] =	stream.linear.scatter [tilespmem:s13], [sflag:$0x4], $0x80, $0x38;
	[tilespmem:$0x1D500] =	vst v63  }
0x4b4: {  	s14 =	sadd.s32 $0x580, s0;
	s15 =	simm.s32 $0x18400  }
0x4b5: {  	[hbm4b:s14+s4] =	stream.linear.scatter [tilespmem:s15], [sflag:$0x4], $0x80, $0x38;
	[tilespmem:$0x1D500] =	vst v63  }
0x4b6: {  	s16 =	sadd.s32 $0x600, s0;
	s17 =	simm.s32 $0x18800  }
0x4b7: {  	[hbm4b:s16+s4] =	stream.linear.scatter [tilespmem:s17], [sflag:$0x4], $0x80, $0x38;
	[tilespmem:$0x1D500] =	vst v63  }
0x4b8: {  	s18 =	sadd.s32 $0x680, s0;
	s19 =	simm.s32 $0x18C00  }
0x4b9: {  	[hbm4b:s18+s4] =	stream.linear.scatter [tilespmem:s19], [sflag:$0x4], $0x80, $0x38;
	[tilespmem:$0x1D500] =	vst v63  }
0x4ba: {  	s23 =	sadd.s32 $0x700, s0;
	s28 =	simm.s32 $0x19000  }
0x4bb: {  	[hbm4b:s23+s4] =	stream.linear.scatter [tilespmem:s28], [sflag:$0x4], $0x80, $0x38;
	[tilespmem:$0x1D500] =	vst v63  }
0x4bc: {  	s0 =	sadd.s32 $0x780, s0;
	s29 =	simm.s32 $0x19400;
	s30 =	rddreg [dreg:$0xe]  }
0x4bd: {  	[hbm4b:s0+s4] =	stream.linear.scatter [tilespmem:s29], [sflag:$0x4], $0x80, $0x38;
	[tilespmem:$0x1D500] =	vst v63  }
0x4be: {  	s31 =	simm.s32 $0x15880;
	s0 =	sadd.s32 s21, s30  }
0x4bf: {  	[hbm4b:s0+s4] =	stream.linear.scatter [tilespmem:s31], [sflag:$0x4], $0x80, $0x38;
	[tilespmem:$0x1D500] =	vst v63  }
0x4c0: {  	s3 =	simm.s32 $0x15C80;
	s2 =	sadd.s32 $0x80, s0  }
0x4c1: {  	[hbm4b:s2+s4] =	stream.linear.scatter [tilespmem:s3], [sflag:$0x4], $0x80, $0x38;
	[tilespmem:$0x1D500] =	vst v63  }
0x4c2: {  	s6 =	simm.s32 $0x16080;
	s5 =	sadd.s32 $0x100, s0  }
0x4c3: {  	[hbm4b:s5+s4] =	stream.linear.scatter [tilespmem:s6], [sflag:$0x4], $0x80, $0x38;
	[tilespmem:$0x1D500] =	vst v63  }
0x4c4: {  	s8 =	simm.s32 $0x16480;
	s7 =	sadd.s32 $0x180, s0  }
0x4c5: {  	[hbm4b:s7+s4] =	stream.linear.scatter [tilespmem:s8], [sflag:$0x4], $0x80, $0x38;
	[tilespmem:$0x1D500] =	vst v63  }
0x4c6: {  	s10 =	simm.s32 $0x16880;
	s9 =	sadd.s32 $0x200, s0  }
0x4c7: {  	[hbm4b:s9+s4] =	stream.linear.scatter [tilespmem:s10], [sflag:$0x4], $0x80, $0x38;
	[tilespmem:$0x1D500] =	vst v63  }
0x4c8: {  	s12 =	simm.s32 $0x16C80;
	s11 =	sadd.s32 $0x280, s0  }
0x4c9: {  	[hbm4b:s11+s4] =	stream.linear.scatter [tilespmem:s12], [sflag:$0x4], $0x80, $0x38;
	[tilespmem:$0x1D500] =	vst v63  }
0x4ca: {  	s14 =	simm.s32 $0x17080;
	s13 =	sadd.s32 $0x300, s0  }
0x4cb: {  	[hbm4b:s13+s4] =	stream.linear.scatter [tilespmem:s14], [sflag:$0x4], $0x80, $0x38;
	[tilespmem:$0x1D500] =	vst v63  }
0x4cc: {  	s16 =	simm.s32 $0x17480;
	s15 =	sadd.s32 $0x380, s0  }
0x4cd: {  	[hbm4b:s15+s4] =	stream.linear.scatter [tilespmem:s16], [sflag:$0x4], $0x80, $0x38;
	[tilespmem:$0x1D500] =	vst v63  }
0x4ce: {  	s18 =	simm.s32 $0x17880;
	s17 =	sadd.s32 $0x400, s0  }
0x4cf: {  	[hbm4b:s17+s4] =	stream.linear.scatter [tilespmem:s18], [sflag:$0x4], $0x80, $0x38;
	[tilespmem:$0x1D500] =	vst v63  }
0x4d0: {  	s23 =	simm.s32 $0x17C80;
	s19 =	sadd.s32 $0x480, s0  }
0x4d1: {  	[hbm4b:s19+s4] =	stream.linear.scatter [tilespmem:s23], [sflag:$0x4], $0x80, $0x38;
	[tilespmem:$0x1D500] =	vst v63  }
0x4d2: {  	s29 =	simm.s32 $0x18080;
	s28 =	sadd.s32 $0x500, s0  }
0x4d3: {  	[hbm4b:s28+s4] =	stream.linear.scatter [tilespmem:s29], [sflag:$0x4], $0x80, $0x38;
	[tilespmem:$0x1D500] =	vst v63  }
0x4d4: {  	s30 =	sadd.s32 $0x580, s0;
	s31 =	simm.s32 $0x18480  }
0x4d5: {  	[hbm4b:s30+s4] =	stream.linear.scatter [tilespmem:s31], [sflag:$0x4], $0x80, $0x38;
	[tilespmem:$0x1D500] =	vst v63  }
0x4d6: {  	s3 =	sadd.s32 $0x600, s0;
	s5 =	simm.s32 $0x18880  }
0x4d7: {  	[hbm4b:s3+s4] =	stream.linear.scatter [tilespmem:s5], [sflag:$0x4], $0x80, $0x38;
	[tilespmem:$0x1D500] =	vst v63  }
0x4d8: {  	s6 =	sadd.s32 $0x680, s0;
	s7 =	simm.s32 $0x18C80  }
0x4d9: {  	[hbm4b:s6+s4] =	stream.linear.scatter [tilespmem:s7], [sflag:$0x4], $0x80, $0x38;
	[tilespmem:$0x1D500] =	vst v63  }
0x4da: {  	s8 =	sadd.s32 $0x700, s0;
	s9 =	simm.s32 $0x19080  }
0x4db: {  	[hbm4b:s8+s4] =	stream.linear.scatter [tilespmem:s9], [sflag:$0x4], $0x80, $0x38;
	[tilespmem:$0x1D500] =	vst v63  }
0x4dc: {  	s0 =	sadd.s32 $0x780, s0;
	s10 =	simm.s32 $0x19480;
	s11 =	rddreg [dreg:$0xf]  }
0x4dd: {  	[hbm4b:s0+s4] =	stream.linear.scatter [tilespmem:s10], [sflag:$0x4], $0x80, $0x38;
	[tilespmem:$0x1D500] =	vst v63  }
0x4de: {  	s12 =	simm.s32 $0x19500;
	s0 =	sadd.s32 s21, s11  }
0x4df: {  	[hbm4b:s0+s4] =	stream.linear.scatter [tilespmem:s12], [sflag:$0x4], $0x80, $0x38;
	[tilespmem:$0x1D500] =	vst v63  }
0x4e0: {  	s14 =	simm.s32 $0x19900;
	s13 =	sadd.s32 $0x80, s0  }
0x4e1: {  	[hbm4b:s13+s4] =	stream.linear.scatter [tilespmem:s14], [sflag:$0x4], $0x80, $0x38;
	[tilespmem:$0x1D500] =	vst v63  }
0x4e2: {  	s16 =	simm.s32 $0x19D00;
	s15 =	sadd.s32 $0x100, s0  }
0x4e3: {  	[hbm4b:s15+s4] =	stream.linear.scatter [tilespmem:s16], [sflag:$0x4], $0x80, $0x38;
	[tilespmem:$0x1D500] =	vst v63  }
0x4e4: {  	s18 =	simm.s32 $0x1A100;
	s17 =	sadd.s32 $0x180, s0  }
0x4e5: {  	[hbm4b:s17+s4] =	stream.linear.scatter [tilespmem:s18], [sflag:$0x4], $0x80, $0x38;
	[tilespmem:$0x1D500] =	vst v63  }
0x4e6: {  	s23 =	simm.s32 $0x1A500;
	s19 =	sadd.s32 $0x200, s0  }
0x4e7: {  	[hbm4b:s19+s4] =	stream.linear.scatter [tilespmem:s23], [sflag:$0x4], $0x80, $0x38;
	[tilespmem:$0x1D500] =	vst v63  }
0x4e8: {  	s29 =	simm.s32 $0x1A900;
	s28 =	sadd.s32 $0x280, s0  }
0x4e9: {  	[hbm4b:s28+s4] =	stream.linear.scatter [tilespmem:s29], [sflag:$0x4], $0x80, $0x38;
	[tilespmem:$0x1D500] =	vst v63  }
0x4ea: {  	s31 =	simm.s32 $0x1AD00;
	s30 =	sadd.s32 $0x300, s0  }
0x4eb: {  	[hbm4b:s30+s4] =	stream.linear.scatter [tilespmem:s31], [sflag:$0x4], $0x80, $0x38;
	[tilespmem:$0x1D500] =	vst v63  }
0x4ec: {  	s5 =	simm.s32 $0x1B100;
	s3 =	sadd.s32 $0x380, s0  }
0x4ed: {  	[hbm4b:s3+s4] =	stream.linear.scatter [tilespmem:s5], [sflag:$0x4], $0x80, $0x38;
	[tilespmem:$0x1D500] =	vst v63  }
0x4ee: {  	s7 =	simm.s32 $0x1B500;
	s6 =	sadd.s32 $0x400, s0  }
0x4ef: {  	[hbm4b:s6+s4] =	stream.linear.scatter [tilespmem:s7], [sflag:$0x4], $0x80, $0x38;
	[tilespmem:$0x1D500] =	vst v63  }
0x4f0: {  	s9 =	simm.s32 $0x1B900;
	s8 =	sadd.s32 $0x480, s0  }
0x4f1: {  	[hbm4b:s8+s4] =	stream.linear.scatter [tilespmem:s9], [sflag:$0x4], $0x80, $0x38;
	[tilespmem:$0x1D500] =	vst v63  }
0x4f2: {  	s11 =	simm.s32 $0x1BD00;
	s10 =	sadd.s32 $0x500, s0  }
0x4f3: {  	[hbm4b:s10+s4] =	stream.linear.scatter [tilespmem:s11], [sflag:$0x4], $0x80, $0x38;
	[tilespmem:$0x1D500] =	vst v63  }
0x4f4: {  	s12 =	sadd.s32 $0x580, s0;
	s13 =	simm.s32 $0x1C100  }
0x4f5: {  	[hbm4b:s12+s4] =	stream.linear.scatter [tilespmem:s13], [sflag:$0x4], $0x80, $0x38;
	[tilespmem:$0x1D500] =	vst v63  }
0x4f6: {  	s14 =	sadd.s32 $0x600, s0;
	s15 =	simm.s32 $0x1C500  }
0x4f7: {  	[hbm4b:s14+s4] =	stream.linear.scatter [tilespmem:s15], [sflag:$0x4], $0x80, $0x38;
	[tilespmem:$0x1D500] =	vst v63  }
0x4f8: {  	s16 =	sadd.s32 $0x680, s0;
	s17 =	simm.s32 $0x1C900  }
0x4f9: {  	[hbm4b:s16+s4] =	stream.linear.scatter [tilespmem:s17], [sflag:$0x4], $0x80, $0x38;
	[tilespmem:$0x1D500] =	vst v63  }
0x4fa: {  	s18 =	sadd.s32 $0x700, s0;
	s19 =	simm.s32 $0x1CD00  }
0x4fb: {  	[hbm4b:s18+s4] =	stream.linear.scatter [tilespmem:s19], [sflag:$0x4], $0x80, $0x38;
	[tilespmem:$0x1D500] =	vst v63  }
0x4fc: {  	s0 =	sadd.s32 $0x780, s0;
	s23 =	simm.s32 $0x1D100;
	s28 =	rddreg [dreg:$0x10]  }
0x4fd: {  	[hbm4b:s0+s4] =	stream.linear.scatter [tilespmem:s23], [sflag:$0x4], $0x80, $0x38;
	[tilespmem:$0x1D500] =	vst v63  }
0x4fe: {  	s29 =	simm.s32 $0x19580;
	s0 =	sadd.s32 s21, s28  }
0x4ff: {  	[hbm4b:s0+s4] =	stream.linear.scatter [tilespmem:s29], [sflag:$0x4], $0x80, $0x38;
	[tilespmem:$0x1D500] =	vst v63  }
0x500: {  	s31 =	simm.s32 $0x19980;
	s30 =	sadd.s32 $0x80, s0  }
0x501: {  	[hbm4b:s30+s4] =	stream.linear.scatter [tilespmem:s31], [sflag:$0x4], $0x80, $0x38;
	[tilespmem:$0x1D500] =	vst v63  }
0x502: {  	s3 =	simm.s32 $0x19D80;
	s2 =	sadd.s32 $0x100, s0  }
0x503: {  	[hbm4b:s2+s4] =	stream.linear.scatter [tilespmem:s3], [sflag:$0x4], $0x80, $0x38;
	[tilespmem:$0x1D500] =	vst v63  }
0x504: {  	s6 =	simm.s32 $0x1A180;
	s5 =	sadd.s32 $0x180, s0  }
0x505: {  	[hbm4b:s5+s4] =	stream.linear.scatter [tilespmem:s6], [sflag:$0x4], $0x80, $0x38;
	[tilespmem:$0x1D500] =	vst v63  }
0x506: {  	s8 =	simm.s32 $0x1A580;
	s7 =	sadd.s32 $0x200, s0  }
0x507: {  	[hbm4b:s7+s4] =	stream.linear.scatter [tilespmem:s8], [sflag:$0x4], $0x80, $0x38;
	[tilespmem:$0x1D500] =	vst v63  }
0x508: {  	s10 =	simm.s32 $0x1A980;
	s9 =	sadd.s32 $0x280, s0  }
0x509: {  	[hbm4b:s9+s4] =	stream.linear.scatter [tilespmem:s10], [sflag:$0x4], $0x80, $0x38;
	[tilespmem:$0x1D500] =	vst v63  }
0x50a: {  	s12 =	simm.s32 $0x1AD80;
	s11 =	sadd.s32 $0x300, s0  }
0x50b: {  	[hbm4b:s11+s4] =	stream.linear.scatter [tilespmem:s12], [sflag:$0x4], $0x80, $0x38;
	[tilespmem:$0x1D500] =	vst v63  }
0x50c: {  	s14 =	simm.s32 $0x1B180;
	s13 =	sadd.s32 $0x380, s0  }
0x50d: {  	[hbm4b:s13+s4] =	stream.linear.scatter [tilespmem:s14], [sflag:$0x4], $0x80, $0x38;
	[tilespmem:$0x1D500] =	vst v63  }
0x50e: {  	s16 =	simm.s32 $0x1B580;
	s15 =	sadd.s32 $0x400, s0  }
0x50f: {  	[hbm4b:s15+s4] =	stream.linear.scatter [tilespmem:s16], [sflag:$0x4], $0x80, $0x38;
	[tilespmem:$0x1D500] =	vst v63  }
0x510: {  	s18 =	simm.s32 $0x1B980;
	s17 =	sadd.s32 $0x480, s0  }
0x511: {  	[hbm4b:s17+s4] =	stream.linear.scatter [tilespmem:s18], [sflag:$0x4], $0x80, $0x38;
	[tilespmem:$0x1D500] =	vst v63  }
0x512: {  	s23 =	simm.s32 $0x1BD80;
	s19 =	sadd.s32 $0x500, s0  }
0x513: {  	[hbm4b:s19+s4] =	stream.linear.scatter [tilespmem:s23], [sflag:$0x4], $0x80, $0x38;
	[tilespmem:$0x1D500] =	vst v63  }
0x514: {  	s28 =	sadd.s32 $0x580, s0;
	s29 =	simm.s32 $0x1C180  }
0x515: {  	[hbm4b:s28+s4] =	stream.linear.scatter [tilespmem:s29], [sflag:$0x4], $0x80, $0x38;
	[tilespmem:$0x1D500] =	vst v63  }
0x516: {  	s30 =	sadd.s32 $0x600, s0;
	s31 =	simm.s32 $0x1C580  }
0x517: {  	[hbm4b:s30+s4] =	stream.linear.scatter [tilespmem:s31], [sflag:$0x4], $0x80, $0x38;
	[tilespmem:$0x1D500] =	vst v63  }
0x518: {  	s3 =	sadd.s32 $0x680, s0;
	s5 =	simm.s32 $0x1C980  }
0x519: {  	[hbm4b:s3+s4] =	stream.linear.scatter [tilespmem:s5], [sflag:$0x4], $0x80, $0x38;
	[tilespmem:$0x1D500] =	vst v63  }
0x51a: {  	s6 =	sadd.s32 $0x700, s0;
	s7 =	simm.s32 $0x1CD80  }
0x51b: {  	[hbm4b:s6+s4] =	stream.linear.scatter [tilespmem:s7], [sflag:$0x4], $0x80, $0x38;
	[tilespmem:$0x1D500] =	vst v63  }
0x51c: {  	s0 =	sadd.s32 $0x780, s0;
	s8 =	simm.s32 $0x1D180;
	s9 =	rddreg [dreg:$0x11]  }
0x51d: {  	[hbm4b:s0+s4] =	stream.linear.scatter [tilespmem:s8], [sflag:$0x4], $0x80, $0x38;
	[tilespmem:$0x1D500] =	vst v63  }
0x51e: {  	s10 =	simm.s32 $0x19600;
	s0 =	sadd.s32 s21, s9  }
0x51f: {  	[hbm4b:s0+s4] =	stream.linear.scatter [tilespmem:s10], [sflag:$0x4], $0x80, $0x38;
	[tilespmem:$0x1D500] =	vst v63  }
0x520: {  	s12 =	simm.s32 $0x19A00;
	s11 =	sadd.s32 $0x80, s0  }
0x521: {  	[hbm4b:s11+s4] =	stream.linear.scatter [tilespmem:s12], [sflag:$0x4], $0x80, $0x38;
	[tilespmem:$0x1D500] =	vst v63  }
0x522: {  	s14 =	simm.s32 $0x19E00;
	s13 =	sadd.s32 $0x100, s0  }
0x523: {  	[hbm4b:s13+s4] =	stream.linear.scatter [tilespmem:s14], [sflag:$0x4], $0x80, $0x38;
	[tilespmem:$0x1D500] =	vst v63  }
0x524: {  	s16 =	simm.s32 $0x1A200;
	s15 =	sadd.s32 $0x180, s0  }
0x525: {  	[hbm4b:s15+s4] =	stream.linear.scatter [tilespmem:s16], [sflag:$0x4], $0x80, $0x38;
	[tilespmem:$0x1D500] =	vst v63  }
0x526: {  	s18 =	simm.s32 $0x1A600;
	s17 =	sadd.s32 $0x200, s0  }
0x527: {  	[hbm4b:s17+s4] =	stream.linear.scatter [tilespmem:s18], [sflag:$0x4], $0x80, $0x38;
	[tilespmem:$0x1D500] =	vst v63  }
0x528: {  	s23 =	simm.s32 $0x1AA00;
	s19 =	sadd.s32 $0x280, s0  }
0x529: {  	[hbm4b:s19+s4] =	stream.linear.scatter [tilespmem:s23], [sflag:$0x4], $0x80, $0x38;
	[tilespmem:$0x1D500] =	vst v63  }
0x52a: {  	s29 =	simm.s32 $0x1AE00;
	s28 =	sadd.s32 $0x300, s0  }
0x52b: {  	[hbm4b:s28+s4] =	stream.linear.scatter [tilespmem:s29], [sflag:$0x4], $0x80, $0x38;
	[tilespmem:$0x1D500] =	vst v63  }
0x52c: {  	s31 =	simm.s32 $0x1B200;
	s30 =	sadd.s32 $0x380, s0  }
0x52d: {  	[hbm4b:s30+s4] =	stream.linear.scatter [tilespmem:s31], [sflag:$0x4], $0x80, $0x38;
	[tilespmem:$0x1D500] =	vst v63  }
0x52e: {  	s3 =	simm.s32 $0x1B600;
	s2 =	sadd.s32 $0x400, s0  }
0x52f: {  	[hbm4b:s2+s4] =	stream.linear.scatter [tilespmem:s3], [sflag:$0x4], $0x80, $0x38;
	[tilespmem:$0x1D500] =	vst v63  }
0x530: {  	s6 =	simm.s32 $0x1BA00;
	s5 =	sadd.s32 $0x480, s0  }
0x531: {  	[hbm4b:s5+s4] =	stream.linear.scatter [tilespmem:s6], [sflag:$0x4], $0x80, $0x38;
	[tilespmem:$0x1D500] =	vst v63  }
0x532: {  	s8 =	simm.s32 $0x1BE00;
	s7 =	sadd.s32 $0x500, s0  }
0x533: {  	[hbm4b:s7+s4] =	stream.linear.scatter [tilespmem:s8], [sflag:$0x4], $0x80, $0x38;
	[tilespmem:$0x1D500] =	vst v63  }
0x534: {  	s9 =	sadd.s32 $0x580, s0;
	s10 =	simm.s32 $0x1C200  }
0x535: {  	[hbm4b:s9+s4] =	stream.linear.scatter [tilespmem:s10], [sflag:$0x4], $0x80, $0x38;
	[tilespmem:$0x1D500] =	vst v63  }
0x536: {  	s11 =	sadd.s32 $0x600, s0;
	s12 =	simm.s32 $0x1C600  }
0x537: {  	[hbm4b:s11+s4] =	stream.linear.scatter [tilespmem:s12], [sflag:$0x4], $0x80, $0x38;
	[tilespmem:$0x1D500] =	vst v63  }
0x538: {  	s13 =	sadd.s32 $0x680, s0;
	s14 =	simm.s32 $0x1CA00  }
0x539: {  	[hbm4b:s13+s4] =	stream.linear.scatter [tilespmem:s14], [sflag:$0x4], $0x80, $0x38;
	[tilespmem:$0x1D500] =	vst v63  }
0x53a: {  	s15 =	sadd.s32 $0x700, s0;
	s16 =	simm.s32 $0x1CE00  }
0x53b: {  	[hbm4b:s15+s4] =	stream.linear.scatter [tilespmem:s16], [sflag:$0x4], $0x80, $0x38;
	[tilespmem:$0x1D500] =	vst v63  }
0x53c: {  	s0 =	sadd.s32 $0x780, s0;
	s17 =	simm.s32 $0x1D200;
	s18 =	rddreg [dreg:$0x12]  }
0x53d: {  	[hbm4b:s0+s4] =	stream.linear.scatter [tilespmem:s17], [sflag:$0x4], $0x80, $0x38;
	[tilespmem:$0x1D500] =	vst v63  }
0x53e: {  	s19 =	simm.s32 $0x19680;
	s0 =	sadd.s32 s21, s18  }
0x53f: {  	[hbm4b:s0+s4] =	stream.linear.scatter [tilespmem:s19], [sflag:$0x4], $0x80, $0x38;
	[tilespmem:$0x1D500] =	vst v63  }
0x540: {  	s23 =	simm.s32 $0x19A80;
	s21 =	sadd.s32 $0x80, s0  }
0x541: {  	[hbm4b:s21+s4] =	stream.linear.scatter [tilespmem:s23], [sflag:$0x4], $0x80, $0x38;
	[tilespmem:$0x1D500] =	vst v63  }
0x542: {  	s29 =	simm.s32 $0x19E80;
	s28 =	sadd.s32 $0x100, s0  }
0x543: {  	[hbm4b:s28+s4] =	stream.linear.scatter [tilespmem:s29], [sflag:$0x4], $0x80, $0x38;
	[tilespmem:$0x1D500] =	vst v63  }
0x544: {  	s31 =	simm.s32 $0x1A280;
	s30 =	sadd.s32 $0x180, s0  }
0x545: {  	[hbm4b:s30+s4] =	stream.linear.scatter [tilespmem:s31], [sflag:$0x4], $0x80, $0x38;
	[tilespmem:$0x1D500] =	vst v63  }
0x546: {  	s3 =	simm.s32 $0x1A680;
	s2 =	sadd.s32 $0x200, s0  }
0x547: {  	[hbm4b:s2+s4] =	stream.linear.scatter [tilespmem:s3], [sflag:$0x4], $0x80, $0x38;
	[tilespmem:$0x1D500] =	vst v63  }
0x548: {  	s6 =	simm.s32 $0x1AA80;
	s5 =	sadd.s32 $0x280, s0  }
0x549: {  	[hbm4b:s5+s4] =	stream.linear.scatter [tilespmem:s6], [sflag:$0x4], $0x80, $0x38;
	[tilespmem:$0x1D500] =	vst v63  }
0x54a: {  	s8 =	simm.s32 $0x1AE80;
	s7 =	sadd.s32 $0x300, s0  }
0x54b: {  	[hbm4b:s7+s4] =	stream.linear.scatter [tilespmem:s8], [sflag:$0x4], $0x80, $0x38;
	[tilespmem:$0x1D500] =	vst v63  }
0x54c: {  	s10 =	simm.s32 $0x1B280;
	s9 =	sadd.s32 $0x380, s0  }
0x54d: {  	[hbm4b:s9+s4] =	stream.linear.scatter [tilespmem:s10], [sflag:$0x4], $0x80, $0x38;
	[tilespmem:$0x1D500] =	vst v63  }
0x54e: {  	s12 =	simm.s32 $0x1B680;
	s11 =	sadd.s32 $0x400, s0  }
0x54f: {  	[hbm4b:s11+s4] =	stream.linear.scatter [tilespmem:s12], [sflag:$0x4], $0x80, $0x38;
	[tilespmem:$0x1D500] =	vst v63  }
0x550: {  	s14 =	simm.s32 $0x1BA80;
	s13 =	sadd.s32 $0x480, s0  }
0x551: {  	[hbm4b:s13+s4] =	stream.linear.scatter [tilespmem:s14], [sflag:$0x4], $0x80, $0x38;
	[tilespmem:$0x1D500] =	vst v63  }
0x552: {  	s16 =	simm.s32 $0x1BE80;
	s15 =	sadd.s32 $0x500, s0  }
0x553: {  	[hbm4b:s15+s4] =	stream.linear.scatter [tilespmem:s16], [sflag:$0x4], $0x80, $0x38;
	[tilespmem:$0x1D500] =	vst v63  }
0x554: {  	s18 =	simm.s32 $0x1C280;
	s17 =	sadd.s32 $0x580, s0  }
0x555: {  	[hbm4b:s17+s4] =	stream.linear.scatter [tilespmem:s18], [sflag:$0x4], $0x80, $0x38;
	[tilespmem:$0x1D500] =	vst v63  }
0x556: {  	s24 =	sadd.s32 $0x1, s24;
	s19 =	sadd.s32 $0x600, s0;
	s21 =	simm.s32 $0x1C680  }
0x557: {  	[hbm4b:s19+s4] =	stream.linear.scatter [tilespmem:s21], [sflag:$0x4], $0x80, $0x38;
	[tilespmem:$0x1D500] =	vst v63  }
0x558: {  	p0 =	sne.s32 s24, $0x20;
	s23 =	sadd.s32 $0x680, s0;
	s28 =	simm.s32 $0x1CA80  }
0x559: {  	[hbm4b:s23+s4] =	stream.linear.scatter [tilespmem:s28], [sflag:$0x4], $0x80, $0x38;
	[tilespmem:$0x1D500] =	vst v63  }
.Ltmp2:
0x55a: {  	_ = 	snop;
	(pc) =	sbr.rel @p0 .LBB2_2-.Ltmp2, $4  }
0x55b: {  	s29 =	sadd.s32 $0x700, s0;
	s30 =	simm.s32 $0x1CE80  }
0x55c: {  	[hbm4b:s29+s4] =	stream.linear.scatter [tilespmem:s30], [sflag:$0x4], $0x80, $0x38;
	[tilespmem:$0x1D500] =	vst v63  }
0x55d: {  	s0 =	sadd.s32 $0x780, s0;
	s31 =	simm.s32 $0x1D280  }
0x55e: {  	[hbm4b:s0+s4] =	stream.linear.scatter [tilespmem:s31], [sflag:$0x4], $0x80, $0x38;
	[tilespmem:$0x1D500] =	vst v63  }
0x55f: {  	s0 =	simm.s32 $0x3  }
0x560: {  	_ =	swait.ge [sflag:s0], $0x800  }
0x561: {  	[sflag:s0] =	ssyncset.done $0x0  }
0x562: {  	[sflag:s0] =	ssyncadd.s32 $0xFFFFF800  }
0x563: {  	_ =	swait.ge [sflag:s0], $0x800  }
0x564: {  	[sflag:s0] =	ssyncset.done $0x0  }
0x565: {  	[sflag:s0] =	ssyncadd.s32 $0xFFFFF800  }
0x566: {  	_ =	swait.ge [sflag:s0], $0x800  }
0x567: {  	[sflag:s0] =	ssyncset.done $0x0  }
0x568: {  	[sflag:s0] =	ssyncadd.s32 $0xFFFFF800  }
0x569: {  	_ =	swait.ge [sflag:s0], $0x800  }
0x56a: {  	[sflag:s0] =	ssyncset.done $0x0  }
0x56b: {  	[sflag:s0] =	ssyncadd.s32 $0xFFFFF800  }
0x56c: {  	_ =	swait.ge [sflag:s0], $0x800  }
0x56d: {  	[sflag:s0] =	ssyncset.done $0x0  }
0x56e: {  	[sflag:s0] =	ssyncadd.s32 $0xFFFFF800  }
0x56f: {  	_ =	swait.ge [sflag:s0], $0x800  }
0x570: {  	[sflag:s0] =	ssyncset.done $0x0  }
0x571: {  	[sflag:s0] =	ssyncadd.s32 $0xFFFFF800  }
0x572: {  	_ =	swait.ge [sflag:s0], $0x800  }
0x573: {  	[sflag:s0] =	ssyncset.done $0x0  }
0x574: {  	[sflag:s0] =	ssyncadd.s32 $0xFFFFF800  }
0x575: {  	_ =	swait.ge [sflag:s0], $0x800  }
0x576: {  	[sflag:s0] =	ssyncset.done $0x0  }
0x577: {  	[sflag:s0] =	ssyncadd.s32 $0xFFFFF800  }
0x578: {  	_ =	swait.ge [sflag:s0], $0x800  }
0x579: {  	[sflag:s0] =	ssyncset.done $0x0  }
0x57a: {  	[sflag:s0] =	ssyncadd.s32 $0xFFFFF800  }
0x57b: {  	_ =	swait.ge [sflag:s0], $0x800  }
0x57c: {  	[sflag:s0] =	ssyncset.done $0x0  }
0x57d: {  	[sflag:s0] =	ssyncadd.s32 $0xFFFFF800  }
0x57e: {  	_ =	swait.ge [sflag:s0], $0x800  }
0x57f: {  	[sflag:s0] =	ssyncset.done $0x0  }
0x580: {  	[sflag:s0] =	ssyncadd.s32 $0xFFFFF800  }
0x581: {  	_ =	swait.ge [sflag:s0], $0x800  }
0x582: {  	[sflag:s0] =	ssyncset.done $0x0  }
0x583: {  	[sflag:s0] =	ssyncadd.s32 $0xFFFFF800  }
0x584: {  	_ =	swait.ge [sflag:s20], $0x800  }
0x585: {  	[sflag:s20] =	ssyncset.done $0x0  }
0x586: {  	[sflag:s20] =	ssyncadd.s32 $0xFFFFF800  }
0x587: {  	_ =	swait.ge [sflag:s20], $0x800  }
0x588: {  	[sflag:s20] =	ssyncset.done $0x0  }
0x589: {  	[sflag:s20] =	ssyncadd.s32 $0xFFFFF800  }
0x58a: {  	_ =	swait.ge [sflag:s20], $0x800  }
0x58b: {  	[sflag:s20] =	ssyncset.done $0x0  }
0x58c: {  	[sflag:s20] =	ssyncadd.s32 $0xFFFFF800  }
0x58d: {  	_ =	swait.ge [sflag:s20], $0x800  }
0x58e: {  	[sflag:s20] =	ssyncset.done $0x0  }
0x58f: {  	[sflag:s20] =	ssyncadd.s32 $0xFFFFF800  }
0x590: {  	_ =	swait.ge [sflag:s20], $0x800  }
0x591: {  	[sflag:s20] =	ssyncset.done $0x0  }
0x592: {  	[sflag:s20] =	ssyncadd.s32 $0xFFFFF800  }
0x593: {  	_ =	swait.ge [sflag:s20], $0x800  }
0x594: {  	[sflag:s20] =	ssyncset.done $0x0  }
0x595: {  	[sflag:s20] =	ssyncadd.s32 $0xFFFFF800  }
0x596: {  	_ =	swait.ge [sflag:s20], $0x800  }
0x597: {  	[sflag:s20] =	ssyncset.done $0x0  }
0x598: {  	[sflag:s20] =	ssyncadd.s32 $0xFFFFF800  }
0x599: {  	_ =	swait.ge [sflag:s20], $0x800  }
0x59a: {  	[sflag:s20] =	ssyncset.done $0x0  }
0x59b: {  	[sflag:s20] =	ssyncadd.s32 $0xFFFFF800  }
0x59c: {  	_ =	swait.ge [sflag:s20], $0x800  }
0x59d: {  	[sflag:s20] =	ssyncset.done $0x0  }
0x59e: {  	[sflag:s20] =	ssyncadd.s32 $0xFFFFF800  }
0x59f: {  	_ =	swait.ge [sflag:s20], $0x800  }
0x5a0: {  	[sflag:s20] =	ssyncset.done $0x0  }
0x5a1: {  	[sflag:s20] =	ssyncadd.s32 $0xFFFFF800  }
0x5a2: {  	_ =	swait.ge [sflag:s20], $0x800  }
0x5a3: {  	[sflag:s20] =	ssyncset.done $0x0  }
0x5a4: {  	[sflag:s20] =	ssyncadd.s32 $0xFFFFF800  }
0x5a5: {  	_ =	swait.ge [sflag:s20], $0x800  }
0x5a6: {  	s1 =	rddreg [dreg:$0x16]  }
0x5a7: {  	s31 =	rddreg [dreg:$0x13];
	s1 =	sadd.s32 $0x1, s1  }
0x5a8: {  	p0 =	sne.s32 s1, s31  }
.Ltmp3:
0x5a9: {  	_ = 	snop;
	(pc) =	sbr.rel @p0 .LBB2_1-.Ltmp3, $3  }
0x5aa: {  	_ =	sdelay $0x1  }
0x5ab: {  	[sflag:s20] =	ssyncset.done $0x0  }
0x5ac: {  	[sflag:s20] =	ssyncadd.s32 $0xFFFFF800  }
0x5ad: {  	_ =	sfence.sel $0x180000  }
0x5ae: {  	[bflag:$0x0] =	sbarrier.arrive $0xFFFF  }
0x5af: {  	_ =	strace $0x90000047  }
0x5b0: {  	s0 =	stileid.u32;
	[bflag:$0x2] =	sbarrier.arrive $0xFFFF  }
0x5b1: {  	p0 =	sne.s32 s0, $0x0;
	s0 =	rddreg [dreg:$0x3]  }
0x5b2: {  	s0 =	sadd.s32 @!p0 $0x100000, s0  }
0x5b3: {  	[sflag:s0] =	ssyncadd.tile.s32 @!p0 $0x1;
	_ =	shalt  }
.Lfunc_end2:
_tile_overlayer_lowered:
.L_overlay_start_2:
0x5b4: {  	(tag) =	ssettag $0x2  }
0x5b5: {  	s0 =	rddreg [dreg:$0x0];
	s2 =	stileid.u32  }
0x5b6: {  	s1 =	rddreg [dreg:$0x1];
	p0 =	sne.s32 s2, $0x0  }
0x5b7: {  	s3 =	rddreg [dreg:$0x2];
	[bflag:$0x3] =	sbarrier.arrive $0xFFFF;
	s2 =	simm.s32 @!p0 $0x1C05  }
0x5b8: {  	[timem:s3], [sflag:s2] =	dma.local @!p0 [hbm:s0], s1  }
0x5b9: {  	s0 =	simm.s32 @!p0 $0x5  }
0x5ba: {  	_ =	swait.ge @!p0 [sflag:s0], s1  }
0x5bb: {  	s1 =	ssub.s32 @!p0 $0x0, s1;
	[sflag:s0] =	ssyncset.done @!p0 $0x0  }
0x5bc: {  	[sflag:s0] =	ssyncadd.s32 @!p0 s1  }
0x5bd: {  	[bflag:$0x3] =	sbarrier.arrive $0xFFFF  }
0x5be: {  	_ =	shalt  }

</sc_bundles>
